<compile_context>
chip_gen: v7x
topology: tpu7x:2x2x1
jax: 0.10.2.dev20260603
libtpu: 0.0.44.dev20260713+nightly
codegen_flags: <defaults>
</compile_context>

<pallas_src>
import functools

import jax
import jax.numpy as jnp
from jax import lax
from jax.experimental import pallas as pl
from jax.experimental.pallas import tpu as pltpu
from jax.experimental.pallas import tpu_sc as plsc

N = 10000
D = 128
E = 320000
NC = 2
NS = 16
NW = NC * NS
EPW = E // NW
W = 80
CHUNKS = EPW // W
NG = W // 16
SSTRIDE = 17


def _make_kernel():
    f32 = jnp.float32
    i32 = jnp.int32
    out_sd = jax.ShapeDtypeStruct((E,), f32)
    mesh = plsc.VectorSubcoreMesh(core_axis_name="c", subcore_axis_name="s")

    @functools.partial(
        pl.kernel,
        out_type=(out_sd, out_sd),
        mesh=mesh,
        compiler_params=pltpu.CompilerParams(needs_layout_passes=False),
        scratch_types=[
            pltpu.VMEM_SHARED((N, D), f32),
            pltpu.VMEM((W,), i32),
            pltpu.VMEM((W,), i32),
            pltpu.VMEM((W,), i32),
            pltpu.VMEM((W,), i32),
            pltpu.VMEM((W,), i32),
            pltpu.VMEM((W,), i32),
            pltpu.VMEM((W,), i32),
            pltpu.VMEM((W,), i32),
            pltpu.VMEM((W, D), f32),
            pltpu.VMEM((W, D), f32),
            pltpu.VMEM((W, D), f32),
            pltpu.VMEM((W, D), f32),
            pltpu.VMEM((W,), f32),
            pltpu.VMEM((W,), f32),
            pltpu.VMEM((W * SSTRIDE,), f32),
            pltpu.SemaphoreType.DMA,
            pltpu.SemaphoreType.DMA,
            pltpu.SemaphoreType.DMA,
            pltpu.SemaphoreType.DMA,
            pltpu.SemaphoreType.DMA,
            pltpu.SemaphoreType.DMA,
            pltpu.SemaphoreType.DMA,
            pltpu.SemaphoreType.DMA,
            pltpu.SemaphoreType.DMA,
            pltpu.SemaphoreType.DMA,
        ],
    )
    def k(pqi, pai, nqi, nai, xq, xa, pos_out, neg_out,
          sq, iq0, ia0, iq1, ia1, iq2, ia2, iq3, ia3,
          qr0, ar0, qr1, ar1, ov0, ov1, scr,
          is0, is1, is2, is3, qs0, as0, qs1, as1, os0, os1):
        cid = lax.axis_index("c")
        sid = lax.axis_index("s")
        wid = sid * NC + cid
        col = lax.iota(jnp.int32, 16) * SSTRIDE

        @pl.when(sid == 0)
        def _():
            pltpu.sync_copy(xq, sq)

        plsc.subcore_barrier()

        def do_set(idxq_hbm, idxa_hbm, out_hbm):
            base = wid * EPW

            def fetch_idx(c, iq, ia, isem):
                pltpu.async_copy(idxq_hbm.at[pl.ds(base + c * W, W)], iq, isem)
                pltpu.async_copy(idxa_hbm.at[pl.ds(base + c * W, W)], ia, isem)

            def wait_idx(c, iq, ia, isem):
                pltpu.make_async_copy(
                    idxq_hbm.at[pl.ds(base + c * W, W)], iq, isem).wait()
                pltpu.make_async_copy(
                    idxa_hbm.at[pl.ds(base + c * W, W)], ia, isem).wait()

            def start_gather(iq, ia, qr, ar, qsem, asem):
                pltpu.async_copy(sq.at[iq], qr, qsem)
                pltpu.async_copy(xa.at[ia], ar, asem)

            def wait_gather(iq, ia, qr, ar, qsem, asem):
                pltpu.make_async_copy(sq.at[iq], qr, qsem).wait()
                pltpu.make_async_copy(xa.at[ia], ar, asem).wait()

            def compute(qr, ar, ov):
                @plsc.parallel_loop(0, W, unroll=2)
                def _(e):
                    acc = qr[e, pl.ds(0, 16)] * ar[e, pl.ds(0, 16)]
                    for j in range(1, D // 16):
                        acc = acc + (qr[e, pl.ds(16 * j, 16)]
                                     * ar[e, pl.ds(16 * j, 16)])
                    scr[pl.ds(e * SSTRIDE, 16)] = acc

                @plsc.parallel_loop(0, NG)
                def _(g):
                    colg = col + g * (16 * SSTRIDE)
                    dot = plsc.load_gather(scr, [colg])
                    for l in range(1, 16):
                        dot = dot + plsc.load_gather(scr, [colg + l])
                    ov[pl.ds(g * 16, 16)] = 1.0 / (1.0 + jnp.exp(-dot))

            def put_out(c, ov, osem):
                pltpu.async_copy(ov, out_hbm.at[pl.ds(base + c * W, W)], osem)

            def wait_out(c, ov, osem):
                pltpu.make_async_copy(
                    ov, out_hbm.at[pl.ds(base + c * W, W)], osem).wait()

            islots = ((iq0, ia0, is0), (iq1, ia1, is1),
                      (iq2, ia2, is2), (iq3, ia3, is3))
            rslots = ((qr0, ar0, qs0, as0, ov0, os0),
                      (qr1, ar1, qs1, as1, ov1, os1))

            for s in range(4):
                fetch_idx(s, *islots[s])
            for s in range(2):
                wait_idx(s, *islots[s])
                start_gather(islots[s][0], islots[s][1], *rslots[s][:4])

            NQUAD = (CHUNKS - 1) // 4

            @pl.loop(0, NQUAD)
            def _(c3):
                c = 4 * c3

                for p in range(4):
                    ch = c + p
                    qr, ar, qsem, asem, ov, osem = rslots[p % 2]
                    iqf, iaf, isf = islots[p]
                    iqg, iag, isg = islots[(p + 2) % 4]

                    wait_gather(islots[p][0], islots[p][1],
                                qr, ar, qsem, asem)

                    if p == 0:
                        fetch_idx(ch + 4, iqf, iaf, isf)
                    else:
                        @pl.when(c3 < NQUAD - 1)
                        def _():
                            fetch_idx(ch + 4, iqf, iaf, isf)

                    if p < 2:
                        @pl.when(c3 > 0)
                        def _():
                            wait_out(ch - 2, ov, osem)
                    else:
                        wait_out(ch - 2, ov, osem)

                    compute(qr, ar, ov)
                    put_out(ch, ov, osem)

                    if p == 3:
                        @pl.when(c3 < NQUAD - 1)
                        def _():
                            wait_idx(ch + 2, iqg, iag, isg)
                            start_gather(iqg, iag, qr, ar, qsem, asem)
                    else:
                        wait_idx(ch + 2, iqg, iag, isg)
                        start_gather(iqg, iag, qr, ar, qsem, asem)

            wait_gather(iq0, ia0, qr0, ar0, qs0, as0)
            wait_out(CHUNKS - 3, ov0, os0)
            compute(qr0, ar0, ov0)
            put_out(CHUNKS - 1, ov0, os0)
            wait_out(CHUNKS - 2, ov1, os1)
            wait_out(CHUNKS - 1, ov0, os0)

        do_set(pqi, pai, pos_out)
        do_set(nqi, nai, neg_out)

    return k


_edge_decoder = _make_kernel()


@jax.jit
def kernel(x_question, x_answer, pos_edge_label_index, neg_edge_label_index):
    return _edge_decoder(
        pos_edge_label_index[0], pos_edge_label_index[1],
        neg_edge_label_index[0], neg_edge_label_index[1],
        x_question, x_answer)

# --- scband reference (transcript-rebuilt; emitter-appended) ---
"""Pipeline reference for scband-model-73856257622085 (READ-ONLY COPY).

The authoritative reference and input builder live on the scoring server;
editing this copy changes nothing except your own understanding.
"""

import jax, jax.numpy as jnp
import numpy as np

N = 10000
D = 128
E = 320000

def setup_inputs(seed: int = 0) -> dict:
    key = jax.random.key(seed)
    k1, k2, k3, k4 = jax.random.split(key, 4)
    return {
        "x_question": jax.random.normal(k1, (N, D), dtype=jnp.float32),
        "x_answer": jax.random.normal(k2, (N, D), dtype=jnp.float32),
        "pos_edge_label_index": jax.random.randint(k3, (2, E), 0, N, dtype=jnp.int32),
        "neg_edge_label_index": jax.random.randint(k4, (2, E), 0, N, dtype=jnp.int32),
    }

def reference(x_question, x_answer, pos_edge_label_index, neg_edge_label_index):
    # Faithful translation of Decoder.forward: gather per-edge node features,
    # elementwise product, sum over feature dim, sigmoid.
    pos_q = jnp.take(x_question, pos_edge_label_index[0], axis=0)
    pos_a = jnp.take(x_answer, pos_edge_label_index[1], axis=0)
    pos_pred = jax.nn.sigmoid(jnp.sum(pos_q * pos_a, axis=-1))

    neg_q = jnp.take(x_question, neg_edge_label_index[0], axis=0)
    neg_a = jnp.take(x_answer, neg_edge_label_index[1], axis=0)
    neg_pred = jax.nn.sigmoid(jnp.sum(neg_q * neg_a, axis=-1))

    return (pos_pred, neg_pred)

if __name__ == "__main__":
    import jax
    _d = setup_inputs()
    print(jax.jit(kernel)(*tuple(_d.values())))

</pallas_src>

<mosaic_0001>
#map = affine_map<(d0, d1) -> (0)>
#map1 = affine_map<(d0, d1) -> (0, 0)>
module attributes {stable_mosaic.version = 14 : i64} {
  func.func @k(%arg0: i32, %arg1: i32, %arg2: memref<320000xi32, #tpu.memory_space<hbm>>, %arg3: memref<320000xi32, #tpu.memory_space<hbm>>, %arg4: memref<320000xi32, #tpu.memory_space<hbm>>, %arg5: memref<320000xi32, #tpu.memory_space<hbm>>, %arg6: memref<10000x128xf32, #tpu.memory_space<hbm>>, %arg7: memref<10000x128xf32, #tpu.memory_space<hbm>>, %arg8: memref<320000xf32, #tpu.memory_space<hbm>>, %arg9: memref<320000xf32, #tpu.memory_space<hbm>>, %arg10: memref<10000x128xf32, #tpu.memory_space<vmem_shared>>, %arg11: memref<80xi32, #tpu.memory_space<vmem>>, %arg12: memref<80xi32, #tpu.memory_space<vmem>>, %arg13: memref<80xi32, #tpu.memory_space<vmem>>, %arg14: memref<80xi32, #tpu.memory_space<vmem>>, %arg15: memref<80xi32, #tpu.memory_space<vmem>>, %arg16: memref<80xi32, #tpu.memory_space<vmem>>, %arg17: memref<80xi32, #tpu.memory_space<vmem>>, %arg18: memref<80xi32, #tpu.memory_space<vmem>>, %arg19: memref<80x128xf32, #tpu.memory_space<vmem>>, %arg20: memref<80x128xf32, #tpu.memory_space<vmem>>, %arg21: memref<80x128xf32, #tpu.memory_space<vmem>>, %arg22: memref<80x128xf32, #tpu.memory_space<vmem>>, %arg23: memref<80xf32, #tpu.memory_space<vmem>>, %arg24: memref<80xf32, #tpu.memory_space<vmem>>, %arg25: memref<1360xf32, #tpu.memory_space<vmem>>, %arg26: memref<!tpu.dma_semaphore, #tpu.memory_space<semaphore_mem>>, %arg27: memref<!tpu.dma_semaphore, #tpu.memory_space<semaphore_mem>>, %arg28: memref<!tpu.dma_semaphore, #tpu.memory_space<semaphore_mem>>, %arg29: memref<!tpu.dma_semaphore, #tpu.memory_space<semaphore_mem>>, %arg30: memref<!tpu.dma_semaphore, #tpu.memory_space<semaphore_mem>>, %arg31: memref<!tpu.dma_semaphore, #tpu.memory_space<semaphore_mem>>, %arg32: memref<!tpu.dma_semaphore, #tpu.memory_space<semaphore_mem>>, %arg33: memref<!tpu.dma_semaphore, #tpu.memory_space<semaphore_mem>>, %arg34: memref<!tpu.dma_semaphore, #tpu.memory_space<semaphore_mem>>, %arg35: memref<!tpu.dma_semaphore, #tpu.memory_space<semaphore_mem>>) attributes {dimension_semantics = [#tpu.dimension_semantics<core_parallel>, #tpu.dimension_semantics<subcore_parallel>], iteration_bounds = array<i64: 2, 16>, scalar_prefetch = 0 : i64, scratch_operands = 26 : i64, tpu.core_type = #tpu.core_type<sc_vector_subcore>, window_params = [{transform_indices = #map}, {transform_indices = #map}, {transform_indices = #map}, {transform_indices = #map}, {transform_indices = #map1}, {transform_indices = #map1}, {transform_indices = #map}, {transform_indices = #map}]} {
    %mul3A = arith.constant 2 : i32
    %mul3A_0 = arith.muli %arg1, %mul3A : i32
    %add3A = arith.addi %mul3A_0, %arg0 : i32
    %iota3A = tpu.iota {dimensions = array<i32: 0>} : vector<16xi32>
    %mul3A_1 = arith.constant 17 : i32
    %mul3A_2 = vector.broadcast %mul3A_1 : i32 to vector<16xi32>
    %mul3A_3 = arith.muli %iota3A, %mul3A_2 : vector<16xi32>
    %eq3A = arith.constant 0 : i32
    %eq3A_4 = arith.cmpi eq, %arg1, %eq3A : i32
    %convert_element_type3A = arith.extui %eq3A_4 : i1 to i32
    %cond3A = arith.constant 0 : i32
    %cond3A_5 = arith.cmpi ne, %convert_element_type3A, %cond3A : i32
    scf.if %cond3A_5 {
      "tpu.region"() ({
        %run_scoped3A = tpu.sem_alloc : memref<!tpu.dma_semaphore, #tpu.memory_space<semaphore_mem>>
        tpu.enqueue_dma source(%arg6 : memref<10000x128xf32, #tpu.memory_space<hbm>>) target(%arg10 : memref<10000x128xf32, #tpu.memory_space<vmem_shared>>) target_semaphore(%run_scoped3A : memref<!tpu.dma_semaphore, #tpu.memory_space<semaphore_mem>>)
        tpu.wait_dma2 semaphore(%run_scoped3A : memref<!tpu.dma_semaphore, #tpu.memory_space<semaphore_mem>>) src(%arg6 : memref<10000x128xf32, #tpu.memory_space<hbm>>) dst(%arg10 : memref<10000x128xf32, #tpu.memory_space<vmem_shared>>)
        tpu.yield
      }) : () -> ()
    } else {
    }
    %barrier3A = arith.constant 0 : index
    tpu.barrier barrier_id(%barrier3A)
    %mul3A_6 = arith.constant 10000 : i32
    %mul3A_7 = arith.muli %add3A, %mul3A_6 : i32
    %add3A_8 = arith.constant 0 : i32
    %add3A_9 = arith.addi %mul3A_7, %add3A_8 : i32
    %dma_start3A = tpu.memref_slice %arg2[%add3A_9] : memref<320000xi32, #tpu.memory_space<hbm>> -> memref<80xi32, #tpu.memory_space<hbm>>
    %dma_start3A_10 = tpu.memref_slice %arg2[%add3A_9] : memref<320000xi32, #tpu.memory_space<hbm>> -> memref<80xi32, #tpu.memory_space<hbm>>
    tpu.enqueue_dma source(%dma_start3A_10 : memref<80xi32, #tpu.memory_space<hbm>>) target(%arg11 : memref<80xi32, #tpu.memory_space<vmem>>) target_semaphore(%arg26 : memref<!tpu.dma_semaphore, #tpu.memory_space<semaphore_mem>>)
    %add3A_11 = arith.constant 0 : i32
    %add3A_12 = arith.addi %mul3A_7, %add3A_11 : i32
    %dma_start3A_13 = tpu.memref_slice %arg3[%add3A_12] : memref<320000xi32, #tpu.memory_space<hbm>> -> memref<80xi32, #tpu.memory_space<hbm>>
    %dma_start3A_14 = tpu.memref_slice %arg3[%add3A_12] : memref<320000xi32, #tpu.memory_space<hbm>> -> memref<80xi32, #tpu.memory_space<hbm>>
    tpu.enqueue_dma source(%dma_start3A_14 : memref<80xi32, #tpu.memory_space<hbm>>) target(%arg12 : memref<80xi32, #tpu.memory_space<vmem>>) target_semaphore(%arg26 : memref<!tpu.dma_semaphore, #tpu.memory_space<semaphore_mem>>)
    %add3A_15 = arith.constant 80 : i32
    %add3A_16 = arith.addi %mul3A_7, %add3A_15 : i32
    %dma_start3A_17 = tpu.memref_slice %arg2[%add3A_16] : memref<320000xi32, #tpu.memory_space<hbm>> -> memref<80xi32, #tpu.memory_space<hbm>>
    %dma_start3A_18 = tpu.memref_slice %arg2[%add3A_16] : memref<320000xi32, #tpu.memory_space<hbm>> -> memref<80xi32, #tpu.memory_space<hbm>>
    tpu.enqueue_dma source(%dma_start3A_18 : memref<80xi32, #tpu.memory_space<hbm>>) target(%arg13 : memref<80xi32, #tpu.memory_space<vmem>>) target_semaphore(%arg27 : memref<!tpu.dma_semaphore, #tpu.memory_space<semaphore_mem>>)
    %add3A_19 = arith.constant 80 : i32
    %add3A_20 = arith.addi %mul3A_7, %add3A_19 : i32
    %dma_start3A_21 = tpu.memref_slice %arg3[%add3A_20] : memref<320000xi32, #tpu.memory_space<hbm>> -> memref<80xi32, #tpu.memory_space<hbm>>
    %dma_start3A_22 = tpu.memref_slice %arg3[%add3A_20] : memref<320000xi32, #tpu.memory_space<hbm>> -> memref<80xi32, #tpu.memory_space<hbm>>
    tpu.enqueue_dma source(%dma_start3A_22 : memref<80xi32, #tpu.memory_space<hbm>>) target(%arg14 : memref<80xi32, #tpu.memory_space<vmem>>) target_semaphore(%arg27 : memref<!tpu.dma_semaphore, #tpu.memory_space<semaphore_mem>>)
    %add3A_23 = arith.constant 160 : i32
    %add3A_24 = arith.addi %mul3A_7, %add3A_23 : i32
    %dma_start3A_25 = tpu.memref_slice %arg2[%add3A_24] : memref<320000xi32, #tpu.memory_space<hbm>> -> memref<80xi32, #tpu.memory_space<hbm>>
    %dma_start3A_26 = tpu.memref_slice %arg2[%add3A_24] : memref<320000xi32, #tpu.memory_space<hbm>> -> memref<80xi32, #tpu.memory_space<hbm>>
    tpu.enqueue_dma source(%dma_start3A_26 : memref<80xi32, #tpu.memory_space<hbm>>) target(%arg15 : memref<80xi32, #tpu.memory_space<vmem>>) target_semaphore(%arg28 : memref<!tpu.dma_semaphore, #tpu.memory_space<semaphore_mem>>)
    %add3A_27 = arith.constant 160 : i32
    %add3A_28 = arith.addi %mul3A_7, %add3A_27 : i32
    %dma_start3A_29 = tpu.memref_slice %arg3[%add3A_28] : memref<320000xi32, #tpu.memory_space<hbm>> -> memref<80xi32, #tpu.memory_space<hbm>>
    %dma_start3A_30 = tpu.memref_slice %arg3[%add3A_28] : memref<320000xi32, #tpu.memory_space<hbm>> -> memref<80xi32, #tpu.memory_space<hbm>>
    tpu.enqueue_dma source(%dma_start3A_30 : memref<80xi32, #tpu.memory_space<hbm>>) target(%arg16 : memref<80xi32, #tpu.memory_space<vmem>>) target_semaphore(%arg28 : memref<!tpu.dma_semaphore, #tpu.memory_space<semaphore_mem>>)
    %add3A_31 = arith.constant 240 : i32
    %add3A_32 = arith.addi %mul3A_7, %add3A_31 : i32
    %dma_start3A_33 = tpu.memref_slice %arg2[%add3A_32] : memref<320000xi32, #tpu.memory_space<hbm>> -> memref<80xi32, #tpu.memory_space<hbm>>
    %dma_start3A_34 = tpu.memref_slice %arg2[%add3A_32] : memref<320000xi32, #tpu.memory_space<hbm>> -> memref<80xi32, #tpu.memory_space<hbm>>
    tpu.enqueue_dma source(%dma_start3A_34 : memref<80xi32, #tpu.memory_space<hbm>>) target(%arg17 : memref<80xi32, #tpu.memory_space<vmem>>) target_semaphore(%arg29 : memref<!tpu.dma_semaphore, #tpu.memory_space<semaphore_mem>>)
    %add3A_35 = arith.constant 240 : i32
    %add3A_36 = arith.addi %mul3A_7, %add3A_35 : i32
    %dma_start3A_37 = tpu.memref_slice %arg3[%add3A_36] : memref<320000xi32, #tpu.memory_space<hbm>> -> memref<80xi32, #tpu.memory_space<hbm>>
    %dma_start3A_38 = tpu.memref_slice %arg3[%add3A_36] : memref<320000xi32, #tpu.memory_space<hbm>> -> memref<80xi32, #tpu.memory_space<hbm>>
    tpu.enqueue_dma source(%dma_start3A_38 : memref<80xi32, #tpu.memory_space<hbm>>) target(%arg18 : memref<80xi32, #tpu.memory_space<vmem>>) target_semaphore(%arg29 : memref<!tpu.dma_semaphore, #tpu.memory_space<semaphore_mem>>)
    %add3A_39 = arith.constant 0 : i32
    %add3A_40 = arith.addi %mul3A_7, %add3A_39 : i32
    %dma_wait3A = tpu.memref_slice %arg2[%add3A_40] : memref<320000xi32, #tpu.memory_space<hbm>> -> memref<80xi32, #tpu.memory_space<hbm>>
    %dma_wait3A_41 = tpu.memref_slice %arg2[%add3A_40] : memref<320000xi32, #tpu.memory_space<hbm>> -> memref<80xi32, #tpu.memory_space<hbm>>
    tpu.wait_dma2 semaphore(%arg26 : memref<!tpu.dma_semaphore, #tpu.memory_space<semaphore_mem>>) src(%dma_wait3A_41 : memref<80xi32, #tpu.memory_space<hbm>>) dst(%arg11 : memref<80xi32, #tpu.memory_space<vmem>>)
    %add3A_42 = arith.constant 0 : i32
    %add3A_43 = arith.addi %mul3A_7, %add3A_42 : i32
    %dma_wait3A_44 = tpu.memref_slice %arg3[%add3A_43] : memref<320000xi32, #tpu.memory_space<hbm>> -> memref<80xi32, #tpu.memory_space<hbm>>
    %dma_wait3A_45 = tpu.memref_slice %arg3[%add3A_43] : memref<320000xi32, #tpu.memory_space<hbm>> -> memref<80xi32, #tpu.memory_space<hbm>>
    tpu.wait_dma2 semaphore(%arg26 : memref<!tpu.dma_semaphore, #tpu.memory_space<semaphore_mem>>) src(%dma_wait3A_45 : memref<80xi32, #tpu.memory_space<hbm>>) dst(%arg12 : memref<80xi32, #tpu.memory_space<vmem>>)
    %dma_start3A_46 = arith.constant 0 : i32
    %dma_start3A_47 = arith.constant 0 : i32
    %dma_start3A_48 = tpu.memref_slice %arg10[%dma_start3A_46, %dma_start3A_47] : memref<10000x128xf32, #tpu.memory_space<vmem_shared>> -> memref<10000x128xf32, #tpu.memory_space<vmem_shared>>
    tpu.enqueue_indirect_dma source(%dma_start3A_48 : memref<10000x128xf32, #tpu.memory_space<vmem_shared>>) target(%arg19 : memref<80x128xf32, #tpu.memory_space<vmem>>) offsets(%arg11 : memref<80xi32, #tpu.memory_space<vmem>>) semaphore(%arg30 : memref<!tpu.dma_semaphore, #tpu.memory_space<semaphore_mem>>)
    %dma_start3A_49 = arith.constant 0 : i32
    %dma_start3A_50 = arith.constant 0 : i32
    %dma_start3A_51 = tpu.memref_slice %arg7[%dma_start3A_49, %dma_start3A_50] : memref<10000x128xf32, #tpu.memory_space<hbm>> -> memref<10000x128xf32, #tpu.memory_space<hbm>>
    tpu.enqueue_indirect_dma source(%dma_start3A_51 : memref<10000x128xf32, #tpu.memory_space<hbm>>) target(%arg20 : memref<80x128xf32, #tpu.memory_space<vmem>>) offsets(%arg12 : memref<80xi32, #tpu.memory_space<vmem>>) semaphore(%arg31 : memref<!tpu.dma_semaphore, #tpu.memory_space<semaphore_mem>>)
    %add3A_52 = arith.constant 80 : i32
    %add3A_53 = arith.addi %mul3A_7, %add3A_52 : i32
    %dma_wait3A_54 = tpu.memref_slice %arg2[%add3A_53] : memref<320000xi32, #tpu.memory_space<hbm>> -> memref<80xi32, #tpu.memory_space<hbm>>
    %dma_wait3A_55 = tpu.memref_slice %arg2[%add3A_53] : memref<320000xi32, #tpu.memory_space<hbm>> -> memref<80xi32, #tpu.memory_space<hbm>>
    tpu.wait_dma2 semaphore(%arg27 : memref<!tpu.dma_semaphore, #tpu.memory_space<semaphore_mem>>) src(%dma_wait3A_55 : memref<80xi32, #tpu.memory_space<hbm>>) dst(%arg13 : memref<80xi32, #tpu.memory_space<vmem>>)
    %add3A_56 = arith.constant 80 : i32
    %add3A_57 = arith.addi %mul3A_7, %add3A_56 : i32
    %dma_wait3A_58 = tpu.memref_slice %arg3[%add3A_57] : memref<320000xi32, #tpu.memory_space<hbm>> -> memref<80xi32, #tpu.memory_space<hbm>>
    %dma_wait3A_59 = tpu.memref_slice %arg3[%add3A_57] : memref<320000xi32, #tpu.memory_space<hbm>> -> memref<80xi32, #tpu.memory_space<hbm>>
    tpu.wait_dma2 semaphore(%arg27 : memref<!tpu.dma_semaphore, #tpu.memory_space<semaphore_mem>>) src(%dma_wait3A_59 : memref<80xi32, #tpu.memory_space<hbm>>) dst(%arg14 : memref<80xi32, #tpu.memory_space<vmem>>)
    %dma_start3A_60 = arith.constant 0 : i32
    %dma_start3A_61 = arith.constant 0 : i32
    %dma_start3A_62 = tpu.memref_slice %arg10[%dma_start3A_60, %dma_start3A_61] : memref<10000x128xf32, #tpu.memory_space<vmem_shared>> -> memref<10000x128xf32, #tpu.memory_space<vmem_shared>>
    tpu.enqueue_indirect_dma source(%dma_start3A_62 : memref<10000x128xf32, #tpu.memory_space<vmem_shared>>) target(%arg21 : memref<80x128xf32, #tpu.memory_space<vmem>>) offsets(%arg13 : memref<80xi32, #tpu.memory_space<vmem>>) semaphore(%arg32 : memref<!tpu.dma_semaphore, #tpu.memory_space<semaphore_mem>>)
    %dma_start3A_63 = arith.constant 0 : i32
    %dma_start3A_64 = arith.constant 0 : i32
    %dma_start3A_65 = tpu.memref_slice %arg7[%dma_start3A_63, %dma_start3A_64] : memref<10000x128xf32, #tpu.memory_space<hbm>> -> memref<10000x128xf32, #tpu.memory_space<hbm>>
    tpu.enqueue_indirect_dma source(%dma_start3A_65 : memref<10000x128xf32, #tpu.memory_space<hbm>>) target(%arg22 : memref<80x128xf32, #tpu.memory_space<vmem>>) offsets(%arg14 : memref<80xi32, #tpu.memory_space<vmem>>) semaphore(%arg33 : memref<!tpu.dma_semaphore, #tpu.memory_space<semaphore_mem>>)
    %scan3A = arith.constant 0 : i32
    %scan3A_66 = arith.constant 31 : i32
    %scan3A_67 = arith.addi %scan3A, %scan3A_66 : i32
    %scan3A_68 = arith.constant 1 : i32
    scf.for %scan3A_192 = %scan3A to %scan3A_67 step %scan3A_68  : i32 {
      %mul3A_193 = arith.constant 1 : i32
      %mul3A_194 = arith.muli %scan3A_192, %mul3A_193 : i32
      %add3A_195 = arith.constant 0 : i32
      %add3A_196 = arith.addi %add3A_195, %mul3A_194 : i32
      %mul3A_197 = arith.constant 4 : i32
      %mul3A_198 = arith.muli %mul3A_197, %add3A_196 : i32
      %add3A_199 = arith.constant 0 : i32
      %add3A_200 = arith.addi %mul3A_198, %add3A_199 : i32
      %dma_wait3A_201 = arith.constant 0 : i32
      %dma_wait3A_202 = arith.constant 0 : i32
      %dma_wait3A_203 = tpu.memref_slice %arg10[%dma_wait3A_201, %dma_wait3A_202] : memref<10000x128xf32, #tpu.memory_space<vmem_shared>> -> memref<10000x128xf32, #tpu.memory_space<vmem_shared>>
      tpu.wait_indirect_dma semaphore(%arg30 : memref<!tpu.dma_semaphore, #tpu.memory_space<semaphore_mem>>) src(%dma_wait3A_203 : memref<10000x128xf32, #tpu.memory_space<vmem_shared>>) dst(%arg19 : memref<80x128xf32, #tpu.memory_space<vmem>>)
      %dma_wait3A_204 = arith.constant 0 : i32
      %dma_wait3A_205 = arith.constant 0 : i32
      %dma_wait3A_206 = tpu.memref_slice %arg7[%dma_wait3A_204, %dma_wait3A_205] : memref<10000x128xf32, #tpu.memory_space<hbm>> -> memref<10000x128xf32, #tpu.memory_space<hbm>>
      tpu.wait_indirect_dma semaphore(%arg31 : memref<!tpu.dma_semaphore, #tpu.memory_space<semaphore_mem>>) src(%dma_wait3A_206 : memref<10000x128xf32, #tpu.memory_space<hbm>>) dst(%arg20 : memref<80x128xf32, #tpu.memory_space<vmem>>)
      %add3A_207 = arith.constant 4 : i32
      %add3A_208 = arith.addi %add3A_200, %add3A_207 : i32
      %mul3A_209 = arith.constant 80 : i32
      %mul3A_210 = arith.muli %add3A_208, %mul3A_209 : i32
      %add3A_211 = arith.addi %mul3A_7, %mul3A_210 : i32
      %dma_start3A_212 = tpu.memref_slice %arg2[%add3A_211] : memref<320000xi32, #tpu.memory_space<hbm>> -> memref<80xi32, #tpu.memory_space<hbm>>
      %dma_start3A_213 = tpu.memref_slice %arg2[%add3A_211] : memref<320000xi32, #tpu.memory_space<hbm>> -> memref<80xi32, #tpu.memory_space<hbm>>
      tpu.enqueue_dma source(%dma_start3A_213 : memref<80xi32, #tpu.memory_space<hbm>>) target(%arg11 : memref<80xi32, #tpu.memory_space<vmem>>) target_semaphore(%arg26 : memref<!tpu.dma_semaphore, #tpu.memory_space<semaphore_mem>>)
      %mul3A_214 = arith.constant 80 : i32
      %mul3A_215 = arith.muli %add3A_208, %mul3A_214 : i32
      %add3A_216 = arith.addi %mul3A_7, %mul3A_215 : i32
      %dma_start3A_217 = tpu.memref_slice %arg3[%add3A_216] : memref<320000xi32, #tpu.memory_space<hbm>> -> memref<80xi32, #tpu.memory_space<hbm>>
      %dma_start3A_218 = tpu.memref_slice %arg3[%add3A_216] : memref<320000xi32, #tpu.memory_space<hbm>> -> memref<80xi32, #tpu.memory_space<hbm>>
      tpu.enqueue_dma source(%dma_start3A_218 : memref<80xi32, #tpu.memory_space<hbm>>) target(%arg12 : memref<80xi32, #tpu.memory_space<vmem>>) target_semaphore(%arg26 : memref<!tpu.dma_semaphore, #tpu.memory_space<semaphore_mem>>)
      %gt3A = arith.constant 0 : i32
      %gt3A_219 = arith.cmpi sgt, %add3A_196, %gt3A : i32
      %convert_element_type3A_220 = arith.extui %gt3A_219 : i1 to i32
      %cond3A_221 = arith.constant 0 : i32
      %cond3A_222 = arith.cmpi ne, %convert_element_type3A_220, %cond3A_221 : i32
      scf.if %cond3A_222 {
        %sub3A_382 = arith.constant 2 : i32
        %sub3A_383 = arith.subi %add3A_200, %sub3A_382 : i32
        %mul3A_384 = arith.constant 80 : i32
        %mul3A_385 = arith.muli %sub3A_383, %mul3A_384 : i32
        %add3A_386 = arith.addi %mul3A_7, %mul3A_385 : i32
        %dma_wait3A_387 = tpu.memref_slice %arg8[%add3A_386] : memref<320000xf32, #tpu.memory_space<hbm>> -> memref<80xf32, #tpu.memory_space<hbm>>
        %dma_wait3A_388 = tpu.memref_slice %arg8[%add3A_386] : memref<320000xf32, #tpu.memory_space<hbm>> -> memref<80xf32, #tpu.memory_space<hbm>>
        tpu.wait_dma2 semaphore(%arg34 : memref<!tpu.dma_semaphore, #tpu.memory_space<semaphore_mem>>) src(%arg23 : memref<80xf32, #tpu.memory_space<vmem>>) dst(%dma_wait3A_388 : memref<80xf32, #tpu.memory_space<hbm>>)
      } else {
      }
      %parallel_loop3A_223 = arith.constant 0 : i32
      %parallel_loop3A_224 = arith.constant 80 : i32
      %parallel_loop3A_225 = arith.constant 1 : i32
      scf.for %parallel_loop3A_382 = %parallel_loop3A_223 to %parallel_loop3A_224 step %parallel_loop3A_225  : i32 {
        %parallel_loop3A_383 = arith.index_cast %parallel_loop3A_382 : i32 to index
        %parallel_loop3A_384 = arith.constant 0 : index
        %parallel_loop3A_385 = tpu.vector_load %arg19[%parallel_loop3A_383, %parallel_loop3A_384] {strides = array<i32>} : memref<80x128xf32, #tpu.memory_space<vmem>>, vector<16xf32>,
        %parallel_loop3A_386 = arith.index_cast %parallel_loop3A_382 : i32 to index
        %parallel_loop3A_387 = arith.constant 0 : index
        %parallel_loop3A_388 = tpu.vector_load %arg20[%parallel_loop3A_386, %parallel_loop3A_387] {strides = array<i32>} : memref<80x128xf32, #tpu.memory_space<vmem>>, vector<16xf32>,
        %parallel_loop3A_389 = arith.mulf %parallel_loop3A_385, %parallel_loop3A_388 : vector<16xf32>
        %parallel_loop3A_390 = arith.index_cast %parallel_loop3A_382 : i32 to index
        %parallel_loop3A_391 = arith.constant 16 : index
        %parallel_loop3A_392 = tpu.vector_load %arg19[%parallel_loop3A_390, %parallel_loop3A_391] {strides = array<i32>} : memref<80x128xf32, #tpu.memory_space<vmem>>, vector<16xf32>,
        %parallel_loop3A_393 = arith.index_cast %parallel_loop3A_382 : i32 to index
        %parallel_loop3A_394 = arith.constant 16 : index
        %parallel_loop3A_395 = tpu.vector_load %arg20[%parallel_loop3A_393, %parallel_loop3A_394] {strides = array<i32>} : memref<80x128xf32, #tpu.memory_space<vmem>>, vector<16xf32>,
        %parallel_loop3A_396 = arith.mulf %parallel_loop3A_392, %parallel_loop3A_395 : vector<16xf32>
        %parallel_loop3A_397 = arith.addf %parallel_loop3A_389, %parallel_loop3A_396 : vector<16xf32>
        %parallel_loop3A_398 = arith.index_cast %parallel_loop3A_382 : i32 to index
        %parallel_loop3A_399 = arith.constant 32 : index
        %parallel_loop3A_400 = tpu.vector_load %arg19[%parallel_loop3A_398, %parallel_loop3A_399] {strides = array<i32>} : memref<80x128xf32, #tpu.memory_space<vmem>>, vector<16xf32>,
        %parallel_loop3A_401 = arith.index_cast %parallel_loop3A_382 : i32 to index
        %parallel_loop3A_402 = arith.constant 32 : index
        %parallel_loop3A_403 = tpu.vector_load %arg20[%parallel_loop3A_401, %parallel_loop3A_402] {strides = array<i32>} : memref<80x128xf32, #tpu.memory_space<vmem>>, vector<16xf32>,
        %parallel_loop3A_404 = arith.mulf %parallel_loop3A_400, %parallel_loop3A_403 : vector<16xf32>
        %parallel_loop3A_405 = arith.addf %parallel_loop3A_397, %parallel_loop3A_404 : vector<16xf32>
        %parallel_loop3A_406 = arith.index_cast %parallel_loop3A_382 : i32 to index
        %parallel_loop3A_407 = arith.constant 48 : index
        %parallel_loop3A_408 = tpu.vector_load %arg19[%parallel_loop3A_406, %parallel_loop3A_407] {strides = array<i32>} : memref<80x128xf32, #tpu.memory_space<vmem>>, vector<16xf32>,
        %parallel_loop3A_409 = arith.index_cast %parallel_loop3A_382 : i32 to index
        %parallel_loop3A_410 = arith.constant 48 : index
        %parallel_loop3A_411 = tpu.vector_load %arg20[%parallel_loop3A_409, %parallel_loop3A_410] {strides = array<i32>} : memref<80x128xf32, #tpu.memory_space<vmem>>, vector<16xf32>,
        %parallel_loop3A_412 = arith.mulf %parallel_loop3A_408, %parallel_loop3A_411 : vector<16xf32>
        %parallel_loop3A_413 = arith.addf %parallel_loop3A_405, %parallel_loop3A_412 : vector<16xf32>
        %parallel_loop3A_414 = arith.index_cast %parallel_loop3A_382 : i32 to index
        %parallel_loop3A_415 = arith.constant 64 : index
        %parallel_loop3A_416 = tpu.vector_load %arg19[%parallel_loop3A_414, %parallel_loop3A_415] {strides = array<i32>} : memref<80x128xf32, #tpu.memory_space<vmem>>, vector<16xf32>,
        %parallel_loop3A_417 = arith.index_cast %parallel_loop3A_382 : i32 to index
        %parallel_loop3A_418 = arith.constant 64 : index
        %parallel_loop3A_419 = tpu.vector_load %arg20[%parallel_loop3A_417, %parallel_loop3A_418] {strides = array<i32>} : memref<80x128xf32, #tpu.memory_space<vmem>>, vector<16xf32>,
        %parallel_loop3A_420 = arith.mulf %parallel_loop3A_416, %parallel_loop3A_419 : vector<16xf32>
        %parallel_loop3A_421 = arith.addf %parallel_loop3A_413, %parallel_loop3A_420 : vector<16xf32>
        %parallel_loop3A_422 = arith.index_cast %parallel_loop3A_382 : i32 to index
        %parallel_loop3A_423 = arith.constant 80 : index
        %parallel_loop3A_424 = tpu.vector_load %arg19[%parallel_loop3A_422, %parallel_loop3A_423] {strides = array<i32>} : memref<80x128xf32, #tpu.memory_space<vmem>>, vector<16xf32>,
        %parallel_loop3A_425 = arith.index_cast %parallel_loop3A_382 : i32 to index
        %parallel_loop3A_426 = arith.constant 80 : index
        %parallel_loop3A_427 = tpu.vector_load %arg20[%parallel_loop3A_425, %parallel_loop3A_426] {strides = array<i32>} : memref<80x128xf32, #tpu.memory_space<vmem>>, vector<16xf32>,
        %parallel_loop3A_428 = arith.mulf %parallel_loop3A_424, %parallel_loop3A_427 : vector<16xf32>
        %parallel_loop3A_429 = arith.addf %parallel_loop3A_421, %parallel_loop3A_428 : vector<16xf32>
        %parallel_loop3A_430 = arith.index_cast %parallel_loop3A_382 : i32 to index
        %parallel_loop3A_431 = arith.constant 96 : index
        %parallel_loop3A_432 = tpu.vector_load %arg19[%parallel_loop3A_430, %parallel_loop3A_431] {strides = array<i32>} : memref<80x128xf32, #tpu.memory_space<vmem>>, vector<16xf32>,
        %parallel_loop3A_433 = arith.index_cast %parallel_loop3A_382 : i32 to index
        %parallel_loop3A_434 = arith.constant 96 : index
        %parallel_loop3A_435 = tpu.vector_load %arg20[%parallel_loop3A_433, %parallel_loop3A_434] {strides = array<i32>} : memref<80x128xf32, #tpu.memory_space<vmem>>, vector<16xf32>,
        %parallel_loop3A_436 = arith.mulf %parallel_loop3A_432, %parallel_loop3A_435 : vector<16xf32>
        %parallel_loop3A_437 = arith.addf %parallel_loop3A_429, %parallel_loop3A_436 : vector<16xf32>
        %parallel_loop3A_438 = arith.index_cast %parallel_loop3A_382 : i32 to index
        %parallel_loop3A_439 = arith.constant 112 : index
        %parallel_loop3A_440 = tpu.vector_load %arg19[%parallel_loop3A_438, %parallel_loop3A_439] {strides = array<i32>} : memref<80x128xf32, #tpu.memory_space<vmem>>, vector<16xf32>,
        %parallel_loop3A_441 = arith.index_cast %parallel_loop3A_382 : i32 to index
        %parallel_loop3A_442 = arith.constant 112 : index
        %parallel_loop3A_443 = tpu.vector_load %arg20[%parallel_loop3A_441, %parallel_loop3A_442] {strides = array<i32>} : memref<80x128xf32, #tpu.memory_space<vmem>>, vector<16xf32>,
        %parallel_loop3A_444 = arith.mulf %parallel_loop3A_440, %parallel_loop3A_443 : vector<16xf32>
        %parallel_loop3A_445 = arith.addf %parallel_loop3A_437, %parallel_loop3A_444 : vector<16xf32>
        %parallel_loop3A_446 = arith.constant 17 : i32
        %parallel_loop3A_447 = arith.muli %parallel_loop3A_382, %parallel_loop3A_446 : i32
        %parallel_loop3A_448 = arith.index_cast %parallel_loop3A_447 : i32 to index
        %parallel_loop3A_449 = tpu.vector_load %arg25[%parallel_loop3A_448] {strides = array<i32>} : memref<1360xf32, #tpu.memory_space<vmem>>, vector<16xf32>,
        tpu.vector_store %arg25[%parallel_loop3A_448], %parallel_loop3A_445 {strides = array<i32>} : memref<1360xf32, #tpu.memory_space<vmem>>, vector<16xf32>,
      } {sc.loop_unroll_factor = 2 : i64, sc.parallel_access}
      %parallel_loop3A_226 = arith.constant 0 : i32
      %parallel_loop3A_227 = arith.constant 5 : i32
      %parallel_loop3A_228 = arith.constant 1 : i32
      scf.for %parallel_loop3A_382 = %parallel_loop3A_226 to %parallel_loop3A_227 step %parallel_loop3A_228  : i32 {
        %parallel_loop3A_383 = arith.constant 272 : i32
        %parallel_loop3A_384 = arith.muli %parallel_loop3A_382, %parallel_loop3A_383 : i32
        %parallel_loop3A_385 = vector.broadcast %parallel_loop3A_384 : i32 to vector<16xi32>
        %parallel_loop3A_386 = arith.addi %mul3A_3, %parallel_loop3A_385 : vector<16xi32>
        %parallel_loop3A_387 = tpu.vector_load_idx %arg25[%parallel_loop3A_386] : memref<1360xf32, #tpu.memory_space<vmem>>[vector<16xi32>], vector<16xf32>,
        %parallel_loop3A_388 = arith.constant 1 : i32
        %parallel_loop3A_389 = vector.broadcast %parallel_loop3A_388 : i32 to vector<16xi32>
        %parallel_loop3A_390 = arith.addi %parallel_loop3A_386, %parallel_loop3A_389 : vector<16xi32>
        %parallel_loop3A_391 = tpu.vector_load_idx %arg25[%parallel_loop3A_390] : memref<1360xf32, #tpu.memory_space<vmem>>[vector<16xi32>], vector<16xf32>,
        %parallel_loop3A_392 = arith.addf %parallel_loop3A_387, %parallel_loop3A_391 : vector<16xf32>
        %parallel_loop3A_393 = arith.constant 2 : i32
        %parallel_loop3A_394 = vector.broadcast %parallel_loop3A_393 : i32 to vector<16xi32>
        %parallel_loop3A_395 = arith.addi %parallel_loop3A_386, %parallel_loop3A_394 : vector<16xi32>
        %parallel_loop3A_396 = tpu.vector_load_idx %arg25[%parallel_loop3A_395] : memref<1360xf32, #tpu.memory_space<vmem>>[vector<16xi32>], vector<16xf32>,
        %parallel_loop3A_397 = arith.addf %parallel_loop3A_392, %parallel_loop3A_396 : vector<16xf32>
        %parallel_loop3A_398 = arith.constant 3 : i32
        %parallel_loop3A_399 = vector.broadcast %parallel_loop3A_398 : i32 to vector<16xi32>
        %parallel_loop3A_400 = arith.addi %parallel_loop3A_386, %parallel_loop3A_399 : vector<16xi32>
        %parallel_loop3A_401 = tpu.vector_load_idx %arg25[%parallel_loop3A_400] : memref<1360xf32, #tpu.memory_space<vmem>>[vector<16xi32>], vector<16xf32>,
        %parallel_loop3A_402 = arith.addf %parallel_loop3A_397, %parallel_loop3A_401 : vector<16xf32>
        %parallel_loop3A_403 = arith.constant 4 : i32
        %parallel_loop3A_404 = vector.broadcast %parallel_loop3A_403 : i32 to vector<16xi32>
        %parallel_loop3A_405 = arith.addi %parallel_loop3A_386, %parallel_loop3A_404 : vector<16xi32>
        %parallel_loop3A_406 = tpu.vector_load_idx %arg25[%parallel_loop3A_405] : memref<1360xf32, #tpu.memory_space<vmem>>[vector<16xi32>], vector<16xf32>,
        %parallel_loop3A_407 = arith.addf %parallel_loop3A_402, %parallel_loop3A_406 : vector<16xf32>
        %parallel_loop3A_408 = arith.constant 5 : i32
        %parallel_loop3A_409 = vector.broadcast %parallel_loop3A_408 : i32 to vector<16xi32>
        %parallel_loop3A_410 = arith.addi %parallel_loop3A_386, %parallel_loop3A_409 : vector<16xi32>
        %parallel_loop3A_411 = tpu.vector_load_idx %arg25[%parallel_loop3A_410] : memref<1360xf32, #tpu.memory_space<vmem>>[vector<16xi32>], vector<16xf32>,
        %parallel_loop3A_412 = arith.addf %parallel_loop3A_407, %parallel_loop3A_411 : vector<16xf32>
        %parallel_loop3A_413 = arith.constant 6 : i32
        %parallel_loop3A_414 = vector.broadcast %parallel_loop3A_413 : i32 to vector<16xi32>
        %parallel_loop3A_415 = arith.addi %parallel_loop3A_386, %parallel_loop3A_414 : vector<16xi32>
        %parallel_loop3A_416 = tpu.vector_load_idx %arg25[%parallel_loop3A_415] : memref<1360xf32, #tpu.memory_space<vmem>>[vector<16xi32>], vector<16xf32>,
        %parallel_loop3A_417 = arith.addf %parallel_loop3A_412, %parallel_loop3A_416 : vector<16xf32>
        %parallel_loop3A_418 = arith.constant 7 : i32
        %parallel_loop3A_419 = vector.broadcast %parallel_loop3A_418 : i32 to vector<16xi32>
        %parallel_loop3A_420 = arith.addi %parallel_loop3A_386, %parallel_loop3A_419 : vector<16xi32>
        %parallel_loop3A_421 = tpu.vector_load_idx %arg25[%parallel_loop3A_420] : memref<1360xf32, #tpu.memory_space<vmem>>[vector<16xi32>], vector<16xf32>,
        %parallel_loop3A_422 = arith.addf %parallel_loop3A_417, %parallel_loop3A_421 : vector<16xf32>
        %parallel_loop3A_423 = arith.constant 8 : i32
        %parallel_loop3A_424 = vector.broadcast %parallel_loop3A_423 : i32 to vector<16xi32>
        %parallel_loop3A_425 = arith.addi %parallel_loop3A_386, %parallel_loop3A_424 : vector<16xi32>
        %parallel_loop3A_426 = tpu.vector_load_idx %arg25[%parallel_loop3A_425] : memref<1360xf32, #tpu.memory_space<vmem>>[vector<16xi32>], vector<16xf32>,
        %parallel_loop3A_427 = arith.addf %parallel_loop3A_422, %parallel_loop3A_426 : vector<16xf32>
        %parallel_loop3A_428 = arith.constant 9 : i32
        %parallel_loop3A_429 = vector.broadcast %parallel_loop3A_428 : i32 to vector<16xi32>
        %parallel_loop3A_430 = arith.addi %parallel_loop3A_386, %parallel_loop3A_429 : vector<16xi32>
        %parallel_loop3A_431 = tpu.vector_load_idx %arg25[%parallel_loop3A_430] : memref<1360xf32, #tpu.memory_space<vmem>>[vector<16xi32>], vector<16xf32>,
        %parallel_loop3A_432 = arith.addf %parallel_loop3A_427, %parallel_loop3A_431 : vector<16xf32>
        %parallel_loop3A_433 = arith.constant 10 : i32
        %parallel_loop3A_434 = vector.broadcast %parallel_loop3A_433 : i32 to vector<16xi32>
        %parallel_loop3A_435 = arith.addi %parallel_loop3A_386, %parallel_loop3A_434 : vector<16xi32>
        %parallel_loop3A_436 = tpu.vector_load_idx %arg25[%parallel_loop3A_435] : memref<1360xf32, #tpu.memory_space<vmem>>[vector<16xi32>], vector<16xf32>,
        %parallel_loop3A_437 = arith.addf %parallel_loop3A_432, %parallel_loop3A_436 : vector<16xf32>
        %parallel_loop3A_438 = arith.constant 11 : i32
        %parallel_loop3A_439 = vector.broadcast %parallel_loop3A_438 : i32 to vector<16xi32>
        %parallel_loop3A_440 = arith.addi %parallel_loop3A_386, %parallel_loop3A_439 : vector<16xi32>
        %parallel_loop3A_441 = tpu.vector_load_idx %arg25[%parallel_loop3A_440] : memref<1360xf32, #tpu.memory_space<vmem>>[vector<16xi32>], vector<16xf32>,
        %parallel_loop3A_442 = arith.addf %parallel_loop3A_437, %parallel_loop3A_441 : vector<16xf32>
        %parallel_loop3A_443 = arith.constant 12 : i32
        %parallel_loop3A_444 = vector.broadcast %parallel_loop3A_443 : i32 to vector<16xi32>
        %parallel_loop3A_445 = arith.addi %parallel_loop3A_386, %parallel_loop3A_444 : vector<16xi32>
        %parallel_loop3A_446 = tpu.vector_load_idx %arg25[%parallel_loop3A_445] : memref<1360xf32, #tpu.memory_space<vmem>>[vector<16xi32>], vector<16xf32>,
        %parallel_loop3A_447 = arith.addf %parallel_loop3A_442, %parallel_loop3A_446 : vector<16xf32>
        %parallel_loop3A_448 = arith.constant 13 : i32
        %parallel_loop3A_449 = vector.broadcast %parallel_loop3A_448 : i32 to vector<16xi32>
        %parallel_loop3A_450 = arith.addi %parallel_loop3A_386, %parallel_loop3A_449 : vector<16xi32>
        %parallel_loop3A_451 = tpu.vector_load_idx %arg25[%parallel_loop3A_450] : memref<1360xf32, #tpu.memory_space<vmem>>[vector<16xi32>], vector<16xf32>,
        %parallel_loop3A_452 = arith.addf %parallel_loop3A_447, %parallel_loop3A_451 : vector<16xf32>
        %parallel_loop3A_453 = arith.constant 14 : i32
        %parallel_loop3A_454 = vector.broadcast %parallel_loop3A_453 : i32 to vector<16xi32>
        %parallel_loop3A_455 = arith.addi %parallel_loop3A_386, %parallel_loop3A_454 : vector<16xi32>
        %parallel_loop3A_456 = tpu.vector_load_idx %arg25[%parallel_loop3A_455] : memref<1360xf32, #tpu.memory_space<vmem>>[vector<16xi32>], vector<16xf32>,
        %parallel_loop3A_457 = arith.addf %parallel_loop3A_452, %parallel_loop3A_456 : vector<16xf32>
        %parallel_loop3A_458 = arith.constant 15 : i32
        %parallel_loop3A_459 = vector.broadcast %parallel_loop3A_458 : i32 to vector<16xi32>
        %parallel_loop3A_460 = arith.addi %parallel_loop3A_386, %parallel_loop3A_459 : vector<16xi32>
        %parallel_loop3A_461 = tpu.vector_load_idx %arg25[%parallel_loop3A_460] : memref<1360xf32, #tpu.memory_space<vmem>>[vector<16xi32>], vector<16xf32>,
        %parallel_loop3A_462 = arith.addf %parallel_loop3A_457, %parallel_loop3A_461 : vector<16xf32>
        %parallel_loop3A_463 = arith.constant 0.000000e+00 : f32
        %parallel_loop3A_464 = vector.broadcast %parallel_loop3A_463 : f32 to vector<16xf32>
        %parallel_loop3A_465 = arith.subf %parallel_loop3A_464, %parallel_loop3A_462 : vector<16xf32>
        %parallel_loop3A_466 = math.exp %parallel_loop3A_465 : vector<16xf32>
        %parallel_loop3A_467 = arith.constant 1.000000e+00 : f32
        %parallel_loop3A_468 = vector.broadcast %parallel_loop3A_467 : f32 to vector<16xf32>
        %parallel_loop3A_469 = arith.addf %parallel_loop3A_468, %parallel_loop3A_466 : vector<16xf32>
        %parallel_loop3A_470 = arith.constant 1.000000e+00 : f32
        %parallel_loop3A_471 = vector.broadcast %parallel_loop3A_470 : f32 to vector<16xf32>
        %parallel_loop3A_472 = arith.divf %parallel_loop3A_471, %parallel_loop3A_469 : vector<16xf32>
        %parallel_loop3A_473 = arith.constant 16 : i32
        %parallel_loop3A_474 = arith.muli %parallel_loop3A_382, %parallel_loop3A_473 : i32
        %parallel_loop3A_475 = arith.index_cast %parallel_loop3A_474 : i32 to index
        %parallel_loop3A_476 = tpu.vector_load %arg23[%parallel_loop3A_475] {strides = array<i32>} : memref<80xf32, #tpu.memory_space<vmem>>, vector<16xf32>,
        tpu.vector_store %arg23[%parallel_loop3A_475], %parallel_loop3A_472 {strides = array<i32>} : memref<80xf32, #tpu.memory_space<vmem>>, vector<16xf32>,
      } {sc.loop_unroll_factor = 1 : i64, sc.parallel_access}
      %mul3A_229 = arith.constant 80 : i32
      %mul3A_230 = arith.muli %add3A_200, %mul3A_229 : i32
      %add3A_231 = arith.addi %mul3A_7, %mul3A_230 : i32
      %dma_start3A_232 = tpu.memref_slice %arg8[%add3A_231] : memref<320000xf32, #tpu.memory_space<hbm>> -> memref<80xf32, #tpu.memory_space<hbm>>
      %dma_start3A_233 = tpu.memref_slice %arg8[%add3A_231] : memref<320000xf32, #tpu.memory_space<hbm>> -> memref<80xf32, #tpu.memory_space<hbm>>
      tpu.enqueue_dma source(%arg23 : memref<80xf32, #tpu.memory_space<vmem>>) target(%dma_start3A_233 : memref<80xf32, #tpu.memory_space<hbm>>) target_semaphore(%arg34 : memref<!tpu.dma_semaphore, #tpu.memory_space<semaphore_mem>>)
      %add3A_234 = arith.constant 2 : i32
      %add3A_235 = arith.addi %add3A_200, %add3A_234 : i32
      %mul3A_236 = arith.constant 80 : i32
      %mul3A_237 = arith.muli %add3A_235, %mul3A_236 : i32
      %add3A_238 = arith.addi %mul3A_7, %mul3A_237 : i32
      %dma_wait3A_239 = tpu.memref_slice %arg2[%add3A_238] : memref<320000xi32, #tpu.memory_space<hbm>> -> memref<80xi32, #tpu.memory_space<hbm>>
      %dma_wait3A_240 = tpu.memref_slice %arg2[%add3A_238] : memref<320000xi32, #tpu.memory_space<hbm>> -> memref<80xi32, #tpu.memory_space<hbm>>
      tpu.wait_dma2 semaphore(%arg28 : memref<!tpu.dma_semaphore, #tpu.memory_space<semaphore_mem>>) src(%dma_wait3A_240 : memref<80xi32, #tpu.memory_space<hbm>>) dst(%arg15 : memref<80xi32, #tpu.memory_space<vmem>>)
      %mul3A_241 = arith.constant 80 : i32
      %mul3A_242 = arith.muli %add3A_235, %mul3A_241 : i32
      %add3A_243 = arith.addi %mul3A_7, %mul3A_242 : i32
      %dma_wait3A_244 = tpu.memref_slice %arg3[%add3A_243] : memref<320000xi32, #tpu.memory_space<hbm>> -> memref<80xi32, #tpu.memory_space<hbm>>
      %dma_wait3A_245 = tpu.memref_slice %arg3[%add3A_243] : memref<320000xi32, #tpu.memory_space<hbm>> -> memref<80xi32, #tpu.memory_space<hbm>>
      tpu.wait_dma2 semaphore(%arg28 : memref<!tpu.dma_semaphore, #tpu.memory_space<semaphore_mem>>) src(%dma_wait3A_245 : memref<80xi32, #tpu.memory_space<hbm>>) dst(%arg16 : memref<80xi32, #tpu.memory_space<vmem>>)
      %dma_start3A_246 = arith.constant 0 : i32
      %dma_start3A_247 = arith.constant 0 : i32
      %dma_start3A_248 = tpu.memref_slice %arg10[%dma_start3A_246, %dma_start3A_247] : memref<10000x128xf32, #tpu.memory_space<vmem_shared>> -> memref<10000x128xf32, #tpu.memory_space<vmem_shared>>
      tpu.enqueue_indirect_dma source(%dma_start3A_248 : memref<10000x128xf32, #tpu.memory_space<vmem_shared>>) target(%arg19 : memref<80x128xf32, #tpu.memory_space<vmem>>) offsets(%arg15 : memref<80xi32, #tpu.memory_space<vmem>>) semaphore(%arg30 : memref<!tpu.dma_semaphore, #tpu.memory_space<semaphore_mem>>)
      %dma_start3A_249 = arith.constant 0 : i32
      %dma_start3A_250 = arith.constant 0 : i32
      %dma_start3A_251 = tpu.memref_slice %arg7[%dma_start3A_249, %dma_start3A_250] : memref<10000x128xf32, #tpu.memory_space<hbm>> -> memref<10000x128xf32, #tpu.memory_space<hbm>>
      tpu.enqueue_indirect_dma source(%dma_start3A_251 : memref<10000x128xf32, #tpu.memory_space<hbm>>) target(%arg20 : memref<80x128xf32, #tpu.memory_space<vmem>>) offsets(%arg16 : memref<80xi32, #tpu.memory_space<vmem>>) semaphore(%arg31 : memref<!tpu.dma_semaphore, #tpu.memory_space<semaphore_mem>>)
      %add3A_252 = arith.constant 1 : i32
      %add3A_253 = arith.addi %mul3A_198, %add3A_252 : i32
      %dma_wait3A_254 = arith.constant 0 : i32
      %dma_wait3A_255 = arith.constant 0 : i32
      %dma_wait3A_256 = tpu.memref_slice %arg10[%dma_wait3A_254, %dma_wait3A_255] : memref<10000x128xf32, #tpu.memory_space<vmem_shared>> -> memref<10000x128xf32, #tpu.memory_space<vmem_shared>>
      tpu.wait_indirect_dma semaphore(%arg32 : memref<!tpu.dma_semaphore, #tpu.memory_space<semaphore_mem>>) src(%dma_wait3A_256 : memref<10000x128xf32, #tpu.memory_space<vmem_shared>>) dst(%arg21 : memref<80x128xf32, #tpu.memory_space<vmem>>)
      %dma_wait3A_257 = arith.constant 0 : i32
      %dma_wait3A_258 = arith.constant 0 : i32
      %dma_wait3A_259 = tpu.memref_slice %arg7[%dma_wait3A_257, %dma_wait3A_258] : memref<10000x128xf32, #tpu.memory_space<hbm>> -> memref<10000x128xf32, #tpu.memory_space<hbm>>
      tpu.wait_indirect_dma semaphore(%arg33 : memref<!tpu.dma_semaphore, #tpu.memory_space<semaphore_mem>>) src(%dma_wait3A_259 : memref<10000x128xf32, #tpu.memory_space<hbm>>) dst(%arg22 : memref<80x128xf32, #tpu.memory_space<vmem>>)
      %lt3A = arith.constant 30 : i32
      %lt3A_260 = arith.cmpi slt, %add3A_196, %lt3A : i32
      %convert_element_type3A_261 = arith.extui %lt3A_260 : i1 to i32
      %cond3A_262 = arith.constant 0 : i32
      %cond3A_263 = arith.cmpi ne, %convert_element_type3A_261, %cond3A_262 : i32
      scf.if %cond3A_263 {
        %add3A_382 = arith.constant 4 : i32
        %add3A_383 = arith.addi %add3A_253, %add3A_382 : i32
        %mul3A_384 = arith.constant 80 : i32
        %mul3A_385 = arith.muli %add3A_383, %mul3A_384 : i32
        %add3A_386 = arith.addi %mul3A_7, %mul3A_385 : i32
        %dma_start3A_387 = tpu.memref_slice %arg2[%add3A_386] : memref<320000xi32, #tpu.memory_space<hbm>> -> memref<80xi32, #tpu.memory_space<hbm>>
        %dma_start3A_388 = tpu.memref_slice %arg2[%add3A_386] : memref<320000xi32, #tpu.memory_space<hbm>> -> memref<80xi32, #tpu.memory_space<hbm>>
        tpu.enqueue_dma source(%dma_start3A_388 : memref<80xi32, #tpu.memory_space<hbm>>) target(%arg13 : memref<80xi32, #tpu.memory_space<vmem>>) target_semaphore(%arg27 : memref<!tpu.dma_semaphore, #tpu.memory_space<semaphore_mem>>)
        %mul3A_389 = arith.constant 80 : i32
        %mul3A_390 = arith.muli %add3A_383, %mul3A_389 : i32
        %add3A_391 = arith.addi %mul3A_7, %mul3A_390 : i32
        %dma_start3A_392 = tpu.memref_slice %arg3[%add3A_391] : memref<320000xi32, #tpu.memory_space<hbm>> -> memref<80xi32, #tpu.memory_space<hbm>>
        %dma_start3A_393 = tpu.memref_slice %arg3[%add3A_391] : memref<320000xi32, #tpu.memory_space<hbm>> -> memref<80xi32, #tpu.memory_space<hbm>>
        tpu.enqueue_dma source(%dma_start3A_393 : memref<80xi32, #tpu.memory_space<hbm>>) target(%arg14 : memref<80xi32, #tpu.memory_space<vmem>>) target_semaphore(%arg27 : memref<!tpu.dma_semaphore, #tpu.memory_space<semaphore_mem>>)
      } else {
      }
      %gt3A_264 = arith.constant 0 : i32
      %gt3A_265 = arith.cmpi sgt, %add3A_196, %gt3A_264 : i32
      %convert_element_type3A_266 = arith.extui %gt3A_265 : i1 to i32
      %cond3A_267 = arith.constant 0 : i32
      %cond3A_268 = arith.cmpi ne, %convert_element_type3A_266, %cond3A_267 : i32
      scf.if %cond3A_268 {
        %sub3A_382 = arith.constant 2 : i32
        %sub3A_383 = arith.subi %add3A_253, %sub3A_382 : i32
        %mul3A_384 = arith.constant 80 : i32
        %mul3A_385 = arith.muli %sub3A_383, %mul3A_384 : i32
        %add3A_386 = arith.addi %mul3A_7, %mul3A_385 : i32
        %dma_wait3A_387 = tpu.memref_slice %arg8[%add3A_386] : memref<320000xf32, #tpu.memory_space<hbm>> -> memref<80xf32, #tpu.memory_space<hbm>>
        %dma_wait3A_388 = tpu.memref_slice %arg8[%add3A_386] : memref<320000xf32, #tpu.memory_space<hbm>> -> memref<80xf32, #tpu.memory_space<hbm>>
        tpu.wait_dma2 semaphore(%arg35 : memref<!tpu.dma_semaphore, #tpu.memory_space<semaphore_mem>>) src(%arg24 : memref<80xf32, #tpu.memory_space<vmem>>) dst(%dma_wait3A_388 : memref<80xf32, #tpu.memory_space<hbm>>)
      } else {
      }
      %parallel_loop3A_269 = arith.constant 0 : i32
      %parallel_loop3A_270 = arith.constant 80 : i32
      %parallel_loop3A_271 = arith.constant 1 : i32
      scf.for %parallel_loop3A_382 = %parallel_loop3A_269 to %parallel_loop3A_270 step %parallel_loop3A_271  : i32 {
        %parallel_loop3A_383 = arith.index_cast %parallel_loop3A_382 : i32 to index
        %parallel_loop3A_384 = arith.constant 0 : index
        %parallel_loop3A_385 = tpu.vector_load %arg21[%parallel_loop3A_383, %parallel_loop3A_384] {strides = array<i32>} : memref<80x128xf32, #tpu.memory_space<vmem>>, vector<16xf32>,
        %parallel_loop3A_386 = arith.index_cast %parallel_loop3A_382 : i32 to index
        %parallel_loop3A_387 = arith.constant 0 : index
        %parallel_loop3A_388 = tpu.vector_load %arg22[%parallel_loop3A_386, %parallel_loop3A_387] {strides = array<i32>} : memref<80x128xf32, #tpu.memory_space<vmem>>, vector<16xf32>,
        %parallel_loop3A_389 = arith.mulf %parallel_loop3A_385, %parallel_loop3A_388 : vector<16xf32>
        %parallel_loop3A_390 = arith.index_cast %parallel_loop3A_382 : i32 to index
        %parallel_loop3A_391 = arith.constant 16 : index
        %parallel_loop3A_392 = tpu.vector_load %arg21[%parallel_loop3A_390, %parallel_loop3A_391] {strides = array<i32>} : memref<80x128xf32, #tpu.memory_space<vmem>>, vector<16xf32>,
        %parallel_loop3A_393 = arith.index_cast %parallel_loop3A_382 : i32 to index
        %parallel_loop3A_394 = arith.constant 16 : index
        %parallel_loop3A_395 = tpu.vector_load %arg22[%parallel_loop3A_393, %parallel_loop3A_394] {strides = array<i32>} : memref<80x128xf32, #tpu.memory_space<vmem>>, vector<16xf32>,
        %parallel_loop3A_396 = arith.mulf %parallel_loop3A_392, %parallel_loop3A_395 : vector<16xf32>
        %parallel_loop3A_397 = arith.addf %parallel_loop3A_389, %parallel_loop3A_396 : vector<16xf32>
        %parallel_loop3A_398 = arith.index_cast %parallel_loop3A_382 : i32 to index
        %parallel_loop3A_399 = arith.constant 32 : index
        %parallel_loop3A_400 = tpu.vector_load %arg21[%parallel_loop3A_398, %parallel_loop3A_399] {strides = array<i32>} : memref<80x128xf32, #tpu.memory_space<vmem>>, vector<16xf32>,
        %parallel_loop3A_401 = arith.index_cast %parallel_loop3A_382 : i32 to index
        %parallel_loop3A_402 = arith.constant 32 : index
        %parallel_loop3A_403 = tpu.vector_load %arg22[%parallel_loop3A_401, %parallel_loop3A_402] {strides = array<i32>} : memref<80x128xf32, #tpu.memory_space<vmem>>, vector<16xf32>,
        %parallel_loop3A_404 = arith.mulf %parallel_loop3A_400, %parallel_loop3A_403 : vector<16xf32>
        %parallel_loop3A_405 = arith.addf %parallel_loop3A_397, %parallel_loop3A_404 : vector<16xf32>
        %parallel_loop3A_406 = arith.index_cast %parallel_loop3A_382 : i32 to index
        %parallel_loop3A_407 = arith.constant 48 : index
        %parallel_loop3A_408 = tpu.vector_load %arg21[%parallel_loop3A_406, %parallel_loop3A_407] {strides = array<i32>} : memref<80x128xf32, #tpu.memory_space<vmem>>, vector<16xf32>,
        %parallel_loop3A_409 = arith.index_cast %parallel_loop3A_382 : i32 to index
        %parallel_loop3A_410 = arith.constant 48 : index
        %parallel_loop3A_411 = tpu.vector_load %arg22[%parallel_loop3A_409, %parallel_loop3A_410] {strides = array<i32>} : memref<80x128xf32, #tpu.memory_space<vmem>>, vector<16xf32>,
        %parallel_loop3A_412 = arith.mulf %parallel_loop3A_408, %parallel_loop3A_411 : vector<16xf32>
        %parallel_loop3A_413 = arith.addf %parallel_loop3A_405, %parallel_loop3A_412 : vector<16xf32>
        %parallel_loop3A_414 = arith.index_cast %parallel_loop3A_382 : i32 to index
        %parallel_loop3A_415 = arith.constant 64 : index
        %parallel_loop3A_416 = tpu.vector_load %arg21[%parallel_loop3A_414, %parallel_loop3A_415] {strides = array<i32>} : memref<80x128xf32, #tpu.memory_space<vmem>>, vector<16xf32>,
        %parallel_loop3A_417 = arith.index_cast %parallel_loop3A_382 : i32 to index
        %parallel_loop3A_418 = arith.constant 64 : index
        %parallel_loop3A_419 = tpu.vector_load %arg22[%parallel_loop3A_417, %parallel_loop3A_418] {strides = array<i32>} : memref<80x128xf32, #tpu.memory_space<vmem>>, vector<16xf32>,
        %parallel_loop3A_420 = arith.mulf %parallel_loop3A_416, %parallel_loop3A_419 : vector<16xf32>
        %parallel_loop3A_421 = arith.addf %parallel_loop3A_413, %parallel_loop3A_420 : vector<16xf32>
        %parallel_loop3A_422 = arith.index_cast %parallel_loop3A_382 : i32 to index
        %parallel_loop3A_423 = arith.constant 80 : index
        %parallel_loop3A_424 = tpu.vector_load %arg21[%parallel_loop3A_422, %parallel_loop3A_423] {strides = array<i32>} : memref<80x128xf32, #tpu.memory_space<vmem>>, vector<16xf32>,
        %parallel_loop3A_425 = arith.index_cast %parallel_loop3A_382 : i32 to index
        %parallel_loop3A_426 = arith.constant 80 : index
        %parallel_loop3A_427 = tpu.vector_load %arg22[%parallel_loop3A_425, %parallel_loop3A_426] {strides = array<i32>} : memref<80x128xf32, #tpu.memory_space<vmem>>, vector<16xf32>,
        %parallel_loop3A_428 = arith.mulf %parallel_loop3A_424, %parallel_loop3A_427 : vector<16xf32>
        %parallel_loop3A_429 = arith.addf %parallel_loop3A_421, %parallel_loop3A_428 : vector<16xf32>
        %parallel_loop3A_430 = arith.index_cast %parallel_loop3A_382 : i32 to index
        %parallel_loop3A_431 = arith.constant 96 : index
        %parallel_loop3A_432 = tpu.vector_load %arg21[%parallel_loop3A_430, %parallel_loop3A_431] {strides = array<i32>} : memref<80x128xf32, #tpu.memory_space<vmem>>, vector<16xf32>,
        %parallel_loop3A_433 = arith.index_cast %parallel_loop3A_382 : i32 to index
        %parallel_loop3A_434 = arith.constant 96 : index
        %parallel_loop3A_435 = tpu.vector_load %arg22[%parallel_loop3A_433, %parallel_loop3A_434] {strides = array<i32>} : memref<80x128xf32, #tpu.memory_space<vmem>>, vector<16xf32>,
        %parallel_loop3A_436 = arith.mulf %parallel_loop3A_432, %parallel_loop3A_435 : vector<16xf32>
        %parallel_loop3A_437 = arith.addf %parallel_loop3A_429, %parallel_loop3A_436 : vector<16xf32>
        %parallel_loop3A_438 = arith.index_cast %parallel_loop3A_382 : i32 to index
        %parallel_loop3A_439 = arith.constant 112 : index
        %parallel_loop3A_440 = tpu.vector_load %arg21[%parallel_loop3A_438, %parallel_loop3A_439] {strides = array<i32>} : memref<80x128xf32, #tpu.memory_space<vmem>>, vector<16xf32>,
        %parallel_loop3A_441 = arith.index_cast %parallel_loop3A_382 : i32 to index
        %parallel_loop3A_442 = arith.constant 112 : index
        %parallel_loop3A_443 = tpu.vector_load %arg22[%parallel_loop3A_441, %parallel_loop3A_442] {strides = array<i32>} : memref<80x128xf32, #tpu.memory_space<vmem>>, vector<16xf32>,
        %parallel_loop3A_444 = arith.mulf %parallel_loop3A_440, %parallel_loop3A_443 : vector<16xf32>
        %parallel_loop3A_445 = arith.addf %parallel_loop3A_437, %parallel_loop3A_444 : vector<16xf32>
        %parallel_loop3A_446 = arith.constant 17 : i32
        %parallel_loop3A_447 = arith.muli %parallel_loop3A_382, %parallel_loop3A_446 : i32
        %parallel_loop3A_448 = arith.index_cast %parallel_loop3A_447 : i32 to index
        %parallel_loop3A_449 = tpu.vector_load %arg25[%parallel_loop3A_448] {strides = array<i32>} : memref<1360xf32, #tpu.memory_space<vmem>>, vector<16xf32>,
        tpu.vector_store %arg25[%parallel_loop3A_448], %parallel_loop3A_445 {strides = array<i32>} : memref<1360xf32, #tpu.memory_space<vmem>>, vector<16xf32>,
      } {sc.loop_unroll_factor = 2 : i64, sc.parallel_access}
      %parallel_loop3A_272 = arith.constant 0 : i32
      %parallel_loop3A_273 = arith.constant 5 : i32
      %parallel_loop3A_274 = arith.constant 1 : i32
      scf.for %parallel_loop3A_382 = %parallel_loop3A_272 to %parallel_loop3A_273 step %parallel_loop3A_274  : i32 {
        %parallel_loop3A_383 = arith.constant 272 : i32
        %parallel_loop3A_384 = arith.muli %parallel_loop3A_382, %parallel_loop3A_383 : i32
        %parallel_loop3A_385 = vector.broadcast %parallel_loop3A_384 : i32 to vector<16xi32>
        %parallel_loop3A_386 = arith.addi %mul3A_3, %parallel_loop3A_385 : vector<16xi32>
        %parallel_loop3A_387 = tpu.vector_load_idx %arg25[%parallel_loop3A_386] : memref<1360xf32, #tpu.memory_space<vmem>>[vector<16xi32>], vector<16xf32>,
        %parallel_loop3A_388 = arith.constant 1 : i32
        %parallel_loop3A_389 = vector.broadcast %parallel_loop3A_388 : i32 to vector<16xi32>
        %parallel_loop3A_390 = arith.addi %parallel_loop3A_386, %parallel_loop3A_389 : vector<16xi32>
        %parallel_loop3A_391 = tpu.vector_load_idx %arg25[%parallel_loop3A_390] : memref<1360xf32, #tpu.memory_space<vmem>>[vector<16xi32>], vector<16xf32>,
        %parallel_loop3A_392 = arith.addf %parallel_loop3A_387, %parallel_loop3A_391 : vector<16xf32>
        %parallel_loop3A_393 = arith.constant 2 : i32
        %parallel_loop3A_394 = vector.broadcast %parallel_loop3A_393 : i32 to vector<16xi32>
        %parallel_loop3A_395 = arith.addi %parallel_loop3A_386, %parallel_loop3A_394 : vector<16xi32>
        %parallel_loop3A_396 = tpu.vector_load_idx %arg25[%parallel_loop3A_395] : memref<1360xf32, #tpu.memory_space<vmem>>[vector<16xi32>], vector<16xf32>,
        %parallel_loop3A_397 = arith.addf %parallel_loop3A_392, %parallel_loop3A_396 : vector<16xf32>
        %parallel_loop3A_398 = arith.constant 3 : i32
        %parallel_loop3A_399 = vector.broadcast %parallel_loop3A_398 : i32 to vector<16xi32>
        %parallel_loop3A_400 = arith.addi %parallel_loop3A_386, %parallel_loop3A_399 : vector<16xi32>
        %parallel_loop3A_401 = tpu.vector_load_idx %arg25[%parallel_loop3A_400] : memref<1360xf32, #tpu.memory_space<vmem>>[vector<16xi32>], vector<16xf32>,
        %parallel_loop3A_402 = arith.addf %parallel_loop3A_397, %parallel_loop3A_401 : vector<16xf32>
        %parallel_loop3A_403 = arith.constant 4 : i32
        %parallel_loop3A_404 = vector.broadcast %parallel_loop3A_403 : i32 to vector<16xi32>
        %parallel_loop3A_405 = arith.addi %parallel_loop3A_386, %parallel_loop3A_404 : vector<16xi32>
        %parallel_loop3A_406 = tpu.vector_load_idx %arg25[%parallel_loop3A_405] : memref<1360xf32, #tpu.memory_space<vmem>>[vector<16xi32>], vector<16xf32>,
        %parallel_loop3A_407 = arith.addf %parallel_loop3A_402, %parallel_loop3A_406 : vector<16xf32>
        %parallel_loop3A_408 = arith.constant 5 : i32
        %parallel_loop3A_409 = vector.broadcast %parallel_loop3A_408 : i32 to vector<16xi32>
        %parallel_loop3A_410 = arith.addi %parallel_loop3A_386, %parallel_loop3A_409 : vector<16xi32>
        %parallel_loop3A_411 = tpu.vector_load_idx %arg25[%parallel_loop3A_410] : memref<1360xf32, #tpu.memory_space<vmem>>[vector<16xi32>], vector<16xf32>,
        %parallel_loop3A_412 = arith.addf %parallel_loop3A_407, %parallel_loop3A_411 : vector<16xf32>
        %parallel_loop3A_413 = arith.constant 6 : i32
        %parallel_loop3A_414 = vector.broadcast %parallel_loop3A_413 : i32 to vector<16xi32>
        %parallel_loop3A_415 = arith.addi %parallel_loop3A_386, %parallel_loop3A_414 : vector<16xi32>
        %parallel_loop3A_416 = tpu.vector_load_idx %arg25[%parallel_loop3A_415] : memref<1360xf32, #tpu.memory_space<vmem>>[vector<16xi32>], vector<16xf32>,
        %parallel_loop3A_417 = arith.addf %parallel_loop3A_412, %parallel_loop3A_416 : vector<16xf32>
        %parallel_loop3A_418 = arith.constant 7 : i32
        %parallel_loop3A_419 = vector.broadcast %parallel_loop3A_418 : i32 to vector<16xi32>
        %parallel_loop3A_420 = arith.addi %parallel_loop3A_386, %parallel_loop3A_419 : vector<16xi32>
        %parallel_loop3A_421 = tpu.vector_load_idx %arg25[%parallel_loop3A_420] : memref<1360xf32, #tpu.memory_space<vmem>>[vector<16xi32>], vector<16xf32>,
        %parallel_loop3A_422 = arith.addf %parallel_loop3A_417, %parallel_loop3A_421 : vector<16xf32>
        %parallel_loop3A_423 = arith.constant 8 : i32
        %parallel_loop3A_424 = vector.broadcast %parallel_loop3A_423 : i32 to vector<16xi32>
        %parallel_loop3A_425 = arith.addi %parallel_loop3A_386, %parallel_loop3A_424 : vector<16xi32>
        %parallel_loop3A_426 = tpu.vector_load_idx %arg25[%parallel_loop3A_425] : memref<1360xf32, #tpu.memory_space<vmem>>[vector<16xi32>], vector<16xf32>,
        %parallel_loop3A_427 = arith.addf %parallel_loop3A_422, %parallel_loop3A_426 : vector<16xf32>
        %parallel_loop3A_428 = arith.constant 9 : i32
        %parallel_loop3A_429 = vector.broadcast %parallel_loop3A_428 : i32 to vector<16xi32>
        %parallel_loop3A_430 = arith.addi %parallel_loop3A_386, %parallel_loop3A_429 : vector<16xi32>
        %parallel_loop3A_431 = tpu.vector_load_idx %arg25[%parallel_loop3A_430] : memref<1360xf32, #tpu.memory_space<vmem>>[vector<16xi32>], vector<16xf32>,
        %parallel_loop3A_432 = arith.addf %parallel_loop3A_427, %parallel_loop3A_431 : vector<16xf32>
        %parallel_loop3A_433 = arith.constant 10 : i32
        %parallel_loop3A_434 = vector.broadcast %parallel_loop3A_433 : i32 to vector<16xi32>
        %parallel_loop3A_435 = arith.addi %parallel_loop3A_386, %parallel_loop3A_434 : vector<16xi32>
        %parallel_loop3A_436 = tpu.vector_load_idx %arg25[%parallel_loop3A_435] : memref<1360xf32, #tpu.memory_space<vmem>>[vector<16xi32>], vector<16xf32>,
        %parallel_loop3A_437 = arith.addf %parallel_loop3A_432, %parallel_loop3A_436 : vector<16xf32>
        %parallel_loop3A_438 = arith.constant 11 : i32
        %parallel_loop3A_439 = vector.broadcast %parallel_loop3A_438 : i32 to vector<16xi32>
        %parallel_loop3A_440 = arith.addi %parallel_loop3A_386, %parallel_loop3A_439 : vector<16xi32>
        %parallel_loop3A_441 = tpu.vector_load_idx %arg25[%parallel_loop3A_440] : memref<1360xf32, #tpu.memory_space<vmem>>[vector<16xi32>], vector<16xf32>,
        %parallel_loop3A_442 = arith.addf %parallel_loop3A_437, %parallel_loop3A_441 : vector<16xf32>
        %parallel_loop3A_443 = arith.constant 12 : i32
        %parallel_loop3A_444 = vector.broadcast %parallel_loop3A_443 : i32 to vector<16xi32>
        %parallel_loop3A_445 = arith.addi %parallel_loop3A_386, %parallel_loop3A_444 : vector<16xi32>
        %parallel_loop3A_446 = tpu.vector_load_idx %arg25[%parallel_loop3A_445] : memref<1360xf32, #tpu.memory_space<vmem>>[vector<16xi32>], vector<16xf32>,
        %parallel_loop3A_447 = arith.addf %parallel_loop3A_442, %parallel_loop3A_446 : vector<16xf32>
        %parallel_loop3A_448 = arith.constant 13 : i32
        %parallel_loop3A_449 = vector.broadcast %parallel_loop3A_448 : i32 to vector<16xi32>
        %parallel_loop3A_450 = arith.addi %parallel_loop3A_386, %parallel_loop3A_449 : vector<16xi32>
        %parallel_loop3A_451 = tpu.vector_load_idx %arg25[%parallel_loop3A_450] : memref<1360xf32, #tpu.memory_space<vmem>>[vector<16xi32>], vector<16xf32>,
        %parallel_loop3A_452 = arith.addf %parallel_loop3A_447, %parallel_loop3A_451 : vector<16xf32>
        %parallel_loop3A_453 = arith.constant 14 : i32
        %parallel_loop3A_454 = vector.broadcast %parallel_loop3A_453 : i32 to vector<16xi32>
        %parallel_loop3A_455 = arith.addi %parallel_loop3A_386, %parallel_loop3A_454 : vector<16xi32>
        %parallel_loop3A_456 = tpu.vector_load_idx %arg25[%parallel_loop3A_455] : memref<1360xf32, #tpu.memory_space<vmem>>[vector<16xi32>], vector<16xf32>,
        %parallel_loop3A_457 = arith.addf %parallel_loop3A_452, %parallel_loop3A_456 : vector<16xf32>
        %parallel_loop3A_458 = arith.constant 15 : i32
        %parallel_loop3A_459 = vector.broadcast %parallel_loop3A_458 : i32 to vector<16xi32>
        %parallel_loop3A_460 = arith.addi %parallel_loop3A_386, %parallel_loop3A_459 : vector<16xi32>
        %parallel_loop3A_461 = tpu.vector_load_idx %arg25[%parallel_loop3A_460] : memref<1360xf32, #tpu.memory_space<vmem>>[vector<16xi32>], vector<16xf32>,
        %parallel_loop3A_462 = arith.addf %parallel_loop3A_457, %parallel_loop3A_461 : vector<16xf32>
        %parallel_loop3A_463 = arith.constant 0.000000e+00 : f32
        %parallel_loop3A_464 = vector.broadcast %parallel_loop3A_463 : f32 to vector<16xf32>
        %parallel_loop3A_465 = arith.subf %parallel_loop3A_464, %parallel_loop3A_462 : vector<16xf32>
        %parallel_loop3A_466 = math.exp %parallel_loop3A_465 : vector<16xf32>
        %parallel_loop3A_467 = arith.constant 1.000000e+00 : f32
        %parallel_loop3A_468 = vector.broadcast %parallel_loop3A_467 : f32 to vector<16xf32>
        %parallel_loop3A_469 = arith.addf %parallel_loop3A_468, %parallel_loop3A_466 : vector<16xf32>
        %parallel_loop3A_470 = arith.constant 1.000000e+00 : f32
        %parallel_loop3A_471 = vector.broadcast %parallel_loop3A_470 : f32 to vector<16xf32>
        %parallel_loop3A_472 = arith.divf %parallel_loop3A_471, %parallel_loop3A_469 : vector<16xf32>
        %parallel_loop3A_473 = arith.constant 16 : i32
        %parallel_loop3A_474 = arith.muli %parallel_loop3A_382, %parallel_loop3A_473 : i32
        %parallel_loop3A_475 = arith.index_cast %parallel_loop3A_474 : i32 to index
        %parallel_loop3A_476 = tpu.vector_load %arg24[%parallel_loop3A_475] {strides = array<i32>} : memref<80xf32, #tpu.memory_space<vmem>>, vector<16xf32>,
        tpu.vector_store %arg24[%parallel_loop3A_475], %parallel_loop3A_472 {strides = array<i32>} : memref<80xf32, #tpu.memory_space<vmem>>, vector<16xf32>,
      } {sc.loop_unroll_factor = 1 : i64, sc.parallel_access}
      %mul3A_275 = arith.constant 80 : i32
      %mul3A_276 = arith.muli %add3A_253, %mul3A_275 : i32
      %add3A_277 = arith.addi %mul3A_7, %mul3A_276 : i32
      %dma_start3A_278 = tpu.memref_slice %arg8[%add3A_277] : memref<320000xf32, #tpu.memory_space<hbm>> -> memref<80xf32, #tpu.memory_space<hbm>>
      %dma_start3A_279 = tpu.memref_slice %arg8[%add3A_277] : memref<320000xf32, #tpu.memory_space<hbm>> -> memref<80xf32, #tpu.memory_space<hbm>>
      tpu.enqueue_dma source(%arg24 : memref<80xf32, #tpu.memory_space<vmem>>) target(%dma_start3A_279 : memref<80xf32, #tpu.memory_space<hbm>>) target_semaphore(%arg35 : memref<!tpu.dma_semaphore, #tpu.memory_space<semaphore_mem>>)
      %add3A_280 = arith.constant 2 : i32
      %add3A_281 = arith.addi %add3A_253, %add3A_280 : i32
      %mul3A_282 = arith.constant 80 : i32
      %mul3A_283 = arith.muli %add3A_281, %mul3A_282 : i32
      %add3A_284 = arith.addi %mul3A_7, %mul3A_283 : i32
      %dma_wait3A_285 = tpu.memref_slice %arg2[%add3A_284] : memref<320000xi32, #tpu.memory_space<hbm>> -> memref<80xi32, #tpu.memory_space<hbm>>
      %dma_wait3A_286 = tpu.memref_slice %arg2[%add3A_284] : memref<320000xi32, #tpu.memory_space<hbm>> -> memref<80xi32, #tpu.memory_space<hbm>>
      tpu.wait_dma2 semaphore(%arg29 : memref<!tpu.dma_semaphore, #tpu.memory_space<semaphore_mem>>) src(%dma_wait3A_286 : memref<80xi32, #tpu.memory_space<hbm>>) dst(%arg17 : memref<80xi32, #tpu.memory_space<vmem>>)
      %mul3A_287 = arith.constant 80 : i32
      %mul3A_288 = arith.muli %add3A_281, %mul3A_287 : i32
      %add3A_289 = arith.addi %mul3A_7, %mul3A_288 : i32
      %dma_wait3A_290 = tpu.memref_slice %arg3[%add3A_289] : memref<320000xi32, #tpu.memory_space<hbm>> -> memref<80xi32, #tpu.memory_space<hbm>>
      %dma_wait3A_291 = tpu.memref_slice %arg3[%add3A_289] : memref<320000xi32, #tpu.memory_space<hbm>> -> memref<80xi32, #tpu.memory_space<hbm>>
      tpu.wait_dma2 semaphore(%arg29 : memref<!tpu.dma_semaphore, #tpu.memory_space<semaphore_mem>>) src(%dma_wait3A_291 : memref<80xi32, #tpu.memory_space<hbm>>) dst(%arg18 : memref<80xi32, #tpu.memory_space<vmem>>)
      %dma_start3A_292 = arith.constant 0 : i32
      %dma_start3A_293 = arith.constant 0 : i32
      %dma_start3A_294 = tpu.memref_slice %arg10[%dma_start3A_292, %dma_start3A_293] : memref<10000x128xf32, #tpu.memory_space<vmem_shared>> -> memref<10000x128xf32, #tpu.memory_space<vmem_shared>>
      tpu.enqueue_indirect_dma source(%dma_start3A_294 : memref<10000x128xf32, #tpu.memory_space<vmem_shared>>) target(%arg21 : memref<80x128xf32, #tpu.memory_space<vmem>>) offsets(%arg17 : memref<80xi32, #tpu.memory_space<vmem>>) semaphore(%arg32 : memref<!tpu.dma_semaphore, #tpu.memory_space<semaphore_mem>>)
      %dma_start3A_295 = arith.constant 0 : i32
      %dma_start3A_296 = arith.constant 0 : i32
      %dma_start3A_297 = tpu.memref_slice %arg7[%dma_start3A_295, %dma_start3A_296] : memref<10000x128xf32, #tpu.memory_space<hbm>> -> memref<10000x128xf32, #tpu.memory_space<hbm>>
      tpu.enqueue_indirect_dma source(%dma_start3A_297 : memref<10000x128xf32, #tpu.memory_space<hbm>>) target(%arg22 : memref<80x128xf32, #tpu.memory_space<vmem>>) offsets(%arg18 : memref<80xi32, #tpu.memory_space<vmem>>) semaphore(%arg33 : memref<!tpu.dma_semaphore, #tpu.memory_space<semaphore_mem>>)
      %add3A_298 = arith.constant 2 : i32
      %add3A_299 = arith.addi %mul3A_198, %add3A_298 : i32
      %dma_wait3A_300 = arith.constant 0 : i32
      %dma_wait3A_301 = arith.constant 0 : i32
      %dma_wait3A_302 = tpu.memref_slice %arg10[%dma_wait3A_300, %dma_wait3A_301] : memref<10000x128xf32, #tpu.memory_space<vmem_shared>> -> memref<10000x128xf32, #tpu.memory_space<vmem_shared>>
      tpu.wait_indirect_dma semaphore(%arg30 : memref<!tpu.dma_semaphore, #tpu.memory_space<semaphore_mem>>) src(%dma_wait3A_302 : memref<10000x128xf32, #tpu.memory_space<vmem_shared>>) dst(%arg19 : memref<80x128xf32, #tpu.memory_space<vmem>>)
      %dma_wait3A_303 = arith.constant 0 : i32
      %dma_wait3A_304 = arith.constant 0 : i32
      %dma_wait3A_305 = tpu.memref_slice %arg7[%dma_wait3A_303, %dma_wait3A_304] : memref<10000x128xf32, #tpu.memory_space<hbm>> -> memref<10000x128xf32, #tpu.memory_space<hbm>>
      tpu.wait_indirect_dma semaphore(%arg31 : memref<!tpu.dma_semaphore, #tpu.memory_space<semaphore_mem>>) src(%dma_wait3A_305 : memref<10000x128xf32, #tpu.memory_space<hbm>>) dst(%arg20 : memref<80x128xf32, #tpu.memory_space<vmem>>)
      %lt3A_306 = arith.constant 30 : i32
      %lt3A_307 = arith.cmpi slt, %add3A_196, %lt3A_306 : i32
      %convert_element_type3A_308 = arith.extui %lt3A_307 : i1 to i32
      %cond3A_309 = arith.constant 0 : i32
      %cond3A_310 = arith.cmpi ne, %convert_element_type3A_308, %cond3A_309 : i32
      scf.if %cond3A_310 {
        %add3A_382 = arith.constant 4 : i32
        %add3A_383 = arith.addi %add3A_299, %add3A_382 : i32
        %mul3A_384 = arith.constant 80 : i32
        %mul3A_385 = arith.muli %add3A_383, %mul3A_384 : i32
        %add3A_386 = arith.addi %mul3A_7, %mul3A_385 : i32
        %dma_start3A_387 = tpu.memref_slice %arg2[%add3A_386] : memref<320000xi32, #tpu.memory_space<hbm>> -> memref<80xi32, #tpu.memory_space<hbm>>
        %dma_start3A_388 = tpu.memref_slice %arg2[%add3A_386] : memref<320000xi32, #tpu.memory_space<hbm>> -> memref<80xi32, #tpu.memory_space<hbm>>
        tpu.enqueue_dma source(%dma_start3A_388 : memref<80xi32, #tpu.memory_space<hbm>>) target(%arg15 : memref<80xi32, #tpu.memory_space<vmem>>) target_semaphore(%arg28 : memref<!tpu.dma_semaphore, #tpu.memory_space<semaphore_mem>>)
        %mul3A_389 = arith.constant 80 : i32
        %mul3A_390 = arith.muli %add3A_383, %mul3A_389 : i32
        %add3A_391 = arith.addi %mul3A_7, %mul3A_390 : i32
        %dma_start3A_392 = tpu.memref_slice %arg3[%add3A_391] : memref<320000xi32, #tpu.memory_space<hbm>> -> memref<80xi32, #tpu.memory_space<hbm>>
        %dma_start3A_393 = tpu.memref_slice %arg3[%add3A_391] : memref<320000xi32, #tpu.memory_space<hbm>> -> memref<80xi32, #tpu.memory_space<hbm>>
        tpu.enqueue_dma source(%dma_start3A_393 : memref<80xi32, #tpu.memory_space<hbm>>) target(%arg16 : memref<80xi32, #tpu.memory_space<vmem>>) target_semaphore(%arg28 : memref<!tpu.dma_semaphore, #tpu.memory_space<semaphore_mem>>)
      } else {
      }
      %sub3A = arith.constant 2 : i32
      %sub3A_311 = arith.subi %add3A_299, %sub3A : i32
      %mul3A_312 = arith.constant 80 : i32
      %mul3A_313 = arith.muli %sub3A_311, %mul3A_312 : i32
      %add3A_314 = arith.addi %mul3A_7, %mul3A_313 : i32
      %dma_wait3A_315 = tpu.memref_slice %arg8[%add3A_314] : memref<320000xf32, #tpu.memory_space<hbm>> -> memref<80xf32, #tpu.memory_space<hbm>>
      %dma_wait3A_316 = tpu.memref_slice %arg8[%add3A_314] : memref<320000xf32, #tpu.memory_space<hbm>> -> memref<80xf32, #tpu.memory_space<hbm>>
      tpu.wait_dma2 semaphore(%arg34 : memref<!tpu.dma_semaphore, #tpu.memory_space<semaphore_mem>>) src(%arg23 : memref<80xf32, #tpu.memory_space<vmem>>) dst(%dma_wait3A_316 : memref<80xf32, #tpu.memory_space<hbm>>)
      %parallel_loop3A_317 = arith.constant 0 : i32
      %parallel_loop3A_318 = arith.constant 80 : i32
      %parallel_loop3A_319 = arith.constant 1 : i32
      scf.for %parallel_loop3A_382 = %parallel_loop3A_317 to %parallel_loop3A_318 step %parallel_loop3A_319  : i32 {
        %parallel_loop3A_383 = arith.index_cast %parallel_loop3A_382 : i32 to index
        %parallel_loop3A_384 = arith.constant 0 : index
        %parallel_loop3A_385 = tpu.vector_load %arg19[%parallel_loop3A_383, %parallel_loop3A_384] {strides = array<i32>} : memref<80x128xf32, #tpu.memory_space<vmem>>, vector<16xf32>,
        %parallel_loop3A_386 = arith.index_cast %parallel_loop3A_382 : i32 to index
        %parallel_loop3A_387 = arith.constant 0 : index
        %parallel_loop3A_388 = tpu.vector_load %arg20[%parallel_loop3A_386, %parallel_loop3A_387] {strides = array<i32>} : memref<80x128xf32, #tpu.memory_space<vmem>>, vector<16xf32>,
        %parallel_loop3A_389 = arith.mulf %parallel_loop3A_385, %parallel_loop3A_388 : vector<16xf32>
        %parallel_loop3A_390 = arith.index_cast %parallel_loop3A_382 : i32 to index
        %parallel_loop3A_391 = arith.constant 16 : index
        %parallel_loop3A_392 = tpu.vector_load %arg19[%parallel_loop3A_390, %parallel_loop3A_391] {strides = array<i32>} : memref<80x128xf32, #tpu.memory_space<vmem>>, vector<16xf32>,
        %parallel_loop3A_393 = arith.index_cast %parallel_loop3A_382 : i32 to index
        %parallel_loop3A_394 = arith.constant 16 : index
        %parallel_loop3A_395 = tpu.vector_load %arg20[%parallel_loop3A_393, %parallel_loop3A_394] {strides = array<i32>} : memref<80x128xf32, #tpu.memory_space<vmem>>, vector<16xf32>,
        %parallel_loop3A_396 = arith.mulf %parallel_loop3A_392, %parallel_loop3A_395 : vector<16xf32>
        %parallel_loop3A_397 = arith.addf %parallel_loop3A_389, %parallel_loop3A_396 : vector<16xf32>
        %parallel_loop3A_398 = arith.index_cast %parallel_loop3A_382 : i32 to index
        %parallel_loop3A_399 = arith.constant 32 : index
        %parallel_loop3A_400 = tpu.vector_load %arg19[%parallel_loop3A_398, %parallel_loop3A_399] {strides = array<i32>} : memref<80x128xf32, #tpu.memory_space<vmem>>, vector<16xf32>,
        %parallel_loop3A_401 = arith.index_cast %parallel_loop3A_382 : i32 to index
        %parallel_loop3A_402 = arith.constant 32 : index
        %parallel_loop3A_403 = tpu.vector_load %arg20[%parallel_loop3A_401, %parallel_loop3A_402] {strides = array<i32>} : memref<80x128xf32, #tpu.memory_space<vmem>>, vector<16xf32>,
        %parallel_loop3A_404 = arith.mulf %parallel_loop3A_400, %parallel_loop3A_403 : vector<16xf32>
        %parallel_loop3A_405 = arith.addf %parallel_loop3A_397, %parallel_loop3A_404 : vector<16xf32>
        %parallel_loop3A_406 = arith.index_cast %parallel_loop3A_382 : i32 to index
        %parallel_loop3A_407 = arith.constant 48 : index
        %parallel_loop3A_408 = tpu.vector_load %arg19[%parallel_loop3A_406, %parallel_loop3A_407] {strides = array<i32>} : memref<80x128xf32, #tpu.memory_space<vmem>>, vector<16xf32>,
        %parallel_loop3A_409 = arith.index_cast %parallel_loop3A_382 : i32 to index
        %parallel_loop3A_410 = arith.constant 48 : index
        %parallel_loop3A_411 = tpu.vector_load %arg20[%parallel_loop3A_409, %parallel_loop3A_410] {strides = array<i32>} : memref<80x128xf32, #tpu.memory_space<vmem>>, vector<16xf32>,
        %parallel_loop3A_412 = arith.mulf %parallel_loop3A_408, %parallel_loop3A_411 : vector<16xf32>
        %parallel_loop3A_413 = arith.addf %parallel_loop3A_405, %parallel_loop3A_412 : vector<16xf32>
        %parallel_loop3A_414 = arith.index_cast %parallel_loop3A_382 : i32 to index
        %parallel_loop3A_415 = arith.constant 64 : index
        %parallel_loop3A_416 = tpu.vector_load %arg19[%parallel_loop3A_414, %parallel_loop3A_415] {strides = array<i32>} : memref<80x128xf32, #tpu.memory_space<vmem>>, vector<16xf32>,
        %parallel_loop3A_417 = arith.index_cast %parallel_loop3A_382 : i32 to index
        %parallel_loop3A_418 = arith.constant 64 : index
        %parallel_loop3A_419 = tpu.vector_load %arg20[%parallel_loop3A_417, %parallel_loop3A_418] {strides = array<i32>} : memref<80x128xf32, #tpu.memory_space<vmem>>, vector<16xf32>,
        %parallel_loop3A_420 = arith.mulf %parallel_loop3A_416, %parallel_loop3A_419 : vector<16xf32>
        %parallel_loop3A_421 = arith.addf %parallel_loop3A_413, %parallel_loop3A_420 : vector<16xf32>
        %parallel_loop3A_422 = arith.index_cast %parallel_loop3A_382 : i32 to index
        %parallel_loop3A_423 = arith.constant 80 : index
        %parallel_loop3A_424 = tpu.vector_load %arg19[%parallel_loop3A_422, %parallel_loop3A_423] {strides = array<i32>} : memref<80x128xf32, #tpu.memory_space<vmem>>, vector<16xf32>,
        %parallel_loop3A_425 = arith.index_cast %parallel_loop3A_382 : i32 to index
        %parallel_loop3A_426 = arith.constant 80 : index
        %parallel_loop3A_427 = tpu.vector_load %arg20[%parallel_loop3A_425, %parallel_loop3A_426] {strides = array<i32>} : memref<80x128xf32, #tpu.memory_space<vmem>>, vector<16xf32>,
        %parallel_loop3A_428 = arith.mulf %parallel_loop3A_424, %parallel_loop3A_427 : vector<16xf32>
        %parallel_loop3A_429 = arith.addf %parallel_loop3A_421, %parallel_loop3A_428 : vector<16xf32>
        %parallel_loop3A_430 = arith.index_cast %parallel_loop3A_382 : i32 to index
        %parallel_loop3A_431 = arith.constant 96 : index
        %parallel_loop3A_432 = tpu.vector_load %arg19[%parallel_loop3A_430, %parallel_loop3A_431] {strides = array<i32>} : memref<80x128xf32, #tpu.memory_space<vmem>>, vector<16xf32>,
        %parallel_loop3A_433 = arith.index_cast %parallel_loop3A_382 : i32 to index
        %parallel_loop3A_434 = arith.constant 96 : index
        %parallel_loop3A_435 = tpu.vector_load %arg20[%parallel_loop3A_433, %parallel_loop3A_434] {strides = array<i32>} : memref<80x128xf32, #tpu.memory_space<vmem>>, vector<16xf32>,
        %parallel_loop3A_436 = arith.mulf %parallel_loop3A_432, %parallel_loop3A_435 : vector<16xf32>
        %parallel_loop3A_437 = arith.addf %parallel_loop3A_429, %parallel_loop3A_436 : vector<16xf32>
        %parallel_loop3A_438 = arith.index_cast %parallel_loop3A_382 : i32 to index
        %parallel_loop3A_439 = arith.constant 112 : index
        %parallel_loop3A_440 = tpu.vector_load %arg19[%parallel_loop3A_438, %parallel_loop3A_439] {strides = array<i32>} : memref<80x128xf32, #tpu.memory_space<vmem>>, vector<16xf32>,
        %parallel_loop3A_441 = arith.index_cast %parallel_loop3A_382 : i32 to index
        %parallel_loop3A_442 = arith.constant 112 : index
        %parallel_loop3A_443 = tpu.vector_load %arg20[%parallel_loop3A_441, %parallel_loop3A_442] {strides = array<i32>} : memref<80x128xf32, #tpu.memory_space<vmem>>, vector<16xf32>,
        %parallel_loop3A_444 = arith.mulf %parallel_loop3A_440, %parallel_loop3A_443 : vector<16xf32>
        %parallel_loop3A_445 = arith.addf %parallel_loop3A_437, %parallel_loop3A_444 : vector<16xf32>
        %parallel_loop3A_446 = arith.constant 17 : i32
        %parallel_loop3A_447 = arith.muli %parallel_loop3A_382, %parallel_loop3A_446 : i32
        %parallel_loop3A_448 = arith.index_cast %parallel_loop3A_447 : i32 to index
        %parallel_loop3A_449 = tpu.vector_load %arg25[%parallel_loop3A_448] {strides = array<i32>} : memref<1360xf32, #tpu.memory_space<vmem>>, vector<16xf32>,
        tpu.vector_store %arg25[%parallel_loop3A_448], %parallel_loop3A_445 {strides = array<i32>} : memref<1360xf32, #tpu.memory_space<vmem>>, vector<16xf32>,
      } {sc.loop_unroll_factor = 2 : i64, sc.parallel_access}
      %parallel_loop3A_320 = arith.constant 0 : i32
      %parallel_loop3A_321 = arith.constant 5 : i32
      %parallel_loop3A_322 = arith.constant 1 : i32
      scf.for %parallel_loop3A_382 = %parallel_loop3A_320 to %parallel_loop3A_321 step %parallel_loop3A_322  : i32 {
        %parallel_loop3A_383 = arith.constant 272 : i32
        %parallel_loop3A_384 = arith.muli %parallel_loop3A_382, %parallel_loop3A_383 : i32
        %parallel_loop3A_385 = vector.broadcast %parallel_loop3A_384 : i32 to vector<16xi32>
        %parallel_loop3A_386 = arith.addi %mul3A_3, %parallel_loop3A_385 : vector<16xi32>
        %parallel_loop3A_387 = tpu.vector_load_idx %arg25[%parallel_loop3A_386] : memref<1360xf32, #tpu.memory_space<vmem>>[vector<16xi32>], vector<16xf32>,
        %parallel_loop3A_388 = arith.constant 1 : i32
        %parallel_loop3A_389 = vector.broadcast %parallel_loop3A_388 : i32 to vector<16xi32>
        %parallel_loop3A_390 = arith.addi %parallel_loop3A_386, %parallel_loop3A_389 : vector<16xi32>
        %parallel_loop3A_391 = tpu.vector_load_idx %arg25[%parallel_loop3A_390] : memref<1360xf32, #tpu.memory_space<vmem>>[vector<16xi32>], vector<16xf32>,
        %parallel_loop3A_392 = arith.addf %parallel_loop3A_387, %parallel_loop3A_391 : vector<16xf32>
        %parallel_loop3A_393 = arith.constant 2 : i32
        %parallel_loop3A_394 = vector.broadcast %parallel_loop3A_393 : i32 to vector<16xi32>
        %parallel_loop3A_395 = arith.addi %parallel_loop3A_386, %parallel_loop3A_394 : vector<16xi32>
        %parallel_loop3A_396 = tpu.vector_load_idx %arg25[%parallel_loop3A_395] : memref<1360xf32, #tpu.memory_space<vmem>>[vector<16xi32>], vector<16xf32>,
        %parallel_loop3A_397 = arith.addf %parallel_loop3A_392, %parallel_loop3A_396 : vector<16xf32>
        %parallel_loop3A_398 = arith.constant 3 : i32
        %parallel_loop3A_399 = vector.broadcast %parallel_loop3A_398 : i32 to vector<16xi32>
        %parallel_loop3A_400 = arith.addi %parallel_loop3A_386, %parallel_loop3A_399 : vector<16xi32>
        %parallel_loop3A_401 = tpu.vector_load_idx %arg25[%parallel_loop3A_400] : memref<1360xf32, #tpu.memory_space<vmem>>[vector<16xi32>], vector<16xf32>,
        %parallel_loop3A_402 = arith.addf %parallel_loop3A_397, %parallel_loop3A_401 : vector<16xf32>
        %parallel_loop3A_403 = arith.constant 4 : i32
        %parallel_loop3A_404 = vector.broadcast %parallel_loop3A_403 : i32 to vector<16xi32>
        %parallel_loop3A_405 = arith.addi %parallel_loop3A_386, %parallel_loop3A_404 : vector<16xi32>
        %parallel_loop3A_406 = tpu.vector_load_idx %arg25[%parallel_loop3A_405] : memref<1360xf32, #tpu.memory_space<vmem>>[vector<16xi32>], vector<16xf32>,
        %parallel_loop3A_407 = arith.addf %parallel_loop3A_402, %parallel_loop3A_406 : vector<16xf32>
        %parallel_loop3A_408 = arith.constant 5 : i32
        %parallel_loop3A_409 = vector.broadcast %parallel_loop3A_408 : i32 to vector<16xi32>
        %parallel_loop3A_410 = arith.addi %parallel_loop3A_386, %parallel_loop3A_409 : vector<16xi32>
        %parallel_loop3A_411 = tpu.vector_load_idx %arg25[%parallel_loop3A_410] : memref<1360xf32, #tpu.memory_space<vmem>>[vector<16xi32>], vector<16xf32>,
        %parallel_loop3A_412 = arith.addf %parallel_loop3A_407, %parallel_loop3A_411 : vector<16xf32>
        %parallel_loop3A_413 = arith.constant 6 : i32
        %parallel_loop3A_414 = vector.broadcast %parallel_loop3A_413 : i32 to vector<16xi32>
        %parallel_loop3A_415 = arith.addi %parallel_loop3A_386, %parallel_loop3A_414 : vector<16xi32>
        %parallel_loop3A_416 = tpu.vector_load_idx %arg25[%parallel_loop3A_415] : memref<1360xf32, #tpu.memory_space<vmem>>[vector<16xi32>], vector<16xf32>,
        %parallel_loop3A_417 = arith.addf %parallel_loop3A_412, %parallel_loop3A_416 : vector<16xf32>
        %parallel_loop3A_418 = arith.constant 7 : i32
        %parallel_loop3A_419 = vector.broadcast %parallel_loop3A_418 : i32 to vector<16xi32>
        %parallel_loop3A_420 = arith.addi %parallel_loop3A_386, %parallel_loop3A_419 : vector<16xi32>
        %parallel_loop3A_421 = tpu.vector_load_idx %arg25[%parallel_loop3A_420] : memref<1360xf32, #tpu.memory_space<vmem>>[vector<16xi32>], vector<16xf32>,
        %parallel_loop3A_422 = arith.addf %parallel_loop3A_417, %parallel_loop3A_421 : vector<16xf32>
        %parallel_loop3A_423 = arith.constant 8 : i32
        %parallel_loop3A_424 = vector.broadcast %parallel_loop3A_423 : i32 to vector<16xi32>
        %parallel_loop3A_425 = arith.addi %parallel_loop3A_386, %parallel_loop3A_424 : vector<16xi32>
        %parallel_loop3A_426 = tpu.vector_load_idx %arg25[%parallel_loop3A_425] : memref<1360xf32, #tpu.memory_space<vmem>>[vector<16xi32>], vector<16xf32>,
        %parallel_loop3A_427 = arith.addf %parallel_loop3A_422, %parallel_loop3A_426 : vector<16xf32>
        %parallel_loop3A_428 = arith.constant 9 : i32
        %parallel_loop3A_429 = vector.broadcast %parallel_loop3A_428 : i32 to vector<16xi32>
        %parallel_loop3A_430 = arith.addi %parallel_loop3A_386, %parallel_loop3A_429 : vector<16xi32>
        %parallel_loop3A_431 = tpu.vector_load_idx %arg25[%parallel_loop3A_430] : memref<1360xf32, #tpu.memory_space<vmem>>[vector<16xi32>], vector<16xf32>,
        %parallel_loop3A_432 = arith.addf %parallel_loop3A_427, %parallel_loop3A_431 : vector<16xf32>
        %parallel_loop3A_433 = arith.constant 10 : i32
        %parallel_loop3A_434 = vector.broadcast %parallel_loop3A_433 : i32 to vector<16xi32>
        %parallel_loop3A_435 = arith.addi %parallel_loop3A_386, %parallel_loop3A_434 : vector<16xi32>
        %parallel_loop3A_436 = tpu.vector_load_idx %arg25[%parallel_loop3A_435] : memref<1360xf32, #tpu.memory_space<vmem>>[vector<16xi32>], vector<16xf32>,
        %parallel_loop3A_437 = arith.addf %parallel_loop3A_432, %parallel_loop3A_436 : vector<16xf32>
        %parallel_loop3A_438 = arith.constant 11 : i32
        %parallel_loop3A_439 = vector.broadcast %parallel_loop3A_438 : i32 to vector<16xi32>
        %parallel_loop3A_440 = arith.addi %parallel_loop3A_386, %parallel_loop3A_439 : vector<16xi32>
        %parallel_loop3A_441 = tpu.vector_load_idx %arg25[%parallel_loop3A_440] : memref<1360xf32, #tpu.memory_space<vmem>>[vector<16xi32>], vector<16xf32>,
        %parallel_loop3A_442 = arith.addf %parallel_loop3A_437, %parallel_loop3A_441 : vector<16xf32>
        %parallel_loop3A_443 = arith.constant 12 : i32
        %parallel_loop3A_444 = vector.broadcast %parallel_loop3A_443 : i32 to vector<16xi32>
        %parallel_loop3A_445 = arith.addi %parallel_loop3A_386, %parallel_loop3A_444 : vector<16xi32>
        %parallel_loop3A_446 = tpu.vector_load_idx %arg25[%parallel_loop3A_445] : memref<1360xf32, #tpu.memory_space<vmem>>[vector<16xi32>], vector<16xf32>,
        %parallel_loop3A_447 = arith.addf %parallel_loop3A_442, %parallel_loop3A_446 : vector<16xf32>
        %parallel_loop3A_448 = arith.constant 13 : i32
        %parallel_loop3A_449 = vector.broadcast %parallel_loop3A_448 : i32 to vector<16xi32>
        %parallel_loop3A_450 = arith.addi %parallel_loop3A_386, %parallel_loop3A_449 : vector<16xi32>
        %parallel_loop3A_451 = tpu.vector_load_idx %arg25[%parallel_loop3A_450] : memref<1360xf32, #tpu.memory_space<vmem>>[vector<16xi32>], vector<16xf32>,
        %parallel_loop3A_452 = arith.addf %parallel_loop3A_447, %parallel_loop3A_451 : vector<16xf32>
        %parallel_loop3A_453 = arith.constant 14 : i32
        %parallel_loop3A_454 = vector.broadcast %parallel_loop3A_453 : i32 to vector<16xi32>
        %parallel_loop3A_455 = arith.addi %parallel_loop3A_386, %parallel_loop3A_454 : vector<16xi32>
        %parallel_loop3A_456 = tpu.vector_load_idx %arg25[%parallel_loop3A_455] : memref<1360xf32, #tpu.memory_space<vmem>>[vector<16xi32>], vector<16xf32>,
        %parallel_loop3A_457 = arith.addf %parallel_loop3A_452, %parallel_loop3A_456 : vector<16xf32>
        %parallel_loop3A_458 = arith.constant 15 : i32
        %parallel_loop3A_459 = vector.broadcast %parallel_loop3A_458 : i32 to vector<16xi32>
        %parallel_loop3A_460 = arith.addi %parallel_loop3A_386, %parallel_loop3A_459 : vector<16xi32>
        %parallel_loop3A_461 = tpu.vector_load_idx %arg25[%parallel_loop3A_460] : memref<1360xf32, #tpu.memory_space<vmem>>[vector<16xi32>], vector<16xf32>,
        %parallel_loop3A_462 = arith.addf %parallel_loop3A_457, %parallel_loop3A_461 : vector<16xf32>
        %parallel_loop3A_463 = arith.constant 0.000000e+00 : f32
        %parallel_loop3A_464 = vector.broadcast %parallel_loop3A_463 : f32 to vector<16xf32>
        %parallel_loop3A_465 = arith.subf %parallel_loop3A_464, %parallel_loop3A_462 : vector<16xf32>
        %parallel_loop3A_466 = math.exp %parallel_loop3A_465 : vector<16xf32>
        %parallel_loop3A_467 = arith.constant 1.000000e+00 : f32
        %parallel_loop3A_468 = vector.broadcast %parallel_loop3A_467 : f32 to vector<16xf32>
        %parallel_loop3A_469 = arith.addf %parallel_loop3A_468, %parallel_loop3A_466 : vector<16xf32>
        %parallel_loop3A_470 = arith.constant 1.000000e+00 : f32
        %parallel_loop3A_471 = vector.broadcast %parallel_loop3A_470 : f32 to vector<16xf32>
        %parallel_loop3A_472 = arith.divf %parallel_loop3A_471, %parallel_loop3A_469 : vector<16xf32>
        %parallel_loop3A_473 = arith.constant 16 : i32
        %parallel_loop3A_474 = arith.muli %parallel_loop3A_382, %parallel_loop3A_473 : i32
        %parallel_loop3A_475 = arith.index_cast %parallel_loop3A_474 : i32 to index
        %parallel_loop3A_476 = tpu.vector_load %arg23[%parallel_loop3A_475] {strides = array<i32>} : memref<80xf32, #tpu.memory_space<vmem>>, vector<16xf32>,
        tpu.vector_store %arg23[%parallel_loop3A_475], %parallel_loop3A_472 {strides = array<i32>} : memref<80xf32, #tpu.memory_space<vmem>>, vector<16xf32>,
      } {sc.loop_unroll_factor = 1 : i64, sc.parallel_access}
      %mul3A_323 = arith.constant 80 : i32
      %mul3A_324 = arith.muli %add3A_299, %mul3A_323 : i32
      %add3A_325 = arith.addi %mul3A_7, %mul3A_324 : i32
      %dma_start3A_326 = tpu.memref_slice %arg8[%add3A_325] : memref<320000xf32, #tpu.memory_space<hbm>> -> memref<80xf32, #tpu.memory_space<hbm>>
      %dma_start3A_327 = tpu.memref_slice %arg8[%add3A_325] : memref<320000xf32, #tpu.memory_space<hbm>> -> memref<80xf32, #tpu.memory_space<hbm>>
      tpu.enqueue_dma source(%arg23 : memref<80xf32, #tpu.memory_space<vmem>>) target(%dma_start3A_327 : memref<80xf32, #tpu.memory_space<hbm>>) target_semaphore(%arg34 : memref<!tpu.dma_semaphore, #tpu.memory_space<semaphore_mem>>)
      %add3A_328 = arith.constant 2 : i32
      %add3A_329 = arith.addi %add3A_299, %add3A_328 : i32
      %mul3A_330 = arith.constant 80 : i32
      %mul3A_331 = arith.muli %add3A_329, %mul3A_330 : i32
      %add3A_332 = arith.addi %mul3A_7, %mul3A_331 : i32
      %dma_wait3A_333 = tpu.memref_slice %arg2[%add3A_332] : memref<320000xi32, #tpu.memory_space<hbm>> -> memref<80xi32, #tpu.memory_space<hbm>>
      %dma_wait3A_334 = tpu.memref_slice %arg2[%add3A_332] : memref<320000xi32, #tpu.memory_space<hbm>> -> memref<80xi32, #tpu.memory_space<hbm>>
      tpu.wait_dma2 semaphore(%arg26 : memref<!tpu.dma_semaphore, #tpu.memory_space<semaphore_mem>>) src(%dma_wait3A_334 : memref<80xi32, #tpu.memory_space<hbm>>) dst(%arg11 : memref<80xi32, #tpu.memory_space<vmem>>)
      %mul3A_335 = arith.constant 80 : i32
      %mul3A_336 = arith.muli %add3A_329, %mul3A_335 : i32
      %add3A_337 = arith.addi %mul3A_7, %mul3A_336 : i32
      %dma_wait3A_338 = tpu.memref_slice %arg3[%add3A_337] : memref<320000xi32, #tpu.memory_space<hbm>> -> memref<80xi32, #tpu.memory_space<hbm>>
      %dma_wait3A_339 = tpu.memref_slice %arg3[%add3A_337] : memref<320000xi32, #tpu.memory_space<hbm>> -> memref<80xi32, #tpu.memory_space<hbm>>
      tpu.wait_dma2 semaphore(%arg26 : memref<!tpu.dma_semaphore, #tpu.memory_space<semaphore_mem>>) src(%dma_wait3A_339 : memref<80xi32, #tpu.memory_space<hbm>>) dst(%arg12 : memref<80xi32, #tpu.memory_space<vmem>>)
      %dma_start3A_340 = arith.constant 0 : i32
      %dma_start3A_341 = arith.constant 0 : i32
      %dma_start3A_342 = tpu.memref_slice %arg10[%dma_start3A_340, %dma_start3A_341] : memref<10000x128xf32, #tpu.memory_space<vmem_shared>> -> memref<10000x128xf32, #tpu.memory_space<vmem_shared>>
      tpu.enqueue_indirect_dma source(%dma_start3A_342 : memref<10000x128xf32, #tpu.memory_space<vmem_shared>>) target(%arg19 : memref<80x128xf32, #tpu.memory_space<vmem>>) offsets(%arg11 : memref<80xi32, #tpu.memory_space<vmem>>) semaphore(%arg30 : memref<!tpu.dma_semaphore, #tpu.memory_space<semaphore_mem>>)
      %dma_start3A_343 = arith.constant 0 : i32
      %dma_start3A_344 = arith.constant 0 : i32
      %dma_start3A_345 = tpu.memref_slice %arg7[%dma_start3A_343, %dma_start3A_344] : memref<10000x128xf32, #tpu.memory_space<hbm>> -> memref<10000x128xf32, #tpu.memory_space<hbm>>
      tpu.enqueue_indirect_dma source(%dma_start3A_345 : memref<10000x128xf32, #tpu.memory_space<hbm>>) target(%arg20 : memref<80x128xf32, #tpu.memory_space<vmem>>) offsets(%arg12 : memref<80xi32, #tpu.memory_space<vmem>>) semaphore(%arg31 : memref<!tpu.dma_semaphore, #tpu.memory_space<semaphore_mem>>)
      %add3A_346 = arith.constant 3 : i32
      %add3A_347 = arith.addi %mul3A_198, %add3A_346 : i32
      %dma_wait3A_348 = arith.constant 0 : i32
      %dma_wait3A_349 = arith.constant 0 : i32
      %dma_wait3A_350 = tpu.memref_slice %arg10[%dma_wait3A_348, %dma_wait3A_349] : memref<10000x128xf32, #tpu.memory_space<vmem_shared>> -> memref<10000x128xf32, #tpu.memory_space<vmem_shared>>
      tpu.wait_indirect_dma semaphore(%arg32 : memref<!tpu.dma_semaphore, #tpu.memory_space<semaphore_mem>>) src(%dma_wait3A_350 : memref<10000x128xf32, #tpu.memory_space<vmem_shared>>) dst(%arg21 : memref<80x128xf32, #tpu.memory_space<vmem>>)
      %dma_wait3A_351 = arith.constant 0 : i32
      %dma_wait3A_352 = arith.constant 0 : i32
      %dma_wait3A_353 = tpu.memref_slice %arg7[%dma_wait3A_351, %dma_wait3A_352] : memref<10000x128xf32, #tpu.memory_space<hbm>> -> memref<10000x128xf32, #tpu.memory_space<hbm>>
      tpu.wait_indirect_dma semaphore(%arg33 : memref<!tpu.dma_semaphore, #tpu.memory_space<semaphore_mem>>) src(%dma_wait3A_353 : memref<10000x128xf32, #tpu.memory_space<hbm>>) dst(%arg22 : memref<80x128xf32, #tpu.memory_space<vmem>>)
      %lt3A_354 = arith.constant 30 : i32
      %lt3A_355 = arith.cmpi slt, %add3A_196, %lt3A_354 : i32
      %convert_element_type3A_356 = arith.extui %lt3A_355 : i1 to i32
      %cond3A_357 = arith.constant 0 : i32
      %cond3A_358 = arith.cmpi ne, %convert_element_type3A_356, %cond3A_357 : i32
      scf.if %cond3A_358 {
        %add3A_382 = arith.constant 4 : i32
        %add3A_383 = arith.addi %add3A_347, %add3A_382 : i32
        %mul3A_384 = arith.constant 80 : i32
        %mul3A_385 = arith.muli %add3A_383, %mul3A_384 : i32
        %add3A_386 = arith.addi %mul3A_7, %mul3A_385 : i32
        %dma_start3A_387 = tpu.memref_slice %arg2[%add3A_386] : memref<320000xi32, #tpu.memory_space<hbm>> -> memref<80xi32, #tpu.memory_space<hbm>>
        %dma_start3A_388 = tpu.memref_slice %arg2[%add3A_386] : memref<320000xi32, #tpu.memory_space<hbm>> -> memref<80xi32, #tpu.memory_space<hbm>>
        tpu.enqueue_dma source(%dma_start3A_388 : memref<80xi32, #tpu.memory_space<hbm>>) target(%arg17 : memref<80xi32, #tpu.memory_space<vmem>>) target_semaphore(%arg29 : memref<!tpu.dma_semaphore, #tpu.memory_space<semaphore_mem>>)
        %mul3A_389 = arith.constant 80 : i32
        %mul3A_390 = arith.muli %add3A_383, %mul3A_389 : i32
        %add3A_391 = arith.addi %mul3A_7, %mul3A_390 : i32
        %dma_start3A_392 = tpu.memref_slice %arg3[%add3A_391] : memref<320000xi32, #tpu.memory_space<hbm>> -> memref<80xi32, #tpu.memory_space<hbm>>
        %dma_start3A_393 = tpu.memref_slice %arg3[%add3A_391] : memref<320000xi32, #tpu.memory_space<hbm>> -> memref<80xi32, #tpu.memory_space<hbm>>
        tpu.enqueue_dma source(%dma_start3A_393 : memref<80xi32, #tpu.memory_space<hbm>>) target(%arg18 : memref<80xi32, #tpu.memory_space<vmem>>) target_semaphore(%arg29 : memref<!tpu.dma_semaphore, #tpu.memory_space<semaphore_mem>>)
      } else {
      }
      %sub3A_359 = arith.constant 2 : i32
      %sub3A_360 = arith.subi %add3A_347, %sub3A_359 : i32
      %mul3A_361 = arith.constant 80 : i32
      %mul3A_362 = arith.muli %sub3A_360, %mul3A_361 : i32
      %add3A_363 = arith.addi %mul3A_7, %mul3A_362 : i32
      %dma_wait3A_364 = tpu.memref_slice %arg8[%add3A_363] : memref<320000xf32, #tpu.memory_space<hbm>> -> memref<80xf32, #tpu.memory_space<hbm>>
      %dma_wait3A_365 = tpu.memref_slice %arg8[%add3A_363] : memref<320000xf32, #tpu.memory_space<hbm>> -> memref<80xf32, #tpu.memory_space<hbm>>
      tpu.wait_dma2 semaphore(%arg35 : memref<!tpu.dma_semaphore, #tpu.memory_space<semaphore_mem>>) src(%arg24 : memref<80xf32, #tpu.memory_space<vmem>>) dst(%dma_wait3A_365 : memref<80xf32, #tpu.memory_space<hbm>>)
      %parallel_loop3A_366 = arith.constant 0 : i32
      %parallel_loop3A_367 = arith.constant 80 : i32
      %parallel_loop3A_368 = arith.constant 1 : i32
      scf.for %parallel_loop3A_382 = %parallel_loop3A_366 to %parallel_loop3A_367 step %parallel_loop3A_368  : i32 {
        %parallel_loop3A_383 = arith.index_cast %parallel_loop3A_382 : i32 to index
        %parallel_loop3A_384 = arith.constant 0 : index
        %parallel_loop3A_385 = tpu.vector_load %arg21[%parallel_loop3A_383, %parallel_loop3A_384] {strides = array<i32>} : memref<80x128xf32, #tpu.memory_space<vmem>>, vector<16xf32>,
        %parallel_loop3A_386 = arith.index_cast %parallel_loop3A_382 : i32 to index
        %parallel_loop3A_387 = arith.constant 0 : index
        %parallel_loop3A_388 = tpu.vector_load %arg22[%parallel_loop3A_386, %parallel_loop3A_387] {strides = array<i32>} : memref<80x128xf32, #tpu.memory_space<vmem>>, vector<16xf32>,
        %parallel_loop3A_389 = arith.mulf %parallel_loop3A_385, %parallel_loop3A_388 : vector<16xf32>
        %parallel_loop3A_390 = arith.index_cast %parallel_loop3A_382 : i32 to index
        %parallel_loop3A_391 = arith.constant 16 : index
        %parallel_loop3A_392 = tpu.vector_load %arg21[%parallel_loop3A_390, %parallel_loop3A_391] {strides = array<i32>} : memref<80x128xf32, #tpu.memory_space<vmem>>, vector<16xf32>,
        %parallel_loop3A_393 = arith.index_cast %parallel_loop3A_382 : i32 to index
        %parallel_loop3A_394 = arith.constant 16 : index
        %parallel_loop3A_395 = tpu.vector_load %arg22[%parallel_loop3A_393, %parallel_loop3A_394] {strides = array<i32>} : memref<80x128xf32, #tpu.memory_space<vmem>>, vector<16xf32>,
        %parallel_loop3A_396 = arith.mulf %parallel_loop3A_392, %parallel_loop3A_395 : vector<16xf32>
        %parallel_loop3A_397 = arith.addf %parallel_loop3A_389, %parallel_loop3A_396 : vector<16xf32>
        %parallel_loop3A_398 = arith.index_cast %parallel_loop3A_382 : i32 to index
        %parallel_loop3A_399 = arith.constant 32 : index
        %parallel_loop3A_400 = tpu.vector_load %arg21[%parallel_loop3A_398, %parallel_loop3A_399] {strides = array<i32>} : memref<80x128xf32, #tpu.memory_space<vmem>>, vector<16xf32>,
        %parallel_loop3A_401 = arith.index_cast %parallel_loop3A_382 : i32 to index
        %parallel_loop3A_402 = arith.constant 32 : index
        %parallel_loop3A_403 = tpu.vector_load %arg22[%parallel_loop3A_401, %parallel_loop3A_402] {strides = array<i32>} : memref<80x128xf32, #tpu.memory_space<vmem>>, vector<16xf32>,
        %parallel_loop3A_404 = arith.mulf %parallel_loop3A_400, %parallel_loop3A_403 : vector<16xf32>
        %parallel_loop3A_405 = arith.addf %parallel_loop3A_397, %parallel_loop3A_404 : vector<16xf32>
        %parallel_loop3A_406 = arith.index_cast %parallel_loop3A_382 : i32 to index
        %parallel_loop3A_407 = arith.constant 48 : index
        %parallel_loop3A_408 = tpu.vector_load %arg21[%parallel_loop3A_406, %parallel_loop3A_407] {strides = array<i32>} : memref<80x128xf32, #tpu.memory_space<vmem>>, vector<16xf32>,
        %parallel_loop3A_409 = arith.index_cast %parallel_loop3A_382 : i32 to index
        %parallel_loop3A_410 = arith.constant 48 : index
        %parallel_loop3A_411 = tpu.vector_load %arg22[%parallel_loop3A_409, %parallel_loop3A_410] {strides = array<i32>} : memref<80x128xf32, #tpu.memory_space<vmem>>, vector<16xf32>,
        %parallel_loop3A_412 = arith.mulf %parallel_loop3A_408, %parallel_loop3A_411 : vector<16xf32>
        %parallel_loop3A_413 = arith.addf %parallel_loop3A_405, %parallel_loop3A_412 : vector<16xf32>
        %parallel_loop3A_414 = arith.index_cast %parallel_loop3A_382 : i32 to index
        %parallel_loop3A_415 = arith.constant 64 : index
        %parallel_loop3A_416 = tpu.vector_load %arg21[%parallel_loop3A_414, %parallel_loop3A_415] {strides = array<i32>} : memref<80x128xf32, #tpu.memory_space<vmem>>, vector<16xf32>,
        %parallel_loop3A_417 = arith.index_cast %parallel_loop3A_382 : i32 to index
        %parallel_loop3A_418 = arith.constant 64 : index
        %parallel_loop3A_419 = tpu.vector_load %arg22[%parallel_loop3A_417, %parallel_loop3A_418] {strides = array<i32>} : memref<80x128xf32, #tpu.memory_space<vmem>>, vector<16xf32>,
        %parallel_loop3A_420 = arith.mulf %parallel_loop3A_416, %parallel_loop3A_419 : vector<16xf32>
        %parallel_loop3A_421 = arith.addf %parallel_loop3A_413, %parallel_loop3A_420 : vector<16xf32>
        %parallel_loop3A_422 = arith.index_cast %parallel_loop3A_382 : i32 to index
        %parallel_loop3A_423 = arith.constant 80 : index
        %parallel_loop3A_424 = tpu.vector_load %arg21[%parallel_loop3A_422, %parallel_loop3A_423] {strides = array<i32>} : memref<80x128xf32, #tpu.memory_space<vmem>>, vector<16xf32>,
        %parallel_loop3A_425 = arith.index_cast %parallel_loop3A_382 : i32 to index
        %parallel_loop3A_426 = arith.constant 80 : index
        %parallel_loop3A_427 = tpu.vector_load %arg22[%parallel_loop3A_425, %parallel_loop3A_426] {strides = array<i32>} : memref<80x128xf32, #tpu.memory_space<vmem>>, vector<16xf32>,
        %parallel_loop3A_428 = arith.mulf %parallel_loop3A_424, %parallel_loop3A_427 : vector<16xf32>
        %parallel_loop3A_429 = arith.addf %parallel_loop3A_421, %parallel_loop3A_428 : vector<16xf32>
        %parallel_loop3A_430 = arith.index_cast %parallel_loop3A_382 : i32 to index
        %parallel_loop3A_431 = arith.constant 96 : index
        %parallel_loop3A_432 = tpu.vector_load %arg21[%parallel_loop3A_430, %parallel_loop3A_431] {strides = array<i32>} : memref<80x128xf32, #tpu.memory_space<vmem>>, vector<16xf32>,
        %parallel_loop3A_433 = arith.index_cast %parallel_loop3A_382 : i32 to index
        %parallel_loop3A_434 = arith.constant 96 : index
        %parallel_loop3A_435 = tpu.vector_load %arg22[%parallel_loop3A_433, %parallel_loop3A_434] {strides = array<i32>} : memref<80x128xf32, #tpu.memory_space<vmem>>, vector<16xf32>,
        %parallel_loop3A_436 = arith.mulf %parallel_loop3A_432, %parallel_loop3A_435 : vector<16xf32>
        %parallel_loop3A_437 = arith.addf %parallel_loop3A_429, %parallel_loop3A_436 : vector<16xf32>
        %parallel_loop3A_438 = arith.index_cast %parallel_loop3A_382 : i32 to index
        %parallel_loop3A_439 = arith.constant 112 : index
        %parallel_loop3A_440 = tpu.vector_load %arg21[%parallel_loop3A_438, %parallel_loop3A_439] {strides = array<i32>} : memref<80x128xf32, #tpu.memory_space<vmem>>, vector<16xf32>,
        %parallel_loop3A_441 = arith.index_cast %parallel_loop3A_382 : i32 to index
        %parallel_loop3A_442 = arith.constant 112 : index
        %parallel_loop3A_443 = tpu.vector_load %arg22[%parallel_loop3A_441, %parallel_loop3A_442] {strides = array<i32>} : memref<80x128xf32, #tpu.memory_space<vmem>>, vector<16xf32>,
        %parallel_loop3A_444 = arith.mulf %parallel_loop3A_440, %parallel_loop3A_443 : vector<16xf32>
        %parallel_loop3A_445 = arith.addf %parallel_loop3A_437, %parallel_loop3A_444 : vector<16xf32>
        %parallel_loop3A_446 = arith.constant 17 : i32
        %parallel_loop3A_447 = arith.muli %parallel_loop3A_382, %parallel_loop3A_446 : i32
        %parallel_loop3A_448 = arith.index_cast %parallel_loop3A_447 : i32 to index
        %parallel_loop3A_449 = tpu.vector_load %arg25[%parallel_loop3A_448] {strides = array<i32>} : memref<1360xf32, #tpu.memory_space<vmem>>, vector<16xf32>,
        tpu.vector_store %arg25[%parallel_loop3A_448], %parallel_loop3A_445 {strides = array<i32>} : memref<1360xf32, #tpu.memory_space<vmem>>, vector<16xf32>,
      } {sc.loop_unroll_factor = 2 : i64, sc.parallel_access}
      %parallel_loop3A_369 = arith.constant 0 : i32
      %parallel_loop3A_370 = arith.constant 5 : i32
      %parallel_loop3A_371 = arith.constant 1 : i32
      scf.for %parallel_loop3A_382 = %parallel_loop3A_369 to %parallel_loop3A_370 step %parallel_loop3A_371  : i32 {
        %parallel_loop3A_383 = arith.constant 272 : i32
        %parallel_loop3A_384 = arith.muli %parallel_loop3A_382, %parallel_loop3A_383 : i32
        %parallel_loop3A_385 = vector.broadcast %parallel_loop3A_384 : i32 to vector<16xi32>
        %parallel_loop3A_386 = arith.addi %mul3A_3, %parallel_loop3A_385 : vector<16xi32>
        %parallel_loop3A_387 = tpu.vector_load_idx %arg25[%parallel_loop3A_386] : memref<1360xf32, #tpu.memory_space<vmem>>[vector<16xi32>], vector<16xf32>,
        %parallel_loop3A_388 = arith.constant 1 : i32
        %parallel_loop3A_389 = vector.broadcast %parallel_loop3A_388 : i32 to vector<16xi32>
        %parallel_loop3A_390 = arith.addi %parallel_loop3A_386, %parallel_loop3A_389 : vector<16xi32>
        %parallel_loop3A_391 = tpu.vector_load_idx %arg25[%parallel_loop3A_390] : memref<1360xf32, #tpu.memory_space<vmem>>[vector<16xi32>], vector<16xf32>,
        %parallel_loop3A_392 = arith.addf %parallel_loop3A_387, %parallel_loop3A_391 : vector<16xf32>
        %parallel_loop3A_393 = arith.constant 2 : i32
        %parallel_loop3A_394 = vector.broadcast %parallel_loop3A_393 : i32 to vector<16xi32>
        %parallel_loop3A_395 = arith.addi %parallel_loop3A_386, %parallel_loop3A_394 : vector<16xi32>
        %parallel_loop3A_396 = tpu.vector_load_idx %arg25[%parallel_loop3A_395] : memref<1360xf32, #tpu.memory_space<vmem>>[vector<16xi32>], vector<16xf32>,
        %parallel_loop3A_397 = arith.addf %parallel_loop3A_392, %parallel_loop3A_396 : vector<16xf32>
        %parallel_loop3A_398 = arith.constant 3 : i32
        %parallel_loop3A_399 = vector.broadcast %parallel_loop3A_398 : i32 to vector<16xi32>
        %parallel_loop3A_400 = arith.addi %parallel_loop3A_386, %parallel_loop3A_399 : vector<16xi32>
        %parallel_loop3A_401 = tpu.vector_load_idx %arg25[%parallel_loop3A_400] : memref<1360xf32, #tpu.memory_space<vmem>>[vector<16xi32>], vector<16xf32>,
        %parallel_loop3A_402 = arith.addf %parallel_loop3A_397, %parallel_loop3A_401 : vector<16xf32>
        %parallel_loop3A_403 = arith.constant 4 : i32
        %parallel_loop3A_404 = vector.broadcast %parallel_loop3A_403 : i32 to vector<16xi32>
        %parallel_loop3A_405 = arith.addi %parallel_loop3A_386, %parallel_loop3A_404 : vector<16xi32>
        %parallel_loop3A_406 = tpu.vector_load_idx %arg25[%parallel_loop3A_405] : memref<1360xf32, #tpu.memory_space<vmem>>[vector<16xi32>], vector<16xf32>,
        %parallel_loop3A_407 = arith.addf %parallel_loop3A_402, %parallel_loop3A_406 : vector<16xf32>
        %parallel_loop3A_408 = arith.constant 5 : i32
        %parallel_loop3A_409 = vector.broadcast %parallel_loop3A_408 : i32 to vector<16xi32>
        %parallel_loop3A_410 = arith.addi %parallel_loop3A_386, %parallel_loop3A_409 : vector<16xi32>
        %parallel_loop3A_411 = tpu.vector_load_idx %arg25[%parallel_loop3A_410] : memref<1360xf32, #tpu.memory_space<vmem>>[vector<16xi32>], vector<16xf32>,
        %parallel_loop3A_412 = arith.addf %parallel_loop3A_407, %parallel_loop3A_411 : vector<16xf32>
        %parallel_loop3A_413 = arith.constant 6 : i32
        %parallel_loop3A_414 = vector.broadcast %parallel_loop3A_413 : i32 to vector<16xi32>
        %parallel_loop3A_415 = arith.addi %parallel_loop3A_386, %parallel_loop3A_414 : vector<16xi32>
        %parallel_loop3A_416 = tpu.vector_load_idx %arg25[%parallel_loop3A_415] : memref<1360xf32, #tpu.memory_space<vmem>>[vector<16xi32>], vector<16xf32>,
        %parallel_loop3A_417 = arith.addf %parallel_loop3A_412, %parallel_loop3A_416 : vector<16xf32>
        %parallel_loop3A_418 = arith.constant 7 : i32
        %parallel_loop3A_419 = vector.broadcast %parallel_loop3A_418 : i32 to vector<16xi32>
        %parallel_loop3A_420 = arith.addi %parallel_loop3A_386, %parallel_loop3A_419 : vector<16xi32>
        %parallel_loop3A_421 = tpu.vector_load_idx %arg25[%parallel_loop3A_420] : memref<1360xf32, #tpu.memory_space<vmem>>[vector<16xi32>], vector<16xf32>,
        %parallel_loop3A_422 = arith.addf %parallel_loop3A_417, %parallel_loop3A_421 : vector<16xf32>
        %parallel_loop3A_423 = arith.constant 8 : i32
        %parallel_loop3A_424 = vector.broadcast %parallel_loop3A_423 : i32 to vector<16xi32>
        %parallel_loop3A_425 = arith.addi %parallel_loop3A_386, %parallel_loop3A_424 : vector<16xi32>
        %parallel_loop3A_426 = tpu.vector_load_idx %arg25[%parallel_loop3A_425] : memref<1360xf32, #tpu.memory_space<vmem>>[vector<16xi32>], vector<16xf32>,
        %parallel_loop3A_427 = arith.addf %parallel_loop3A_422, %parallel_loop3A_426 : vector<16xf32>
        %parallel_loop3A_428 = arith.constant 9 : i32
        %parallel_loop3A_429 = vector.broadcast %parallel_loop3A_428 : i32 to vector<16xi32>
        %parallel_loop3A_430 = arith.addi %parallel_loop3A_386, %parallel_loop3A_429 : vector<16xi32>
        %parallel_loop3A_431 = tpu.vector_load_idx %arg25[%parallel_loop3A_430] : memref<1360xf32, #tpu.memory_space<vmem>>[vector<16xi32>], vector<16xf32>,
        %parallel_loop3A_432 = arith.addf %parallel_loop3A_427, %parallel_loop3A_431 : vector<16xf32>
        %parallel_loop3A_433 = arith.constant 10 : i32
        %parallel_loop3A_434 = vector.broadcast %parallel_loop3A_433 : i32 to vector<16xi32>
        %parallel_loop3A_435 = arith.addi %parallel_loop3A_386, %parallel_loop3A_434 : vector<16xi32>
        %parallel_loop3A_436 = tpu.vector_load_idx %arg25[%parallel_loop3A_435] : memref<1360xf32, #tpu.memory_space<vmem>>[vector<16xi32>], vector<16xf32>,
        %parallel_loop3A_437 = arith.addf %parallel_loop3A_432, %parallel_loop3A_436 : vector<16xf32>
        %parallel_loop3A_438 = arith.constant 11 : i32
        %parallel_loop3A_439 = vector.broadcast %parallel_loop3A_438 : i32 to vector<16xi32>
        %parallel_loop3A_440 = arith.addi %parallel_loop3A_386, %parallel_loop3A_439 : vector<16xi32>
        %parallel_loop3A_441 = tpu.vector_load_idx %arg25[%parallel_loop3A_440] : memref<1360xf32, #tpu.memory_space<vmem>>[vector<16xi32>], vector<16xf32>,
        %parallel_loop3A_442 = arith.addf %parallel_loop3A_437, %parallel_loop3A_441 : vector<16xf32>
        %parallel_loop3A_443 = arith.constant 12 : i32
        %parallel_loop3A_444 = vector.broadcast %parallel_loop3A_443 : i32 to vector<16xi32>
        %parallel_loop3A_445 = arith.addi %parallel_loop3A_386, %parallel_loop3A_444 : vector<16xi32>
        %parallel_loop3A_446 = tpu.vector_load_idx %arg25[%parallel_loop3A_445] : memref<1360xf32, #tpu.memory_space<vmem>>[vector<16xi32>], vector<16xf32>,
        %parallel_loop3A_447 = arith.addf %parallel_loop3A_442, %parallel_loop3A_446 : vector<16xf32>
        %parallel_loop3A_448 = arith.constant 13 : i32
        %parallel_loop3A_449 = vector.broadcast %parallel_loop3A_448 : i32 to vector<16xi32>
        %parallel_loop3A_450 = arith.addi %parallel_loop3A_386, %parallel_loop3A_449 : vector<16xi32>
        %parallel_loop3A_451 = tpu.vector_load_idx %arg25[%parallel_loop3A_450] : memref<1360xf32, #tpu.memory_space<vmem>>[vector<16xi32>], vector<16xf32>,
        %parallel_loop3A_452 = arith.addf %parallel_loop3A_447, %parallel_loop3A_451 : vector<16xf32>
        %parallel_loop3A_453 = arith.constant 14 : i32
        %parallel_loop3A_454 = vector.broadcast %parallel_loop3A_453 : i32 to vector<16xi32>
        %parallel_loop3A_455 = arith.addi %parallel_loop3A_386, %parallel_loop3A_454 : vector<16xi32>
        %parallel_loop3A_456 = tpu.vector_load_idx %arg25[%parallel_loop3A_455] : memref<1360xf32, #tpu.memory_space<vmem>>[vector<16xi32>], vector<16xf32>,
        %parallel_loop3A_457 = arith.addf %parallel_loop3A_452, %parallel_loop3A_456 : vector<16xf32>
        %parallel_loop3A_458 = arith.constant 15 : i32
        %parallel_loop3A_459 = vector.broadcast %parallel_loop3A_458 : i32 to vector<16xi32>
        %parallel_loop3A_460 = arith.addi %parallel_loop3A_386, %parallel_loop3A_459 : vector<16xi32>
        %parallel_loop3A_461 = tpu.vector_load_idx %arg25[%parallel_loop3A_460] : memref<1360xf32, #tpu.memory_space<vmem>>[vector<16xi32>], vector<16xf32>,
        %parallel_loop3A_462 = arith.addf %parallel_loop3A_457, %parallel_loop3A_461 : vector<16xf32>
        %parallel_loop3A_463 = arith.constant 0.000000e+00 : f32
        %parallel_loop3A_464 = vector.broadcast %parallel_loop3A_463 : f32 to vector<16xf32>
        %parallel_loop3A_465 = arith.subf %parallel_loop3A_464, %parallel_loop3A_462 : vector<16xf32>
        %parallel_loop3A_466 = math.exp %parallel_loop3A_465 : vector<16xf32>
        %parallel_loop3A_467 = arith.constant 1.000000e+00 : f32
        %parallel_loop3A_468 = vector.broadcast %parallel_loop3A_467 : f32 to vector<16xf32>
        %parallel_loop3A_469 = arith.addf %parallel_loop3A_468, %parallel_loop3A_466 : vector<16xf32>
        %parallel_loop3A_470 = arith.constant 1.000000e+00 : f32
        %parallel_loop3A_471 = vector.broadcast %parallel_loop3A_470 : f32 to vector<16xf32>
        %parallel_loop3A_472 = arith.divf %parallel_loop3A_471, %parallel_loop3A_469 : vector<16xf32>
        %parallel_loop3A_473 = arith.constant 16 : i32
        %parallel_loop3A_474 = arith.muli %parallel_loop3A_382, %parallel_loop3A_473 : i32
        %parallel_loop3A_475 = arith.index_cast %parallel_loop3A_474 : i32 to index
        %parallel_loop3A_476 = tpu.vector_load %arg24[%parallel_loop3A_475] {strides = array<i32>} : memref<80xf32, #tpu.memory_space<vmem>>, vector<16xf32>,
        tpu.vector_store %arg24[%parallel_loop3A_475], %parallel_loop3A_472 {strides = array<i32>} : memref<80xf32, #tpu.memory_space<vmem>>, vector<16xf32>,
      } {sc.loop_unroll_factor = 1 : i64, sc.parallel_access}
      %mul3A_372 = arith.constant 80 : i32
      %mul3A_373 = arith.muli %add3A_347, %mul3A_372 : i32
      %add3A_374 = arith.addi %mul3A_7, %mul3A_373 : i32
      %dma_start3A_375 = tpu.memref_slice %arg8[%add3A_374] : memref<320000xf32, #tpu.memory_space<hbm>> -> memref<80xf32, #tpu.memory_space<hbm>>
      %dma_start3A_376 = tpu.memref_slice %arg8[%add3A_374] : memref<320000xf32, #tpu.memory_space<hbm>> -> memref<80xf32, #tpu.memory_space<hbm>>
      tpu.enqueue_dma source(%arg24 : memref<80xf32, #tpu.memory_space<vmem>>) target(%dma_start3A_376 : memref<80xf32, #tpu.memory_space<hbm>>) target_semaphore(%arg35 : memref<!tpu.dma_semaphore, #tpu.memory_space<semaphore_mem>>)
      %lt3A_377 = arith.constant 30 : i32
      %lt3A_378 = arith.cmpi slt, %add3A_196, %lt3A_377 : i32
      %convert_element_type3A_379 = arith.extui %lt3A_378 : i1 to i32
      %cond3A_380 = arith.constant 0 : i32
      %cond3A_381 = arith.cmpi ne, %convert_element_type3A_379, %cond3A_380 : i32
      scf.if %cond3A_381 {
        %add3A_382 = arith.constant 2 : i32
        %add3A_383 = arith.addi %add3A_347, %add3A_382 : i32
        %mul3A_384 = arith.constant 80 : i32
        %mul3A_385 = arith.muli %add3A_383, %mul3A_384 : i32
        %add3A_386 = arith.addi %mul3A_7, %mul3A_385 : i32
        %dma_wait3A_387 = tpu.memref_slice %arg2[%add3A_386] : memref<320000xi32, #tpu.memory_space<hbm>> -> memref<80xi32, #tpu.memory_space<hbm>>
        %dma_wait3A_388 = tpu.memref_slice %arg2[%add3A_386] : memref<320000xi32, #tpu.memory_space<hbm>> -> memref<80xi32, #tpu.memory_space<hbm>>
        tpu.wait_dma2 semaphore(%arg27 : memref<!tpu.dma_semaphore, #tpu.memory_space<semaphore_mem>>) src(%dma_wait3A_388 : memref<80xi32, #tpu.memory_space<hbm>>) dst(%arg13 : memref<80xi32, #tpu.memory_space<vmem>>)
        %mul3A_389 = arith.constant 80 : i32
        %mul3A_390 = arith.muli %add3A_383, %mul3A_389 : i32
        %add3A_391 = arith.addi %mul3A_7, %mul3A_390 : i32
        %dma_wait3A_392 = tpu.memref_slice %arg3[%add3A_391] : memref<320000xi32, #tpu.memory_space<hbm>> -> memref<80xi32, #tpu.memory_space<hbm>>
        %dma_wait3A_393 = tpu.memref_slice %arg3[%add3A_391] : memref<320000xi32, #tpu.memory_space<hbm>> -> memref<80xi32, #tpu.memory_space<hbm>>
        tpu.wait_dma2 semaphore(%arg27 : memref<!tpu.dma_semaphore, #tpu.memory_space<semaphore_mem>>) src(%dma_wait3A_393 : memref<80xi32, #tpu.memory_space<hbm>>) dst(%arg14 : memref<80xi32, #tpu.memory_space<vmem>>)
        %dma_start3A_394 = arith.constant 0 : i32
        %dma_start3A_395 = arith.constant 0 : i32
        %dma_start3A_396 = tpu.memref_slice %arg10[%dma_start3A_394, %dma_start3A_395] : memref<10000x128xf32, #tpu.memory_space<vmem_shared>> -> memref<10000x128xf32, #tpu.memory_space<vmem_shared>>
        tpu.enqueue_indirect_dma source(%dma_start3A_396 : memref<10000x128xf32, #tpu.memory_space<vmem_shared>>) target(%arg21 : memref<80x128xf32, #tpu.memory_space<vmem>>) offsets(%arg13 : memref<80xi32, #tpu.memory_space<vmem>>) semaphore(%arg32 : memref<!tpu.dma_semaphore, #tpu.memory_space<semaphore_mem>>)
        %dma_start3A_397 = arith.constant 0 : i32
        %dma_start3A_398 = arith.constant 0 : i32
        %dma_start3A_399 = tpu.memref_slice %arg7[%dma_start3A_397, %dma_start3A_398] : memref<10000x128xf32, #tpu.memory_space<hbm>> -> memref<10000x128xf32, #tpu.memory_space<hbm>>
        tpu.enqueue_indirect_dma source(%dma_start3A_399 : memref<10000x128xf32, #tpu.memory_space<hbm>>) target(%arg22 : memref<80x128xf32, #tpu.memory_space<vmem>>) offsets(%arg14 : memref<80xi32, #tpu.memory_space<vmem>>) semaphore(%arg33 : memref<!tpu.dma_semaphore, #tpu.memory_space<semaphore_mem>>)
      } else {
      }
    }
    %scan3A_69 = arith.constant 31 : i32
    %dma_wait3A_70 = arith.constant 0 : i32
    %dma_wait3A_71 = arith.constant 0 : i32
    %dma_wait3A_72 = tpu.memref_slice %arg10[%dma_wait3A_70, %dma_wait3A_71] : memref<10000x128xf32, #tpu.memory_space<vmem_shared>> -> memref<10000x128xf32, #tpu.memory_space<vmem_shared>>
    tpu.wait_indirect_dma semaphore(%arg30 : memref<!tpu.dma_semaphore, #tpu.memory_space<semaphore_mem>>) src(%dma_wait3A_72 : memref<10000x128xf32, #tpu.memory_space<vmem_shared>>) dst(%arg19 : memref<80x128xf32, #tpu.memory_space<vmem>>)
    %dma_wait3A_73 = arith.constant 0 : i32
    %dma_wait3A_74 = arith.constant 0 : i32
    %dma_wait3A_75 = tpu.memref_slice %arg7[%dma_wait3A_73, %dma_wait3A_74] : memref<10000x128xf32, #tpu.memory_space<hbm>> -> memref<10000x128xf32, #tpu.memory_space<hbm>>
    tpu.wait_indirect_dma semaphore(%arg31 : memref<!tpu.dma_semaphore, #tpu.memory_space<semaphore_mem>>) src(%dma_wait3A_75 : memref<10000x128xf32, #tpu.memory_space<hbm>>) dst(%arg20 : memref<80x128xf32, #tpu.memory_space<vmem>>)
    %add3A_76 = arith.constant 9760 : i32
    %add3A_77 = arith.addi %mul3A_7, %add3A_76 : i32
    %dma_wait3A_78 = tpu.memref_slice %arg8[%add3A_77] : memref<320000xf32, #tpu.memory_space<hbm>> -> memref<80xf32, #tpu.memory_space<hbm>>
    %dma_wait3A_79 = tpu.memref_slice %arg8[%add3A_77] : memref<320000xf32, #tpu.memory_space<hbm>> -> memref<80xf32, #tpu.memory_space<hbm>>
    tpu.wait_dma2 semaphore(%arg34 : memref<!tpu.dma_semaphore, #tpu.memory_space<semaphore_mem>>) src(%arg23 : memref<80xf32, #tpu.memory_space<vmem>>) dst(%dma_wait3A_79 : memref<80xf32, #tpu.memory_space<hbm>>)
    %parallel_loop3A = arith.constant 0 : i32
    %parallel_loop3A_80 = arith.constant 80 : i32
    %parallel_loop3A_81 = arith.constant 1 : i32
    scf.for %parallel_loop3A_192 = %parallel_loop3A to %parallel_loop3A_80 step %parallel_loop3A_81  : i32 {
      %parallel_loop3A_193 = arith.index_cast %parallel_loop3A_192 : i32 to index
      %parallel_loop3A_194 = arith.constant 0 : index
      %parallel_loop3A_195 = tpu.vector_load %arg19[%parallel_loop3A_193, %parallel_loop3A_194] {strides = array<i32>} : memref<80x128xf32, #tpu.memory_space<vmem>>, vector<16xf32>,
      %parallel_loop3A_196 = arith.index_cast %parallel_loop3A_192 : i32 to index
      %parallel_loop3A_197 = arith.constant 0 : index
      %parallel_loop3A_198 = tpu.vector_load %arg20[%parallel_loop3A_196, %parallel_loop3A_197] {strides = array<i32>} : memref<80x128xf32, #tpu.memory_space<vmem>>, vector<16xf32>,
      %parallel_loop3A_199 = arith.mulf %parallel_loop3A_195, %parallel_loop3A_198 : vector<16xf32>
      %parallel_loop3A_200 = arith.index_cast %parallel_loop3A_192 : i32 to index
      %parallel_loop3A_201 = arith.constant 16 : index
      %parallel_loop3A_202 = tpu.vector_load %arg19[%parallel_loop3A_200, %parallel_loop3A_201] {strides = array<i32>} : memref<80x128xf32, #tpu.memory_space<vmem>>, vector<16xf32>,
      %parallel_loop3A_203 = arith.index_cast %parallel_loop3A_192 : i32 to index
      %parallel_loop3A_204 = arith.constant 16 : index
      %parallel_loop3A_205 = tpu.vector_load %arg20[%parallel_loop3A_203, %parallel_loop3A_204] {strides = array<i32>} : memref<80x128xf32, #tpu.memory_space<vmem>>, vector<16xf32>,
      %parallel_loop3A_206 = arith.mulf %parallel_loop3A_202, %parallel_loop3A_205 : vector<16xf32>
      %parallel_loop3A_207 = arith.addf %parallel_loop3A_199, %parallel_loop3A_206 : vector<16xf32>
      %parallel_loop3A_208 = arith.index_cast %parallel_loop3A_192 : i32 to index
      %parallel_loop3A_209 = arith.constant 32 : index
      %parallel_loop3A_210 = tpu.vector_load %arg19[%parallel_loop3A_208, %parallel_loop3A_209] {strides = array<i32>} : memref<80x128xf32, #tpu.memory_space<vmem>>, vector<16xf32>,
      %parallel_loop3A_211 = arith.index_cast %parallel_loop3A_192 : i32 to index
      %parallel_loop3A_212 = arith.constant 32 : index
      %parallel_loop3A_213 = tpu.vector_load %arg20[%parallel_loop3A_211, %parallel_loop3A_212] {strides = array<i32>} : memref<80x128xf32, #tpu.memory_space<vmem>>, vector<16xf32>,
      %parallel_loop3A_214 = arith.mulf %parallel_loop3A_210, %parallel_loop3A_213 : vector<16xf32>
      %parallel_loop3A_215 = arith.addf %parallel_loop3A_207, %parallel_loop3A_214 : vector<16xf32>
      %parallel_loop3A_216 = arith.index_cast %parallel_loop3A_192 : i32 to index
      %parallel_loop3A_217 = arith.constant 48 : index
      %parallel_loop3A_218 = tpu.vector_load %arg19[%parallel_loop3A_216, %parallel_loop3A_217] {strides = array<i32>} : memref<80x128xf32, #tpu.memory_space<vmem>>, vector<16xf32>,
      %parallel_loop3A_219 = arith.index_cast %parallel_loop3A_192 : i32 to index
      %parallel_loop3A_220 = arith.constant 48 : index
      %parallel_loop3A_221 = tpu.vector_load %arg20[%parallel_loop3A_219, %parallel_loop3A_220] {strides = array<i32>} : memref<80x128xf32, #tpu.memory_space<vmem>>, vector<16xf32>,
      %parallel_loop3A_222 = arith.mulf %parallel_loop3A_218, %parallel_loop3A_221 : vector<16xf32>
      %parallel_loop3A_223 = arith.addf %parallel_loop3A_215, %parallel_loop3A_222 : vector<16xf32>
      %parallel_loop3A_224 = arith.index_cast %parallel_loop3A_192 : i32 to index
      %parallel_loop3A_225 = arith.constant 64 : index
      %parallel_loop3A_226 = tpu.vector_load %arg19[%parallel_loop3A_224, %parallel_loop3A_225] {strides = array<i32>} : memref<80x128xf32, #tpu.memory_space<vmem>>, vector<16xf32>,
      %parallel_loop3A_227 = arith.index_cast %parallel_loop3A_192 : i32 to index
      %parallel_loop3A_228 = arith.constant 64 : index
      %parallel_loop3A_229 = tpu.vector_load %arg20[%parallel_loop3A_227, %parallel_loop3A_228] {strides = array<i32>} : memref<80x128xf32, #tpu.memory_space<vmem>>, vector<16xf32>,
      %parallel_loop3A_230 = arith.mulf %parallel_loop3A_226, %parallel_loop3A_229 : vector<16xf32>
      %parallel_loop3A_231 = arith.addf %parallel_loop3A_223, %parallel_loop3A_230 : vector<16xf32>
      %parallel_loop3A_232 = arith.index_cast %parallel_loop3A_192 : i32 to index
      %parallel_loop3A_233 = arith.constant 80 : index
      %parallel_loop3A_234 = tpu.vector_load %arg19[%parallel_loop3A_232, %parallel_loop3A_233] {strides = array<i32>} : memref<80x128xf32, #tpu.memory_space<vmem>>, vector<16xf32>,
      %parallel_loop3A_235 = arith.index_cast %parallel_loop3A_192 : i32 to index
      %parallel_loop3A_236 = arith.constant 80 : index
      %parallel_loop3A_237 = tpu.vector_load %arg20[%parallel_loop3A_235, %parallel_loop3A_236] {strides = array<i32>} : memref<80x128xf32, #tpu.memory_space<vmem>>, vector<16xf32>,
      %parallel_loop3A_238 = arith.mulf %parallel_loop3A_234, %parallel_loop3A_237 : vector<16xf32>
      %parallel_loop3A_239 = arith.addf %parallel_loop3A_231, %parallel_loop3A_238 : vector<16xf32>
      %parallel_loop3A_240 = arith.index_cast %parallel_loop3A_192 : i32 to index
      %parallel_loop3A_241 = arith.constant 96 : index
      %parallel_loop3A_242 = tpu.vector_load %arg19[%parallel_loop3A_240, %parallel_loop3A_241] {strides = array<i32>} : memref<80x128xf32, #tpu.memory_space<vmem>>, vector<16xf32>,
      %parallel_loop3A_243 = arith.index_cast %parallel_loop3A_192 : i32 to index
      %parallel_loop3A_244 = arith.constant 96 : index
      %parallel_loop3A_245 = tpu.vector_load %arg20[%parallel_loop3A_243, %parallel_loop3A_244] {strides = array<i32>} : memref<80x128xf32, #tpu.memory_space<vmem>>, vector<16xf32>,
      %parallel_loop3A_246 = arith.mulf %parallel_loop3A_242, %parallel_loop3A_245 : vector<16xf32>
      %parallel_loop3A_247 = arith.addf %parallel_loop3A_239, %parallel_loop3A_246 : vector<16xf32>
      %parallel_loop3A_248 = arith.index_cast %parallel_loop3A_192 : i32 to index
      %parallel_loop3A_249 = arith.constant 112 : index
      %parallel_loop3A_250 = tpu.vector_load %arg19[%parallel_loop3A_248, %parallel_loop3A_249] {strides = array<i32>} : memref<80x128xf32, #tpu.memory_space<vmem>>, vector<16xf32>,
      %parallel_loop3A_251 = arith.index_cast %parallel_loop3A_192 : i32 to index
      %parallel_loop3A_252 = arith.constant 112 : index
      %parallel_loop3A_253 = tpu.vector_load %arg20[%parallel_loop3A_251, %parallel_loop3A_252] {strides = array<i32>} : memref<80x128xf32, #tpu.memory_space<vmem>>, vector<16xf32>,
      %parallel_loop3A_254 = arith.mulf %parallel_loop3A_250, %parallel_loop3A_253 : vector<16xf32>
      %parallel_loop3A_255 = arith.addf %parallel_loop3A_247, %parallel_loop3A_254 : vector<16xf32>
      %parallel_loop3A_256 = arith.constant 17 : i32
      %parallel_loop3A_257 = arith.muli %parallel_loop3A_192, %parallel_loop3A_256 : i32
      %parallel_loop3A_258 = arith.index_cast %parallel_loop3A_257 : i32 to index
      %parallel_loop3A_259 = tpu.vector_load %arg25[%parallel_loop3A_258] {strides = array<i32>} : memref<1360xf32, #tpu.memory_space<vmem>>, vector<16xf32>,
      tpu.vector_store %arg25[%parallel_loop3A_258], %parallel_loop3A_255 {strides = array<i32>} : memref<1360xf32, #tpu.memory_space<vmem>>, vector<16xf32>,
    } {sc.loop_unroll_factor = 2 : i64, sc.parallel_access}
    %parallel_loop3A_82 = arith.constant 0 : i32
    %parallel_loop3A_83 = arith.constant 5 : i32
    %parallel_loop3A_84 = arith.constant 1 : i32
    scf.for %parallel_loop3A_192 = %parallel_loop3A_82 to %parallel_loop3A_83 step %parallel_loop3A_84  : i32 {
      %parallel_loop3A_193 = arith.constant 272 : i32
      %parallel_loop3A_194 = arith.muli %parallel_loop3A_192, %parallel_loop3A_193 : i32
      %parallel_loop3A_195 = vector.broadcast %parallel_loop3A_194 : i32 to vector<16xi32>
      %parallel_loop3A_196 = arith.addi %mul3A_3, %parallel_loop3A_195 : vector<16xi32>
      %parallel_loop3A_197 = tpu.vector_load_idx %arg25[%parallel_loop3A_196] : memref<1360xf32, #tpu.memory_space<vmem>>[vector<16xi32>], vector<16xf32>,
      %parallel_loop3A_198 = arith.constant 1 : i32
      %parallel_loop3A_199 = vector.broadcast %parallel_loop3A_198 : i32 to vector<16xi32>
      %parallel_loop3A_200 = arith.addi %parallel_loop3A_196, %parallel_loop3A_199 : vector<16xi32>
      %parallel_loop3A_201 = tpu.vector_load_idx %arg25[%parallel_loop3A_200] : memref<1360xf32, #tpu.memory_space<vmem>>[vector<16xi32>], vector<16xf32>,
      %parallel_loop3A_202 = arith.addf %parallel_loop3A_197, %parallel_loop3A_201 : vector<16xf32>
      %parallel_loop3A_203 = arith.constant 2 : i32
      %parallel_loop3A_204 = vector.broadcast %parallel_loop3A_203 : i32 to vector<16xi32>
      %parallel_loop3A_205 = arith.addi %parallel_loop3A_196, %parallel_loop3A_204 : vector<16xi32>
      %parallel_loop3A_206 = tpu.vector_load_idx %arg25[%parallel_loop3A_205] : memref<1360xf32, #tpu.memory_space<vmem>>[vector<16xi32>], vector<16xf32>,
      %parallel_loop3A_207 = arith.addf %parallel_loop3A_202, %parallel_loop3A_206 : vector<16xf32>
      %parallel_loop3A_208 = arith.constant 3 : i32
      %parallel_loop3A_209 = vector.broadcast %parallel_loop3A_208 : i32 to vector<16xi32>
      %parallel_loop3A_210 = arith.addi %parallel_loop3A_196, %parallel_loop3A_209 : vector<16xi32>
      %parallel_loop3A_211 = tpu.vector_load_idx %arg25[%parallel_loop3A_210] : memref<1360xf32, #tpu.memory_space<vmem>>[vector<16xi32>], vector<16xf32>,
      %parallel_loop3A_212 = arith.addf %parallel_loop3A_207, %parallel_loop3A_211 : vector<16xf32>
      %parallel_loop3A_213 = arith.constant 4 : i32
      %parallel_loop3A_214 = vector.broadcast %parallel_loop3A_213 : i32 to vector<16xi32>
      %parallel_loop3A_215 = arith.addi %parallel_loop3A_196, %parallel_loop3A_214 : vector<16xi32>
      %parallel_loop3A_216 = tpu.vector_load_idx %arg25[%parallel_loop3A_215] : memref<1360xf32, #tpu.memory_space<vmem>>[vector<16xi32>], vector<16xf32>,
      %parallel_loop3A_217 = arith.addf %parallel_loop3A_212, %parallel_loop3A_216 : vector<16xf32>
      %parallel_loop3A_218 = arith.constant 5 : i32
      %parallel_loop3A_219 = vector.broadcast %parallel_loop3A_218 : i32 to vector<16xi32>
      %parallel_loop3A_220 = arith.addi %parallel_loop3A_196, %parallel_loop3A_219 : vector<16xi32>
      %parallel_loop3A_221 = tpu.vector_load_idx %arg25[%parallel_loop3A_220] : memref<1360xf32, #tpu.memory_space<vmem>>[vector<16xi32>], vector<16xf32>,
      %parallel_loop3A_222 = arith.addf %parallel_loop3A_217, %parallel_loop3A_221 : vector<16xf32>
      %parallel_loop3A_223 = arith.constant 6 : i32
      %parallel_loop3A_224 = vector.broadcast %parallel_loop3A_223 : i32 to vector<16xi32>
      %parallel_loop3A_225 = arith.addi %parallel_loop3A_196, %parallel_loop3A_224 : vector<16xi32>
      %parallel_loop3A_226 = tpu.vector_load_idx %arg25[%parallel_loop3A_225] : memref<1360xf32, #tpu.memory_space<vmem>>[vector<16xi32>], vector<16xf32>,
      %parallel_loop3A_227 = arith.addf %parallel_loop3A_222, %parallel_loop3A_226 : vector<16xf32>
      %parallel_loop3A_228 = arith.constant 7 : i32
      %parallel_loop3A_229 = vector.broadcast %parallel_loop3A_228 : i32 to vector<16xi32>
      %parallel_loop3A_230 = arith.addi %parallel_loop3A_196, %parallel_loop3A_229 : vector<16xi32>
      %parallel_loop3A_231 = tpu.vector_load_idx %arg25[%parallel_loop3A_230] : memref<1360xf32, #tpu.memory_space<vmem>>[vector<16xi32>], vector<16xf32>,
      %parallel_loop3A_232 = arith.addf %parallel_loop3A_227, %parallel_loop3A_231 : vector<16xf32>
      %parallel_loop3A_233 = arith.constant 8 : i32
      %parallel_loop3A_234 = vector.broadcast %parallel_loop3A_233 : i32 to vector<16xi32>
      %parallel_loop3A_235 = arith.addi %parallel_loop3A_196, %parallel_loop3A_234 : vector<16xi32>
      %parallel_loop3A_236 = tpu.vector_load_idx %arg25[%parallel_loop3A_235] : memref<1360xf32, #tpu.memory_space<vmem>>[vector<16xi32>], vector<16xf32>,
      %parallel_loop3A_237 = arith.addf %parallel_loop3A_232, %parallel_loop3A_236 : vector<16xf32>
      %parallel_loop3A_238 = arith.constant 9 : i32
      %parallel_loop3A_239 = vector.broadcast %parallel_loop3A_238 : i32 to vector<16xi32>
      %parallel_loop3A_240 = arith.addi %parallel_loop3A_196, %parallel_loop3A_239 : vector<16xi32>
      %parallel_loop3A_241 = tpu.vector_load_idx %arg25[%parallel_loop3A_240] : memref<1360xf32, #tpu.memory_space<vmem>>[vector<16xi32>], vector<16xf32>,
      %parallel_loop3A_242 = arith.addf %parallel_loop3A_237, %parallel_loop3A_241 : vector<16xf32>
      %parallel_loop3A_243 = arith.constant 10 : i32
      %parallel_loop3A_244 = vector.broadcast %parallel_loop3A_243 : i32 to vector<16xi32>
      %parallel_loop3A_245 = arith.addi %parallel_loop3A_196, %parallel_loop3A_244 : vector<16xi32>
      %parallel_loop3A_246 = tpu.vector_load_idx %arg25[%parallel_loop3A_245] : memref<1360xf32, #tpu.memory_space<vmem>>[vector<16xi32>], vector<16xf32>,
      %parallel_loop3A_247 = arith.addf %parallel_loop3A_242, %parallel_loop3A_246 : vector<16xf32>
      %parallel_loop3A_248 = arith.constant 11 : i32
      %parallel_loop3A_249 = vector.broadcast %parallel_loop3A_248 : i32 to vector<16xi32>
      %parallel_loop3A_250 = arith.addi %parallel_loop3A_196, %parallel_loop3A_249 : vector<16xi32>
      %parallel_loop3A_251 = tpu.vector_load_idx %arg25[%parallel_loop3A_250] : memref<1360xf32, #tpu.memory_space<vmem>>[vector<16xi32>], vector<16xf32>,
      %parallel_loop3A_252 = arith.addf %parallel_loop3A_247, %parallel_loop3A_251 : vector<16xf32>
      %parallel_loop3A_253 = arith.constant 12 : i32
      %parallel_loop3A_254 = vector.broadcast %parallel_loop3A_253 : i32 to vector<16xi32>
      %parallel_loop3A_255 = arith.addi %parallel_loop3A_196, %parallel_loop3A_254 : vector<16xi32>
      %parallel_loop3A_256 = tpu.vector_load_idx %arg25[%parallel_loop3A_255] : memref<1360xf32, #tpu.memory_space<vmem>>[vector<16xi32>], vector<16xf32>,
      %parallel_loop3A_257 = arith.addf %parallel_loop3A_252, %parallel_loop3A_256 : vector<16xf32>
      %parallel_loop3A_258 = arith.constant 13 : i32
      %parallel_loop3A_259 = vector.broadcast %parallel_loop3A_258 : i32 to vector<16xi32>
      %parallel_loop3A_260 = arith.addi %parallel_loop3A_196, %parallel_loop3A_259 : vector<16xi32>
      %parallel_loop3A_261 = tpu.vector_load_idx %arg25[%parallel_loop3A_260] : memref<1360xf32, #tpu.memory_space<vmem>>[vector<16xi32>], vector<16xf32>,
      %parallel_loop3A_262 = arith.addf %parallel_loop3A_257, %parallel_loop3A_261 : vector<16xf32>
      %parallel_loop3A_263 = arith.constant 14 : i32
      %parallel_loop3A_264 = vector.broadcast %parallel_loop3A_263 : i32 to vector<16xi32>
      %parallel_loop3A_265 = arith.addi %parallel_loop3A_196, %parallel_loop3A_264 : vector<16xi32>
      %parallel_loop3A_266 = tpu.vector_load_idx %arg25[%parallel_loop3A_265] : memref<1360xf32, #tpu.memory_space<vmem>>[vector<16xi32>], vector<16xf32>,
      %parallel_loop3A_267 = arith.addf %parallel_loop3A_262, %parallel_loop3A_266 : vector<16xf32>
      %parallel_loop3A_268 = arith.constant 15 : i32
      %parallel_loop3A_269 = vector.broadcast %parallel_loop3A_268 : i32 to vector<16xi32>
      %parallel_loop3A_270 = arith.addi %parallel_loop3A_196, %parallel_loop3A_269 : vector<16xi32>
      %parallel_loop3A_271 = tpu.vector_load_idx %arg25[%parallel_loop3A_270] : memref<1360xf32, #tpu.memory_space<vmem>>[vector<16xi32>], vector<16xf32>,
      %parallel_loop3A_272 = arith.addf %parallel_loop3A_267, %parallel_loop3A_271 : vector<16xf32>
      %parallel_loop3A_273 = arith.constant 0.000000e+00 : f32
      %parallel_loop3A_274 = vector.broadcast %parallel_loop3A_273 : f32 to vector<16xf32>
      %parallel_loop3A_275 = arith.subf %parallel_loop3A_274, %parallel_loop3A_272 : vector<16xf32>
      %parallel_loop3A_276 = math.exp %parallel_loop3A_275 : vector<16xf32>
      %parallel_loop3A_277 = arith.constant 1.000000e+00 : f32
      %parallel_loop3A_278 = vector.broadcast %parallel_loop3A_277 : f32 to vector<16xf32>
      %parallel_loop3A_279 = arith.addf %parallel_loop3A_278, %parallel_loop3A_276 : vector<16xf32>
      %parallel_loop3A_280 = arith.constant 1.000000e+00 : f32
      %parallel_loop3A_281 = vector.broadcast %parallel_loop3A_280 : f32 to vector<16xf32>
      %parallel_loop3A_282 = arith.divf %parallel_loop3A_281, %parallel_loop3A_279 : vector<16xf32>
      %parallel_loop3A_283 = arith.constant 16 : i32
      %parallel_loop3A_284 = arith.muli %parallel_loop3A_192, %parallel_loop3A_283 : i32
      %parallel_loop3A_285 = arith.index_cast %parallel_loop3A_284 : i32 to index
      %parallel_loop3A_286 = tpu.vector_load %arg23[%parallel_loop3A_285] {strides = array<i32>} : memref<80xf32, #tpu.memory_space<vmem>>, vector<16xf32>,
      tpu.vector_store %arg23[%parallel_loop3A_285], %parallel_loop3A_282 {strides = array<i32>} : memref<80xf32, #tpu.memory_space<vmem>>, vector<16xf32>,
    } {sc.loop_unroll_factor = 1 : i64, sc.parallel_access}
    %add3A_85 = arith.constant 9920 : i32
    %add3A_86 = arith.addi %mul3A_7, %add3A_85 : i32
    %dma_start3A_87 = tpu.memref_slice %arg8[%add3A_86] : memref<320000xf32, #tpu.memory_space<hbm>> -> memref<80xf32, #tpu.memory_space<hbm>>
    %dma_start3A_88 = tpu.memref_slice %arg8[%add3A_86] : memref<320000xf32, #tpu.memory_space<hbm>> -> memref<80xf32, #tpu.memory_space<hbm>>
    tpu.enqueue_dma source(%arg23 : memref<80xf32, #tpu.memory_space<vmem>>) target(%dma_start3A_88 : memref<80xf32, #tpu.memory_space<hbm>>) target_semaphore(%arg34 : memref<!tpu.dma_semaphore, #tpu.memory_space<semaphore_mem>>)
    %add3A_89 = arith.constant 9840 : i32
    %add3A_90 = arith.addi %mul3A_7, %add3A_89 : i32
    %dma_wait3A_91 = tpu.memref_slice %arg8[%add3A_90] : memref<320000xf32, #tpu.memory_space<hbm>> -> memref<80xf32, #tpu.memory_space<hbm>>
    %dma_wait3A_92 = tpu.memref_slice %arg8[%add3A_90] : memref<320000xf32, #tpu.memory_space<hbm>> -> memref<80xf32, #tpu.memory_space<hbm>>
    tpu.wait_dma2 semaphore(%arg35 : memref<!tpu.dma_semaphore, #tpu.memory_space<semaphore_mem>>) src(%arg24 : memref<80xf32, #tpu.memory_space<vmem>>) dst(%dma_wait3A_92 : memref<80xf32, #tpu.memory_space<hbm>>)
    %add3A_93 = arith.constant 9920 : i32
    %add3A_94 = arith.addi %mul3A_7, %add3A_93 : i32
    %dma_wait3A_95 = tpu.memref_slice %arg8[%add3A_94] : memref<320000xf32, #tpu.memory_space<hbm>> -> memref<80xf32, #tpu.memory_space<hbm>>
    %dma_wait3A_96 = tpu.memref_slice %arg8[%add3A_94] : memref<320000xf32, #tpu.memory_space<hbm>> -> memref<80xf32, #tpu.memory_space<hbm>>
    tpu.wait_dma2 semaphore(%arg34 : memref<!tpu.dma_semaphore, #tpu.memory_space<semaphore_mem>>) src(%arg23 : memref<80xf32, #tpu.memory_space<vmem>>) dst(%dma_wait3A_96 : memref<80xf32, #tpu.memory_space<hbm>>)
    %mul3A_97 = arith.constant 10000 : i32
    %mul3A_98 = arith.muli %add3A, %mul3A_97 : i32
    %add3A_99 = arith.constant 0 : i32
    %add3A_100 = arith.addi %mul3A_98, %add3A_99 : i32
    %dma_start3A_101 = tpu.memref_slice %arg4[%add3A_100] : memref<320000xi32, #tpu.memory_space<hbm>> -> memref<80xi32, #tpu.memory_space<hbm>>
    %dma_start3A_102 = tpu.memref_slice %arg4[%add3A_100] : memref<320000xi32, #tpu.memory_space<hbm>> -> memref<80xi32, #tpu.memory_space<hbm>>
    tpu.enqueue_dma source(%dma_start3A_102 : memref<80xi32, #tpu.memory_space<hbm>>) target(%arg11 : memref<80xi32, #tpu.memory_space<vmem>>) target_semaphore(%arg26 : memref<!tpu.dma_semaphore, #tpu.memory_space<semaphore_mem>>)
    %add3A_103 = arith.constant 0 : i32
    %add3A_104 = arith.addi %mul3A_98, %add3A_103 : i32
    %dma_start3A_105 = tpu.memref_slice %arg5[%add3A_104] : memref<320000xi32, #tpu.memory_space<hbm>> -> memref<80xi32, #tpu.memory_space<hbm>>
    %dma_start3A_106 = tpu.memref_slice %arg5[%add3A_104] : memref<320000xi32, #tpu.memory_space<hbm>> -> memref<80xi32, #tpu.memory_space<hbm>>
    tpu.enqueue_dma source(%dma_start3A_106 : memref<80xi32, #tpu.memory_space<hbm>>) target(%arg12 : memref<80xi32, #tpu.memory_space<vmem>>) target_semaphore(%arg26 : memref<!tpu.dma_semaphore, #tpu.memory_space<semaphore_mem>>)
    %add3A_107 = arith.constant 80 : i32
    %add3A_108 = arith.addi %mul3A_98, %add3A_107 : i32
    %dma_start3A_109 = tpu.memref_slice %arg4[%add3A_108] : memref<320000xi32, #tpu.memory_space<hbm>> -> memref<80xi32, #tpu.memory_space<hbm>>
    %dma_start3A_110 = tpu.memref_slice %arg4[%add3A_108] : memref<320000xi32, #tpu.memory_space<hbm>> -> memref<80xi32, #tpu.memory_space<hbm>>
    tpu.enqueue_dma source(%dma_start3A_110 : memref<80xi32, #tpu.memory_space<hbm>>) target(%arg13 : memref<80xi32, #tpu.memory_space<vmem>>) target_semaphore(%arg27 : memref<!tpu.dma_semaphore, #tpu.memory_space<semaphore_mem>>)
    %add3A_111 = arith.constant 80 : i32
    %add3A_112 = arith.addi %mul3A_98, %add3A_111 : i32
    %dma_start3A_113 = tpu.memref_slice %arg5[%add3A_112] : memref<320000xi32, #tpu.memory_space<hbm>> -> memref<80xi32, #tpu.memory_space<hbm>>
    %dma_start3A_114 = tpu.memref_slice %arg5[%add3A_112] : memref<320000xi32, #tpu.memory_space<hbm>> -> memref<80xi32, #tpu.memory_space<hbm>>
    tpu.enqueue_dma source(%dma_start3A_114 : memref<80xi32, #tpu.memory_space<hbm>>) target(%arg14 : memref<80xi32, #tpu.memory_space<vmem>>) target_semaphore(%arg27 : memref<!tpu.dma_semaphore, #tpu.memory_space<semaphore_mem>>)
    %add3A_115 = arith.constant 160 : i32
    %add3A_116 = arith.addi %mul3A_98, %add3A_115 : i32
    %dma_start3A_117 = tpu.memref_slice %arg4[%add3A_116] : memref<320000xi32, #tpu.memory_space<hbm>> -> memref<80xi32, #tpu.memory_space<hbm>>
    %dma_start3A_118 = tpu.memref_slice %arg4[%add3A_116] : memref<320000xi32, #tpu.memory_space<hbm>> -> memref<80xi32, #tpu.memory_space<hbm>>
    tpu.enqueue_dma source(%dma_start3A_118 : memref<80xi32, #tpu.memory_space<hbm>>) target(%arg15 : memref<80xi32, #tpu.memory_space<vmem>>) target_semaphore(%arg28 : memref<!tpu.dma_semaphore, #tpu.memory_space<semaphore_mem>>)
    %add3A_119 = arith.constant 160 : i32
    %add3A_120 = arith.addi %mul3A_98, %add3A_119 : i32
    %dma_start3A_121 = tpu.memref_slice %arg5[%add3A_120] : memref<320000xi32, #tpu.memory_space<hbm>> -> memref<80xi32, #tpu.memory_space<hbm>>
    %dma_start3A_122 = tpu.memref_slice %arg5[%add3A_120] : memref<320000xi32, #tpu.memory_space<hbm>> -> memref<80xi32, #tpu.memory_space<hbm>>
    tpu.enqueue_dma source(%dma_start3A_122 : memref<80xi32, #tpu.memory_space<hbm>>) target(%arg16 : memref<80xi32, #tpu.memory_space<vmem>>) target_semaphore(%arg28 : memref<!tpu.dma_semaphore, #tpu.memory_space<semaphore_mem>>)
    %add3A_123 = arith.constant 240 : i32
    %add3A_124 = arith.addi %mul3A_98, %add3A_123 : i32
    %dma_start3A_125 = tpu.memref_slice %arg4[%add3A_124] : memref<320000xi32, #tpu.memory_space<hbm>> -> memref<80xi32, #tpu.memory_space<hbm>>
    %dma_start3A_126 = tpu.memref_slice %arg4[%add3A_124] : memref<320000xi32, #tpu.memory_space<hbm>> -> memref<80xi32, #tpu.memory_space<hbm>>
    tpu.enqueue_dma source(%dma_start3A_126 : memref<80xi32, #tpu.memory_space<hbm>>) target(%arg17 : memref<80xi32, #tpu.memory_space<vmem>>) target_semaphore(%arg29 : memref<!tpu.dma_semaphore, #tpu.memory_space<semaphore_mem>>)
    %add3A_127 = arith.constant 240 : i32
    %add3A_128 = arith.addi %mul3A_98, %add3A_127 : i32
    %dma_start3A_129 = tpu.memref_slice %arg5[%add3A_128] : memref<320000xi32, #tpu.memory_space<hbm>> -> memref<80xi32, #tpu.memory_space<hbm>>
    %dma_start3A_130 = tpu.memref_slice %arg5[%add3A_128] : memref<320000xi32, #tpu.memory_space<hbm>> -> memref<80xi32, #tpu.memory_space<hbm>>
    tpu.enqueue_dma source(%dma_start3A_130 : memref<80xi32, #tpu.memory_space<hbm>>) target(%arg18 : memref<80xi32, #tpu.memory_space<vmem>>) target_semaphore(%arg29 : memref<!tpu.dma_semaphore, #tpu.memory_space<semaphore_mem>>)
    %add3A_131 = arith.constant 0 : i32
    %add3A_132 = arith.addi %mul3A_98, %add3A_131 : i32
    %dma_wait3A_133 = tpu.memref_slice %arg4[%add3A_132] : memref<320000xi32, #tpu.memory_space<hbm>> -> memref<80xi32, #tpu.memory_space<hbm>>
    %dma_wait3A_134 = tpu.memref_slice %arg4[%add3A_132] : memref<320000xi32, #tpu.memory_space<hbm>> -> memref<80xi32, #tpu.memory_space<hbm>>
    tpu.wait_dma2 semaphore(%arg26 : memref<!tpu.dma_semaphore, #tpu.memory_space<semaphore_mem>>) src(%dma_wait3A_134 : memref<80xi32, #tpu.memory_space<hbm>>) dst(%arg11 : memref<80xi32, #tpu.memory_space<vmem>>)
    %add3A_135 = arith.constant 0 : i32
    %add3A_136 = arith.addi %mul3A_98, %add3A_135 : i32
    %dma_wait3A_137 = tpu.memref_slice %arg5[%add3A_136] : memref<320000xi32, #tpu.memory_space<hbm>> -> memref<80xi32, #tpu.memory_space<hbm>>
    %dma_wait3A_138 = tpu.memref_slice %arg5[%add3A_136] : memref<320000xi32, #tpu.memory_space<hbm>> -> memref<80xi32, #tpu.memory_space<hbm>>
    tpu.wait_dma2 semaphore(%arg26 : memref<!tpu.dma_semaphore, #tpu.memory_space<semaphore_mem>>) src(%dma_wait3A_138 : memref<80xi32, #tpu.memory_space<hbm>>) dst(%arg12 : memref<80xi32, #tpu.memory_space<vmem>>)
    %dma_start3A_139 = arith.constant 0 : i32
    %dma_start3A_140 = arith.constant 0 : i32
    %dma_start3A_141 = tpu.memref_slice %arg10[%dma_start3A_139, %dma_start3A_140] : memref<10000x128xf32, #tpu.memory_space<vmem_shared>> -> memref<10000x128xf32, #tpu.memory_space<vmem_shared>>
    tpu.enqueue_indirect_dma source(%dma_start3A_141 : memref<10000x128xf32, #tpu.memory_space<vmem_shared>>) target(%arg19 : memref<80x128xf32, #tpu.memory_space<vmem>>) offsets(%arg11 : memref<80xi32, #tpu.memory_space<vmem>>) semaphore(%arg30 : memref<!tpu.dma_semaphore, #tpu.memory_space<semaphore_mem>>)
    %dma_start3A_142 = arith.constant 0 : i32
    %dma_start3A_143 = arith.constant 0 : i32
    %dma_start3A_144 = tpu.memref_slice %arg7[%dma_start3A_142, %dma_start3A_143] : memref<10000x128xf32, #tpu.memory_space<hbm>> -> memref<10000x128xf32, #tpu.memory_space<hbm>>
    tpu.enqueue_indirect_dma source(%dma_start3A_144 : memref<10000x128xf32, #tpu.memory_space<hbm>>) target(%arg20 : memref<80x128xf32, #tpu.memory_space<vmem>>) offsets(%arg12 : memref<80xi32, #tpu.memory_space<vmem>>) semaphore(%arg31 : memref<!tpu.dma_semaphore, #tpu.memory_space<semaphore_mem>>)
    %add3A_145 = arith.constant 80 : i32
    %add3A_146 = arith.addi %mul3A_98, %add3A_145 : i32
    %dma_wait3A_147 = tpu.memref_slice %arg4[%add3A_146] : memref<320000xi32, #tpu.memory_space<hbm>> -> memref<80xi32, #tpu.memory_space<hbm>>
    %dma_wait3A_148 = tpu.memref_slice %arg4[%add3A_146] : memref<320000xi32, #tpu.memory_space<hbm>> -> memref<80xi32, #tpu.memory_space<hbm>>
    tpu.wait_dma2 semaphore(%arg27 : memref<!tpu.dma_semaphore, #tpu.memory_space<semaphore_mem>>) src(%dma_wait3A_148 : memref<80xi32, #tpu.memory_space<hbm>>) dst(%arg13 : memref<80xi32, #tpu.memory_space<vmem>>)
    %add3A_149 = arith.constant 80 : i32
    %add3A_150 = arith.addi %mul3A_98, %add3A_149 : i32
    %dma_wait3A_151 = tpu.memref_slice %arg5[%add3A_150] : memref<320000xi32, #tpu.memory_space<hbm>> -> memref<80xi32, #tpu.memory_space<hbm>>
    %dma_wait3A_152 = tpu.memref_slice %arg5[%add3A_150] : memref<320000xi32, #tpu.memory_space<hbm>> -> memref<80xi32, #tpu.memory_space<hbm>>
    tpu.wait_dma2 semaphore(%arg27 : memref<!tpu.dma_semaphore, #tpu.memory_space<semaphore_mem>>) src(%dma_wait3A_152 : memref<80xi32, #tpu.memory_space<hbm>>) dst(%arg14 : memref<80xi32, #tpu.memory_space<vmem>>)
    %dma_start3A_153 = arith.constant 0 : i32
    %dma_start3A_154 = arith.constant 0 : i32
    %dma_start3A_155 = tpu.memref_slice %arg10[%dma_start3A_153, %dma_start3A_154] : memref<10000x128xf32, #tpu.memory_space<vmem_shared>> -> memref<10000x128xf32, #tpu.memory_space<vmem_shared>>
    tpu.enqueue_indirect_dma source(%dma_start3A_155 : memref<10000x128xf32, #tpu.memory_space<vmem_shared>>) target(%arg21 : memref<80x128xf32, #tpu.memory_space<vmem>>) offsets(%arg13 : memref<80xi32, #tpu.memory_space<vmem>>) semaphore(%arg32 : memref<!tpu.dma_semaphore, #tpu.memory_space<semaphore_mem>>)
    %dma_start3A_156 = arith.constant 0 : i32
    %dma_start3A_157 = arith.constant 0 : i32
    %dma_start3A_158 = tpu.memref_slice %arg7[%dma_start3A_156, %dma_start3A_157] : memref<10000x128xf32, #tpu.memory_space<hbm>> -> memref<10000x128xf32, #tpu.memory_space<hbm>>
    tpu.enqueue_indirect_dma source(%dma_start3A_158 : memref<10000x128xf32, #tpu.memory_space<hbm>>) target(%arg22 : memref<80x128xf32, #tpu.memory_space<vmem>>) offsets(%arg14 : memref<80xi32, #tpu.memory_space<vmem>>) semaphore(%arg33 : memref<!tpu.dma_semaphore, #tpu.memory_space<semaphore_mem>>)
    %scan3A_159 = arith.constant 0 : i32
    %scan3A_160 = arith.constant 31 : i32
    %scan3A_161 = arith.addi %scan3A_159, %scan3A_160 : i32
    %scan3A_162 = arith.constant 1 : i32
    scf.for %scan3A_192 = %scan3A_159 to %scan3A_161 step %scan3A_162  : i32 {
      %mul3A_193 = arith.constant 1 : i32
      %mul3A_194 = arith.muli %scan3A_192, %mul3A_193 : i32
      %add3A_195 = arith.constant 0 : i32
      %add3A_196 = arith.addi %add3A_195, %mul3A_194 : i32
      %mul3A_197 = arith.constant 4 : i32
      %mul3A_198 = arith.muli %mul3A_197, %add3A_196 : i32
      %add3A_199 = arith.constant 0 : i32
      %add3A_200 = arith.addi %mul3A_198, %add3A_199 : i32
      %dma_wait3A_201 = arith.constant 0 : i32
      %dma_wait3A_202 = arith.constant 0 : i32
      %dma_wait3A_203 = tpu.memref_slice %arg10[%dma_wait3A_201, %dma_wait3A_202] : memref<10000x128xf32, #tpu.memory_space<vmem_shared>> -> memref<10000x128xf32, #tpu.memory_space<vmem_shared>>
      tpu.wait_indirect_dma semaphore(%arg30 : memref<!tpu.dma_semaphore, #tpu.memory_space<semaphore_mem>>) src(%dma_wait3A_203 : memref<10000x128xf32, #tpu.memory_space<vmem_shared>>) dst(%arg19 : memref<80x128xf32, #tpu.memory_space<vmem>>)
      %dma_wait3A_204 = arith.constant 0 : i32
      %dma_wait3A_205 = arith.constant 0 : i32
      %dma_wait3A_206 = tpu.memref_slice %arg7[%dma_wait3A_204, %dma_wait3A_205] : memref<10000x128xf32, #tpu.memory_space<hbm>> -> memref<10000x128xf32, #tpu.memory_space<hbm>>
      tpu.wait_indirect_dma semaphore(%arg31 : memref<!tpu.dma_semaphore, #tpu.memory_space<semaphore_mem>>) src(%dma_wait3A_206 : memref<10000x128xf32, #tpu.memory_space<hbm>>) dst(%arg20 : memref<80x128xf32, #tpu.memory_space<vmem>>)
      %add3A_207 = arith.constant 4 : i32
      %add3A_208 = arith.addi %add3A_200, %add3A_207 : i32
      %mul3A_209 = arith.constant 80 : i32
      %mul3A_210 = arith.muli %add3A_208, %mul3A_209 : i32
      %add3A_211 = arith.addi %mul3A_98, %mul3A_210 : i32
      %dma_start3A_212 = tpu.memref_slice %arg4[%add3A_211] : memref<320000xi32, #tpu.memory_space<hbm>> -> memref<80xi32, #tpu.memory_space<hbm>>
      %dma_start3A_213 = tpu.memref_slice %arg4[%add3A_211] : memref<320000xi32, #tpu.memory_space<hbm>> -> memref<80xi32, #tpu.memory_space<hbm>>
      tpu.enqueue_dma source(%dma_start3A_213 : memref<80xi32, #tpu.memory_space<hbm>>) target(%arg11 : memref<80xi32, #tpu.memory_space<vmem>>) target_semaphore(%arg26 : memref<!tpu.dma_semaphore, #tpu.memory_space<semaphore_mem>>)
      %mul3A_214 = arith.constant 80 : i32
      %mul3A_215 = arith.muli %add3A_208, %mul3A_214 : i32
      %add3A_216 = arith.addi %mul3A_98, %mul3A_215 : i32
      %dma_start3A_217 = tpu.memref_slice %arg5[%add3A_216] : memref<320000xi32, #tpu.memory_space<hbm>> -> memref<80xi32, #tpu.memory_space<hbm>>
      %dma_start3A_218 = tpu.memref_slice %arg5[%add3A_216] : memref<320000xi32, #tpu.memory_space<hbm>> -> memref<80xi32, #tpu.memory_space<hbm>>
      tpu.enqueue_dma source(%dma_start3A_218 : memref<80xi32, #tpu.memory_space<hbm>>) target(%arg12 : memref<80xi32, #tpu.memory_space<vmem>>) target_semaphore(%arg26 : memref<!tpu.dma_semaphore, #tpu.memory_space<semaphore_mem>>)
      %gt3A = arith.constant 0 : i32
      %gt3A_219 = arith.cmpi sgt, %add3A_196, %gt3A : i32
      %convert_element_type3A_220 = arith.extui %gt3A_219 : i1 to i32
      %cond3A_221 = arith.constant 0 : i32
      %cond3A_222 = arith.cmpi ne, %convert_element_type3A_220, %cond3A_221 : i32
      scf.if %cond3A_222 {
        %sub3A_382 = arith.constant 2 : i32
        %sub3A_383 = arith.subi %add3A_200, %sub3A_382 : i32
        %mul3A_384 = arith.constant 80 : i32
        %mul3A_385 = arith.muli %sub3A_383, %mul3A_384 : i32
        %add3A_386 = arith.addi %mul3A_98, %mul3A_385 : i32
        %dma_wait3A_387 = tpu.memref_slice %arg9[%add3A_386] : memref<320000xf32, #tpu.memory_space<hbm>> -> memref<80xf32, #tpu.memory_space<hbm>>
        %dma_wait3A_388 = tpu.memref_slice %arg9[%add3A_386] : memref<320000xf32, #tpu.memory_space<hbm>> -> memref<80xf32, #tpu.memory_space<hbm>>
        tpu.wait_dma2 semaphore(%arg34 : memref<!tpu.dma_semaphore, #tpu.memory_space<semaphore_mem>>) src(%arg23 : memref<80xf32, #tpu.memory_space<vmem>>) dst(%dma_wait3A_388 : memref<80xf32, #tpu.memory_space<hbm>>)
      } else {
      }
      %parallel_loop3A_223 = arith.constant 0 : i32
      %parallel_loop3A_224 = arith.constant 80 : i32
      %parallel_loop3A_225 = arith.constant 1 : i32
      scf.for %parallel_loop3A_382 = %parallel_loop3A_223 to %parallel_loop3A_224 step %parallel_loop3A_225  : i32 {
        %parallel_loop3A_383 = arith.index_cast %parallel_loop3A_382 : i32 to index
        %parallel_loop3A_384 = arith.constant 0 : index
        %parallel_loop3A_385 = tpu.vector_load %arg19[%parallel_loop3A_383, %parallel_loop3A_384] {strides = array<i32>} : memref<80x128xf32, #tpu.memory_space<vmem>>, vector<16xf32>,
        %parallel_loop3A_386 = arith.index_cast %parallel_loop3A_382 : i32 to index
        %parallel_loop3A_387 = arith.constant 0 : index
        %parallel_loop3A_388 = tpu.vector_load %arg20[%parallel_loop3A_386, %parallel_loop3A_387] {strides = array<i32>} : memref<80x128xf32, #tpu.memory_space<vmem>>, vector<16xf32>,
        %parallel_loop3A_389 = arith.mulf %parallel_loop3A_385, %parallel_loop3A_388 : vector<16xf32>
        %parallel_loop3A_390 = arith.index_cast %parallel_loop3A_382 : i32 to index
        %parallel_loop3A_391 = arith.constant 16 : index
        %parallel_loop3A_392 = tpu.vector_load %arg19[%parallel_loop3A_390, %parallel_loop3A_391] {strides = array<i32>} : memref<80x128xf32, #tpu.memory_space<vmem>>, vector<16xf32>,
        %parallel_loop3A_393 = arith.index_cast %parallel_loop3A_382 : i32 to index
        %parallel_loop3A_394 = arith.constant 16 : index
        %parallel_loop3A_395 = tpu.vector_load %arg20[%parallel_loop3A_393, %parallel_loop3A_394] {strides = array<i32>} : memref<80x128xf32, #tpu.memory_space<vmem>>, vector<16xf32>,
        %parallel_loop3A_396 = arith.mulf %parallel_loop3A_392, %parallel_loop3A_395 : vector<16xf32>
        %parallel_loop3A_397 = arith.addf %parallel_loop3A_389, %parallel_loop3A_396 : vector<16xf32>
        %parallel_loop3A_398 = arith.index_cast %parallel_loop3A_382 : i32 to index
        %parallel_loop3A_399 = arith.constant 32 : index
        %parallel_loop3A_400 = tpu.vector_load %arg19[%parallel_loop3A_398, %parallel_loop3A_399] {strides = array<i32>} : memref<80x128xf32, #tpu.memory_space<vmem>>, vector<16xf32>,
        %parallel_loop3A_401 = arith.index_cast %parallel_loop3A_382 : i32 to index
        %parallel_loop3A_402 = arith.constant 32 : index
        %parallel_loop3A_403 = tpu.vector_load %arg20[%parallel_loop3A_401, %parallel_loop3A_402] {strides = array<i32>} : memref<80x128xf32, #tpu.memory_space<vmem>>, vector<16xf32>,
        %parallel_loop3A_404 = arith.mulf %parallel_loop3A_400, %parallel_loop3A_403 : vector<16xf32>
        %parallel_loop3A_405 = arith.addf %parallel_loop3A_397, %parallel_loop3A_404 : vector<16xf32>
        %parallel_loop3A_406 = arith.index_cast %parallel_loop3A_382 : i32 to index
        %parallel_loop3A_407 = arith.constant 48 : index
        %parallel_loop3A_408 = tpu.vector_load %arg19[%parallel_loop3A_406, %parallel_loop3A_407] {strides = array<i32>} : memref<80x128xf32, #tpu.memory_space<vmem>>, vector<16xf32>,
        %parallel_loop3A_409 = arith.index_cast %parallel_loop3A_382 : i32 to index
        %parallel_loop3A_410 = arith.constant 48 : index
        %parallel_loop3A_411 = tpu.vector_load %arg20[%parallel_loop3A_409, %parallel_loop3A_410] {strides = array<i32>} : memref<80x128xf32, #tpu.memory_space<vmem>>, vector<16xf32>,
        %parallel_loop3A_412 = arith.mulf %parallel_loop3A_408, %parallel_loop3A_411 : vector<16xf32>
        %parallel_loop3A_413 = arith.addf %parallel_loop3A_405, %parallel_loop3A_412 : vector<16xf32>
        %parallel_loop3A_414 = arith.index_cast %parallel_loop3A_382 : i32 to index
        %parallel_loop3A_415 = arith.constant 64 : index
        %parallel_loop3A_416 = tpu.vector_load %arg19[%parallel_loop3A_414, %parallel_loop3A_415] {strides = array<i32>} : memref<80x128xf32, #tpu.memory_space<vmem>>, vector<16xf32>,
        %parallel_loop3A_417 = arith.index_cast %parallel_loop3A_382 : i32 to index
        %parallel_loop3A_418 = arith.constant 64 : index
        %parallel_loop3A_419 = tpu.vector_load %arg20[%parallel_loop3A_417, %parallel_loop3A_418] {strides = array<i32>} : memref<80x128xf32, #tpu.memory_space<vmem>>, vector<16xf32>,
        %parallel_loop3A_420 = arith.mulf %parallel_loop3A_416, %parallel_loop3A_419 : vector<16xf32>
        %parallel_loop3A_421 = arith.addf %parallel_loop3A_413, %parallel_loop3A_420 : vector<16xf32>
        %parallel_loop3A_422 = arith.index_cast %parallel_loop3A_382 : i32 to index
        %parallel_loop3A_423 = arith.constant 80 : index
        %parallel_loop3A_424 = tpu.vector_load %arg19[%parallel_loop3A_422, %parallel_loop3A_423] {strides = array<i32>} : memref<80x128xf32, #tpu.memory_space<vmem>>, vector<16xf32>,
        %parallel_loop3A_425 = arith.index_cast %parallel_loop3A_382 : i32 to index
        %parallel_loop3A_426 = arith.constant 80 : index
        %parallel_loop3A_427 = tpu.vector_load %arg20[%parallel_loop3A_425, %parallel_loop3A_426] {strides = array<i32>} : memref<80x128xf32, #tpu.memory_space<vmem>>, vector<16xf32>,
        %parallel_loop3A_428 = arith.mulf %parallel_loop3A_424, %parallel_loop3A_427 : vector<16xf32>
        %parallel_loop3A_429 = arith.addf %parallel_loop3A_421, %parallel_loop3A_428 : vector<16xf32>
        %parallel_loop3A_430 = arith.index_cast %parallel_loop3A_382 : i32 to index
        %parallel_loop3A_431 = arith.constant 96 : index
        %parallel_loop3A_432 = tpu.vector_load %arg19[%parallel_loop3A_430, %parallel_loop3A_431] {strides = array<i32>} : memref<80x128xf32, #tpu.memory_space<vmem>>, vector<16xf32>,
        %parallel_loop3A_433 = arith.index_cast %parallel_loop3A_382 : i32 to index
        %parallel_loop3A_434 = arith.constant 96 : index
        %parallel_loop3A_435 = tpu.vector_load %arg20[%parallel_loop3A_433, %parallel_loop3A_434] {strides = array<i32>} : memref<80x128xf32, #tpu.memory_space<vmem>>, vector<16xf32>,
        %parallel_loop3A_436 = arith.mulf %parallel_loop3A_432, %parallel_loop3A_435 : vector<16xf32>
        %parallel_loop3A_437 = arith.addf %parallel_loop3A_429, %parallel_loop3A_436 : vector<16xf32>
        %parallel_loop3A_438 = arith.index_cast %parallel_loop3A_382 : i32 to index
        %parallel_loop3A_439 = arith.constant 112 : index
        %parallel_loop3A_440 = tpu.vector_load %arg19[%parallel_loop3A_438, %parallel_loop3A_439] {strides = array<i32>} : memref<80x128xf32, #tpu.memory_space<vmem>>, vector<16xf32>,
        %parallel_loop3A_441 = arith.index_cast %parallel_loop3A_382 : i32 to index
        %parallel_loop3A_442 = arith.constant 112 : index
        %parallel_loop3A_443 = tpu.vector_load %arg20[%parallel_loop3A_441, %parallel_loop3A_442] {strides = array<i32>} : memref<80x128xf32, #tpu.memory_space<vmem>>, vector<16xf32>,
        %parallel_loop3A_444 = arith.mulf %parallel_loop3A_440, %parallel_loop3A_443 : vector<16xf32>
        %parallel_loop3A_445 = arith.addf %parallel_loop3A_437, %parallel_loop3A_444 : vector<16xf32>
        %parallel_loop3A_446 = arith.constant 17 : i32
        %parallel_loop3A_447 = arith.muli %parallel_loop3A_382, %parallel_loop3A_446 : i32
        %parallel_loop3A_448 = arith.index_cast %parallel_loop3A_447 : i32 to index
        %parallel_loop3A_449 = tpu.vector_load %arg25[%parallel_loop3A_448] {strides = array<i32>} : memref<1360xf32, #tpu.memory_space<vmem>>, vector<16xf32>,
        tpu.vector_store %arg25[%parallel_loop3A_448], %parallel_loop3A_445 {strides = array<i32>} : memref<1360xf32, #tpu.memory_space<vmem>>, vector<16xf32>,
      } {sc.loop_unroll_factor = 2 : i64, sc.parallel_access}
      %parallel_loop3A_226 = arith.constant 0 : i32
      %parallel_loop3A_227 = arith.constant 5 : i32
      %parallel_loop3A_228 = arith.constant 1 : i32
      scf.for %parallel_loop3A_382 = %parallel_loop3A_226 to %parallel_loop3A_227 step %parallel_loop3A_228  : i32 {
        %parallel_loop3A_383 = arith.constant 272 : i32
        %parallel_loop3A_384 = arith.muli %parallel_loop3A_382, %parallel_loop3A_383 : i32
        %parallel_loop3A_385 = vector.broadcast %parallel_loop3A_384 : i32 to vector<16xi32>
        %parallel_loop3A_386 = arith.addi %mul3A_3, %parallel_loop3A_385 : vector<16xi32>
        %parallel_loop3A_387 = tpu.vector_load_idx %arg25[%parallel_loop3A_386] : memref<1360xf32, #tpu.memory_space<vmem>>[vector<16xi32>], vector<16xf32>,
        %parallel_loop3A_388 = arith.constant 1 : i32
        %parallel_loop3A_389 = vector.broadcast %parallel_loop3A_388 : i32 to vector<16xi32>
        %parallel_loop3A_390 = arith.addi %parallel_loop3A_386, %parallel_loop3A_389 : vector<16xi32>
        %parallel_loop3A_391 = tpu.vector_load_idx %arg25[%parallel_loop3A_390] : memref<1360xf32, #tpu.memory_space<vmem>>[vector<16xi32>], vector<16xf32>,
        %parallel_loop3A_392 = arith.addf %parallel_loop3A_387, %parallel_loop3A_391 : vector<16xf32>
        %parallel_loop3A_393 = arith.constant 2 : i32
        %parallel_loop3A_394 = vector.broadcast %parallel_loop3A_393 : i32 to vector<16xi32>
        %parallel_loop3A_395 = arith.addi %parallel_loop3A_386, %parallel_loop3A_394 : vector<16xi32>
        %parallel_loop3A_396 = tpu.vector_load_idx %arg25[%parallel_loop3A_395] : memref<1360xf32, #tpu.memory_space<vmem>>[vector<16xi32>], vector<16xf32>,
        %parallel_loop3A_397 = arith.addf %parallel_loop3A_392, %parallel_loop3A_396 : vector<16xf32>
        %parallel_loop3A_398 = arith.constant 3 : i32
        %parallel_loop3A_399 = vector.broadcast %parallel_loop3A_398 : i32 to vector<16xi32>
        %parallel_loop3A_400 = arith.addi %parallel_loop3A_386, %parallel_loop3A_399 : vector<16xi32>
        %parallel_loop3A_401 = tpu.vector_load_idx %arg25[%parallel_loop3A_400] : memref<1360xf32, #tpu.memory_space<vmem>>[vector<16xi32>], vector<16xf32>,
        %parallel_loop3A_402 = arith.addf %parallel_loop3A_397, %parallel_loop3A_401 : vector<16xf32>
        %parallel_loop3A_403 = arith.constant 4 : i32
        %parallel_loop3A_404 = vector.broadcast %parallel_loop3A_403 : i32 to vector<16xi32>
        %parallel_loop3A_405 = arith.addi %parallel_loop3A_386, %parallel_loop3A_404 : vector<16xi32>
        %parallel_loop3A_406 = tpu.vector_load_idx %arg25[%parallel_loop3A_405] : memref<1360xf32, #tpu.memory_space<vmem>>[vector<16xi32>], vector<16xf32>,
        %parallel_loop3A_407 = arith.addf %parallel_loop3A_402, %parallel_loop3A_406 : vector<16xf32>
        %parallel_loop3A_408 = arith.constant 5 : i32
        %parallel_loop3A_409 = vector.broadcast %parallel_loop3A_408 : i32 to vector<16xi32>
        %parallel_loop3A_410 = arith.addi %parallel_loop3A_386, %parallel_loop3A_409 : vector<16xi32>
        %parallel_loop3A_411 = tpu.vector_load_idx %arg25[%parallel_loop3A_410] : memref<1360xf32, #tpu.memory_space<vmem>>[vector<16xi32>], vector<16xf32>,
        %parallel_loop3A_412 = arith.addf %parallel_loop3A_407, %parallel_loop3A_411 : vector<16xf32>
        %parallel_loop3A_413 = arith.constant 6 : i32
        %parallel_loop3A_414 = vector.broadcast %parallel_loop3A_413 : i32 to vector<16xi32>
        %parallel_loop3A_415 = arith.addi %parallel_loop3A_386, %parallel_loop3A_414 : vector<16xi32>
        %parallel_loop3A_416 = tpu.vector_load_idx %arg25[%parallel_loop3A_415] : memref<1360xf32, #tpu.memory_space<vmem>>[vector<16xi32>], vector<16xf32>,
        %parallel_loop3A_417 = arith.addf %parallel_loop3A_412, %parallel_loop3A_416 : vector<16xf32>
        %parallel_loop3A_418 = arith.constant 7 : i32
        %parallel_loop3A_419 = vector.broadcast %parallel_loop3A_418 : i32 to vector<16xi32>
        %parallel_loop3A_420 = arith.addi %parallel_loop3A_386, %parallel_loop3A_419 : vector<16xi32>
        %parallel_loop3A_421 = tpu.vector_load_idx %arg25[%parallel_loop3A_420] : memref<1360xf32, #tpu.memory_space<vmem>>[vector<16xi32>], vector<16xf32>,
        %parallel_loop3A_422 = arith.addf %parallel_loop3A_417, %parallel_loop3A_421 : vector<16xf32>
        %parallel_loop3A_423 = arith.constant 8 : i32
        %parallel_loop3A_424 = vector.broadcast %parallel_loop3A_423 : i32 to vector<16xi32>
        %parallel_loop3A_425 = arith.addi %parallel_loop3A_386, %parallel_loop3A_424 : vector<16xi32>
        %parallel_loop3A_426 = tpu.vector_load_idx %arg25[%parallel_loop3A_425] : memref<1360xf32, #tpu.memory_space<vmem>>[vector<16xi32>], vector<16xf32>,
        %parallel_loop3A_427 = arith.addf %parallel_loop3A_422, %parallel_loop3A_426 : vector<16xf32>
        %parallel_loop3A_428 = arith.constant 9 : i32
        %parallel_loop3A_429 = vector.broadcast %parallel_loop3A_428 : i32 to vector<16xi32>
        %parallel_loop3A_430 = arith.addi %parallel_loop3A_386, %parallel_loop3A_429 : vector<16xi32>
        %parallel_loop3A_431 = tpu.vector_load_idx %arg25[%parallel_loop3A_430] : memref<1360xf32, #tpu.memory_space<vmem>>[vector<16xi32>], vector<16xf32>,
        %parallel_loop3A_432 = arith.addf %parallel_loop3A_427, %parallel_loop3A_431 : vector<16xf32>
        %parallel_loop3A_433 = arith.constant 10 : i32
        %parallel_loop3A_434 = vector.broadcast %parallel_loop3A_433 : i32 to vector<16xi32>
        %parallel_loop3A_435 = arith.addi %parallel_loop3A_386, %parallel_loop3A_434 : vector<16xi32>
        %parallel_loop3A_436 = tpu.vector_load_idx %arg25[%parallel_loop3A_435] : memref<1360xf32, #tpu.memory_space<vmem>>[vector<16xi32>], vector<16xf32>,
        %parallel_loop3A_437 = arith.addf %parallel_loop3A_432, %parallel_loop3A_436 : vector<16xf32>
        %parallel_loop3A_438 = arith.constant 11 : i32
        %parallel_loop3A_439 = vector.broadcast %parallel_loop3A_438 : i32 to vector<16xi32>
        %parallel_loop3A_440 = arith.addi %parallel_loop3A_386, %parallel_loop3A_439 : vector<16xi32>
        %parallel_loop3A_441 = tpu.vector_load_idx %arg25[%parallel_loop3A_440] : memref<1360xf32, #tpu.memory_space<vmem>>[vector<16xi32>], vector<16xf32>,
        %parallel_loop3A_442 = arith.addf %parallel_loop3A_437, %parallel_loop3A_441 : vector<16xf32>
        %parallel_loop3A_443 = arith.constant 12 : i32
        %parallel_loop3A_444 = vector.broadcast %parallel_loop3A_443 : i32 to vector<16xi32>
        %parallel_loop3A_445 = arith.addi %parallel_loop3A_386, %parallel_loop3A_444 : vector<16xi32>
        %parallel_loop3A_446 = tpu.vector_load_idx %arg25[%parallel_loop3A_445] : memref<1360xf32, #tpu.memory_space<vmem>>[vector<16xi32>], vector<16xf32>,
        %parallel_loop3A_447 = arith.addf %parallel_loop3A_442, %parallel_loop3A_446 : vector<16xf32>
        %parallel_loop3A_448 = arith.constant 13 : i32
        %parallel_loop3A_449 = vector.broadcast %parallel_loop3A_448 : i32 to vector<16xi32>
        %parallel_loop3A_450 = arith.addi %parallel_loop3A_386, %parallel_loop3A_449 : vector<16xi32>
        %parallel_loop3A_451 = tpu.vector_load_idx %arg25[%parallel_loop3A_450] : memref<1360xf32, #tpu.memory_space<vmem>>[vector<16xi32>], vector<16xf32>,
        %parallel_loop3A_452 = arith.addf %parallel_loop3A_447, %parallel_loop3A_451 : vector<16xf32>
        %parallel_loop3A_453 = arith.constant 14 : i32
        %parallel_loop3A_454 = vector.broadcast %parallel_loop3A_453 : i32 to vector<16xi32>
        %parallel_loop3A_455 = arith.addi %parallel_loop3A_386, %parallel_loop3A_454 : vector<16xi32>
        %parallel_loop3A_456 = tpu.vector_load_idx %arg25[%parallel_loop3A_455] : memref<1360xf32, #tpu.memory_space<vmem>>[vector<16xi32>], vector<16xf32>,
        %parallel_loop3A_457 = arith.addf %parallel_loop3A_452, %parallel_loop3A_456 : vector<16xf32>
        %parallel_loop3A_458 = arith.constant 15 : i32
        %parallel_loop3A_459 = vector.broadcast %parallel_loop3A_458 : i32 to vector<16xi32>
        %parallel_loop3A_460 = arith.addi %parallel_loop3A_386, %parallel_loop3A_459 : vector<16xi32>
        %parallel_loop3A_461 = tpu.vector_load_idx %arg25[%parallel_loop3A_460] : memref<1360xf32, #tpu.memory_space<vmem>>[vector<16xi32>], vector<16xf32>,
        %parallel_loop3A_462 = arith.addf %parallel_loop3A_457, %parallel_loop3A_461 : vector<16xf32>
        %parallel_loop3A_463 = arith.constant 0.000000e+00 : f32
        %parallel_loop3A_464 = vector.broadcast %parallel_loop3A_463 : f32 to vector<16xf32>
        %parallel_loop3A_465 = arith.subf %parallel_loop3A_464, %parallel_loop3A_462 : vector<16xf32>
        %parallel_loop3A_466 = math.exp %parallel_loop3A_465 : vector<16xf32>
        %parallel_loop3A_467 = arith.constant 1.000000e+00 : f32
        %parallel_loop3A_468 = vector.broadcast %parallel_loop3A_467 : f32 to vector<16xf32>
        %parallel_loop3A_469 = arith.addf %parallel_loop3A_468, %parallel_loop3A_466 : vector<16xf32>
        %parallel_loop3A_470 = arith.constant 1.000000e+00 : f32
        %parallel_loop3A_471 = vector.broadcast %parallel_loop3A_470 : f32 to vector<16xf32>
        %parallel_loop3A_472 = arith.divf %parallel_loop3A_471, %parallel_loop3A_469 : vector<16xf32>
        %parallel_loop3A_473 = arith.constant 16 : i32
        %parallel_loop3A_474 = arith.muli %parallel_loop3A_382, %parallel_loop3A_473 : i32
        %parallel_loop3A_475 = arith.index_cast %parallel_loop3A_474 : i32 to index
        %parallel_loop3A_476 = tpu.vector_load %arg23[%parallel_loop3A_475] {strides = array<i32>} : memref<80xf32, #tpu.memory_space<vmem>>, vector<16xf32>,
        tpu.vector_store %arg23[%parallel_loop3A_475], %parallel_loop3A_472 {strides = array<i32>} : memref<80xf32, #tpu.memory_space<vmem>>, vector<16xf32>,
      } {sc.loop_unroll_factor = 1 : i64, sc.parallel_access}
      %mul3A_229 = arith.constant 80 : i32
      %mul3A_230 = arith.muli %add3A_200, %mul3A_229 : i32
      %add3A_231 = arith.addi %mul3A_98, %mul3A_230 : i32
      %dma_start3A_232 = tpu.memref_slice %arg9[%add3A_231] : memref<320000xf32, #tpu.memory_space<hbm>> -> memref<80xf32, #tpu.memory_space<hbm>>
      %dma_start3A_233 = tpu.memref_slice %arg9[%add3A_231] : memref<320000xf32, #tpu.memory_space<hbm>> -> memref<80xf32, #tpu.memory_space<hbm>>
      tpu.enqueue_dma source(%arg23 : memref<80xf32, #tpu.memory_space<vmem>>) target(%dma_start3A_233 : memref<80xf32, #tpu.memory_space<hbm>>) target_semaphore(%arg34 : memref<!tpu.dma_semaphore, #tpu.memory_space<semaphore_mem>>)
      %add3A_234 = arith.constant 2 : i32
      %add3A_235 = arith.addi %add3A_200, %add3A_234 : i32
      %mul3A_236 = arith.constant 80 : i32
      %mul3A_237 = arith.muli %add3A_235, %mul3A_236 : i32
      %add3A_238 = arith.addi %mul3A_98, %mul3A_237 : i32
      %dma_wait3A_239 = tpu.memref_slice %arg4[%add3A_238] : memref<320000xi32, #tpu.memory_space<hbm>> -> memref<80xi32, #tpu.memory_space<hbm>>
      %dma_wait3A_240 = tpu.memref_slice %arg4[%add3A_238] : memref<320000xi32, #tpu.memory_space<hbm>> -> memref<80xi32, #tpu.memory_space<hbm>>
      tpu.wait_dma2 semaphore(%arg28 : memref<!tpu.dma_semaphore, #tpu.memory_space<semaphore_mem>>) src(%dma_wait3A_240 : memref<80xi32, #tpu.memory_space<hbm>>) dst(%arg15 : memref<80xi32, #tpu.memory_space<vmem>>)
      %mul3A_241 = arith.constant 80 : i32
      %mul3A_242 = arith.muli %add3A_235, %mul3A_241 : i32
      %add3A_243 = arith.addi %mul3A_98, %mul3A_242 : i32
      %dma_wait3A_244 = tpu.memref_slice %arg5[%add3A_243] : memref<320000xi32, #tpu.memory_space<hbm>> -> memref<80xi32, #tpu.memory_space<hbm>>
      %dma_wait3A_245 = tpu.memref_slice %arg5[%add3A_243] : memref<320000xi32, #tpu.memory_space<hbm>> -> memref<80xi32, #tpu.memory_space<hbm>>
      tpu.wait_dma2 semaphore(%arg28 : memref<!tpu.dma_semaphore, #tpu.memory_space<semaphore_mem>>) src(%dma_wait3A_245 : memref<80xi32, #tpu.memory_space<hbm>>) dst(%arg16 : memref<80xi32, #tpu.memory_space<vmem>>)
      %dma_start3A_246 = arith.constant 0 : i32
      %dma_start3A_247 = arith.constant 0 : i32
      %dma_start3A_248 = tpu.memref_slice %arg10[%dma_start3A_246, %dma_start3A_247] : memref<10000x128xf32, #tpu.memory_space<vmem_shared>> -> memref<10000x128xf32, #tpu.memory_space<vmem_shared>>
      tpu.enqueue_indirect_dma source(%dma_start3A_248 : memref<10000x128xf32, #tpu.memory_space<vmem_shared>>) target(%arg19 : memref<80x128xf32, #tpu.memory_space<vmem>>) offsets(%arg15 : memref<80xi32, #tpu.memory_space<vmem>>) semaphore(%arg30 : memref<!tpu.dma_semaphore, #tpu.memory_space<semaphore_mem>>)
      %dma_start3A_249 = arith.constant 0 : i32
      %dma_start3A_250 = arith.constant 0 : i32
      %dma_start3A_251 = tpu.memref_slice %arg7[%dma_start3A_249, %dma_start3A_250] : memref<10000x128xf32, #tpu.memory_space<hbm>> -> memref<10000x128xf32, #tpu.memory_space<hbm>>
      tpu.enqueue_indirect_dma source(%dma_start3A_251 : memref<10000x128xf32, #tpu.memory_space<hbm>>) target(%arg20 : memref<80x128xf32, #tpu.memory_space<vmem>>) offsets(%arg16 : memref<80xi32, #tpu.memory_space<vmem>>) semaphore(%arg31 : memref<!tpu.dma_semaphore, #tpu.memory_space<semaphore_mem>>)
      %add3A_252 = arith.constant 1 : i32
      %add3A_253 = arith.addi %mul3A_198, %add3A_252 : i32
      %dma_wait3A_254 = arith.constant 0 : i32
      %dma_wait3A_255 = arith.constant 0 : i32
      %dma_wait3A_256 = tpu.memref_slice %arg10[%dma_wait3A_254, %dma_wait3A_255] : memref<10000x128xf32, #tpu.memory_space<vmem_shared>> -> memref<10000x128xf32, #tpu.memory_space<vmem_shared>>
      tpu.wait_indirect_dma semaphore(%arg32 : memref<!tpu.dma_semaphore, #tpu.memory_space<semaphore_mem>>) src(%dma_wait3A_256 : memref<10000x128xf32, #tpu.memory_space<vmem_shared>>) dst(%arg21 : memref<80x128xf32, #tpu.memory_space<vmem>>)
      %dma_wait3A_257 = arith.constant 0 : i32
      %dma_wait3A_258 = arith.constant 0 : i32
      %dma_wait3A_259 = tpu.memref_slice %arg7[%dma_wait3A_257, %dma_wait3A_258] : memref<10000x128xf32, #tpu.memory_space<hbm>> -> memref<10000x128xf32, #tpu.memory_space<hbm>>
      tpu.wait_indirect_dma semaphore(%arg33 : memref<!tpu.dma_semaphore, #tpu.memory_space<semaphore_mem>>) src(%dma_wait3A_259 : memref<10000x128xf32, #tpu.memory_space<hbm>>) dst(%arg22 : memref<80x128xf32, #tpu.memory_space<vmem>>)
      %lt3A = arith.constant 30 : i32
      %lt3A_260 = arith.cmpi slt, %add3A_196, %lt3A : i32
      %convert_element_type3A_261 = arith.extui %lt3A_260 : i1 to i32
      %cond3A_262 = arith.constant 0 : i32
      %cond3A_263 = arith.cmpi ne, %convert_element_type3A_261, %cond3A_262 : i32
      scf.if %cond3A_263 {
        %add3A_382 = arith.constant 4 : i32
        %add3A_383 = arith.addi %add3A_253, %add3A_382 : i32
        %mul3A_384 = arith.constant 80 : i32
        %mul3A_385 = arith.muli %add3A_383, %mul3A_384 : i32
        %add3A_386 = arith.addi %mul3A_98, %mul3A_385 : i32
        %dma_start3A_387 = tpu.memref_slice %arg4[%add3A_386] : memref<320000xi32, #tpu.memory_space<hbm>> -> memref<80xi32, #tpu.memory_space<hbm>>
        %dma_start3A_388 = tpu.memref_slice %arg4[%add3A_386] : memref<320000xi32, #tpu.memory_space<hbm>> -> memref<80xi32, #tpu.memory_space<hbm>>
        tpu.enqueue_dma source(%dma_start3A_388 : memref<80xi32, #tpu.memory_space<hbm>>) target(%arg13 : memref<80xi32, #tpu.memory_space<vmem>>) target_semaphore(%arg27 : memref<!tpu.dma_semaphore, #tpu.memory_space<semaphore_mem>>)
        %mul3A_389 = arith.constant 80 : i32
        %mul3A_390 = arith.muli %add3A_383, %mul3A_389 : i32
        %add3A_391 = arith.addi %mul3A_98, %mul3A_390 : i32
        %dma_start3A_392 = tpu.memref_slice %arg5[%add3A_391] : memref<320000xi32, #tpu.memory_space<hbm>> -> memref<80xi32, #tpu.memory_space<hbm>>
        %dma_start3A_393 = tpu.memref_slice %arg5[%add3A_391] : memref<320000xi32, #tpu.memory_space<hbm>> -> memref<80xi32, #tpu.memory_space<hbm>>
        tpu.enqueue_dma source(%dma_start3A_393 : memref<80xi32, #tpu.memory_space<hbm>>) target(%arg14 : memref<80xi32, #tpu.memory_space<vmem>>) target_semaphore(%arg27 : memref<!tpu.dma_semaphore, #tpu.memory_space<semaphore_mem>>)
      } else {
      }
      %gt3A_264 = arith.constant 0 : i32
      %gt3A_265 = arith.cmpi sgt, %add3A_196, %gt3A_264 : i32
      %convert_element_type3A_266 = arith.extui %gt3A_265 : i1 to i32
      %cond3A_267 = arith.constant 0 : i32
      %cond3A_268 = arith.cmpi ne, %convert_element_type3A_266, %cond3A_267 : i32
      scf.if %cond3A_268 {
        %sub3A_382 = arith.constant 2 : i32
        %sub3A_383 = arith.subi %add3A_253, %sub3A_382 : i32
        %mul3A_384 = arith.constant 80 : i32
        %mul3A_385 = arith.muli %sub3A_383, %mul3A_384 : i32
        %add3A_386 = arith.addi %mul3A_98, %mul3A_385 : i32
        %dma_wait3A_387 = tpu.memref_slice %arg9[%add3A_386] : memref<320000xf32, #tpu.memory_space<hbm>> -> memref<80xf32, #tpu.memory_space<hbm>>
        %dma_wait3A_388 = tpu.memref_slice %arg9[%add3A_386] : memref<320000xf32, #tpu.memory_space<hbm>> -> memref<80xf32, #tpu.memory_space<hbm>>
        tpu.wait_dma2 semaphore(%arg35 : memref<!tpu.dma_semaphore, #tpu.memory_space<semaphore_mem>>) src(%arg24 : memref<80xf32, #tpu.memory_space<vmem>>) dst(%dma_wait3A_388 : memref<80xf32, #tpu.memory_space<hbm>>)
      } else {
      }
      %parallel_loop3A_269 = arith.constant 0 : i32
      %parallel_loop3A_270 = arith.constant 80 : i32
      %parallel_loop3A_271 = arith.constant 1 : i32
      scf.for %parallel_loop3A_382 = %parallel_loop3A_269 to %parallel_loop3A_270 step %parallel_loop3A_271  : i32 {
        %parallel_loop3A_383 = arith.index_cast %parallel_loop3A_382 : i32 to index
        %parallel_loop3A_384 = arith.constant 0 : index
        %parallel_loop3A_385 = tpu.vector_load %arg21[%parallel_loop3A_383, %parallel_loop3A_384] {strides = array<i32>} : memref<80x128xf32, #tpu.memory_space<vmem>>, vector<16xf32>,
        %parallel_loop3A_386 = arith.index_cast %parallel_loop3A_382 : i32 to index
        %parallel_loop3A_387 = arith.constant 0 : index
        %parallel_loop3A_388 = tpu.vector_load %arg22[%parallel_loop3A_386, %parallel_loop3A_387] {strides = array<i32>} : memref<80x128xf32, #tpu.memory_space<vmem>>, vector<16xf32>,
        %parallel_loop3A_389 = arith.mulf %parallel_loop3A_385, %parallel_loop3A_388 : vector<16xf32>
        %parallel_loop3A_390 = arith.index_cast %parallel_loop3A_382 : i32 to index
        %parallel_loop3A_391 = arith.constant 16 : index
        %parallel_loop3A_392 = tpu.vector_load %arg21[%parallel_loop3A_390, %parallel_loop3A_391] {strides = array<i32>} : memref<80x128xf32, #tpu.memory_space<vmem>>, vector<16xf32>,
        %parallel_loop3A_393 = arith.index_cast %parallel_loop3A_382 : i32 to index
        %parallel_loop3A_394 = arith.constant 16 : index
        %parallel_loop3A_395 = tpu.vector_load %arg22[%parallel_loop3A_393, %parallel_loop3A_394] {strides = array<i32>} : memref<80x128xf32, #tpu.memory_space<vmem>>, vector<16xf32>,
        %parallel_loop3A_396 = arith.mulf %parallel_loop3A_392, %parallel_loop3A_395 : vector<16xf32>
        %parallel_loop3A_397 = arith.addf %parallel_loop3A_389, %parallel_loop3A_396 : vector<16xf32>
        %parallel_loop3A_398 = arith.index_cast %parallel_loop3A_382 : i32 to index
        %parallel_loop3A_399 = arith.constant 32 : index
        %parallel_loop3A_400 = tpu.vector_load %arg21[%parallel_loop3A_398, %parallel_loop3A_399] {strides = array<i32>} : memref<80x128xf32, #tpu.memory_space<vmem>>, vector<16xf32>,
        %parallel_loop3A_401 = arith.index_cast %parallel_loop3A_382 : i32 to index
        %parallel_loop3A_402 = arith.constant 32 : index
        %parallel_loop3A_403 = tpu.vector_load %arg22[%parallel_loop3A_401, %parallel_loop3A_402] {strides = array<i32>} : memref<80x128xf32, #tpu.memory_space<vmem>>, vector<16xf32>,
        %parallel_loop3A_404 = arith.mulf %parallel_loop3A_400, %parallel_loop3A_403 : vector<16xf32>
        %parallel_loop3A_405 = arith.addf %parallel_loop3A_397, %parallel_loop3A_404 : vector<16xf32>
        %parallel_loop3A_406 = arith.index_cast %parallel_loop3A_382 : i32 to index
        %parallel_loop3A_407 = arith.constant 48 : index
        %parallel_loop3A_408 = tpu.vector_load %arg21[%parallel_loop3A_406, %parallel_loop3A_407] {strides = array<i32>} : memref<80x128xf32, #tpu.memory_space<vmem>>, vector<16xf32>,
        %parallel_loop3A_409 = arith.index_cast %parallel_loop3A_382 : i32 to index
        %parallel_loop3A_410 = arith.constant 48 : index
        %parallel_loop3A_411 = tpu.vector_load %arg22[%parallel_loop3A_409, %parallel_loop3A_410] {strides = array<i32>} : memref<80x128xf32, #tpu.memory_space<vmem>>, vector<16xf32>,
        %parallel_loop3A_412 = arith.mulf %parallel_loop3A_408, %parallel_loop3A_411 : vector<16xf32>
        %parallel_loop3A_413 = arith.addf %parallel_loop3A_405, %parallel_loop3A_412 : vector<16xf32>
        %parallel_loop3A_414 = arith.index_cast %parallel_loop3A_382 : i32 to index
        %parallel_loop3A_415 = arith.constant 64 : index
        %parallel_loop3A_416 = tpu.vector_load %arg21[%parallel_loop3A_414, %parallel_loop3A_415] {strides = array<i32>} : memref<80x128xf32, #tpu.memory_space<vmem>>, vector<16xf32>,
        %parallel_loop3A_417 = arith.index_cast %parallel_loop3A_382 : i32 to index
        %parallel_loop3A_418 = arith.constant 64 : index
        %parallel_loop3A_419 = tpu.vector_load %arg22[%parallel_loop3A_417, %parallel_loop3A_418] {strides = array<i32>} : memref<80x128xf32, #tpu.memory_space<vmem>>, vector<16xf32>,
        %parallel_loop3A_420 = arith.mulf %parallel_loop3A_416, %parallel_loop3A_419 : vector<16xf32>
        %parallel_loop3A_421 = arith.addf %parallel_loop3A_413, %parallel_loop3A_420 : vector<16xf32>
        %parallel_loop3A_422 = arith.index_cast %parallel_loop3A_382 : i32 to index
        %parallel_loop3A_423 = arith.constant 80 : index
        %parallel_loop3A_424 = tpu.vector_load %arg21[%parallel_loop3A_422, %parallel_loop3A_423] {strides = array<i32>} : memref<80x128xf32, #tpu.memory_space<vmem>>, vector<16xf32>,
        %parallel_loop3A_425 = arith.index_cast %parallel_loop3A_382 : i32 to index
        %parallel_loop3A_426 = arith.constant 80 : index
        %parallel_loop3A_427 = tpu.vector_load %arg22[%parallel_loop3A_425, %parallel_loop3A_426] {strides = array<i32>} : memref<80x128xf32, #tpu.memory_space<vmem>>, vector<16xf32>,
        %parallel_loop3A_428 = arith.mulf %parallel_loop3A_424, %parallel_loop3A_427 : vector<16xf32>
        %parallel_loop3A_429 = arith.addf %parallel_loop3A_421, %parallel_loop3A_428 : vector<16xf32>
        %parallel_loop3A_430 = arith.index_cast %parallel_loop3A_382 : i32 to index
        %parallel_loop3A_431 = arith.constant 96 : index
        %parallel_loop3A_432 = tpu.vector_load %arg21[%parallel_loop3A_430, %parallel_loop3A_431] {strides = array<i32>} : memref<80x128xf32, #tpu.memory_space<vmem>>, vector<16xf32>,
        %parallel_loop3A_433 = arith.index_cast %parallel_loop3A_382 : i32 to index
        %parallel_loop3A_434 = arith.constant 96 : index
        %parallel_loop3A_435 = tpu.vector_load %arg22[%parallel_loop3A_433, %parallel_loop3A_434] {strides = array<i32>} : memref<80x128xf32, #tpu.memory_space<vmem>>, vector<16xf32>,
        %parallel_loop3A_436 = arith.mulf %parallel_loop3A_432, %parallel_loop3A_435 : vector<16xf32>
        %parallel_loop3A_437 = arith.addf %parallel_loop3A_429, %parallel_loop3A_436 : vector<16xf32>
        %parallel_loop3A_438 = arith.index_cast %parallel_loop3A_382 : i32 to index
        %parallel_loop3A_439 = arith.constant 112 : index
        %parallel_loop3A_440 = tpu.vector_load %arg21[%parallel_loop3A_438, %parallel_loop3A_439] {strides = array<i32>} : memref<80x128xf32, #tpu.memory_space<vmem>>, vector<16xf32>,
        %parallel_loop3A_441 = arith.index_cast %parallel_loop3A_382 : i32 to index
        %parallel_loop3A_442 = arith.constant 112 : index
        %parallel_loop3A_443 = tpu.vector_load %arg22[%parallel_loop3A_441, %parallel_loop3A_442] {strides = array<i32>} : memref<80x128xf32, #tpu.memory_space<vmem>>, vector<16xf32>,
        %parallel_loop3A_444 = arith.mulf %parallel_loop3A_440, %parallel_loop3A_443 : vector<16xf32>
        %parallel_loop3A_445 = arith.addf %parallel_loop3A_437, %parallel_loop3A_444 : vector<16xf32>
        %parallel_loop3A_446 = arith.constant 17 : i32
        %parallel_loop3A_447 = arith.muli %parallel_loop3A_382, %parallel_loop3A_446 : i32
        %parallel_loop3A_448 = arith.index_cast %parallel_loop3A_447 : i32 to index
        %parallel_loop3A_449 = tpu.vector_load %arg25[%parallel_loop3A_448] {strides = array<i32>} : memref<1360xf32, #tpu.memory_space<vmem>>, vector<16xf32>,
        tpu.vector_store %arg25[%parallel_loop3A_448], %parallel_loop3A_445 {strides = array<i32>} : memref<1360xf32, #tpu.memory_space<vmem>>, vector<16xf32>,
      } {sc.loop_unroll_factor = 2 : i64, sc.parallel_access}
      %parallel_loop3A_272 = arith.constant 0 : i32
      %parallel_loop3A_273 = arith.constant 5 : i32
      %parallel_loop3A_274 = arith.constant 1 : i32
      scf.for %parallel_loop3A_382 = %parallel_loop3A_272 to %parallel_loop3A_273 step %parallel_loop3A_274  : i32 {
        %parallel_loop3A_383 = arith.constant 272 : i32
        %parallel_loop3A_384 = arith.muli %parallel_loop3A_382, %parallel_loop3A_383 : i32
        %parallel_loop3A_385 = vector.broadcast %parallel_loop3A_384 : i32 to vector<16xi32>
        %parallel_loop3A_386 = arith.addi %mul3A_3, %parallel_loop3A_385 : vector<16xi32>
        %parallel_loop3A_387 = tpu.vector_load_idx %arg25[%parallel_loop3A_386] : memref<1360xf32, #tpu.memory_space<vmem>>[vector<16xi32>], vector<16xf32>,
        %parallel_loop3A_388 = arith.constant 1 : i32
        %parallel_loop3A_389 = vector.broadcast %parallel_loop3A_388 : i32 to vector<16xi32>
        %parallel_loop3A_390 = arith.addi %parallel_loop3A_386, %parallel_loop3A_389 : vector<16xi32>
        %parallel_loop3A_391 = tpu.vector_load_idx %arg25[%parallel_loop3A_390] : memref<1360xf32, #tpu.memory_space<vmem>>[vector<16xi32>], vector<16xf32>,
        %parallel_loop3A_392 = arith.addf %parallel_loop3A_387, %parallel_loop3A_391 : vector<16xf32>
        %parallel_loop3A_393 = arith.constant 2 : i32
        %parallel_loop3A_394 = vector.broadcast %parallel_loop3A_393 : i32 to vector<16xi32>
        %parallel_loop3A_395 = arith.addi %parallel_loop3A_386, %parallel_loop3A_394 : vector<16xi32>
        %parallel_loop3A_396 = tpu.vector_load_idx %arg25[%parallel_loop3A_395] : memref<1360xf32, #tpu.memory_space<vmem>>[vector<16xi32>], vector<16xf32>,
        %parallel_loop3A_397 = arith.addf %parallel_loop3A_392, %parallel_loop3A_396 : vector<16xf32>
        %parallel_loop3A_398 = arith.constant 3 : i32
        %parallel_loop3A_399 = vector.broadcast %parallel_loop3A_398 : i32 to vector<16xi32>
        %parallel_loop3A_400 = arith.addi %parallel_loop3A_386, %parallel_loop3A_399 : vector<16xi32>
        %parallel_loop3A_401 = tpu.vector_load_idx %arg25[%parallel_loop3A_400] : memref<1360xf32, #tpu.memory_space<vmem>>[vector<16xi32>], vector<16xf32>,
        %parallel_loop3A_402 = arith.addf %parallel_loop3A_397, %parallel_loop3A_401 : vector<16xf32>
        %parallel_loop3A_403 = arith.constant 4 : i32
        %parallel_loop3A_404 = vector.broadcast %parallel_loop3A_403 : i32 to vector<16xi32>
        %parallel_loop3A_405 = arith.addi %parallel_loop3A_386, %parallel_loop3A_404 : vector<16xi32>
        %parallel_loop3A_406 = tpu.vector_load_idx %arg25[%parallel_loop3A_405] : memref<1360xf32, #tpu.memory_space<vmem>>[vector<16xi32>], vector<16xf32>,
        %parallel_loop3A_407 = arith.addf %parallel_loop3A_402, %parallel_loop3A_406 : vector<16xf32>
        %parallel_loop3A_408 = arith.constant 5 : i32
        %parallel_loop3A_409 = vector.broadcast %parallel_loop3A_408 : i32 to vector<16xi32>
        %parallel_loop3A_410 = arith.addi %parallel_loop3A_386, %parallel_loop3A_409 : vector<16xi32>
        %parallel_loop3A_411 = tpu.vector_load_idx %arg25[%parallel_loop3A_410] : memref<1360xf32, #tpu.memory_space<vmem>>[vector<16xi32>], vector<16xf32>,
        %parallel_loop3A_412 = arith.addf %parallel_loop3A_407, %parallel_loop3A_411 : vector<16xf32>
        %parallel_loop3A_413 = arith.constant 6 : i32
        %parallel_loop3A_414 = vector.broadcast %parallel_loop3A_413 : i32 to vector<16xi32>
        %parallel_loop3A_415 = arith.addi %parallel_loop3A_386, %parallel_loop3A_414 : vector<16xi32>
        %parallel_loop3A_416 = tpu.vector_load_idx %arg25[%parallel_loop3A_415] : memref<1360xf32, #tpu.memory_space<vmem>>[vector<16xi32>], vector<16xf32>,
        %parallel_loop3A_417 = arith.addf %parallel_loop3A_412, %parallel_loop3A_416 : vector<16xf32>
        %parallel_loop3A_418 = arith.constant 7 : i32
        %parallel_loop3A_419 = vector.broadcast %parallel_loop3A_418 : i32 to vector<16xi32>
        %parallel_loop3A_420 = arith.addi %parallel_loop3A_386, %parallel_loop3A_419 : vector<16xi32>
        %parallel_loop3A_421 = tpu.vector_load_idx %arg25[%parallel_loop3A_420] : memref<1360xf32, #tpu.memory_space<vmem>>[vector<16xi32>], vector<16xf32>,
        %parallel_loop3A_422 = arith.addf %parallel_loop3A_417, %parallel_loop3A_421 : vector<16xf32>
        %parallel_loop3A_423 = arith.constant 8 : i32
        %parallel_loop3A_424 = vector.broadcast %parallel_loop3A_423 : i32 to vector<16xi32>
        %parallel_loop3A_425 = arith.addi %parallel_loop3A_386, %parallel_loop3A_424 : vector<16xi32>
        %parallel_loop3A_426 = tpu.vector_load_idx %arg25[%parallel_loop3A_425] : memref<1360xf32, #tpu.memory_space<vmem>>[vector<16xi32>], vector<16xf32>,
        %parallel_loop3A_427 = arith.addf %parallel_loop3A_422, %parallel_loop3A_426 : vector<16xf32>
        %parallel_loop3A_428 = arith.constant 9 : i32
        %parallel_loop3A_429 = vector.broadcast %parallel_loop3A_428 : i32 to vector<16xi32>
        %parallel_loop3A_430 = arith.addi %parallel_loop3A_386, %parallel_loop3A_429 : vector<16xi32>
        %parallel_loop3A_431 = tpu.vector_load_idx %arg25[%parallel_loop3A_430] : memref<1360xf32, #tpu.memory_space<vmem>>[vector<16xi32>], vector<16xf32>,
        %parallel_loop3A_432 = arith.addf %parallel_loop3A_427, %parallel_loop3A_431 : vector<16xf32>
        %parallel_loop3A_433 = arith.constant 10 : i32
        %parallel_loop3A_434 = vector.broadcast %parallel_loop3A_433 : i32 to vector<16xi32>
        %parallel_loop3A_435 = arith.addi %parallel_loop3A_386, %parallel_loop3A_434 : vector<16xi32>
        %parallel_loop3A_436 = tpu.vector_load_idx %arg25[%parallel_loop3A_435] : memref<1360xf32, #tpu.memory_space<vmem>>[vector<16xi32>], vector<16xf32>,
        %parallel_loop3A_437 = arith.addf %parallel_loop3A_432, %parallel_loop3A_436 : vector<16xf32>
        %parallel_loop3A_438 = arith.constant 11 : i32
        %parallel_loop3A_439 = vector.broadcast %parallel_loop3A_438 : i32 to vector<16xi32>
        %parallel_loop3A_440 = arith.addi %parallel_loop3A_386, %parallel_loop3A_439 : vector<16xi32>
        %parallel_loop3A_441 = tpu.vector_load_idx %arg25[%parallel_loop3A_440] : memref<1360xf32, #tpu.memory_space<vmem>>[vector<16xi32>], vector<16xf32>,
        %parallel_loop3A_442 = arith.addf %parallel_loop3A_437, %parallel_loop3A_441 : vector<16xf32>
        %parallel_loop3A_443 = arith.constant 12 : i32
        %parallel_loop3A_444 = vector.broadcast %parallel_loop3A_443 : i32 to vector<16xi32>
        %parallel_loop3A_445 = arith.addi %parallel_loop3A_386, %parallel_loop3A_444 : vector<16xi32>
        %parallel_loop3A_446 = tpu.vector_load_idx %arg25[%parallel_loop3A_445] : memref<1360xf32, #tpu.memory_space<vmem>>[vector<16xi32>], vector<16xf32>,
        %parallel_loop3A_447 = arith.addf %parallel_loop3A_442, %parallel_loop3A_446 : vector<16xf32>
        %parallel_loop3A_448 = arith.constant 13 : i32
        %parallel_loop3A_449 = vector.broadcast %parallel_loop3A_448 : i32 to vector<16xi32>
        %parallel_loop3A_450 = arith.addi %parallel_loop3A_386, %parallel_loop3A_449 : vector<16xi32>
        %parallel_loop3A_451 = tpu.vector_load_idx %arg25[%parallel_loop3A_450] : memref<1360xf32, #tpu.memory_space<vmem>>[vector<16xi32>], vector<16xf32>,
        %parallel_loop3A_452 = arith.addf %parallel_loop3A_447, %parallel_loop3A_451 : vector<16xf32>
        %parallel_loop3A_453 = arith.constant 14 : i32
        %parallel_loop3A_454 = vector.broadcast %parallel_loop3A_453 : i32 to vector<16xi32>
        %parallel_loop3A_455 = arith.addi %parallel_loop3A_386, %parallel_loop3A_454 : vector<16xi32>
        %parallel_loop3A_456 = tpu.vector_load_idx %arg25[%parallel_loop3A_455] : memref<1360xf32, #tpu.memory_space<vmem>>[vector<16xi32>], vector<16xf32>,
        %parallel_loop3A_457 = arith.addf %parallel_loop3A_452, %parallel_loop3A_456 : vector<16xf32>
        %parallel_loop3A_458 = arith.constant 15 : i32
        %parallel_loop3A_459 = vector.broadcast %parallel_loop3A_458 : i32 to vector<16xi32>
        %parallel_loop3A_460 = arith.addi %parallel_loop3A_386, %parallel_loop3A_459 : vector<16xi32>
        %parallel_loop3A_461 = tpu.vector_load_idx %arg25[%parallel_loop3A_460] : memref<1360xf32, #tpu.memory_space<vmem>>[vector<16xi32>], vector<16xf32>,
        %parallel_loop3A_462 = arith.addf %parallel_loop3A_457, %parallel_loop3A_461 : vector<16xf32>
        %parallel_loop3A_463 = arith.constant 0.000000e+00 : f32
        %parallel_loop3A_464 = vector.broadcast %parallel_loop3A_463 : f32 to vector<16xf32>
        %parallel_loop3A_465 = arith.subf %parallel_loop3A_464, %parallel_loop3A_462 : vector<16xf32>
        %parallel_loop3A_466 = math.exp %parallel_loop3A_465 : vector<16xf32>
        %parallel_loop3A_467 = arith.constant 1.000000e+00 : f32
        %parallel_loop3A_468 = vector.broadcast %parallel_loop3A_467 : f32 to vector<16xf32>
        %parallel_loop3A_469 = arith.addf %parallel_loop3A_468, %parallel_loop3A_466 : vector<16xf32>
        %parallel_loop3A_470 = arith.constant 1.000000e+00 : f32
        %parallel_loop3A_471 = vector.broadcast %parallel_loop3A_470 : f32 to vector<16xf32>
        %parallel_loop3A_472 = arith.divf %parallel_loop3A_471, %parallel_loop3A_469 : vector<16xf32>
        %parallel_loop3A_473 = arith.constant 16 : i32
        %parallel_loop3A_474 = arith.muli %parallel_loop3A_382, %parallel_loop3A_473 : i32
        %parallel_loop3A_475 = arith.index_cast %parallel_loop3A_474 : i32 to index
        %parallel_loop3A_476 = tpu.vector_load %arg24[%parallel_loop3A_475] {strides = array<i32>} : memref<80xf32, #tpu.memory_space<vmem>>, vector<16xf32>,
        tpu.vector_store %arg24[%parallel_loop3A_475], %parallel_loop3A_472 {strides = array<i32>} : memref<80xf32, #tpu.memory_space<vmem>>, vector<16xf32>,
      } {sc.loop_unroll_factor = 1 : i64, sc.parallel_access}
      %mul3A_275 = arith.constant 80 : i32
      %mul3A_276 = arith.muli %add3A_253, %mul3A_275 : i32
      %add3A_277 = arith.addi %mul3A_98, %mul3A_276 : i32
      %dma_start3A_278 = tpu.memref_slice %arg9[%add3A_277] : memref<320000xf32, #tpu.memory_space<hbm>> -> memref<80xf32, #tpu.memory_space<hbm>>
      %dma_start3A_279 = tpu.memref_slice %arg9[%add3A_277] : memref<320000xf32, #tpu.memory_space<hbm>> -> memref<80xf32, #tpu.memory_space<hbm>>
      tpu.enqueue_dma source(%arg24 : memref<80xf32, #tpu.memory_space<vmem>>) target(%dma_start3A_279 : memref<80xf32, #tpu.memory_space<hbm>>) target_semaphore(%arg35 : memref<!tpu.dma_semaphore, #tpu.memory_space<semaphore_mem>>)
      %add3A_280 = arith.constant 2 : i32
      %add3A_281 = arith.addi %add3A_253, %add3A_280 : i32
      %mul3A_282 = arith.constant 80 : i32
      %mul3A_283 = arith.muli %add3A_281, %mul3A_282 : i32
      %add3A_284 = arith.addi %mul3A_98, %mul3A_283 : i32
      %dma_wait3A_285 = tpu.memref_slice %arg4[%add3A_284] : memref<320000xi32, #tpu.memory_space<hbm>> -> memref<80xi32, #tpu.memory_space<hbm>>
      %dma_wait3A_286 = tpu.memref_slice %arg4[%add3A_284] : memref<320000xi32, #tpu.memory_space<hbm>> -> memref<80xi32, #tpu.memory_space<hbm>>
      tpu.wait_dma2 semaphore(%arg29 : memref<!tpu.dma_semaphore, #tpu.memory_space<semaphore_mem>>) src(%dma_wait3A_286 : memref<80xi32, #tpu.memory_space<hbm>>) dst(%arg17 : memref<80xi32, #tpu.memory_space<vmem>>)
      %mul3A_287 = arith.constant 80 : i32
      %mul3A_288 = arith.muli %add3A_281, %mul3A_287 : i32
      %add3A_289 = arith.addi %mul3A_98, %mul3A_288 : i32
      %dma_wait3A_290 = tpu.memref_slice %arg5[%add3A_289] : memref<320000xi32, #tpu.memory_space<hbm>> -> memref<80xi32, #tpu.memory_space<hbm>>
      %dma_wait3A_291 = tpu.memref_slice %arg5[%add3A_289] : memref<320000xi32, #tpu.memory_space<hbm>> -> memref<80xi32, #tpu.memory_space<hbm>>
      tpu.wait_dma2 semaphore(%arg29 : memref<!tpu.dma_semaphore, #tpu.memory_space<semaphore_mem>>) src(%dma_wait3A_291 : memref<80xi32, #tpu.memory_space<hbm>>) dst(%arg18 : memref<80xi32, #tpu.memory_space<vmem>>)
      %dma_start3A_292 = arith.constant 0 : i32
      %dma_start3A_293 = arith.constant 0 : i32
      %dma_start3A_294 = tpu.memref_slice %arg10[%dma_start3A_292, %dma_start3A_293] : memref<10000x128xf32, #tpu.memory_space<vmem_shared>> -> memref<10000x128xf32, #tpu.memory_space<vmem_shared>>
      tpu.enqueue_indirect_dma source(%dma_start3A_294 : memref<10000x128xf32, #tpu.memory_space<vmem_shared>>) target(%arg21 : memref<80x128xf32, #tpu.memory_space<vmem>>) offsets(%arg17 : memref<80xi32, #tpu.memory_space<vmem>>) semaphore(%arg32 : memref<!tpu.dma_semaphore, #tpu.memory_space<semaphore_mem>>)
      %dma_start3A_295 = arith.constant 0 : i32
      %dma_start3A_296 = arith.constant 0 : i32
      %dma_start3A_297 = tpu.memref_slice %arg7[%dma_start3A_295, %dma_start3A_296] : memref<10000x128xf32, #tpu.memory_space<hbm>> -> memref<10000x128xf32, #tpu.memory_space<hbm>>
      tpu.enqueue_indirect_dma source(%dma_start3A_297 : memref<10000x128xf32, #tpu.memory_space<hbm>>) target(%arg22 : memref<80x128xf32, #tpu.memory_space<vmem>>) offsets(%arg18 : memref<80xi32, #tpu.memory_space<vmem>>) semaphore(%arg33 : memref<!tpu.dma_semaphore, #tpu.memory_space<semaphore_mem>>)
      %add3A_298 = arith.constant 2 : i32
      %add3A_299 = arith.addi %mul3A_198, %add3A_298 : i32
      %dma_wait3A_300 = arith.constant 0 : i32
      %dma_wait3A_301 = arith.constant 0 : i32
      %dma_wait3A_302 = tpu.memref_slice %arg10[%dma_wait3A_300, %dma_wait3A_301] : memref<10000x128xf32, #tpu.memory_space<vmem_shared>> -> memref<10000x128xf32, #tpu.memory_space<vmem_shared>>
      tpu.wait_indirect_dma semaphore(%arg30 : memref<!tpu.dma_semaphore, #tpu.memory_space<semaphore_mem>>) src(%dma_wait3A_302 : memref<10000x128xf32, #tpu.memory_space<vmem_shared>>) dst(%arg19 : memref<80x128xf32, #tpu.memory_space<vmem>>)
      %dma_wait3A_303 = arith.constant 0 : i32
      %dma_wait3A_304 = arith.constant 0 : i32
      %dma_wait3A_305 = tpu.memref_slice %arg7[%dma_wait3A_303, %dma_wait3A_304] : memref<10000x128xf32, #tpu.memory_space<hbm>> -> memref<10000x128xf32, #tpu.memory_space<hbm>>
      tpu.wait_indirect_dma semaphore(%arg31 : memref<!tpu.dma_semaphore, #tpu.memory_space<semaphore_mem>>) src(%dma_wait3A_305 : memref<10000x128xf32, #tpu.memory_space<hbm>>) dst(%arg20 : memref<80x128xf32, #tpu.memory_space<vmem>>)
      %lt3A_306 = arith.constant 30 : i32
      %lt3A_307 = arith.cmpi slt, %add3A_196, %lt3A_306 : i32
      %convert_element_type3A_308 = arith.extui %lt3A_307 : i1 to i32
      %cond3A_309 = arith.constant 0 : i32
      %cond3A_310 = arith.cmpi ne, %convert_element_type3A_308, %cond3A_309 : i32
      scf.if %cond3A_310 {
        %add3A_382 = arith.constant 4 : i32
        %add3A_383 = arith.addi %add3A_299, %add3A_382 : i32
        %mul3A_384 = arith.constant 80 : i32
        %mul3A_385 = arith.muli %add3A_383, %mul3A_384 : i32
        %add3A_386 = arith.addi %mul3A_98, %mul3A_385 : i32
        %dma_start3A_387 = tpu.memref_slice %arg4[%add3A_386] : memref<320000xi32, #tpu.memory_space<hbm>> -> memref<80xi32, #tpu.memory_space<hbm>>
        %dma_start3A_388 = tpu.memref_slice %arg4[%add3A_386] : memref<320000xi32, #tpu.memory_space<hbm>> -> memref<80xi32, #tpu.memory_space<hbm>>
        tpu.enqueue_dma source(%dma_start3A_388 : memref<80xi32, #tpu.memory_space<hbm>>) target(%arg15 : memref<80xi32, #tpu.memory_space<vmem>>) target_semaphore(%arg28 : memref<!tpu.dma_semaphore, #tpu.memory_space<semaphore_mem>>)
        %mul3A_389 = arith.constant 80 : i32
        %mul3A_390 = arith.muli %add3A_383, %mul3A_389 : i32
        %add3A_391 = arith.addi %mul3A_98, %mul3A_390 : i32
        %dma_start3A_392 = tpu.memref_slice %arg5[%add3A_391] : memref<320000xi32, #tpu.memory_space<hbm>> -> memref<80xi32, #tpu.memory_space<hbm>>
        %dma_start3A_393 = tpu.memref_slice %arg5[%add3A_391] : memref<320000xi32, #tpu.memory_space<hbm>> -> memref<80xi32, #tpu.memory_space<hbm>>
        tpu.enqueue_dma source(%dma_start3A_393 : memref<80xi32, #tpu.memory_space<hbm>>) target(%arg16 : memref<80xi32, #tpu.memory_space<vmem>>) target_semaphore(%arg28 : memref<!tpu.dma_semaphore, #tpu.memory_space<semaphore_mem>>)
      } else {
      }
      %sub3A = arith.constant 2 : i32
      %sub3A_311 = arith.subi %add3A_299, %sub3A : i32
      %mul3A_312 = arith.constant 80 : i32
      %mul3A_313 = arith.muli %sub3A_311, %mul3A_312 : i32
      %add3A_314 = arith.addi %mul3A_98, %mul3A_313 : i32
      %dma_wait3A_315 = tpu.memref_slice %arg9[%add3A_314] : memref<320000xf32, #tpu.memory_space<hbm>> -> memref<80xf32, #tpu.memory_space<hbm>>
      %dma_wait3A_316 = tpu.memref_slice %arg9[%add3A_314] : memref<320000xf32, #tpu.memory_space<hbm>> -> memref<80xf32, #tpu.memory_space<hbm>>
      tpu.wait_dma2 semaphore(%arg34 : memref<!tpu.dma_semaphore, #tpu.memory_space<semaphore_mem>>) src(%arg23 : memref<80xf32, #tpu.memory_space<vmem>>) dst(%dma_wait3A_316 : memref<80xf32, #tpu.memory_space<hbm>>)
      %parallel_loop3A_317 = arith.constant 0 : i32
      %parallel_loop3A_318 = arith.constant 80 : i32
      %parallel_loop3A_319 = arith.constant 1 : i32
      scf.for %parallel_loop3A_382 = %parallel_loop3A_317 to %parallel_loop3A_318 step %parallel_loop3A_319  : i32 {
        %parallel_loop3A_383 = arith.index_cast %parallel_loop3A_382 : i32 to index
        %parallel_loop3A_384 = arith.constant 0 : index
        %parallel_loop3A_385 = tpu.vector_load %arg19[%parallel_loop3A_383, %parallel_loop3A_384] {strides = array<i32>} : memref<80x128xf32, #tpu.memory_space<vmem>>, vector<16xf32>,
        %parallel_loop3A_386 = arith.index_cast %parallel_loop3A_382 : i32 to index
        %parallel_loop3A_387 = arith.constant 0 : index
        %parallel_loop3A_388 = tpu.vector_load %arg20[%parallel_loop3A_386, %parallel_loop3A_387] {strides = array<i32>} : memref<80x128xf32, #tpu.memory_space<vmem>>, vector<16xf32>,
        %parallel_loop3A_389 = arith.mulf %parallel_loop3A_385, %parallel_loop3A_388 : vector<16xf32>
        %parallel_loop3A_390 = arith.index_cast %parallel_loop3A_382 : i32 to index
        %parallel_loop3A_391 = arith.constant 16 : index
        %parallel_loop3A_392 = tpu.vector_load %arg19[%parallel_loop3A_390, %parallel_loop3A_391] {strides = array<i32>} : memref<80x128xf32, #tpu.memory_space<vmem>>, vector<16xf32>,
        %parallel_loop3A_393 = arith.index_cast %parallel_loop3A_382 : i32 to index
        %parallel_loop3A_394 = arith.constant 16 : index
        %parallel_loop3A_395 = tpu.vector_load %arg20[%parallel_loop3A_393, %parallel_loop3A_394] {strides = array<i32>} : memref<80x128xf32, #tpu.memory_space<vmem>>, vector<16xf32>,
        %parallel_loop3A_396 = arith.mulf %parallel_loop3A_392, %parallel_loop3A_395 : vector<16xf32>
        %parallel_loop3A_397 = arith.addf %parallel_loop3A_389, %parallel_loop3A_396 : vector<16xf32>
        %parallel_loop3A_398 = arith.index_cast %parallel_loop3A_382 : i32 to index
        %parallel_loop3A_399 = arith.constant 32 : index
        %parallel_loop3A_400 = tpu.vector_load %arg19[%parallel_loop3A_398, %parallel_loop3A_399] {strides = array<i32>} : memref<80x128xf32, #tpu.memory_space<vmem>>, vector<16xf32>,
        %parallel_loop3A_401 = arith.index_cast %parallel_loop3A_382 : i32 to index
        %parallel_loop3A_402 = arith.constant 32 : index
        %parallel_loop3A_403 = tpu.vector_load %arg20[%parallel_loop3A_401, %parallel_loop3A_402] {strides = array<i32>} : memref<80x128xf32, #tpu.memory_space<vmem>>, vector<16xf32>,
        %parallel_loop3A_404 = arith.mulf %parallel_loop3A_400, %parallel_loop3A_403 : vector<16xf32>
        %parallel_loop3A_405 = arith.addf %parallel_loop3A_397, %parallel_loop3A_404 : vector<16xf32>
        %parallel_loop3A_406 = arith.index_cast %parallel_loop3A_382 : i32 to index
        %parallel_loop3A_407 = arith.constant 48 : index
        %parallel_loop3A_408 = tpu.vector_load %arg19[%parallel_loop3A_406, %parallel_loop3A_407] {strides = array<i32>} : memref<80x128xf32, #tpu.memory_space<vmem>>, vector<16xf32>,
        %parallel_loop3A_409 = arith.index_cast %parallel_loop3A_382 : i32 to index
        %parallel_loop3A_410 = arith.constant 48 : index
        %parallel_loop3A_411 = tpu.vector_load %arg20[%parallel_loop3A_409, %parallel_loop3A_410] {strides = array<i32>} : memref<80x128xf32, #tpu.memory_space<vmem>>, vector<16xf32>,
        %parallel_loop3A_412 = arith.mulf %parallel_loop3A_408, %parallel_loop3A_411 : vector<16xf32>
        %parallel_loop3A_413 = arith.addf %parallel_loop3A_405, %parallel_loop3A_412 : vector<16xf32>
        %parallel_loop3A_414 = arith.index_cast %parallel_loop3A_382 : i32 to index
        %parallel_loop3A_415 = arith.constant 64 : index
        %parallel_loop3A_416 = tpu.vector_load %arg19[%parallel_loop3A_414, %parallel_loop3A_415] {strides = array<i32>} : memref<80x128xf32, #tpu.memory_space<vmem>>, vector<16xf32>,
        %parallel_loop3A_417 = arith.index_cast %parallel_loop3A_382 : i32 to index
        %parallel_loop3A_418 = arith.constant 64 : index
        %parallel_loop3A_419 = tpu.vector_load %arg20[%parallel_loop3A_417, %parallel_loop3A_418] {strides = array<i32>} : memref<80x128xf32, #tpu.memory_space<vmem>>, vector<16xf32>,
        %parallel_loop3A_420 = arith.mulf %parallel_loop3A_416, %parallel_loop3A_419 : vector<16xf32>
        %parallel_loop3A_421 = arith.addf %parallel_loop3A_413, %parallel_loop3A_420 : vector<16xf32>
        %parallel_loop3A_422 = arith.index_cast %parallel_loop3A_382 : i32 to index
        %parallel_loop3A_423 = arith.constant 80 : index
        %parallel_loop3A_424 = tpu.vector_load %arg19[%parallel_loop3A_422, %parallel_loop3A_423] {strides = array<i32>} : memref<80x128xf32, #tpu.memory_space<vmem>>, vector<16xf32>,
        %parallel_loop3A_425 = arith.index_cast %parallel_loop3A_382 : i32 to index
        %parallel_loop3A_426 = arith.constant 80 : index
        %parallel_loop3A_427 = tpu.vector_load %arg20[%parallel_loop3A_425, %parallel_loop3A_426] {strides = array<i32>} : memref<80x128xf32, #tpu.memory_space<vmem>>, vector<16xf32>,
        %parallel_loop3A_428 = arith.mulf %parallel_loop3A_424, %parallel_loop3A_427 : vector<16xf32>
        %parallel_loop3A_429 = arith.addf %parallel_loop3A_421, %parallel_loop3A_428 : vector<16xf32>
        %parallel_loop3A_430 = arith.index_cast %parallel_loop3A_382 : i32 to index
        %parallel_loop3A_431 = arith.constant 96 : index
        %parallel_loop3A_432 = tpu.vector_load %arg19[%parallel_loop3A_430, %parallel_loop3A_431] {strides = array<i32>} : memref<80x128xf32, #tpu.memory_space<vmem>>, vector<16xf32>,
        %parallel_loop3A_433 = arith.index_cast %parallel_loop3A_382 : i32 to index
        %parallel_loop3A_434 = arith.constant 96 : index
        %parallel_loop3A_435 = tpu.vector_load %arg20[%parallel_loop3A_433, %parallel_loop3A_434] {strides = array<i32>} : memref<80x128xf32, #tpu.memory_space<vmem>>, vector<16xf32>,
        %parallel_loop3A_436 = arith.mulf %parallel_loop3A_432, %parallel_loop3A_435 : vector<16xf32>
        %parallel_loop3A_437 = arith.addf %parallel_loop3A_429, %parallel_loop3A_436 : vector<16xf32>
        %parallel_loop3A_438 = arith.index_cast %parallel_loop3A_382 : i32 to index
        %parallel_loop3A_439 = arith.constant 112 : index
        %parallel_loop3A_440 = tpu.vector_load %arg19[%parallel_loop3A_438, %parallel_loop3A_439] {strides = array<i32>} : memref<80x128xf32, #tpu.memory_space<vmem>>, vector<16xf32>,
        %parallel_loop3A_441 = arith.index_cast %parallel_loop3A_382 : i32 to index
        %parallel_loop3A_442 = arith.constant 112 : index
        %parallel_loop3A_443 = tpu.vector_load %arg20[%parallel_loop3A_441, %parallel_loop3A_442] {strides = array<i32>} : memref<80x128xf32, #tpu.memory_space<vmem>>, vector<16xf32>,
        %parallel_loop3A_444 = arith.mulf %parallel_loop3A_440, %parallel_loop3A_443 : vector<16xf32>
        %parallel_loop3A_445 = arith.addf %parallel_loop3A_437, %parallel_loop3A_444 : vector<16xf32>
        %parallel_loop3A_446 = arith.constant 17 : i32
        %parallel_loop3A_447 = arith.muli %parallel_loop3A_382, %parallel_loop3A_446 : i32
        %parallel_loop3A_448 = arith.index_cast %parallel_loop3A_447 : i32 to index
        %parallel_loop3A_449 = tpu.vector_load %arg25[%parallel_loop3A_448] {strides = array<i32>} : memref<1360xf32, #tpu.memory_space<vmem>>, vector<16xf32>,
        tpu.vector_store %arg25[%parallel_loop3A_448], %parallel_loop3A_445 {strides = array<i32>} : memref<1360xf32, #tpu.memory_space<vmem>>, vector<16xf32>,
      } {sc.loop_unroll_factor = 2 : i64, sc.parallel_access}
      %parallel_loop3A_320 = arith.constant 0 : i32
      %parallel_loop3A_321 = arith.constant 5 : i32
      %parallel_loop3A_322 = arith.constant 1 : i32
      scf.for %parallel_loop3A_382 = %parallel_loop3A_320 to %parallel_loop3A_321 step %parallel_loop3A_322  : i32 {
        %parallel_loop3A_383 = arith.constant 272 : i32
        %parallel_loop3A_384 = arith.muli %parallel_loop3A_382, %parallel_loop3A_383 : i32
        %parallel_loop3A_385 = vector.broadcast %parallel_loop3A_384 : i32 to vector<16xi32>
        %parallel_loop3A_386 = arith.addi %mul3A_3, %parallel_loop3A_385 : vector<16xi32>
        %parallel_loop3A_387 = tpu.vector_load_idx %arg25[%parallel_loop3A_386] : memref<1360xf32, #tpu.memory_space<vmem>>[vector<16xi32>], vector<16xf32>,
        %parallel_loop3A_388 = arith.constant 1 : i32
        %parallel_loop3A_389 = vector.broadcast %parallel_loop3A_388 : i32 to vector<16xi32>
        %parallel_loop3A_390 = arith.addi %parallel_loop3A_386, %parallel_loop3A_389 : vector<16xi32>
        %parallel_loop3A_391 = tpu.vector_load_idx %arg25[%parallel_loop3A_390] : memref<1360xf32, #tpu.memory_space<vmem>>[vector<16xi32>], vector<16xf32>,
        %parallel_loop3A_392 = arith.addf %parallel_loop3A_387, %parallel_loop3A_391 : vector<16xf32>
        %parallel_loop3A_393 = arith.constant 2 : i32
        %parallel_loop3A_394 = vector.broadcast %parallel_loop3A_393 : i32 to vector<16xi32>
        %parallel_loop3A_395 = arith.addi %parallel_loop3A_386, %parallel_loop3A_394 : vector<16xi32>
        %parallel_loop3A_396 = tpu.vector_load_idx %arg25[%parallel_loop3A_395] : memref<1360xf32, #tpu.memory_space<vmem>>[vector<16xi32>], vector<16xf32>,
        %parallel_loop3A_397 = arith.addf %parallel_loop3A_392, %parallel_loop3A_396 : vector<16xf32>
        %parallel_loop3A_398 = arith.constant 3 : i32
        %parallel_loop3A_399 = vector.broadcast %parallel_loop3A_398 : i32 to vector<16xi32>
        %parallel_loop3A_400 = arith.addi %parallel_loop3A_386, %parallel_loop3A_399 : vector<16xi32>
        %parallel_loop3A_401 = tpu.vector_load_idx %arg25[%parallel_loop3A_400] : memref<1360xf32, #tpu.memory_space<vmem>>[vector<16xi32>], vector<16xf32>,
        %parallel_loop3A_402 = arith.addf %parallel_loop3A_397, %parallel_loop3A_401 : vector<16xf32>
        %parallel_loop3A_403 = arith.constant 4 : i32
        %parallel_loop3A_404 = vector.broadcast %parallel_loop3A_403 : i32 to vector<16xi32>
        %parallel_loop3A_405 = arith.addi %parallel_loop3A_386, %parallel_loop3A_404 : vector<16xi32>
        %parallel_loop3A_406 = tpu.vector_load_idx %arg25[%parallel_loop3A_405] : memref<1360xf32, #tpu.memory_space<vmem>>[vector<16xi32>], vector<16xf32>,
        %parallel_loop3A_407 = arith.addf %parallel_loop3A_402, %parallel_loop3A_406 : vector<16xf32>
        %parallel_loop3A_408 = arith.constant 5 : i32
        %parallel_loop3A_409 = vector.broadcast %parallel_loop3A_408 : i32 to vector<16xi32>
        %parallel_loop3A_410 = arith.addi %parallel_loop3A_386, %parallel_loop3A_409 : vector<16xi32>
        %parallel_loop3A_411 = tpu.vector_load_idx %arg25[%parallel_loop3A_410] : memref<1360xf32, #tpu.memory_space<vmem>>[vector<16xi32>], vector<16xf32>,
        %parallel_loop3A_412 = arith.addf %parallel_loop3A_407, %parallel_loop3A_411 : vector<16xf32>
        %parallel_loop3A_413 = arith.constant 6 : i32
        %parallel_loop3A_414 = vector.broadcast %parallel_loop3A_413 : i32 to vector<16xi32>
        %parallel_loop3A_415 = arith.addi %parallel_loop3A_386, %parallel_loop3A_414 : vector<16xi32>
        %parallel_loop3A_416 = tpu.vector_load_idx %arg25[%parallel_loop3A_415] : memref<1360xf32, #tpu.memory_space<vmem>>[vector<16xi32>], vector<16xf32>,
        %parallel_loop3A_417 = arith.addf %parallel_loop3A_412, %parallel_loop3A_416 : vector<16xf32>
        %parallel_loop3A_418 = arith.constant 7 : i32
        %parallel_loop3A_419 = vector.broadcast %parallel_loop3A_418 : i32 to vector<16xi32>
        %parallel_loop3A_420 = arith.addi %parallel_loop3A_386, %parallel_loop3A_419 : vector<16xi32>
        %parallel_loop3A_421 = tpu.vector_load_idx %arg25[%parallel_loop3A_420] : memref<1360xf32, #tpu.memory_space<vmem>>[vector<16xi32>], vector<16xf32>,
        %parallel_loop3A_422 = arith.addf %parallel_loop3A_417, %parallel_loop3A_421 : vector<16xf32>
        %parallel_loop3A_423 = arith.constant 8 : i32
        %parallel_loop3A_424 = vector.broadcast %parallel_loop3A_423 : i32 to vector<16xi32>
        %parallel_loop3A_425 = arith.addi %parallel_loop3A_386, %parallel_loop3A_424 : vector<16xi32>
        %parallel_loop3A_426 = tpu.vector_load_idx %arg25[%parallel_loop3A_425] : memref<1360xf32, #tpu.memory_space<vmem>>[vector<16xi32>], vector<16xf32>,
        %parallel_loop3A_427 = arith.addf %parallel_loop3A_422, %parallel_loop3A_426 : vector<16xf32>
        %parallel_loop3A_428 = arith.constant 9 : i32
        %parallel_loop3A_429 = vector.broadcast %parallel_loop3A_428 : i32 to vector<16xi32>
        %parallel_loop3A_430 = arith.addi %parallel_loop3A_386, %parallel_loop3A_429 : vector<16xi32>
        %parallel_loop3A_431 = tpu.vector_load_idx %arg25[%parallel_loop3A_430] : memref<1360xf32, #tpu.memory_space<vmem>>[vector<16xi32>], vector<16xf32>,
        %parallel_loop3A_432 = arith.addf %parallel_loop3A_427, %parallel_loop3A_431 : vector<16xf32>
        %parallel_loop3A_433 = arith.constant 10 : i32
        %parallel_loop3A_434 = vector.broadcast %parallel_loop3A_433 : i32 to vector<16xi32>
        %parallel_loop3A_435 = arith.addi %parallel_loop3A_386, %parallel_loop3A_434 : vector<16xi32>
        %parallel_loop3A_436 = tpu.vector_load_idx %arg25[%parallel_loop3A_435] : memref<1360xf32, #tpu.memory_space<vmem>>[vector<16xi32>], vector<16xf32>,
        %parallel_loop3A_437 = arith.addf %parallel_loop3A_432, %parallel_loop3A_436 : vector<16xf32>
        %parallel_loop3A_438 = arith.constant 11 : i32
        %parallel_loop3A_439 = vector.broadcast %parallel_loop3A_438 : i32 to vector<16xi32>
        %parallel_loop3A_440 = arith.addi %parallel_loop3A_386, %parallel_loop3A_439 : vector<16xi32>
        %parallel_loop3A_441 = tpu.vector_load_idx %arg25[%parallel_loop3A_440] : memref<1360xf32, #tpu.memory_space<vmem>>[vector<16xi32>], vector<16xf32>,
        %parallel_loop3A_442 = arith.addf %parallel_loop3A_437, %parallel_loop3A_441 : vector<16xf32>
        %parallel_loop3A_443 = arith.constant 12 : i32
        %parallel_loop3A_444 = vector.broadcast %parallel_loop3A_443 : i32 to vector<16xi32>
        %parallel_loop3A_445 = arith.addi %parallel_loop3A_386, %parallel_loop3A_444 : vector<16xi32>
        %parallel_loop3A_446 = tpu.vector_load_idx %arg25[%parallel_loop3A_445] : memref<1360xf32, #tpu.memory_space<vmem>>[vector<16xi32>], vector<16xf32>,
        %parallel_loop3A_447 = arith.addf %parallel_loop3A_442, %parallel_loop3A_446 : vector<16xf32>
        %parallel_loop3A_448 = arith.constant 13 : i32
        %parallel_loop3A_449 = vector.broadcast %parallel_loop3A_448 : i32 to vector<16xi32>
        %parallel_loop3A_450 = arith.addi %parallel_loop3A_386, %parallel_loop3A_449 : vector<16xi32>
        %parallel_loop3A_451 = tpu.vector_load_idx %arg25[%parallel_loop3A_450] : memref<1360xf32, #tpu.memory_space<vmem>>[vector<16xi32>], vector<16xf32>,
        %parallel_loop3A_452 = arith.addf %parallel_loop3A_447, %parallel_loop3A_451 : vector<16xf32>
        %parallel_loop3A_453 = arith.constant 14 : i32
        %parallel_loop3A_454 = vector.broadcast %parallel_loop3A_453 : i32 to vector<16xi32>
        %parallel_loop3A_455 = arith.addi %parallel_loop3A_386, %parallel_loop3A_454 : vector<16xi32>
        %parallel_loop3A_456 = tpu.vector_load_idx %arg25[%parallel_loop3A_455] : memref<1360xf32, #tpu.memory_space<vmem>>[vector<16xi32>], vector<16xf32>,
        %parallel_loop3A_457 = arith.addf %parallel_loop3A_452, %parallel_loop3A_456 : vector<16xf32>
        %parallel_loop3A_458 = arith.constant 15 : i32
        %parallel_loop3A_459 = vector.broadcast %parallel_loop3A_458 : i32 to vector<16xi32>
        %parallel_loop3A_460 = arith.addi %parallel_loop3A_386, %parallel_loop3A_459 : vector<16xi32>
        %parallel_loop3A_461 = tpu.vector_load_idx %arg25[%parallel_loop3A_460] : memref<1360xf32, #tpu.memory_space<vmem>>[vector<16xi32>], vector<16xf32>,
        %parallel_loop3A_462 = arith.addf %parallel_loop3A_457, %parallel_loop3A_461 : vector<16xf32>
        %parallel_loop3A_463 = arith.constant 0.000000e+00 : f32
        %parallel_loop3A_464 = vector.broadcast %parallel_loop3A_463 : f32 to vector<16xf32>
        %parallel_loop3A_465 = arith.subf %parallel_loop3A_464, %parallel_loop3A_462 : vector<16xf32>
        %parallel_loop3A_466 = math.exp %parallel_loop3A_465 : vector<16xf32>
        %parallel_loop3A_467 = arith.constant 1.000000e+00 : f32
        %parallel_loop3A_468 = vector.broadcast %parallel_loop3A_467 : f32 to vector<16xf32>
        %parallel_loop3A_469 = arith.addf %parallel_loop3A_468, %parallel_loop3A_466 : vector<16xf32>
        %parallel_loop3A_470 = arith.constant 1.000000e+00 : f32
        %parallel_loop3A_471 = vector.broadcast %parallel_loop3A_470 : f32 to vector<16xf32>
        %parallel_loop3A_472 = arith.divf %parallel_loop3A_471, %parallel_loop3A_469 : vector<16xf32>
        %parallel_loop3A_473 = arith.constant 16 : i32
        %parallel_loop3A_474 = arith.muli %parallel_loop3A_382, %parallel_loop3A_473 : i32
        %parallel_loop3A_475 = arith.index_cast %parallel_loop3A_474 : i32 to index
        %parallel_loop3A_476 = tpu.vector_load %arg23[%parallel_loop3A_475] {strides = array<i32>} : memref<80xf32, #tpu.memory_space<vmem>>, vector<16xf32>,
        tpu.vector_store %arg23[%parallel_loop3A_475], %parallel_loop3A_472 {strides = array<i32>} : memref<80xf32, #tpu.memory_space<vmem>>, vector<16xf32>,
      } {sc.loop_unroll_factor = 1 : i64, sc.parallel_access}
      %mul3A_323 = arith.constant 80 : i32
      %mul3A_324 = arith.muli %add3A_299, %mul3A_323 : i32
      %add3A_325 = arith.addi %mul3A_98, %mul3A_324 : i32
      %dma_start3A_326 = tpu.memref_slice %arg9[%add3A_325] : memref<320000xf32, #tpu.memory_space<hbm>> -> memref<80xf32, #tpu.memory_space<hbm>>
      %dma_start3A_327 = tpu.memref_slice %arg9[%add3A_325] : memref<320000xf32, #tpu.memory_space<hbm>> -> memref<80xf32, #tpu.memory_space<hbm>>
      tpu.enqueue_dma source(%arg23 : memref<80xf32, #tpu.memory_space<vmem>>) target(%dma_start3A_327 : memref<80xf32, #tpu.memory_space<hbm>>) target_semaphore(%arg34 : memref<!tpu.dma_semaphore, #tpu.memory_space<semaphore_mem>>)
      %add3A_328 = arith.constant 2 : i32
      %add3A_329 = arith.addi %add3A_299, %add3A_328 : i32
      %mul3A_330 = arith.constant 80 : i32
      %mul3A_331 = arith.muli %add3A_329, %mul3A_330 : i32
      %add3A_332 = arith.addi %mul3A_98, %mul3A_331 : i32
      %dma_wait3A_333 = tpu.memref_slice %arg4[%add3A_332] : memref<320000xi32, #tpu.memory_space<hbm>> -> memref<80xi32, #tpu.memory_space<hbm>>
      %dma_wait3A_334 = tpu.memref_slice %arg4[%add3A_332] : memref<320000xi32, #tpu.memory_space<hbm>> -> memref<80xi32, #tpu.memory_space<hbm>>
      tpu.wait_dma2 semaphore(%arg26 : memref<!tpu.dma_semaphore, #tpu.memory_space<semaphore_mem>>) src(%dma_wait3A_334 : memref<80xi32, #tpu.memory_space<hbm>>) dst(%arg11 : memref<80xi32, #tpu.memory_space<vmem>>)
      %mul3A_335 = arith.constant 80 : i32
      %mul3A_336 = arith.muli %add3A_329, %mul3A_335 : i32
      %add3A_337 = arith.addi %mul3A_98, %mul3A_336 : i32
      %dma_wait3A_338 = tpu.memref_slice %arg5[%add3A_337] : memref<320000xi32, #tpu.memory_space<hbm>> -> memref<80xi32, #tpu.memory_space<hbm>>
      %dma_wait3A_339 = tpu.memref_slice %arg5[%add3A_337] : memref<320000xi32, #tpu.memory_space<hbm>> -> memref<80xi32, #tpu.memory_space<hbm>>
      tpu.wait_dma2 semaphore(%arg26 : memref<!tpu.dma_semaphore, #tpu.memory_space<semaphore_mem>>) src(%dma_wait3A_339 : memref<80xi32, #tpu.memory_space<hbm>>) dst(%arg12 : memref<80xi32, #tpu.memory_space<vmem>>)
      %dma_start3A_340 = arith.constant 0 : i32
      %dma_start3A_341 = arith.constant 0 : i32
      %dma_start3A_342 = tpu.memref_slice %arg10[%dma_start3A_340, %dma_start3A_341] : memref<10000x128xf32, #tpu.memory_space<vmem_shared>> -> memref<10000x128xf32, #tpu.memory_space<vmem_shared>>
      tpu.enqueue_indirect_dma source(%dma_start3A_342 : memref<10000x128xf32, #tpu.memory_space<vmem_shared>>) target(%arg19 : memref<80x128xf32, #tpu.memory_space<vmem>>) offsets(%arg11 : memref<80xi32, #tpu.memory_space<vmem>>) semaphore(%arg30 : memref<!tpu.dma_semaphore, #tpu.memory_space<semaphore_mem>>)
      %dma_start3A_343 = arith.constant 0 : i32
      %dma_start3A_344 = arith.constant 0 : i32
      %dma_start3A_345 = tpu.memref_slice %arg7[%dma_start3A_343, %dma_start3A_344] : memref<10000x128xf32, #tpu.memory_space<hbm>> -> memref<10000x128xf32, #tpu.memory_space<hbm>>
      tpu.enqueue_indirect_dma source(%dma_start3A_345 : memref<10000x128xf32, #tpu.memory_space<hbm>>) target(%arg20 : memref<80x128xf32, #tpu.memory_space<vmem>>) offsets(%arg12 : memref<80xi32, #tpu.memory_space<vmem>>) semaphore(%arg31 : memref<!tpu.dma_semaphore, #tpu.memory_space<semaphore_mem>>)
      %add3A_346 = arith.constant 3 : i32
      %add3A_347 = arith.addi %mul3A_198, %add3A_346 : i32
      %dma_wait3A_348 = arith.constant 0 : i32
      %dma_wait3A_349 = arith.constant 0 : i32
      %dma_wait3A_350 = tpu.memref_slice %arg10[%dma_wait3A_348, %dma_wait3A_349] : memref<10000x128xf32, #tpu.memory_space<vmem_shared>> -> memref<10000x128xf32, #tpu.memory_space<vmem_shared>>
      tpu.wait_indirect_dma semaphore(%arg32 : memref<!tpu.dma_semaphore, #tpu.memory_space<semaphore_mem>>) src(%dma_wait3A_350 : memref<10000x128xf32, #tpu.memory_space<vmem_shared>>) dst(%arg21 : memref<80x128xf32, #tpu.memory_space<vmem>>)
      %dma_wait3A_351 = arith.constant 0 : i32
      %dma_wait3A_352 = arith.constant 0 : i32
      %dma_wait3A_353 = tpu.memref_slice %arg7[%dma_wait3A_351, %dma_wait3A_352] : memref<10000x128xf32, #tpu.memory_space<hbm>> -> memref<10000x128xf32, #tpu.memory_space<hbm>>
      tpu.wait_indirect_dma semaphore(%arg33 : memref<!tpu.dma_semaphore, #tpu.memory_space<semaphore_mem>>) src(%dma_wait3A_353 : memref<10000x128xf32, #tpu.memory_space<hbm>>) dst(%arg22 : memref<80x128xf32, #tpu.memory_space<vmem>>)
      %lt3A_354 = arith.constant 30 : i32
      %lt3A_355 = arith.cmpi slt, %add3A_196, %lt3A_354 : i32
      %convert_element_type3A_356 = arith.extui %lt3A_355 : i1 to i32
      %cond3A_357 = arith.constant 0 : i32
      %cond3A_358 = arith.cmpi ne, %convert_element_type3A_356, %cond3A_357 : i32
      scf.if %cond3A_358 {
        %add3A_382 = arith.constant 4 : i32
        %add3A_383 = arith.addi %add3A_347, %add3A_382 : i32
        %mul3A_384 = arith.constant 80 : i32
        %mul3A_385 = arith.muli %add3A_383, %mul3A_384 : i32
        %add3A_386 = arith.addi %mul3A_98, %mul3A_385 : i32
        %dma_start3A_387 = tpu.memref_slice %arg4[%add3A_386] : memref<320000xi32, #tpu.memory_space<hbm>> -> memref<80xi32, #tpu.memory_space<hbm>>
        %dma_start3A_388 = tpu.memref_slice %arg4[%add3A_386] : memref<320000xi32, #tpu.memory_space<hbm>> -> memref<80xi32, #tpu.memory_space<hbm>>
        tpu.enqueue_dma source(%dma_start3A_388 : memref<80xi32, #tpu.memory_space<hbm>>) target(%arg17 : memref<80xi32, #tpu.memory_space<vmem>>) target_semaphore(%arg29 : memref<!tpu.dma_semaphore, #tpu.memory_space<semaphore_mem>>)
        %mul3A_389 = arith.constant 80 : i32
        %mul3A_390 = arith.muli %add3A_383, %mul3A_389 : i32
        %add3A_391 = arith.addi %mul3A_98, %mul3A_390 : i32
        %dma_start3A_392 = tpu.memref_slice %arg5[%add3A_391] : memref<320000xi32, #tpu.memory_space<hbm>> -> memref<80xi32, #tpu.memory_space<hbm>>
        %dma_start3A_393 = tpu.memref_slice %arg5[%add3A_391] : memref<320000xi32, #tpu.memory_space<hbm>> -> memref<80xi32, #tpu.memory_space<hbm>>
        tpu.enqueue_dma source(%dma_start3A_393 : memref<80xi32, #tpu.memory_space<hbm>>) target(%arg18 : memref<80xi32, #tpu.memory_space<vmem>>) target_semaphore(%arg29 : memref<!tpu.dma_semaphore, #tpu.memory_space<semaphore_mem>>)
      } else {
      }
      %sub3A_359 = arith.constant 2 : i32
      %sub3A_360 = arith.subi %add3A_347, %sub3A_359 : i32
      %mul3A_361 = arith.constant 80 : i32
      %mul3A_362 = arith.muli %sub3A_360, %mul3A_361 : i32
      %add3A_363 = arith.addi %mul3A_98, %mul3A_362 : i32
      %dma_wait3A_364 = tpu.memref_slice %arg9[%add3A_363] : memref<320000xf32, #tpu.memory_space<hbm>> -> memref<80xf32, #tpu.memory_space<hbm>>
      %dma_wait3A_365 = tpu.memref_slice %arg9[%add3A_363] : memref<320000xf32, #tpu.memory_space<hbm>> -> memref<80xf32, #tpu.memory_space<hbm>>
      tpu.wait_dma2 semaphore(%arg35 : memref<!tpu.dma_semaphore, #tpu.memory_space<semaphore_mem>>) src(%arg24 : memref<80xf32, #tpu.memory_space<vmem>>) dst(%dma_wait3A_365 : memref<80xf32, #tpu.memory_space<hbm>>)
      %parallel_loop3A_366 = arith.constant 0 : i32
      %parallel_loop3A_367 = arith.constant 80 : i32
      %parallel_loop3A_368 = arith.constant 1 : i32
      scf.for %parallel_loop3A_382 = %parallel_loop3A_366 to %parallel_loop3A_367 step %parallel_loop3A_368  : i32 {
        %parallel_loop3A_383 = arith.index_cast %parallel_loop3A_382 : i32 to index
        %parallel_loop3A_384 = arith.constant 0 : index
        %parallel_loop3A_385 = tpu.vector_load %arg21[%parallel_loop3A_383, %parallel_loop3A_384] {strides = array<i32>} : memref<80x128xf32, #tpu.memory_space<vmem>>, vector<16xf32>,
        %parallel_loop3A_386 = arith.index_cast %parallel_loop3A_382 : i32 to index
        %parallel_loop3A_387 = arith.constant 0 : index
        %parallel_loop3A_388 = tpu.vector_load %arg22[%parallel_loop3A_386, %parallel_loop3A_387] {strides = array<i32>} : memref<80x128xf32, #tpu.memory_space<vmem>>, vector<16xf32>,
        %parallel_loop3A_389 = arith.mulf %parallel_loop3A_385, %parallel_loop3A_388 : vector<16xf32>
        %parallel_loop3A_390 = arith.index_cast %parallel_loop3A_382 : i32 to index
        %parallel_loop3A_391 = arith.constant 16 : index
        %parallel_loop3A_392 = tpu.vector_load %arg21[%parallel_loop3A_390, %parallel_loop3A_391] {strides = array<i32>} : memref<80x128xf32, #tpu.memory_space<vmem>>, vector<16xf32>,
        %parallel_loop3A_393 = arith.index_cast %parallel_loop3A_382 : i32 to index
        %parallel_loop3A_394 = arith.constant 16 : index
        %parallel_loop3A_395 = tpu.vector_load %arg22[%parallel_loop3A_393, %parallel_loop3A_394] {strides = array<i32>} : memref<80x128xf32, #tpu.memory_space<vmem>>, vector<16xf32>,
        %parallel_loop3A_396 = arith.mulf %parallel_loop3A_392, %parallel_loop3A_395 : vector<16xf32>
        %parallel_loop3A_397 = arith.addf %parallel_loop3A_389, %parallel_loop3A_396 : vector<16xf32>
        %parallel_loop3A_398 = arith.index_cast %parallel_loop3A_382 : i32 to index
        %parallel_loop3A_399 = arith.constant 32 : index
        %parallel_loop3A_400 = tpu.vector_load %arg21[%parallel_loop3A_398, %parallel_loop3A_399] {strides = array<i32>} : memref<80x128xf32, #tpu.memory_space<vmem>>, vector<16xf32>,
        %parallel_loop3A_401 = arith.index_cast %parallel_loop3A_382 : i32 to index
        %parallel_loop3A_402 = arith.constant 32 : index
        %parallel_loop3A_403 = tpu.vector_load %arg22[%parallel_loop3A_401, %parallel_loop3A_402] {strides = array<i32>} : memref<80x128xf32, #tpu.memory_space<vmem>>, vector<16xf32>,
        %parallel_loop3A_404 = arith.mulf %parallel_loop3A_400, %parallel_loop3A_403 : vector<16xf32>
        %parallel_loop3A_405 = arith.addf %parallel_loop3A_397, %parallel_loop3A_404 : vector<16xf32>
        %parallel_loop3A_406 = arith.index_cast %parallel_loop3A_382 : i32 to index
        %parallel_loop3A_407 = arith.constant 48 : index
        %parallel_loop3A_408 = tpu.vector_load %arg21[%parallel_loop3A_406, %parallel_loop3A_407] {strides = array<i32>} : memref<80x128xf32, #tpu.memory_space<vmem>>, vector<16xf32>,
        %parallel_loop3A_409 = arith.index_cast %parallel_loop3A_382 : i32 to index
        %parallel_loop3A_410 = arith.constant 48 : index
        %parallel_loop3A_411 = tpu.vector_load %arg22[%parallel_loop3A_409, %parallel_loop3A_410] {strides = array<i32>} : memref<80x128xf32, #tpu.memory_space<vmem>>, vector<16xf32>,
        %parallel_loop3A_412 = arith.mulf %parallel_loop3A_408, %parallel_loop3A_411 : vector<16xf32>
        %parallel_loop3A_413 = arith.addf %parallel_loop3A_405, %parallel_loop3A_412 : vector<16xf32>
        %parallel_loop3A_414 = arith.index_cast %parallel_loop3A_382 : i32 to index
        %parallel_loop3A_415 = arith.constant 64 : index
        %parallel_loop3A_416 = tpu.vector_load %arg21[%parallel_loop3A_414, %parallel_loop3A_415] {strides = array<i32>} : memref<80x128xf32, #tpu.memory_space<vmem>>, vector<16xf32>,
        %parallel_loop3A_417 = arith.index_cast %parallel_loop3A_382 : i32 to index
        %parallel_loop3A_418 = arith.constant 64 : index
        %parallel_loop3A_419 = tpu.vector_load %arg22[%parallel_loop3A_417, %parallel_loop3A_418] {strides = array<i32>} : memref<80x128xf32, #tpu.memory_space<vmem>>, vector<16xf32>,
        %parallel_loop3A_420 = arith.mulf %parallel_loop3A_416, %parallel_loop3A_419 : vector<16xf32>
        %parallel_loop3A_421 = arith.addf %parallel_loop3A_413, %parallel_loop3A_420 : vector<16xf32>
        %parallel_loop3A_422 = arith.index_cast %parallel_loop3A_382 : i32 to index
        %parallel_loop3A_423 = arith.constant 80 : index
        %parallel_loop3A_424 = tpu.vector_load %arg21[%parallel_loop3A_422, %parallel_loop3A_423] {strides = array<i32>} : memref<80x128xf32, #tpu.memory_space<vmem>>, vector<16xf32>,
        %parallel_loop3A_425 = arith.index_cast %parallel_loop3A_382 : i32 to index
        %parallel_loop3A_426 = arith.constant 80 : index
        %parallel_loop3A_427 = tpu.vector_load %arg22[%parallel_loop3A_425, %parallel_loop3A_426] {strides = array<i32>} : memref<80x128xf32, #tpu.memory_space<vmem>>, vector<16xf32>,
        %parallel_loop3A_428 = arith.mulf %parallel_loop3A_424, %parallel_loop3A_427 : vector<16xf32>
        %parallel_loop3A_429 = arith.addf %parallel_loop3A_421, %parallel_loop3A_428 : vector<16xf32>
        %parallel_loop3A_430 = arith.index_cast %parallel_loop3A_382 : i32 to index
        %parallel_loop3A_431 = arith.constant 96 : index
        %parallel_loop3A_432 = tpu.vector_load %arg21[%parallel_loop3A_430, %parallel_loop3A_431] {strides = array<i32>} : memref<80x128xf32, #tpu.memory_space<vmem>>, vector<16xf32>,
        %parallel_loop3A_433 = arith.index_cast %parallel_loop3A_382 : i32 to index
        %parallel_loop3A_434 = arith.constant 96 : index
        %parallel_loop3A_435 = tpu.vector_load %arg22[%parallel_loop3A_433, %parallel_loop3A_434] {strides = array<i32>} : memref<80x128xf32, #tpu.memory_space<vmem>>, vector<16xf32>,
        %parallel_loop3A_436 = arith.mulf %parallel_loop3A_432, %parallel_loop3A_435 : vector<16xf32>
        %parallel_loop3A_437 = arith.addf %parallel_loop3A_429, %parallel_loop3A_436 : vector<16xf32>
        %parallel_loop3A_438 = arith.index_cast %parallel_loop3A_382 : i32 to index
        %parallel_loop3A_439 = arith.constant 112 : index
        %parallel_loop3A_440 = tpu.vector_load %arg21[%parallel_loop3A_438, %parallel_loop3A_439] {strides = array<i32>} : memref<80x128xf32, #tpu.memory_space<vmem>>, vector<16xf32>,
        %parallel_loop3A_441 = arith.index_cast %parallel_loop3A_382 : i32 to index
        %parallel_loop3A_442 = arith.constant 112 : index
        %parallel_loop3A_443 = tpu.vector_load %arg22[%parallel_loop3A_441, %parallel_loop3A_442] {strides = array<i32>} : memref<80x128xf32, #tpu.memory_space<vmem>>, vector<16xf32>,
        %parallel_loop3A_444 = arith.mulf %parallel_loop3A_440, %parallel_loop3A_443 : vector<16xf32>
        %parallel_loop3A_445 = arith.addf %parallel_loop3A_437, %parallel_loop3A_444 : vector<16xf32>
        %parallel_loop3A_446 = arith.constant 17 : i32
        %parallel_loop3A_447 = arith.muli %parallel_loop3A_382, %parallel_loop3A_446 : i32
        %parallel_loop3A_448 = arith.index_cast %parallel_loop3A_447 : i32 to index
        %parallel_loop3A_449 = tpu.vector_load %arg25[%parallel_loop3A_448] {strides = array<i32>} : memref<1360xf32, #tpu.memory_space<vmem>>, vector<16xf32>,
        tpu.vector_store %arg25[%parallel_loop3A_448], %parallel_loop3A_445 {strides = array<i32>} : memref<1360xf32, #tpu.memory_space<vmem>>, vector<16xf32>,
      } {sc.loop_unroll_factor = 2 : i64, sc.parallel_access}
      %parallel_loop3A_369 = arith.constant 0 : i32
      %parallel_loop3A_370 = arith.constant 5 : i32
      %parallel_loop3A_371 = arith.constant 1 : i32
      scf.for %parallel_loop3A_382 = %parallel_loop3A_369 to %parallel_loop3A_370 step %parallel_loop3A_371  : i32 {
        %parallel_loop3A_383 = arith.constant 272 : i32
        %parallel_loop3A_384 = arith.muli %parallel_loop3A_382, %parallel_loop3A_383 : i32
        %parallel_loop3A_385 = vector.broadcast %parallel_loop3A_384 : i32 to vector<16xi32>
        %parallel_loop3A_386 = arith.addi %mul3A_3, %parallel_loop3A_385 : vector<16xi32>
        %parallel_loop3A_387 = tpu.vector_load_idx %arg25[%parallel_loop3A_386] : memref<1360xf32, #tpu.memory_space<vmem>>[vector<16xi32>], vector<16xf32>,
        %parallel_loop3A_388 = arith.constant 1 : i32
        %parallel_loop3A_389 = vector.broadcast %parallel_loop3A_388 : i32 to vector<16xi32>
        %parallel_loop3A_390 = arith.addi %parallel_loop3A_386, %parallel_loop3A_389 : vector<16xi32>
        %parallel_loop3A_391 = tpu.vector_load_idx %arg25[%parallel_loop3A_390] : memref<1360xf32, #tpu.memory_space<vmem>>[vector<16xi32>], vector<16xf32>,
        %parallel_loop3A_392 = arith.addf %parallel_loop3A_387, %parallel_loop3A_391 : vector<16xf32>
        %parallel_loop3A_393 = arith.constant 2 : i32
        %parallel_loop3A_394 = vector.broadcast %parallel_loop3A_393 : i32 to vector<16xi32>
        %parallel_loop3A_395 = arith.addi %parallel_loop3A_386, %parallel_loop3A_394 : vector<16xi32>
        %parallel_loop3A_396 = tpu.vector_load_idx %arg25[%parallel_loop3A_395] : memref<1360xf32, #tpu.memory_space<vmem>>[vector<16xi32>], vector<16xf32>,
        %parallel_loop3A_397 = arith.addf %parallel_loop3A_392, %parallel_loop3A_396 : vector<16xf32>
        %parallel_loop3A_398 = arith.constant 3 : i32
        %parallel_loop3A_399 = vector.broadcast %parallel_loop3A_398 : i32 to vector<16xi32>
        %parallel_loop3A_400 = arith.addi %parallel_loop3A_386, %parallel_loop3A_399 : vector<16xi32>
        %parallel_loop3A_401 = tpu.vector_load_idx %arg25[%parallel_loop3A_400] : memref<1360xf32, #tpu.memory_space<vmem>>[vector<16xi32>], vector<16xf32>,
        %parallel_loop3A_402 = arith.addf %parallel_loop3A_397, %parallel_loop3A_401 : vector<16xf32>
        %parallel_loop3A_403 = arith.constant 4 : i32
        %parallel_loop3A_404 = vector.broadcast %parallel_loop3A_403 : i32 to vector<16xi32>
        %parallel_loop3A_405 = arith.addi %parallel_loop3A_386, %parallel_loop3A_404 : vector<16xi32>
        %parallel_loop3A_406 = tpu.vector_load_idx %arg25[%parallel_loop3A_405] : memref<1360xf32, #tpu.memory_space<vmem>>[vector<16xi32>], vector<16xf32>,
        %parallel_loop3A_407 = arith.addf %parallel_loop3A_402, %parallel_loop3A_406 : vector<16xf32>
        %parallel_loop3A_408 = arith.constant 5 : i32
        %parallel_loop3A_409 = vector.broadcast %parallel_loop3A_408 : i32 to vector<16xi32>
        %parallel_loop3A_410 = arith.addi %parallel_loop3A_386, %parallel_loop3A_409 : vector<16xi32>
        %parallel_loop3A_411 = tpu.vector_load_idx %arg25[%parallel_loop3A_410] : memref<1360xf32, #tpu.memory_space<vmem>>[vector<16xi32>], vector<16xf32>,
        %parallel_loop3A_412 = arith.addf %parallel_loop3A_407, %parallel_loop3A_411 : vector<16xf32>
        %parallel_loop3A_413 = arith.constant 6 : i32
        %parallel_loop3A_414 = vector.broadcast %parallel_loop3A_413 : i32 to vector<16xi32>
        %parallel_loop3A_415 = arith.addi %parallel_loop3A_386, %parallel_loop3A_414 : vector<16xi32>
        %parallel_loop3A_416 = tpu.vector_load_idx %arg25[%parallel_loop3A_415] : memref<1360xf32, #tpu.memory_space<vmem>>[vector<16xi32>], vector<16xf32>,
        %parallel_loop3A_417 = arith.addf %parallel_loop3A_412, %parallel_loop3A_416 : vector<16xf32>
        %parallel_loop3A_418 = arith.constant 7 : i32
        %parallel_loop3A_419 = vector.broadcast %parallel_loop3A_418 : i32 to vector<16xi32>
        %parallel_loop3A_420 = arith.addi %parallel_loop3A_386, %parallel_loop3A_419 : vector<16xi32>
        %parallel_loop3A_421 = tpu.vector_load_idx %arg25[%parallel_loop3A_420] : memref<1360xf32, #tpu.memory_space<vmem>>[vector<16xi32>], vector<16xf32>,
        %parallel_loop3A_422 = arith.addf %parallel_loop3A_417, %parallel_loop3A_421 : vector<16xf32>
        %parallel_loop3A_423 = arith.constant 8 : i32
        %parallel_loop3A_424 = vector.broadcast %parallel_loop3A_423 : i32 to vector<16xi32>
        %parallel_loop3A_425 = arith.addi %parallel_loop3A_386, %parallel_loop3A_424 : vector<16xi32>
        %parallel_loop3A_426 = tpu.vector_load_idx %arg25[%parallel_loop3A_425] : memref<1360xf32, #tpu.memory_space<vmem>>[vector<16xi32>], vector<16xf32>,
        %parallel_loop3A_427 = arith.addf %parallel_loop3A_422, %parallel_loop3A_426 : vector<16xf32>
        %parallel_loop3A_428 = arith.constant 9 : i32
        %parallel_loop3A_429 = vector.broadcast %parallel_loop3A_428 : i32 to vector<16xi32>
        %parallel_loop3A_430 = arith.addi %parallel_loop3A_386, %parallel_loop3A_429 : vector<16xi32>
        %parallel_loop3A_431 = tpu.vector_load_idx %arg25[%parallel_loop3A_430] : memref<1360xf32, #tpu.memory_space<vmem>>[vector<16xi32>], vector<16xf32>,
        %parallel_loop3A_432 = arith.addf %parallel_loop3A_427, %parallel_loop3A_431 : vector<16xf32>
        %parallel_loop3A_433 = arith.constant 10 : i32
        %parallel_loop3A_434 = vector.broadcast %parallel_loop3A_433 : i32 to vector<16xi32>
        %parallel_loop3A_435 = arith.addi %parallel_loop3A_386, %parallel_loop3A_434 : vector<16xi32>
        %parallel_loop3A_436 = tpu.vector_load_idx %arg25[%parallel_loop3A_435] : memref<1360xf32, #tpu.memory_space<vmem>>[vector<16xi32>], vector<16xf32>,
        %parallel_loop3A_437 = arith.addf %parallel_loop3A_432, %parallel_loop3A_436 : vector<16xf32>
        %parallel_loop3A_438 = arith.constant 11 : i32
        %parallel_loop3A_439 = vector.broadcast %parallel_loop3A_438 : i32 to vector<16xi32>
        %parallel_loop3A_440 = arith.addi %parallel_loop3A_386, %parallel_loop3A_439 : vector<16xi32>
        %parallel_loop3A_441 = tpu.vector_load_idx %arg25[%parallel_loop3A_440] : memref<1360xf32, #tpu.memory_space<vmem>>[vector<16xi32>], vector<16xf32>,
        %parallel_loop3A_442 = arith.addf %parallel_loop3A_437, %parallel_loop3A_441 : vector<16xf32>
        %parallel_loop3A_443 = arith.constant 12 : i32
        %parallel_loop3A_444 = vector.broadcast %parallel_loop3A_443 : i32 to vector<16xi32>
        %parallel_loop3A_445 = arith.addi %parallel_loop3A_386, %parallel_loop3A_444 : vector<16xi32>
        %parallel_loop3A_446 = tpu.vector_load_idx %arg25[%parallel_loop3A_445] : memref<1360xf32, #tpu.memory_space<vmem>>[vector<16xi32>], vector<16xf32>,
        %parallel_loop3A_447 = arith.addf %parallel_loop3A_442, %parallel_loop3A_446 : vector<16xf32>
        %parallel_loop3A_448 = arith.constant 13 : i32
        %parallel_loop3A_449 = vector.broadcast %parallel_loop3A_448 : i32 to vector<16xi32>
        %parallel_loop3A_450 = arith.addi %parallel_loop3A_386, %parallel_loop3A_449 : vector<16xi32>
        %parallel_loop3A_451 = tpu.vector_load_idx %arg25[%parallel_loop3A_450] : memref<1360xf32, #tpu.memory_space<vmem>>[vector<16xi32>], vector<16xf32>,
        %parallel_loop3A_452 = arith.addf %parallel_loop3A_447, %parallel_loop3A_451 : vector<16xf32>
        %parallel_loop3A_453 = arith.constant 14 : i32
        %parallel_loop3A_454 = vector.broadcast %parallel_loop3A_453 : i32 to vector<16xi32>
        %parallel_loop3A_455 = arith.addi %parallel_loop3A_386, %parallel_loop3A_454 : vector<16xi32>
        %parallel_loop3A_456 = tpu.vector_load_idx %arg25[%parallel_loop3A_455] : memref<1360xf32, #tpu.memory_space<vmem>>[vector<16xi32>], vector<16xf32>,
        %parallel_loop3A_457 = arith.addf %parallel_loop3A_452, %parallel_loop3A_456 : vector<16xf32>
        %parallel_loop3A_458 = arith.constant 15 : i32
        %parallel_loop3A_459 = vector.broadcast %parallel_loop3A_458 : i32 to vector<16xi32>
        %parallel_loop3A_460 = arith.addi %parallel_loop3A_386, %parallel_loop3A_459 : vector<16xi32>
        %parallel_loop3A_461 = tpu.vector_load_idx %arg25[%parallel_loop3A_460] : memref<1360xf32, #tpu.memory_space<vmem>>[vector<16xi32>], vector<16xf32>,
        %parallel_loop3A_462 = arith.addf %parallel_loop3A_457, %parallel_loop3A_461 : vector<16xf32>
        %parallel_loop3A_463 = arith.constant 0.000000e+00 : f32
        %parallel_loop3A_464 = vector.broadcast %parallel_loop3A_463 : f32 to vector<16xf32>
        %parallel_loop3A_465 = arith.subf %parallel_loop3A_464, %parallel_loop3A_462 : vector<16xf32>
        %parallel_loop3A_466 = math.exp %parallel_loop3A_465 : vector<16xf32>
        %parallel_loop3A_467 = arith.constant 1.000000e+00 : f32
        %parallel_loop3A_468 = vector.broadcast %parallel_loop3A_467 : f32 to vector<16xf32>
        %parallel_loop3A_469 = arith.addf %parallel_loop3A_468, %parallel_loop3A_466 : vector<16xf32>
        %parallel_loop3A_470 = arith.constant 1.000000e+00 : f32
        %parallel_loop3A_471 = vector.broadcast %parallel_loop3A_470 : f32 to vector<16xf32>
        %parallel_loop3A_472 = arith.divf %parallel_loop3A_471, %parallel_loop3A_469 : vector<16xf32>
        %parallel_loop3A_473 = arith.constant 16 : i32
        %parallel_loop3A_474 = arith.muli %parallel_loop3A_382, %parallel_loop3A_473 : i32
        %parallel_loop3A_475 = arith.index_cast %parallel_loop3A_474 : i32 to index
        %parallel_loop3A_476 = tpu.vector_load %arg24[%parallel_loop3A_475] {strides = array<i32>} : memref<80xf32, #tpu.memory_space<vmem>>, vector<16xf32>,
        tpu.vector_store %arg24[%parallel_loop3A_475], %parallel_loop3A_472 {strides = array<i32>} : memref<80xf32, #tpu.memory_space<vmem>>, vector<16xf32>,
      } {sc.loop_unroll_factor = 1 : i64, sc.parallel_access}
      %mul3A_372 = arith.constant 80 : i32
      %mul3A_373 = arith.muli %add3A_347, %mul3A_372 : i32
      %add3A_374 = arith.addi %mul3A_98, %mul3A_373 : i32
      %dma_start3A_375 = tpu.memref_slice %arg9[%add3A_374] : memref<320000xf32, #tpu.memory_space<hbm>> -> memref<80xf32, #tpu.memory_space<hbm>>
      %dma_start3A_376 = tpu.memref_slice %arg9[%add3A_374] : memref<320000xf32, #tpu.memory_space<hbm>> -> memref<80xf32, #tpu.memory_space<hbm>>
      tpu.enqueue_dma source(%arg24 : memref<80xf32, #tpu.memory_space<vmem>>) target(%dma_start3A_376 : memref<80xf32, #tpu.memory_space<hbm>>) target_semaphore(%arg35 : memref<!tpu.dma_semaphore, #tpu.memory_space<semaphore_mem>>)
      %lt3A_377 = arith.constant 30 : i32
      %lt3A_378 = arith.cmpi slt, %add3A_196, %lt3A_377 : i32
      %convert_element_type3A_379 = arith.extui %lt3A_378 : i1 to i32
      %cond3A_380 = arith.constant 0 : i32
      %cond3A_381 = arith.cmpi ne, %convert_element_type3A_379, %cond3A_380 : i32
      scf.if %cond3A_381 {
        %add3A_382 = arith.constant 2 : i32
        %add3A_383 = arith.addi %add3A_347, %add3A_382 : i32
        %mul3A_384 = arith.constant 80 : i32
        %mul3A_385 = arith.muli %add3A_383, %mul3A_384 : i32
        %add3A_386 = arith.addi %mul3A_98, %mul3A_385 : i32
        %dma_wait3A_387 = tpu.memref_slice %arg4[%add3A_386] : memref<320000xi32, #tpu.memory_space<hbm>> -> memref<80xi32, #tpu.memory_space<hbm>>
        %dma_wait3A_388 = tpu.memref_slice %arg4[%add3A_386] : memref<320000xi32, #tpu.memory_space<hbm>> -> memref<80xi32, #tpu.memory_space<hbm>>
        tpu.wait_dma2 semaphore(%arg27 : memref<!tpu.dma_semaphore, #tpu.memory_space<semaphore_mem>>) src(%dma_wait3A_388 : memref<80xi32, #tpu.memory_space<hbm>>) dst(%arg13 : memref<80xi32, #tpu.memory_space<vmem>>)
        %mul3A_389 = arith.constant 80 : i32
        %mul3A_390 = arith.muli %add3A_383, %mul3A_389 : i32
        %add3A_391 = arith.addi %mul3A_98, %mul3A_390 : i32
        %dma_wait3A_392 = tpu.memref_slice %arg5[%add3A_391] : memref<320000xi32, #tpu.memory_space<hbm>> -> memref<80xi32, #tpu.memory_space<hbm>>
        %dma_wait3A_393 = tpu.memref_slice %arg5[%add3A_391] : memref<320000xi32, #tpu.memory_space<hbm>> -> memref<80xi32, #tpu.memory_space<hbm>>
        tpu.wait_dma2 semaphore(%arg27 : memref<!tpu.dma_semaphore, #tpu.memory_space<semaphore_mem>>) src(%dma_wait3A_393 : memref<80xi32, #tpu.memory_space<hbm>>) dst(%arg14 : memref<80xi32, #tpu.memory_space<vmem>>)
        %dma_start3A_394 = arith.constant 0 : i32
        %dma_start3A_395 = arith.constant 0 : i32
        %dma_start3A_396 = tpu.memref_slice %arg10[%dma_start3A_394, %dma_start3A_395] : memref<10000x128xf32, #tpu.memory_space<vmem_shared>> -> memref<10000x128xf32, #tpu.memory_space<vmem_shared>>
        tpu.enqueue_indirect_dma source(%dma_start3A_396 : memref<10000x128xf32, #tpu.memory_space<vmem_shared>>) target(%arg21 : memref<80x128xf32, #tpu.memory_space<vmem>>) offsets(%arg13 : memref<80xi32, #tpu.memory_space<vmem>>) semaphore(%arg32 : memref<!tpu.dma_semaphore, #tpu.memory_space<semaphore_mem>>)
        %dma_start3A_397 = arith.constant 0 : i32
        %dma_start3A_398 = arith.constant 0 : i32
        %dma_start3A_399 = tpu.memref_slice %arg7[%dma_start3A_397, %dma_start3A_398] : memref<10000x128xf32, #tpu.memory_space<hbm>> -> memref<10000x128xf32, #tpu.memory_space<hbm>>
        tpu.enqueue_indirect_dma source(%dma_start3A_399 : memref<10000x128xf32, #tpu.memory_space<hbm>>) target(%arg22 : memref<80x128xf32, #tpu.memory_space<vmem>>) offsets(%arg14 : memref<80xi32, #tpu.memory_space<vmem>>) semaphore(%arg33 : memref<!tpu.dma_semaphore, #tpu.memory_space<semaphore_mem>>)
      } else {
      }
    }
    %scan3A_163 = arith.constant 31 : i32
    %dma_wait3A_164 = arith.constant 0 : i32
    %dma_wait3A_165 = arith.constant 0 : i32
    %dma_wait3A_166 = tpu.memref_slice %arg10[%dma_wait3A_164, %dma_wait3A_165] : memref<10000x128xf32, #tpu.memory_space<vmem_shared>> -> memref<10000x128xf32, #tpu.memory_space<vmem_shared>>
    tpu.wait_indirect_dma semaphore(%arg30 : memref<!tpu.dma_semaphore, #tpu.memory_space<semaphore_mem>>) src(%dma_wait3A_166 : memref<10000x128xf32, #tpu.memory_space<vmem_shared>>) dst(%arg19 : memref<80x128xf32, #tpu.memory_space<vmem>>)
    %dma_wait3A_167 = arith.constant 0 : i32
    %dma_wait3A_168 = arith.constant 0 : i32
    %dma_wait3A_169 = tpu.memref_slice %arg7[%dma_wait3A_167, %dma_wait3A_168] : memref<10000x128xf32, #tpu.memory_space<hbm>> -> memref<10000x128xf32, #tpu.memory_space<hbm>>
    tpu.wait_indirect_dma semaphore(%arg31 : memref<!tpu.dma_semaphore, #tpu.memory_space<semaphore_mem>>) src(%dma_wait3A_169 : memref<10000x128xf32, #tpu.memory_space<hbm>>) dst(%arg20 : memref<80x128xf32, #tpu.memory_space<vmem>>)
    %add3A_170 = arith.constant 9760 : i32
    %add3A_171 = arith.addi %mul3A_98, %add3A_170 : i32
    %dma_wait3A_172 = tpu.memref_slice %arg9[%add3A_171] : memref<320000xf32, #tpu.memory_space<hbm>> -> memref<80xf32, #tpu.memory_space<hbm>>
    %dma_wait3A_173 = tpu.memref_slice %arg9[%add3A_171] : memref<320000xf32, #tpu.memory_space<hbm>> -> memref<80xf32, #tpu.memory_space<hbm>>
    tpu.wait_dma2 semaphore(%arg34 : memref<!tpu.dma_semaphore, #tpu.memory_space<semaphore_mem>>) src(%arg23 : memref<80xf32, #tpu.memory_space<vmem>>) dst(%dma_wait3A_173 : memref<80xf32, #tpu.memory_space<hbm>>)
    %parallel_loop3A_174 = arith.constant 0 : i32
    %parallel_loop3A_175 = arith.constant 80 : i32
    %parallel_loop3A_176 = arith.constant 1 : i32
    scf.for %parallel_loop3A_192 = %parallel_loop3A_174 to %parallel_loop3A_175 step %parallel_loop3A_176  : i32 {
      %parallel_loop3A_193 = arith.index_cast %parallel_loop3A_192 : i32 to index
      %parallel_loop3A_194 = arith.constant 0 : index
      %parallel_loop3A_195 = tpu.vector_load %arg19[%parallel_loop3A_193, %parallel_loop3A_194] {strides = array<i32>} : memref<80x128xf32, #tpu.memory_space<vmem>>, vector<16xf32>,
      %parallel_loop3A_196 = arith.index_cast %parallel_loop3A_192 : i32 to index
      %parallel_loop3A_197 = arith.constant 0 : index
      %parallel_loop3A_198 = tpu.vector_load %arg20[%parallel_loop3A_196, %parallel_loop3A_197] {strides = array<i32>} : memref<80x128xf32, #tpu.memory_space<vmem>>, vector<16xf32>,
      %parallel_loop3A_199 = arith.mulf %parallel_loop3A_195, %parallel_loop3A_198 : vector<16xf32>
      %parallel_loop3A_200 = arith.index_cast %parallel_loop3A_192 : i32 to index
      %parallel_loop3A_201 = arith.constant 16 : index
      %parallel_loop3A_202 = tpu.vector_load %arg19[%parallel_loop3A_200, %parallel_loop3A_201] {strides = array<i32>} : memref<80x128xf32, #tpu.memory_space<vmem>>, vector<16xf32>,
      %parallel_loop3A_203 = arith.index_cast %parallel_loop3A_192 : i32 to index
      %parallel_loop3A_204 = arith.constant 16 : index
      %parallel_loop3A_205 = tpu.vector_load %arg20[%parallel_loop3A_203, %parallel_loop3A_204] {strides = array<i32>} : memref<80x128xf32, #tpu.memory_space<vmem>>, vector<16xf32>,
      %parallel_loop3A_206 = arith.mulf %parallel_loop3A_202, %parallel_loop3A_205 : vector<16xf32>
      %parallel_loop3A_207 = arith.addf %parallel_loop3A_199, %parallel_loop3A_206 : vector<16xf32>
      %parallel_loop3A_208 = arith.index_cast %parallel_loop3A_192 : i32 to index
      %parallel_loop3A_209 = arith.constant 32 : index
      %parallel_loop3A_210 = tpu.vector_load %arg19[%parallel_loop3A_208, %parallel_loop3A_209] {strides = array<i32>} : memref<80x128xf32, #tpu.memory_space<vmem>>, vector<16xf32>,
      %parallel_loop3A_211 = arith.index_cast %parallel_loop3A_192 : i32 to index
      %parallel_loop3A_212 = arith.constant 32 : index
      %parallel_loop3A_213 = tpu.vector_load %arg20[%parallel_loop3A_211, %parallel_loop3A_212] {strides = array<i32>} : memref<80x128xf32, #tpu.memory_space<vmem>>, vector<16xf32>,
      %parallel_loop3A_214 = arith.mulf %parallel_loop3A_210, %parallel_loop3A_213 : vector<16xf32>
      %parallel_loop3A_215 = arith.addf %parallel_loop3A_207, %parallel_loop3A_214 : vector<16xf32>
      %parallel_loop3A_216 = arith.index_cast %parallel_loop3A_192 : i32 to index
      %parallel_loop3A_217 = arith.constant 48 : index
      %parallel_loop3A_218 = tpu.vector_load %arg19[%parallel_loop3A_216, %parallel_loop3A_217] {strides = array<i32>} : memref<80x128xf32, #tpu.memory_space<vmem>>, vector<16xf32>,
      %parallel_loop3A_219 = arith.index_cast %parallel_loop3A_192 : i32 to index
      %parallel_loop3A_220 = arith.constant 48 : index
      %parallel_loop3A_221 = tpu.vector_load %arg20[%parallel_loop3A_219, %parallel_loop3A_220] {strides = array<i32>} : memref<80x128xf32, #tpu.memory_space<vmem>>, vector<16xf32>,
      %parallel_loop3A_222 = arith.mulf %parallel_loop3A_218, %parallel_loop3A_221 : vector<16xf32>
      %parallel_loop3A_223 = arith.addf %parallel_loop3A_215, %parallel_loop3A_222 : vector<16xf32>
      %parallel_loop3A_224 = arith.index_cast %parallel_loop3A_192 : i32 to index
      %parallel_loop3A_225 = arith.constant 64 : index
      %parallel_loop3A_226 = tpu.vector_load %arg19[%parallel_loop3A_224, %parallel_loop3A_225] {strides = array<i32>} : memref<80x128xf32, #tpu.memory_space<vmem>>, vector<16xf32>,
      %parallel_loop3A_227 = arith.index_cast %parallel_loop3A_192 : i32 to index
      %parallel_loop3A_228 = arith.constant 64 : index
      %parallel_loop3A_229 = tpu.vector_load %arg20[%parallel_loop3A_227, %parallel_loop3A_228] {strides = array<i32>} : memref<80x128xf32, #tpu.memory_space<vmem>>, vector<16xf32>,
      %parallel_loop3A_230 = arith.mulf %parallel_loop3A_226, %parallel_loop3A_229 : vector<16xf32>
      %parallel_loop3A_231 = arith.addf %parallel_loop3A_223, %parallel_loop3A_230 : vector<16xf32>
      %parallel_loop3A_232 = arith.index_cast %parallel_loop3A_192 : i32 to index
      %parallel_loop3A_233 = arith.constant 80 : index
      %parallel_loop3A_234 = tpu.vector_load %arg19[%parallel_loop3A_232, %parallel_loop3A_233] {strides = array<i32>} : memref<80x128xf32, #tpu.memory_space<vmem>>, vector<16xf32>,
      %parallel_loop3A_235 = arith.index_cast %parallel_loop3A_192 : i32 to index
      %parallel_loop3A_236 = arith.constant 80 : index
      %parallel_loop3A_237 = tpu.vector_load %arg20[%parallel_loop3A_235, %parallel_loop3A_236] {strides = array<i32>} : memref<80x128xf32, #tpu.memory_space<vmem>>, vector<16xf32>,
      %parallel_loop3A_238 = arith.mulf %parallel_loop3A_234, %parallel_loop3A_237 : vector<16xf32>
      %parallel_loop3A_239 = arith.addf %parallel_loop3A_231, %parallel_loop3A_238 : vector<16xf32>
      %parallel_loop3A_240 = arith.index_cast %parallel_loop3A_192 : i32 to index
      %parallel_loop3A_241 = arith.constant 96 : index
      %parallel_loop3A_242 = tpu.vector_load %arg19[%parallel_loop3A_240, %parallel_loop3A_241] {strides = array<i32>} : memref<80x128xf32, #tpu.memory_space<vmem>>, vector<16xf32>,
      %parallel_loop3A_243 = arith.index_cast %parallel_loop3A_192 : i32 to index
      %parallel_loop3A_244 = arith.constant 96 : index
      %parallel_loop3A_245 = tpu.vector_load %arg20[%parallel_loop3A_243, %parallel_loop3A_244] {strides = array<i32>} : memref<80x128xf32, #tpu.memory_space<vmem>>, vector<16xf32>,
      %parallel_loop3A_246 = arith.mulf %parallel_loop3A_242, %parallel_loop3A_245 : vector<16xf32>
      %parallel_loop3A_247 = arith.addf %parallel_loop3A_239, %parallel_loop3A_246 : vector<16xf32>
      %parallel_loop3A_248 = arith.index_cast %parallel_loop3A_192 : i32 to index
      %parallel_loop3A_249 = arith.constant 112 : index
      %parallel_loop3A_250 = tpu.vector_load %arg19[%parallel_loop3A_248, %parallel_loop3A_249] {strides = array<i32>} : memref<80x128xf32, #tpu.memory_space<vmem>>, vector<16xf32>,
      %parallel_loop3A_251 = arith.index_cast %parallel_loop3A_192 : i32 to index
      %parallel_loop3A_252 = arith.constant 112 : index
      %parallel_loop3A_253 = tpu.vector_load %arg20[%parallel_loop3A_251, %parallel_loop3A_252] {strides = array<i32>} : memref<80x128xf32, #tpu.memory_space<vmem>>, vector<16xf32>,
      %parallel_loop3A_254 = arith.mulf %parallel_loop3A_250, %parallel_loop3A_253 : vector<16xf32>
      %parallel_loop3A_255 = arith.addf %parallel_loop3A_247, %parallel_loop3A_254 : vector<16xf32>
      %parallel_loop3A_256 = arith.constant 17 : i32
      %parallel_loop3A_257 = arith.muli %parallel_loop3A_192, %parallel_loop3A_256 : i32
      %parallel_loop3A_258 = arith.index_cast %parallel_loop3A_257 : i32 to index
      %parallel_loop3A_259 = tpu.vector_load %arg25[%parallel_loop3A_258] {strides = array<i32>} : memref<1360xf32, #tpu.memory_space<vmem>>, vector<16xf32>,
      tpu.vector_store %arg25[%parallel_loop3A_258], %parallel_loop3A_255 {strides = array<i32>} : memref<1360xf32, #tpu.memory_space<vmem>>, vector<16xf32>,
    } {sc.loop_unroll_factor = 2 : i64, sc.parallel_access}
    %parallel_loop3A_177 = arith.constant 0 : i32
    %parallel_loop3A_178 = arith.constant 5 : i32
    %parallel_loop3A_179 = arith.constant 1 : i32
    scf.for %parallel_loop3A_192 = %parallel_loop3A_177 to %parallel_loop3A_178 step %parallel_loop3A_179  : i32 {
      %parallel_loop3A_193 = arith.constant 272 : i32
      %parallel_loop3A_194 = arith.muli %parallel_loop3A_192, %parallel_loop3A_193 : i32
      %parallel_loop3A_195 = vector.broadcast %parallel_loop3A_194 : i32 to vector<16xi32>
      %parallel_loop3A_196 = arith.addi %mul3A_3, %parallel_loop3A_195 : vector<16xi32>
      %parallel_loop3A_197 = tpu.vector_load_idx %arg25[%parallel_loop3A_196] : memref<1360xf32, #tpu.memory_space<vmem>>[vector<16xi32>], vector<16xf32>,
      %parallel_loop3A_198 = arith.constant 1 : i32
      %parallel_loop3A_199 = vector.broadcast %parallel_loop3A_198 : i32 to vector<16xi32>
      %parallel_loop3A_200 = arith.addi %parallel_loop3A_196, %parallel_loop3A_199 : vector<16xi32>
      %parallel_loop3A_201 = tpu.vector_load_idx %arg25[%parallel_loop3A_200] : memref<1360xf32, #tpu.memory_space<vmem>>[vector<16xi32>], vector<16xf32>,
      %parallel_loop3A_202 = arith.addf %parallel_loop3A_197, %parallel_loop3A_201 : vector<16xf32>
      %parallel_loop3A_203 = arith.constant 2 : i32
      %parallel_loop3A_204 = vector.broadcast %parallel_loop3A_203 : i32 to vector<16xi32>
      %parallel_loop3A_205 = arith.addi %parallel_loop3A_196, %parallel_loop3A_204 : vector<16xi32>
      %parallel_loop3A_206 = tpu.vector_load_idx %arg25[%parallel_loop3A_205] : memref<1360xf32, #tpu.memory_space<vmem>>[vector<16xi32>], vector<16xf32>,
      %parallel_loop3A_207 = arith.addf %parallel_loop3A_202, %parallel_loop3A_206 : vector<16xf32>
      %parallel_loop3A_208 = arith.constant 3 : i32
      %parallel_loop3A_209 = vector.broadcast %parallel_loop3A_208 : i32 to vector<16xi32>
      %parallel_loop3A_210 = arith.addi %parallel_loop3A_196, %parallel_loop3A_209 : vector<16xi32>
      %parallel_loop3A_211 = tpu.vector_load_idx %arg25[%parallel_loop3A_210] : memref<1360xf32, #tpu.memory_space<vmem>>[vector<16xi32>], vector<16xf32>,
      %parallel_loop3A_212 = arith.addf %parallel_loop3A_207, %parallel_loop3A_211 : vector<16xf32>
      %parallel_loop3A_213 = arith.constant 4 : i32
      %parallel_loop3A_214 = vector.broadcast %parallel_loop3A_213 : i32 to vector<16xi32>
      %parallel_loop3A_215 = arith.addi %parallel_loop3A_196, %parallel_loop3A_214 : vector<16xi32>
      %parallel_loop3A_216 = tpu.vector_load_idx %arg25[%parallel_loop3A_215] : memref<1360xf32, #tpu.memory_space<vmem>>[vector<16xi32>], vector<16xf32>,
      %parallel_loop3A_217 = arith.addf %parallel_loop3A_212, %parallel_loop3A_216 : vector<16xf32>
      %parallel_loop3A_218 = arith.constant 5 : i32
      %parallel_loop3A_219 = vector.broadcast %parallel_loop3A_218 : i32 to vector<16xi32>
      %parallel_loop3A_220 = arith.addi %parallel_loop3A_196, %parallel_loop3A_219 : vector<16xi32>
      %parallel_loop3A_221 = tpu.vector_load_idx %arg25[%parallel_loop3A_220] : memref<1360xf32, #tpu.memory_space<vmem>>[vector<16xi32>], vector<16xf32>,
      %parallel_loop3A_222 = arith.addf %parallel_loop3A_217, %parallel_loop3A_221 : vector<16xf32>
      %parallel_loop3A_223 = arith.constant 6 : i32
      %parallel_loop3A_224 = vector.broadcast %parallel_loop3A_223 : i32 to vector<16xi32>
      %parallel_loop3A_225 = arith.addi %parallel_loop3A_196, %parallel_loop3A_224 : vector<16xi32>
      %parallel_loop3A_226 = tpu.vector_load_idx %arg25[%parallel_loop3A_225] : memref<1360xf32, #tpu.memory_space<vmem>>[vector<16xi32>], vector<16xf32>,
      %parallel_loop3A_227 = arith.addf %parallel_loop3A_222, %parallel_loop3A_226 : vector<16xf32>
      %parallel_loop3A_228 = arith.constant 7 : i32
      %parallel_loop3A_229 = vector.broadcast %parallel_loop3A_228 : i32 to vector<16xi32>
      %parallel_loop3A_230 = arith.addi %parallel_loop3A_196, %parallel_loop3A_229 : vector<16xi32>
      %parallel_loop3A_231 = tpu.vector_load_idx %arg25[%parallel_loop3A_230] : memref<1360xf32, #tpu.memory_space<vmem>>[vector<16xi32>], vector<16xf32>,
      %parallel_loop3A_232 = arith.addf %parallel_loop3A_227, %parallel_loop3A_231 : vector<16xf32>
      %parallel_loop3A_233 = arith.constant 8 : i32
      %parallel_loop3A_234 = vector.broadcast %parallel_loop3A_233 : i32 to vector<16xi32>
      %parallel_loop3A_235 = arith.addi %parallel_loop3A_196, %parallel_loop3A_234 : vector<16xi32>
      %parallel_loop3A_236 = tpu.vector_load_idx %arg25[%parallel_loop3A_235] : memref<1360xf32, #tpu.memory_space<vmem>>[vector<16xi32>], vector<16xf32>,
      %parallel_loop3A_237 = arith.addf %parallel_loop3A_232, %parallel_loop3A_236 : vector<16xf32>
      %parallel_loop3A_238 = arith.constant 9 : i32
      %parallel_loop3A_239 = vector.broadcast %parallel_loop3A_238 : i32 to vector<16xi32>
      %parallel_loop3A_240 = arith.addi %parallel_loop3A_196, %parallel_loop3A_239 : vector<16xi32>
      %parallel_loop3A_241 = tpu.vector_load_idx %arg25[%parallel_loop3A_240] : memref<1360xf32, #tpu.memory_space<vmem>>[vector<16xi32>], vector<16xf32>,
      %parallel_loop3A_242 = arith.addf %parallel_loop3A_237, %parallel_loop3A_241 : vector<16xf32>
      %parallel_loop3A_243 = arith.constant 10 : i32
      %parallel_loop3A_244 = vector.broadcast %parallel_loop3A_243 : i32 to vector<16xi32>
      %parallel_loop3A_245 = arith.addi %parallel_loop3A_196, %parallel_loop3A_244 : vector<16xi32>
      %parallel_loop3A_246 = tpu.vector_load_idx %arg25[%parallel_loop3A_245] : memref<1360xf32, #tpu.memory_space<vmem>>[vector<16xi32>], vector<16xf32>,
      %parallel_loop3A_247 = arith.addf %parallel_loop3A_242, %parallel_loop3A_246 : vector<16xf32>
      %parallel_loop3A_248 = arith.constant 11 : i32
      %parallel_loop3A_249 = vector.broadcast %parallel_loop3A_248 : i32 to vector<16xi32>
      %parallel_loop3A_250 = arith.addi %parallel_loop3A_196, %parallel_loop3A_249 : vector<16xi32>
      %parallel_loop3A_251 = tpu.vector_load_idx %arg25[%parallel_loop3A_250] : memref<1360xf32, #tpu.memory_space<vmem>>[vector<16xi32>], vector<16xf32>,
      %parallel_loop3A_252 = arith.addf %parallel_loop3A_247, %parallel_loop3A_251 : vector<16xf32>
      %parallel_loop3A_253 = arith.constant 12 : i32
      %parallel_loop3A_254 = vector.broadcast %parallel_loop3A_253 : i32 to vector<16xi32>
      %parallel_loop3A_255 = arith.addi %parallel_loop3A_196, %parallel_loop3A_254 : vector<16xi32>
      %parallel_loop3A_256 = tpu.vector_load_idx %arg25[%parallel_loop3A_255] : memref<1360xf32, #tpu.memory_space<vmem>>[vector<16xi32>], vector<16xf32>,
      %parallel_loop3A_257 = arith.addf %parallel_loop3A_252, %parallel_loop3A_256 : vector<16xf32>
      %parallel_loop3A_258 = arith.constant 13 : i32
      %parallel_loop3A_259 = vector.broadcast %parallel_loop3A_258 : i32 to vector<16xi32>
      %parallel_loop3A_260 = arith.addi %parallel_loop3A_196, %parallel_loop3A_259 : vector<16xi32>
      %parallel_loop3A_261 = tpu.vector_load_idx %arg25[%parallel_loop3A_260] : memref<1360xf32, #tpu.memory_space<vmem>>[vector<16xi32>], vector<16xf32>,
      %parallel_loop3A_262 = arith.addf %parallel_loop3A_257, %parallel_loop3A_261 : vector<16xf32>
      %parallel_loop3A_263 = arith.constant 14 : i32
      %parallel_loop3A_264 = vector.broadcast %parallel_loop3A_263 : i32 to vector<16xi32>
      %parallel_loop3A_265 = arith.addi %parallel_loop3A_196, %parallel_loop3A_264 : vector<16xi32>
      %parallel_loop3A_266 = tpu.vector_load_idx %arg25[%parallel_loop3A_265] : memref<1360xf32, #tpu.memory_space<vmem>>[vector<16xi32>], vector<16xf32>,
      %parallel_loop3A_267 = arith.addf %parallel_loop3A_262, %parallel_loop3A_266 : vector<16xf32>
      %parallel_loop3A_268 = arith.constant 15 : i32
      %parallel_loop3A_269 = vector.broadcast %parallel_loop3A_268 : i32 to vector<16xi32>
      %parallel_loop3A_270 = arith.addi %parallel_loop3A_196, %parallel_loop3A_269 : vector<16xi32>
      %parallel_loop3A_271 = tpu.vector_load_idx %arg25[%parallel_loop3A_270] : memref<1360xf32, #tpu.memory_space<vmem>>[vector<16xi32>], vector<16xf32>,
      %parallel_loop3A_272 = arith.addf %parallel_loop3A_267, %parallel_loop3A_271 : vector<16xf32>
      %parallel_loop3A_273 = arith.constant 0.000000e+00 : f32
      %parallel_loop3A_274 = vector.broadcast %parallel_loop3A_273 : f32 to vector<16xf32>
      %parallel_loop3A_275 = arith.subf %parallel_loop3A_274, %parallel_loop3A_272 : vector<16xf32>
      %parallel_loop3A_276 = math.exp %parallel_loop3A_275 : vector<16xf32>
      %parallel_loop3A_277 = arith.constant 1.000000e+00 : f32
      %parallel_loop3A_278 = vector.broadcast %parallel_loop3A_277 : f32 to vector<16xf32>
      %parallel_loop3A_279 = arith.addf %parallel_loop3A_278, %parallel_loop3A_276 : vector<16xf32>
      %parallel_loop3A_280 = arith.constant 1.000000e+00 : f32
      %parallel_loop3A_281 = vector.broadcast %parallel_loop3A_280 : f32 to vector<16xf32>
      %parallel_loop3A_282 = arith.divf %parallel_loop3A_281, %parallel_loop3A_279 : vector<16xf32>
      %parallel_loop3A_283 = arith.constant 16 : i32
      %parallel_loop3A_284 = arith.muli %parallel_loop3A_192, %parallel_loop3A_283 : i32
      %parallel_loop3A_285 = arith.index_cast %parallel_loop3A_284 : i32 to index
      %parallel_loop3A_286 = tpu.vector_load %arg23[%parallel_loop3A_285] {strides = array<i32>} : memref<80xf32, #tpu.memory_space<vmem>>, vector<16xf32>,
      tpu.vector_store %arg23[%parallel_loop3A_285], %parallel_loop3A_282 {strides = array<i32>} : memref<80xf32, #tpu.memory_space<vmem>>, vector<16xf32>,
    } {sc.loop_unroll_factor = 1 : i64, sc.parallel_access}
    %add3A_180 = arith.constant 9920 : i32
    %add3A_181 = arith.addi %mul3A_98, %add3A_180 : i32
    %dma_start3A_182 = tpu.memref_slice %arg9[%add3A_181] : memref<320000xf32, #tpu.memory_space<hbm>> -> memref<80xf32, #tpu.memory_space<hbm>>
    %dma_start3A_183 = tpu.memref_slice %arg9[%add3A_181] : memref<320000xf32, #tpu.memory_space<hbm>> -> memref<80xf32, #tpu.memory_space<hbm>>
    tpu.enqueue_dma source(%arg23 : memref<80xf32, #tpu.memory_space<vmem>>) target(%dma_start3A_183 : memref<80xf32, #tpu.memory_space<hbm>>) target_semaphore(%arg34 : memref<!tpu.dma_semaphore, #tpu.memory_space<semaphore_mem>>)
    %add3A_184 = arith.constant 9840 : i32
    %add3A_185 = arith.addi %mul3A_98, %add3A_184 : i32
    %dma_wait3A_186 = tpu.memref_slice %arg9[%add3A_185] : memref<320000xf32, #tpu.memory_space<hbm>> -> memref<80xf32, #tpu.memory_space<hbm>>
    %dma_wait3A_187 = tpu.memref_slice %arg9[%add3A_185] : memref<320000xf32, #tpu.memory_space<hbm>> -> memref<80xf32, #tpu.memory_space<hbm>>
    tpu.wait_dma2 semaphore(%arg35 : memref<!tpu.dma_semaphore, #tpu.memory_space<semaphore_mem>>) src(%arg24 : memref<80xf32, #tpu.memory_space<vmem>>) dst(%dma_wait3A_187 : memref<80xf32, #tpu.memory_space<hbm>>)
    %add3A_188 = arith.constant 9920 : i32
    %add3A_189 = arith.addi %mul3A_98, %add3A_188 : i32
    %dma_wait3A_190 = tpu.memref_slice %arg9[%add3A_189] : memref<320000xf32, #tpu.memory_space<hbm>> -> memref<80xf32, #tpu.memory_space<hbm>>
    %dma_wait3A_191 = tpu.memref_slice %arg9[%add3A_189] : memref<320000xf32, #tpu.memory_space<hbm>> -> memref<80xf32, #tpu.memory_space<hbm>>
    tpu.wait_dma2 semaphore(%arg34 : memref<!tpu.dma_semaphore, #tpu.memory_space<semaphore_mem>>) src(%arg23 : memref<80xf32, #tpu.memory_space<vmem>>) dst(%dma_wait3A_191 : memref<80xf32, #tpu.memory_space<hbm>>)
    return
  }
}

</mosaic_0001>

<sc_bundles>
// kernel: kernel.3.cloned.1.call-start
scs
__scs_entry_jumppad:
0x0: {  	(pc) =	sbr.rel $0x88, $3  }
0x1: {  	(tag) =	ssettag $0x0;
	lr =	simm.s32 $0x1  }
0x2: {  	[smem:$0x3F9D] =	sst lr;
	_ =	strace $0xD0000000  }
0x3: {  	_ = 	snop  }
0x4: {  	_ = 	snop  }
0x5: {  	_ = 	snop  }
0x6: {  	_ = 	snop  }
0x7: {  	_ = 	snop  }
__scs_overlays_trampoline_lowered:
0x8: {  	[smem:$0x3FAC] =	sst s0  }
0x9: {  	[smem:$0x3FAD] =	sst s1  }
0xa: {  	[smem:$0x3FAE] =	sst s2  }
0xb: {  	[smem:$0x3FAF] =	sst s3  }
0xc: {  	[smem:$0x3FB0] =	sst s4  }
0xd: {  	[smem:$0x3FB1] =	sst s5  }
0xe: {  	[smem:$0x3FB2] =	sst s6  }
0xf: {  	[smem:$0x3FB3] =	sst s7  }
0x10: {  	[smem:$0x3FB4] =	sst s8  }
0x11: {  	[smem:$0x3FB5] =	sst s9;
	s0 =	simm.s32 @!p0 $0x0  }
0x12: {  	s1 =	sld [smem:$0x3F9B];
	s0 =	simm.s32 @p0 $0x1  }
0x13: {  	[smem:$0x3FB6] =	sst s0;
	s0 =	simm.s32 @!p1 $0x0  }
0x14: {  	s2 =	sld [smem:$0x3F9A];
	s0 =	simm.s32 @p1 $0x1  }
0x15: {  	[smem:$0x3FB7] =	sst s0;
	s0 =	simm.s32 @!p2 $0x0  }
0x16: {  	s3 =	sld [smem:$0x3FDB];
	s0 =	simm.s32 @p2 $0x1  }
0x17: {  	s4 =	simm.s32 $0x1BF5;
	[smem:$0x3FB9] =	sst s0  }
0x18: {  	s0 =	sld [smem:$0x3F9C];
	_ =	swait.ge [sflag:s4], $0x0  }
0x19: {  	s7 =	sld [smem:$0x3F9D]  }
0x1a: {  	s8 =	sadd.s32 $0xFFFFE003, lr  }
0x1b: {  	s9 =	sadd.s32 $0xFFFFFEF7, lr;
	s5 =	simm.s32 $0xFFFFFFFF;
	p2 =	slt.u32 s8, $0xFFFFF086  }
0x1c: {  	p1 =	slt.u32 s9, $0xF7A;
	s5 =	simm.s32 @!p2 $0x0  }
0x1d: {  	s5 =	simm.s32 @p1 $0x1;
	p0 =	seq.s32 s7, s2  }
0x1e: {  	s7 =	smul.u32 @!p0 $0xF7A, s2;
	p2 =	seq.s32 @!p0 s5, $0x0  }
0x1f: {  	s9 =	smul.u32 $0xF7A, s1;
	s8 =	simm.s32 @!p0 $0x1BF5;
	p2 =	por !p2, p0  }
0x20: {  	[sflag:s8] =	ssyncset.s32 @!p0 $0xFFFFF086;
	s6 =	sadd.s32 @!p0 s3, s7;
	s7 =	simm.s32 @!p0 $0x108  }
0x21: {  	s3 =	sadd.s32 s3, s9;
	s6 =	sadd.s32 @!p0 $0x88, s6;
	s7 =	simm.s32 @p2 $0x1082  }
0x22: {  	[simem:s7], [sflag:s8] =	dma.local @!p0 [hbm:s6], $0xF7A  }
0x23: {  	s9 =	sor.u32 $0xD0000000, s2;
	s6 =	simm.s32 $0x108;
	_ =	swait.ge @!p0 [sflag:s8], $0x0  }
0x24: {  	s3 =	sadd.s32 $0x88, s3;
	s6 =	simm.s32 @!p1 $0x1082;
	[sflag:s4] =	ssyncset.s32 $0xFFFFF086  }
0x25: {  	[simem:s6], [sflag:s4] =	dma.local [hbm:s3], $0xF7A  }
0x26: {  	[smem:$0x3F9D] =	sst s1;
	(tag) =	ssettag s2;
	_ =	strace s9  }
0x27: {  	s1 =	sld [smem:$0x3FAD]  }
0x28: {  	s2 =	sld [smem:$0x3FAE]  }
0x29: {  	s4 =	sld [smem:$0x3FB0]  }
0x2a: {  	p0 =	seq.s32 s5, $0x0;
	s5 =	sld [smem:$0x3FB1]  }
0x2b: {  	s6 =	sld [smem:$0x3FB2]  }
0x2c: {  	s7 =	sld [smem:$0x3FB3]  }
0x2d: {  	s3 =	simm.s32 $0x108;
	s8 =	sld [smem:$0x3FB4]  }
0x2e: {  	s3 =	simm.s32 @!p0 $0x1082;
	s9 =	sld [smem:$0x3FB5]  }
0x2f: {  	lr =	sadd.s32 s0, s3;
	s0 =	sld [smem:$0x3FAC]  }
0x30: {  	s3 =	sld [smem:$0x3FAF]  }
0x31: {  	[smem:$0x3FB8] =	sst s10  }
0x32: {  	s10 =	sld [smem:$0x3FB6];
	_ =	sdelay $0x3  }
0x33: {  	p0 =	seq.s32 s10, $0x1;
	s10 =	sld [smem:$0x3FB8];
	_ =	sdelay $0x3  }
0x34: {  	[smem:$0x3FB8] =	sst s10  }
0x35: {  	s10 =	sld [smem:$0x3FB7];
	_ =	sdelay $0x3  }
0x36: {  	p1 =	seq.s32 s10, $0x1;
	s10 =	sld [smem:$0x3FB8];
	_ =	sdelay $0x3  }
0x37: {  	[smem:$0x3FB8] =	sst s10  }
0x38: {  	s10 =	sld [smem:$0x3FB9]  }
0x39: {  	_ = 	snop;
	(pc) =	sbr.ind lr, $3  }
0x3a: {  	_ = 	snop  }
0x3b: {  	_ = 	snop  }
0x3c: {  	p2 =	seq.s32 s10, $0x1;
	s10 =	sld [smem:$0x3FB8]  }
0x3d: {  	_ =	shalt  }
0x3e: {  	_ =	shalt  }
0x3f: {  	_ =	shalt  }
0x40: {  	_ =	shalt  }
0x41: {  	_ =	shalt  }
0x42: {  	_ =	shalt  }
0x43: {  	_ =	shalt  }
0x44: {  	_ =	shalt  }
0x45: {  	_ =	shalt  }
0x46: {  	_ =	shalt  }
0x47: {  	_ =	shalt  }
0x48: {  	_ =	shalt  }
0x49: {  	_ =	shalt  }
0x4a: {  	_ =	shalt  }
0x4b: {  	_ =	shalt  }
0x4c: {  	_ =	shalt  }
0x4d: {  	_ =	shalt  }
0x4e: {  	_ =	shalt  }
0x4f: {  	_ =	shalt  }
0x50: {  	_ =	shalt  }
0x51: {  	_ =	shalt  }
0x52: {  	_ =	shalt  }
0x53: {  	_ =	shalt  }
0x54: {  	_ =	shalt  }
0x55: {  	_ =	shalt  }
0x56: {  	_ =	shalt  }
0x57: {  	_ =	shalt  }
0x58: {  	_ =	shalt  }
0x59: {  	_ =	shalt  }
0x5a: {  	_ =	shalt  }
0x5b: {  	_ =	shalt  }
0x5c: {  	_ =	shalt  }
0x5d: {  	_ =	shalt  }
0x5e: {  	_ =	shalt  }
0x5f: {  	_ =	shalt  }
0x60: {  	_ =	shalt  }
0x61: {  	_ =	shalt  }
0x62: {  	_ =	shalt  }
0x63: {  	_ =	shalt  }
0x64: {  	_ =	shalt  }
0x65: {  	_ =	shalt  }
0x66: {  	_ =	shalt  }
0x67: {  	_ =	shalt  }
0x68: {  	_ =	shalt  }
0x69: {  	_ =	shalt  }
0x6a: {  	_ =	shalt  }
0x6b: {  	_ =	shalt  }
0x6c: {  	_ =	shalt  }
0x6d: {  	_ =	shalt  }
0x6e: {  	_ =	shalt  }
0x6f: {  	_ =	shalt  }
0x70: {  	_ =	shalt  }
0x71: {  	_ =	shalt  }
0x72: {  	_ =	shalt  }
0x73: {  	_ =	shalt  }
0x74: {  	_ =	shalt  }
0x75: {  	_ =	shalt  }
0x76: {  	_ =	shalt  }
0x77: {  	_ =	shalt  }
0x78: {  	_ =	shalt  }
0x79: {  	_ =	shalt  }
0x7a: {  	_ =	shalt  }
0x7b: {  	_ =	shalt  }
0x7c: {  	_ =	shalt  }
0x7d: {  	_ =	shalt  }
0x7e: {  	_ =	shalt  }
0x7f: {  	_ =	shalt  }
0x80: {  	_ =	shalt  }
0x81: {  	_ =	shalt  }
0x82: {  	_ =	shalt  }
0x83: {  	_ =	shalt  }
0x84: {  	_ =	shalt  }
0x85: {  	_ =	shalt  }
0x86: {  	_ =	shalt  }
0x87: {  	_ =	shalt  }
.Lfunc_end0:
.L_simem_size_0:
called_computation_lowered:
.L_overlay_start_0:
0x88: {  	s2 =	sld [smem:$0x3FD9]  }
0x89: {  	s3 =	sld [smem:$0x3FFE];
	_ =	sdelay $0x1  }
0x8a: {  	s1 =	srdreg.scid  }
0x8b: {  	s0 =	sand.u32 $0x1, s1  }
0x8c: {  	s14 =	sshll.u32 s0, $0xA;
	s2 =	sadd.s32 s3, s2  }
0x8d: {  	s2 =	sadd.s32 s2, s14  }
0x8e: {  	[smem:$0x3FC4] =	sst s2  }
0x8f: {  	_ = 	snop  }
0x90: {  	s2 =	sld [smem:$0x3FD0];
	_ =	sdelay $0x1  }
0x91: {  	s15 =	sld [smem:$0x3FC9]  }
0x92: {  	s5 =	simm.s32 $0xA;
	s6 =	simm.s32 $0x10;
	s4 =	sld [smem:$0x3FC8]  }
0x93: {  	[smem:s6], [sflag:s5] =	dma.local [hbm:s2], $0x1  }
0x94: {  	_ =	swait.eq [sflag:s5], $0x1  }
0x95: {  	[sflag:s5] =	ssyncset.done $0x0  }
0x96: {  	s16 =	sld [smem:$0x10];
	[sflag:s5] =	ssyncadd.s32 $0xFFFFFFFF  }
0x97: {  	s17 =	sld [smem:$0x11];
	(tm) =	ssettm $0x1  }
0x98: {  	s18 =	sld [smem:$0x3FFB];
	_ =	sdelay $0x3  }
0x99: {  	_ =	strace s18  }
0x9a: {  	s6 =	sld [smem:$0x3FFC];
	_ =	sdelay $0x3  }
0x9b: {  	_ =	strace s6  }
0x9c: {  	s6 =	sld [smem:$0x3FFD];
	_ =	sdelay $0x3  }
0x9d: {  	_ =	strace s6  }
0x9e: {  	_ =	strace $0x8FFFFFFF  }
0x9f: {  	s19 =	sld [smem:$0x3FDB];
	_ =	sdelay $0x1  }
0xa0: {  	s7 =	simm.s32 $_scs_section_size  }
0xa1: {  	s8 =	simm.s32 $_size__tile_overlayer_lowered;
	s9 =	simm.s32 $_tile_overlayer_lowered  }
0xa2: {  	s22 =	simm.s32 $0x1BFF;
	s21 =	sshll.u32 s9, $0x1;
	s6 =	sadd.s32 s7, s19  }
0xa3: {  	s10 =	simm.s32 $0x0;
	s20 =	sshll.u32 s8, $0x1;
	s8 =	sadd.s32 s21, s6  }
0xa4: {  	[timem:s10], [sflag:s22] =	dma.local [hbm:s8], s20  }
0xa5: {  	_ =	swait.ge [sflag:s22], s20  }
0xa6: {  	s7 =	ssub.s32 $0x0, s20;
	[sflag:s22] =	ssyncset.done $0x0  }
0xa7: {  	[sflag:s22] =	ssyncadd.s32 s7;
	_ =	sdelay $0x1  }
0xa8: {  	s23 =	simm.s32 $0x1B8B  }
0xa9: {  	_ =	swait.ge [sflag:s23], $0x1  }
0xaa: {  	[sflag:s23] =	ssyncset.done $0x0  }
0xab: {  	s25 =	simm.s32 $0x1B8E;
	s24 =	sld [smem:$0x3FFE];
	[sflag:s23] =	ssyncadd.s32 $0xFFFFFFFF  }
0xac: {  	s26 =	simm.s32 $execute0_lowered;
	[smem:$0x3FD2] =	sst s25  }
0xad: {  	s8 =	sshll.u32 s26, $0x1;
	_ =	strace $0x80000046;
	[dreg:$0x1] =	wrdreg $0xFFFFFFFF  }
0xae: {  	s28 =	simm.s32 $_size_execute0_lowered;
	s6 =	sadd.s32 s6, s8;
	[dreg:$0x0] =	wrdreg $0x0  }
0xaf: {  	s8 =	sshll.u32 s28, $0x1;
	[dreg:$0x2] =	wrdreg s6  }
0xb0: {  	[dreg:$0x3] =	wrdreg s8  }
0xb1: {  	[dreg:$0x4] =	wrdreg $0xC0  }
0xb2: {  	_ =	task [dreg:s10], $0x5FFFF  }
0xb3: {  	[dreg:$0x1] =	wrdreg $0xFFFFFFFF  }
0xb4: {  	[dreg:$0x0] =	wrdreg $0x60  }
0xb5: {  	[dreg:$0x2] =	wrdreg s24  }
0xb6: {  	[dreg:$0x3] =	wrdreg s15  }
0xb7: {  	[dreg:$0x4] =	wrdreg s4  }
0xb8: {  	[dreg:$0x5] =	wrdreg s16  }
0xb9: {  	[dreg:$0x6] =	wrdreg s17  }
0xba: {  	[dreg:$0x7] =	wrdreg $0x0  }
0xbb: {  	[dreg:$0x8] =	wrdreg $0x9  }
0xbc: {  	_ =	task.clear_ibuf [dreg:s10], $0x9FFFF;
	_ =	strace $0x90000046  }
0xbd: {  	s29 =	simm.s32 $0x9;
	_ =	strace $0x80000048  }
0xbe: {  	_ =	swait.ge [sflag:s29], $0x1  }
0xbf: {  	[sflag:s29] =	ssyncadd.s32 $0xFFFFFFFF  }
0xc0: {  	_ =	strace $0x90000048  }
0xc1: {  	_ =	sfence  }
0xc2: {  	s30 =	sld [smem:$0x0];
	_ =	sdelay $0x2  }
0xc3: {  	s31 =	sshll.u32 s1, $0xD;
	s1 =	sshrl.u32 s1, $0x2  }
0xc4: {  	s3 =	sand.u32 $0x4000, s31;
	s1 =	sadd.s32 s1, s30  }
0xc5: {  	s0 =	sor.u32 s3, s0;
	s1 =	sshll.u32 s1, $0x11  }
0xc6: {  	s0 =	sor.u32 s1, s0  }
0xc7: {  	s0 =	sadd.s32 $0x8F2B, s0  }
0xc8: {  	[sflag:s0] =	ssyncadd.remote.s32 $0x1  }
0xc9: {  	_ =	sfence.sel $0xFFFF  }
0xca: {  	[dreg:$0x0] =	wrdreg $0xFFFFFFFF;
	(pc) =	sbr.abs _section_cstart, $3  }
0xcb: {  	[dreg:$0x1] =	wrdreg $0xFFFFFFFF  }
0xcc: {  	_ =	task.clear_ibuf [dreg:s10], $0x2FFFF;
	_ =	strace $0x9FFFFFFF  }
0xcd: {  	(tm) =	ssettm $0x7FFFFFFF  }
tec
execute0_lowered:
.L_overlay_start_1:
0x0: {  	(tag) =	ssettag $0x1  }
0x1: {  	s31 =	rddreg [dreg:$0x0]  }
0x2: {  	s3 =	rddreg [dreg:$0x2]  }
0x3: {  	s12 =	rddreg [dreg:$0x3]  }
0x4: {  	s0 =	srdreg.scid;
	s1 =	stileid.u32  }
0x5: {  	s13 =	rddreg [dreg:$0x4];
	s0 =	sand.u32 $0x1, s0;
	s2 =	sshll.u32 s1, $0x1  }
0x6: {  	s6 =	rddreg [dreg:$0x5];
	s7 =	simm.s32 $0x0;
	s2 =	sor.u32 s0, s2  }
0x7: {  	[smem:$0x7FF] =	sst s7;
	s14 =	smul.u32 $0x2710, s2  }
0x8: {  	s8 =	sadd.s32 $0x13C00, s31;
	_ =	strace $0x80000047;
	s0 =	ssub.s32 $0x2, s0  }
0x9: {  	s19 =	sshrl.u32 s0, $0x1;
	s4 =	sadd.s32 $0x50, s14;
	[dreg:$0x7] =	wrdreg s14  }
0xa: {  	s0 =	ssub.s32 s0, s19;
	s21 =	sadd.s32 $0xA0, s14;
	[dreg:$0x8] =	wrdreg s4  }
0xb: {  	s20 =	sshrl.u32 s14, $0x3;
	s0 =	smax.u32 s0, $0x1;
	[dreg:$0xa] =	wrdreg s21  }
0xc: {  	s10 =	sadd.s32 $0x1DA00, s31;
	s5 =	sadd.s32 s8, s20;
	[dreg:$0x1d] =	wrdreg s0  }
0xd: {  	s11 =	sadd.s32 $0x9E00, s31;
	s9 =	sadd.s32 s10, s20;
	[dreg:$0x9] =	wrdreg s5  }
0xe: {  	s15 =	sadd.s32 s11, s20;
	[dreg:$0xb] =	wrdreg s9  }
0xf: {  	s4 =	sshrl.u32 s4, $0x3;
	s2 =	sadd.s32 s31, s20;
	[dreg:$0xf] =	wrdreg s15  }
0x10: {  	s22 =	sadd.s32 s8, s4;
	[dreg:$0x10] =	wrdreg s2  }
0x11: {  	s23 =	sadd.s32 s10, s4;
	[dreg:$0xc] =	wrdreg s22  }
0x12: {  	s26 =	sadd.s32 s11, s4;
	[dreg:$0xd] =	wrdreg s23  }
0x13: {  	s2 =	sadd.s32 s31, s4;
	[dreg:$0x11] =	wrdreg s26  }
0x14: {  	s25 =	sadd.s32 $0x4D8, s20;
	s4 =	sadd.s32 $0xF0, s14;
	[dreg:$0x12] =	wrdreg s2  }
0x15: {  	s5 =	sshrl.u32 s21, $0x3;
	s21 =	sadd.s32 s12, s25;
	[dreg:$0x13] =	wrdreg s4  }
0x16: {  	s24 =	sadd.s32 s8, s5;
	[dreg:$0x1b] =	wrdreg s21  }
0x17: {  	s29 =	simm.s32 $0x1;
	s15 =	sadd.s32 s10, s5;
	[dreg:$0xe] =	wrdreg s24  }
0x18: {  	s30 =	simm.s32 $0x50;
	s16 =	sadd.s32 s11, s5;
	[dreg:$0x14] =	wrdreg s15  }
0x19: {  	s28 =	simm.s32 $0x3;
	s17 =	sadd.s32 s31, s5;
	[dreg:$0x15] =	wrdreg s16  }
0x1a: {  	p0 =	sne.s32 s1, $0x0;
	s22 =	sadd.s32 s13, s25;
	[dreg:$0x16] =	wrdreg s17  }
0x1b: {  	s12 =	simm.s32 $0x4;
	s23 =	sadd.s32 $0x140, s14;
	[dreg:$0x1c] =	wrdreg s22  }
0x1c: {  	s9 =	simm.s32 $0xA;
	s25 =	sadd.s32 $0x1E0, s14;
	[dreg:$0x1e] =	wrdreg s23  }
0x1d: {  	v0 =	vlaneseq.u32;
	s1 =	sshrl.u32 s4, $0x3;
	s26 =	sadd.s32 $0x230, s14;
	[smem:$0x7FC] =	sst s25  }
0x1e: {  	v0 =	vmul.u32 $0x11, v0;
	s2 =	simm.s32 $0x2;
	s18 =	sadd.s32 s8, s1;
	[smem:$0x7FD] =	sst s26  }
0x1f: {  	s4 =	simm.s32 $0x7;
	s19 =	sadd.s32 s10, s1;
	[dreg:$0x17] =	wrdreg s18  }
0x20: {  	v1 =	vadd.s32 $0x1, v0;
	v2 =	vadd.s32 $0x2, v0;
	v3 =	vadd.s32 $0x3, v0;
	s5 =	simm.s32 $0x8;
	s20 =	sadd.s32 s11, s1;
	[dreg:$0x18] =	wrdreg s19  }
0x21: {  	v4 =	vadd.s32 $0x4, v0;
	v5 =	vadd.s32 $0x5, v0;
	v6 =	vadd.s32 $0x6, v0;
	s1 =	sadd.s32 s31, s1;
	s24 =	sadd.s32 $0x190, s14;
	[dreg:$0x19] =	wrdreg s20  }
0x22: {  	v7 =	vadd.s32 $0x7, v0;
	v8 =	vadd.s32 $0x8, v0;
	v9 =	vadd.s32 $0x9, v0;
	s22 =	simm.s32 $0x5;
	s25 =	simm.s32 $0x1DD80;
	[dreg:$0x1a] =	wrdreg s1  }
0x23: {  	v10 =	vadd.s32 $0xA, v0;
	v11 =	vadd.s32 $0xB, v0;
	v12 =	vadd.s32 $0xC, v0;
	s14 =	simm.s32 $0x9;
	[dreg:$0x1f] =	wrdreg s24;
	s19 =	simm.s32 $0x13880  }
0x24: {  	v13 =	vadd.s32 $0xD, v0;
	v14 =	vadd.s32 $0xE, v0;
	v15 =	vadd.s32 $0xF, v0;
	s20 =	simm.s32 $0x13900;
	s24 =	simm.s32 $0x6;
	s1 =	simm.s32 $0x0  }
.LBB2_1:
0x25: {  	[smem:$0x7FB] =	sst s1  }
0x26: {  	s0 =	sshrl.u32 @!p0 s6, $0x3;
	s1 =	simm.s32 @!p0 $0x1C0B;
	s13 =	rddreg [dreg:$0x1]  }
0x27: {  	[spmem:s0], [sflag:s1] =	dma.local @!p0 [hbm:s13], $0x27100  }
0x28: {  	s0 =	simm.s32 @!p0 $0xB  }
0x29: {  	_ =	swait.ge @!p0 [sflag:s0], $0x27100  }
0x2a: {  	[sflag:s0] =	ssyncset.done @!p0 $0x0  }
0x2b: {  	[sflag:s0] =	ssyncadd.s32 @!p0 $0xFFFD8F00  }
0x2c: {  	[bflag:$0x0] =	sbarrier.arrive $0xFFFF  }
0x2d: {  	s1 =	rddreg [dreg:$0x9]  }
0x2e: {  	[tilespmem:s19], [sflag:$0x1] =	stream.linear.gather [hbm4b:s1+s7], $0x50, $0x38;
	[tilespmem:$0x1E300] =	vst v63  }
0x2f: {  	s13 =	rddreg [dreg:$0xb]  }
0x30: {  	[tilespmem:s20], [sflag:$0x1] =	stream.linear.gather [hbm4b:s13+s7], $0x50, $0x38;
	[tilespmem:$0x1E300] =	vst v63  }
0x31: {  	s15 =	rddreg [dreg:$0xc];
	s1 =	simm.s32 $0x13980  }
0x32: {  	[tilespmem:s1], [sflag:$0x2] =	stream.linear.gather [hbm4b:s15+s7], $0x50, $0x38;
	[tilespmem:$0x1E300] =	vst v63  }
0x33: {  	s16 =	rddreg [dreg:$0xd];
	s13 =	simm.s32 $0x13A00  }
0x34: {  	[tilespmem:s13], [sflag:$0x2] =	stream.linear.gather [hbm4b:s16+s7], $0x50, $0x38;
	[tilespmem:$0x1E300] =	vst v63  }
0x35: {  	s17 =	rddreg [dreg:$0xe];
	s15 =	simm.s32 $0x13A80  }
0x36: {  	[tilespmem:s15], [sflag:$0x3] =	stream.linear.gather [hbm4b:s17+s7], $0x50, $0x38;
	[tilespmem:$0x1E300] =	vst v63  }
0x37: {  	s21 =	simm.s32 $0x13B00;
	s18 =	rddreg [dreg:$0x14]  }
0x38: {  	[tilespmem:s21], [sflag:$0x3] =	stream.linear.gather [hbm4b:s18+s7], $0x50, $0x38;
	[tilespmem:$0x1E300] =	vst v63  }
0x39: {  	s26 =	simm.s32 $0x13B80;
	s23 =	rddreg [dreg:$0x17]  }
0x3a: {  	[tilespmem:s26], [sflag:$0x4] =	stream.linear.gather [hbm4b:s23+s7], $0x50, $0x38;
	[tilespmem:$0x1E300] =	vst v63  }
0x3b: {  	s16 =	rddreg [dreg:$0x18];
	s17 =	simm.s32 $0x13C00  }
0x3c: {  	[tilespmem:s17], [sflag:$0x4] =	stream.linear.gather [hbm4b:s16+s7], $0x50, $0x38;
	[tilespmem:$0x1E300] =	vst v63  }
0x3d: {  	_ =	swait.ge [sflag:s29], $0x50  }
0x3e: {  	[sflag:s29] =	ssyncset.done $0x0  }
0x3f: {  	[sflag:s29] =	ssyncadd.s32 $0xFFFFFFB0  }
0x40: {  	_ =	swait.ge [sflag:s29], $0x50  }
0x41: {  	[sflag:s29] =	ssyncset.done $0x0  }
0x42: {  	s18 =	simm.s32 $0x13C80;
	[sflag:s29] =	ssyncadd.s32 $0xFFFFFFB0  }
0x43: {  	[tilespmem:s18], [sflag:$0x5] =	stream.indirect.gather [spmem:s6], $0x80, s19, s30, $0xb8;
	[tilespmem:$0x1E300] =	vst v63  }
0x44: {  	s21 =	simm.s32 $0x16480  }
0x45: {  	[tilespmem:s21], [sflag:$0x6] =	stream.indirect.gather [hbm4b:s3+s30], $0x80, s20, s30, $0xb8;
	[tilespmem:$0x1E300] =	vst v63  }
0x46: {  	_ =	swait.ge [sflag:s2], $0x50  }
0x47: {  	[sflag:s2] =	ssyncset.done $0x0  }
0x48: {  	[sflag:s2] =	ssyncadd.s32 $0xFFFFFFB0  }
0x49: {  	_ =	swait.ge [sflag:s2], $0x50  }
0x4a: {  	[sflag:s2] =	ssyncset.done $0x0  }
0x4b: {  	s23 =	simm.s32 $0x18C80;
	[sflag:s2] =	ssyncadd.s32 $0xFFFFFFB0  }
0x4c: {  	[tilespmem:s23], [sflag:$0x7] =	stream.indirect.gather [spmem:s6], $0x80, s1, s30, $0xb8;
	[tilespmem:$0x1E300] =	vst v63  }
0x4d: {  	s26 =	simm.s32 $0x1B480;
	s23 =	simm.s32 $0x0  }
0x4e: {  	[tilespmem:s26], [sflag:$0x8] =	stream.indirect.gather [hbm4b:s3+s30], $0x80, s13, s30, $0xb8;
	[tilespmem:$0x1E300] =	vst v63  }
.LBB2_2:
0x4f: {  	_ =	swait.ge [sflag:s22], $0x2800  }
0x50: {  	[sflag:s22] =	ssyncset.done $0x0  }
0x51: {  	[sflag:s22] =	ssyncadd.s32 $0xFFFFD800  }
0x52: {  	s15 =	smul.u32 $0x140, s23;
	_ =	swait.ge [sflag:s24], $0x2800  }
0x53: {  	s0 =	rddreg [dreg:$0x1e]  }
0x54: {  	s0 =	sadd.s32 s15, s0  }
0x55: {  	[sflag:s24] =	ssyncset.done $0x0;
	s0 =	sshrl.u32 s0, $0x3  }
0x56: {  	[sflag:s24] =	ssyncadd.s32 $0xFFFFD800;
	s1 =	sadd.s32 s8, s0  }
0x57: {  	[tilespmem:s19], [sflag:$0x1] =	stream.linear.gather [hbm4b:s1+s7], $0x50, $0x38;
	[tilespmem:$0x1E300] =	vst v63  }
0x58: {  	p1 =	seq.s32 s23, $0x0;
	s0 =	sadd.s32 s10, s0  }
0x59: {  	[tilespmem:s20], [sflag:$0x1] =	stream.linear.gather [hbm4b:s0+s7], $0x50, $0x38;
	[tilespmem:$0x1E300] =	vst v63  }
0x5a: {  	s0 =	simm.s32 @!p1 $0x9  }
0x5b: {  	_ =	swait.ge @!p1 [sflag:s0], $0x50  }
0x5c: {  	[sflag:s0] =	ssyncset.done @!p1 $0x0  }
0x5d: {  	s26 =	simm.s32 $0x13D00;
	[sflag:s0] =	ssyncadd.s32 @!p1 $0xFFFFFFB0  }
0x5e: {  	s13 =	simm.s32 $0x16500;
	v16 =	vld [tilespmem:s26+$0x0]  }
0x5f: {  	v17 =	vld [tilespmem:s13+$0x0]  }
0x60: {  	v18 =	vld [tilespmem:s26+$0x10]  }
0x61: {  	v19 =	vld [tilespmem:s13+$0x10]  }
0x62: {  	v20 =	vld [tilespmem:s26+$0x20]  }
0x63: {  	v21 =	vld [tilespmem:s13+$0x20]  }
0x64: {  	v22 =	vld [tilespmem:s26+$0x30]  }
0x65: {  	v23 =	vld [tilespmem:s13+$0x30]  }
0x66: {  	v24 =	vld [tilespmem:s26+$0x40]  }
0x67: {  	v25 =	vld [tilespmem:s13+$0x40]  }
0x68: {  	v26 =	vld [tilespmem:s26+$0x50]  }
0x69: {  	v27 =	vld [tilespmem:s13+$0x50]  }
0x6a: {  	v28 =	vld [tilespmem:s26+$0x60]  }
0x6b: {  	v29 =	vld [tilespmem:s13+$0x60]  }
0x6c: {  	v58 =	vld [tilespmem:s26+$0xFFFFFFA0];
	v16 =	vmul.f32 v17, v16;
	v17 =	vmul.f32 v19, v18  }
0x6d: {  	v18 =	vld [tilespmem:s26+$0x70]  }
0x6e: {  	v16 =	vadd.f32 v17, v16;
	v17 =	vmul.f32 v21, v20;
	v20 =	vld [tilespmem:s13+$0xFFFFFF80]  }
0x6f: {  	v21 =	vld [tilespmem:s26+$0xFFFFFF90]  }
0x70: {  	v16 =	vadd.f32 v17, v16;
	v17 =	vmul.f32 v23, v22;
	v22 =	vld [tilespmem:s13+$0xFFFFFF90]  }
0x71: {  	v23 =	vld [tilespmem:s26+$0xFFFFFF80]  }
0x72: {  	v19 =	vld [tilespmem:s13+$0x70];
	v16 =	vadd.f32 v17, v16;
	v17 =	vmul.f32 v25, v24  }
0x73: {  	v59 =	vld [tilespmem:s13+$0xFFFFFFA0]  }
0x74: {  	v60 =	vld [tilespmem:s26+$0xFFFFFFB0];
	v16 =	vadd.f32 v17, v16;
	v17 =	vmul.f32 v27, v26  }
0x75: {  	v61 =	vld [tilespmem:s13+$0xFFFFFFB0];
	v21 =	vmul.f32 v22, v21  }
0x76: {  	v62 =	vld [tilespmem:s26+$0xFFFFFFC0];
	v20 =	vmul.f32 v20, v23;
	v16 =	vadd.f32 v17, v16;
	v17 =	vmul.f32 v29, v28  }
0x77: {  	v18 =	vmul.f32 v19, v18;
	v23 =	vld [tilespmem:s13+$0xFFFFFFC0]  }
0x78: {  	v19 =	vld [tilespmem:s13+$0xFFFFFFD0];
	v20 =	vadd.f32 v21, v20;
	v21 =	vmul.f32 v59, v58;
	v22 =	vadd.f32 v17, v16  }
0x79: {  	v16 =	vld [tilespmem:s26+$0xFFFFFFD0]  }
0x7a: {  	v63 =	vmul.f32 v61, v60;
	v17 =	vld [tilespmem:s26+$0xFFFFFFE0];
	v21 =	vadd.f32 v21, v20;
	v22 =	vadd.f32 v18, v22  }
0x7b: {  	s17 =	simm.s32 $0x1DD80;
	v20 =	vld [tilespmem:s13+$0xFFFFFFE0]  }
0x7c: {  	v18 =	vld [tilespmem:s26+$0xFFFFFFF0];
	v23 =	vmul.f32 v23, v62;
	[tilespmem:s17+$0x11] =	vst v22;
	v22 =	vadd.f32 v63, v21  }
0x7d: {  	s18 =	simm.s32 $0x13E00;
	s0 =	simm.s32 $0x0;
	v21 =	vld [tilespmem:s13+$0xFFFFFFF0]  }
.LBB2_3:
0x7e: {  	v24 =	vld [tilespmem:s18+$0x0];
	v22 =	vadd.f32 v23, v22;
	v16 =	vmul.f32 v19, v16;
	s13 =	sadd.s32 $0x100, s13  }
0x7f: {  	v19 =	vld [tilespmem:s13+$0x0]  }
0x80: {  	v23 =	vld [tilespmem:s18+$0x10];
	v16 =	vadd.f32 v16, v22;
	v17 =	vmul.f32 v20, v17  }
0x81: {  	s0 =	sadd.s32 $0x2, s0;
	v20 =	vld [tilespmem:s13+$0x10]  }
0x82: {  	p1 =	slt.u32 s0, $0x4E;
	v22 =	vld [tilespmem:s18+$0x20];
	v16 =	vadd.f32 v17, v16;
	v17 =	vmul.f32 v21, v18  }
0x83: {  	v18 =	vld [tilespmem:s13+$0x20]  }
0x84: {  	v21 =	vld [tilespmem:s18+$0x30];
	v16 =	vadd.f32 v17, v16  }
0x85: {  	v17 =	vld [tilespmem:s13+$0x30]  }
0x86: {  	v19 =	vmul.f32 v19, v24;
	v20 =	vmul.f32 v20, v23;
	v23 =	vld [tilespmem:s18+$0x40];
	[tilespmem:s17+$0x0] =	vst v16  }
0x87: {  	v16 =	vld [tilespmem:s13+$0x40]  }
0x88: {  	v19 =	vadd.f32 v20, v19;
	v18 =	vmul.f32 v18, v22;
	v20 =	vld [tilespmem:s18+$0x50]  }
0x89: {  	v22 =	vld [tilespmem:s13+$0x50]  }
0x8a: {  	v18 =	vadd.f32 v18, v19;
	v17 =	vmul.f32 v17, v21;
	v19 =	vld [tilespmem:s18+$0x60]  }
0x8b: {  	v21 =	vld [tilespmem:s13+$0x60]  }
0x8c: {  	v17 =	vadd.f32 v17, v18;
	v16 =	vmul.f32 v16, v23;
	v18 =	vld [tilespmem:s18+$0x70]  }
0x8d: {  	v23 =	vld [tilespmem:s13+$0x70]  }
0x8e: {  	v24 =	vld [tilespmem:s13+$0xFFFFFF80];
	v16 =	vadd.f32 v16, v17;
	v17 =	vmul.f32 v22, v20  }
0x8f: {  	v20 =	vld [tilespmem:s18+$0xFFFFFF90]  }
0x90: {  	v22 =	vld [tilespmem:s13+$0xFFFFFF90];
	v16 =	vadd.f32 v17, v16;
	v17 =	vmul.f32 v21, v19  }
0x91: {  	v19 =	vld [tilespmem:s18+$0xFFFFFF80]  }
0x92: {  	v21 =	vld [tilespmem:s18+$0xFFFFFFA0];
	v16 =	vadd.f32 v17, v16;
	v17 =	vmul.f32 v23, v18  }
0x93: {  	v18 =	vld [tilespmem:s13+$0xFFFFFFA0]  }
0x94: {  	v23 =	vld [tilespmem:s18+$0xFFFFFFB0];
	v16 =	vadd.f32 v17, v16  }
0x95: {  	s17 =	sadd.s32 $0x22, s17;
	v17 =	vmul.f32 v22, v20;
	v20 =	vld [tilespmem:s13+$0xFFFFFFB0]  }
0x96: {  	s21 =	simm.s32 $0x0;
	s16 =	simm.s32 $0x1DC80;
	v19 =	vmul.f32 v24, v19;
	v24 =	vld [tilespmem:s18+$0xFFFFFFC0];
	[tilespmem:s17+$0x11] =	vst v16  }
0x97: {  	v25 =	vld [tilespmem:s13+$0xFFFFFFC0]  }
0x98: {  	v17 =	vadd.f32 v17, v19;
	v18 =	vmul.f32 v18, v21;
	v16 =	vld [tilespmem:s18+$0xFFFFFFD0]  }
.Ltmp0:
0x99: {  	v19 =	vld [tilespmem:s13+$0xFFFFFFD0];
	(pc) =	sbr.rel @p1 .LBB2_3-.Ltmp0, $4  }
0x9a: {  	v18 =	vadd.f32 v18, v17;
	v21 =	vmul.f32 v20, v23;
	v17 =	vld [tilespmem:s18+$0xFFFFFFE0]  }
0x9b: {  	v20 =	vld [tilespmem:s13+$0xFFFFFFE0]  }
0x9c: {  	v22 =	vadd.f32 v21, v18;
	v23 =	vmul.f32 v25, v24;
	v18 =	vld [tilespmem:s18+$0xFFFFFFF0]  }
0x9d: {  	s18 =	sadd.s32 $0x100, s18;
	v21 =	vld [tilespmem:s13+$0xFFFFFFF0]  }
0x9e: {  	v22 =	vadd.f32 v23, v22;
	v16 =	vmul.f32 v19, v16;
	_ =	sdelay $0x1  }
0x9f: {  	v16 =	vadd.f32 v16, v22;
	v17 =	vmul.f32 v20, v17;
	_ =	sdelay $0x1  }
0xa0: {  	v16 =	vadd.f32 v17, v16;
	v17 =	vmul.f32 v21, v18;
	v18 =	vadd.s32 s21, v0  }
0xa1: {  	v19 =	vadd.s32 s21, v1  }
0xa2: {  	v16 =	vadd.f32 v17, v16  }
0xa3: {  	v17 =	vadd.s32 s21, v2  }
0xa4: {  	[tilespmem:s17+$0x0] =	vst v16  }
0xa5: {  	v16 =	vadd.s32 s21, v3;
	v18 =	vld.idx.msk [tilespmem:v18+s25+$0x0], $0xffff  }
0xa6: {  	v19 =	vld.idx.msk [tilespmem:v19+s25+$0x0], $0xffff  }
0xa7: {  	v20 =	vadd.s32 s21, v4  }
0xa8: {  	v17 =	vld.idx.msk [tilespmem:v17+s25+$0x0], $0xffff  }
0xa9: {  	v21 =	vadd.s32 s21, v5  }
0xaa: {  	v16 =	vld.idx.msk [tilespmem:v16+s25+$0x0], $0xffff  }
0xab: {  	v22 =	vadd.s32 s21, v6;
	v18 =	vadd.f32 v19, v18  }
0xac: {  	v19 =	vld.idx.msk [tilespmem:v20+s25+$0x0], $0xffff  }
0xad: {  	v20 =	vadd.s32 s21, v7;
	v17 =	vadd.f32 v17, v18  }
0xae: {  	v18 =	vld.idx.msk [tilespmem:v21+s25+$0x0], $0xffff  }
0xaf: {  	v21 =	vadd.s32 s21, v8;
	v16 =	vadd.f32 v16, v17  }
0xb0: {  	s0 =	simm.s32 $0x110;
	v17 =	vld.idx.msk [tilespmem:v22+s25+$0x0], $0xffff;
	v22 =	vadd.s32 s21, v9  }
0xb1: {  	v16 =	vadd.f32 v19, v16;
	v19 =	vadd.s32 s0, v0  }
0xb2: {  	v23 =	vadd.s32 s0, v1;
	v20 =	vld.idx.msk [tilespmem:v20+s25+$0x0], $0xffff  }
0xb3: {  	v24 =	vadd.s32 s21, v10;
	v16 =	vadd.f32 v18, v16  }
0xb4: {  	v18 =	vld.idx.msk [tilespmem:v21+s25+$0x0], $0xffff;
	v21 =	vadd.s32 s0, v2  }
0xb5: {  	v25 =	vadd.s32 s21, v11;
	v22 =	vld.idx.msk [tilespmem:v22+s25+$0x0], $0xffff;
	v16 =	vadd.f32 v17, v16  }
0xb6: {  	v17 =	vadd.s32 s0, v3;
	v19 =	vld.idx.msk [tilespmem:v19+s25+$0x0], $0xffff  }
0xb7: {  	v26 =	vadd.s32 s21, v12;
	v16 =	vadd.f32 v20, v16;
	v20 =	vld.idx.msk [tilespmem:v23+s25+$0x0], $0xffff  }
0xb8: {  	v23 =	vld.idx.msk [tilespmem:v24+s25+$0x0], $0xffff;
	v24 =	vadd.s32 s0, v4  }
0xb9: {  	v27 =	vadd.s32 s21, v13;
	v16 =	vadd.f32 v18, v16;
	v18 =	vld.idx.msk [tilespmem:v21+s25+$0x0], $0xffff  }
0xba: {  	v21 =	vld.idx.msk [tilespmem:v25+s25+$0x0], $0xffff  }
0xbb: {  	v28 =	vadd.s32 s21, v14;
	v17 =	vld.idx.msk [tilespmem:v17+s25+$0x0], $0xffff;
	v16 =	vadd.f32 v22, v16  }
0xbc: {  	v25 =	vadd.s32 s0, v5;
	v22 =	vld.idx.msk [tilespmem:v26+s25+$0x0], $0xffff  }
0xbd: {  	v19 =	vadd.f32 v20, v19;
	v20 =	vadd.s32 s21, v15;
	v16 =	vadd.f32 v23, v16;
	v23 =	vld.idx.msk [tilespmem:v24+s25+$0x0], $0xffff  }
0xbe: {  	v26 =	vadd.s32 s0, v6;
	v24 =	vld.idx.msk [tilespmem:v27+s25+$0x0], $0xffff  }
0xbf: {  	v16 =	vadd.f32 v21, v16  }
0xc0: {  	v27 =	vadd.s32 s0, v7;
	v18 =	vadd.f32 v18, v19;
	v21 =	vld.idx.msk [tilespmem:v28+s25+$0x0], $0xffff  }
0xc1: {  	v19 =	vld.idx.msk [tilespmem:v25+s25+$0x0], $0xffff;
	v16 =	vadd.f32 v22, v16  }
0xc2: {  	v25 =	vadd.s32 s0, v8;
	v17 =	vadd.f32 v17, v18;
	v20 =	vld.idx.msk [tilespmem:v20+s25+$0x0], $0xffff  }
0xc3: {  	v18 =	vld.idx.msk [tilespmem:v26+s25+$0x0], $0xffff;
	v16 =	vadd.f32 v24, v16  }
0xc4: {  	v22 =	vadd.s32 s0, v9;
	v17 =	vadd.f32 v23, v17  }
0xc5: {  	v23 =	vld.idx.msk [tilespmem:v27+s25+$0x0], $0xffff;
	v16 =	vadd.f32 v21, v16  }
0xc6: {  	v24 =	vadd.s32 s0, v10;
	v17 =	vadd.f32 v19, v17  }
0xc7: {  	v19 =	vld.idx.msk [tilespmem:v25+s25+$0x0], $0xffff;
	v16 =	vadd.f32 v20, v16  }
0xc8: {  	v21 =	vadd.s32 s0, v11;
	v17 =	vadd.f32 v18, v17  }
0xc9: {  	v18 =	vld.idx.msk [tilespmem:v22+s25+$0x0], $0xffff;
	v16 =	vsub.f32 $0.0e+00, v16  }
0xca: {  	s13 =	simm.s32 $0x220;
	v20 =	vadd.s32 s0, v12;
	v17 =	vadd.f32 v23, v17  }
0xcb: {  	v22 =	vadd.s32 s13, v0;
	v23 =	vld.idx.msk [tilespmem:v24+s25+$0x0], $0xffff;
	v16 =	vmul.f32 $1.442695020e+00, v16  }
0xcc: {  	v24 =	vadd.s32 s0, v13;
	v17 =	vadd.f32 v19, v17  }
0xcd: {  	v21 =	vld.idx.msk [tilespmem:v21+s25+$0x0], $0xffff;
	(erf) = vpow2.f32 v16  }
0xce: {  	v17 =	vadd.f32 v18, v17  }
0xcf: {  	v25 =	vadd.s32 s13, v1;
	v20 =	vld.idx.msk [tilespmem:v20+s25+$0x0], $0xffff  }
0xd0: {  	v19 =	vadd.s32 s13, v2;
	v18 =	vld.idx.msk [tilespmem:v22+s25+$0x0], $0xffff;
	v17 =	vadd.f32 v23, v17  }
0xd1: {  	v26 =	vadd.s32 s0, v14;
	v22 =	vld.idx.msk [tilespmem:v24+s25+$0x0], $0xffff  }
0xd2: {  	v16 =	vadd.s32 s13, v3;
	v17 =	vadd.f32 v21, v17  }
0xd3: {  	v24 =	vadd.s32 s0, v15  }
0xd4: {  	v23 =	vld.idx.msk [tilespmem:v25+s25+$0x0], $0xffff;
	v17 =	vadd.f32 v20, v17  }
0xd5: {  	v25 =	vadd.s32 s13, v4;
	v19 =	vld.idx.msk [tilespmem:v19+s25+$0x0], $0xffff  }
0xd6: {  	v21 =	vld.idx.msk [tilespmem:v26+s25+$0x0], $0xffff;
	v17 =	vadd.f32 v22, v17;
	v22 =	vpop (erf)  }
0xd7: {  	v26 =	vadd.s32 s13, v5;
	v16 =	vld.idx.msk [tilespmem:v16+s25+$0x0], $0xffff;
	v22 =	vadd.f32 $1.000000000e+00, v22  }
0xd8: {  	v20 =	vadd.s32 s13, v6;
	v24 =	vld.idx.msk [tilespmem:v24+s25+$0x0], $0xffff  }
0xd9: {  	v27 =	vadd.s32 s13, v7;
	v18 =	vadd.f32 v23, v18;
	(erf) = vrcp.f32 v22  }
0xda: {  	v23 =	vld.idx.msk [tilespmem:v25+s25+$0x0], $0xffff;
	v25 =	vadd.s32 s13, v8  }
0xdb: {  	v18 =	vadd.f32 v19, v18;
	v21 =	vadd.f32 v21, v17  }
0xdc: {  	v19 =	vld.idx.msk [tilespmem:v26+s25+$0x0], $0xffff;
	v22 =	vadd.s32 s13, v9  }
0xdd: {  	v17 =	vld.idx.msk [tilespmem:v20+s25+$0x0], $0xffff;
	v18 =	vadd.f32 v16, v18;
	v26 =	vadd.f32 v24, v21  }
0xde: {  	v16 =	vld.idx.msk [tilespmem:v27+s25+$0x0], $0xffff;
	v21 =	vadd.s32 s13, v10  }
0xdf: {  	s17 =	simm.s32 $0x1DC80;
	s0 =	simm.s32 $0x330;
	v20 =	vadd.s32 s13, v11;
	v24 =	vadd.f32 v23, v18;
	v18 =	vld.idx.msk [tilespmem:v25+s25+$0x0], $0xffff;
	v23 =	vsub.f32 $0.0e+00, v26  }
.LBB2_5:
0xe0: {  	p1 =	sne.s32 s0, $0x440  }
0xe1: {  	v19 =	vadd.f32 v19, v24;
	v22 =	vld.idx.msk [tilespmem:v22+s25+$0x0], $0xffff;
	s16 =	sadd.s32 $0x10, s16;
	s1 =	smov.u32 s0;
	s0 =	sadd.s32 $0x110, s0  }
0xe2: {  	v24 =	vadd.s32 s13, v12;
	v23 =	vmul.f32 $1.442695020e+00, v23;
	v25 =	vpop (erf)  }
0xe3: {  	v26 =	vadd.s32 s1, v0;
	v27 =	vadd.s32 s1, v1;
	v17 =	vadd.f32 v17, v19;
	v19 =	vld.idx.msk [tilespmem:v21+s25+$0x0], $0xffff;
	[tilespmem:s17+$0x0] =	vst v25;
	s17 =	smov.u32 s16  }
0xe4: {  	v21 =	vadd.s32 s13, v13;
	(erf) = vpow2.f32 v23  }
0xe5: {  	v23 =	vadd.s32 s1, v2;
	v16 =	vadd.f32 v16, v17;
	v17 =	vld.idx.msk [tilespmem:v20+s25+$0x0], $0xffff;
	_ =	sdelay $0x1  }
0xe6: {  	v20 =	vadd.s32 s1, v3;
	v16 =	vadd.f32 v18, v16;
	v18 =	vld.idx.msk [tilespmem:v24+s25+$0x0], $0xffff;
	v24 =	vadd.s32 s13, v14  }
0xe7: {  	v25 =	vld.idx.msk [tilespmem:v26+s25+$0x0], $0xffff  }
0xe8: {  	v26 =	vadd.s32 s1, v4;
	v16 =	vadd.f32 v22, v16;
	v21 =	vld.idx.msk [tilespmem:v21+s25+$0x0], $0xffff;
	v22 =	vadd.s32 s13, v15;
	s13 =	smov.u32 s1  }
0xe9: {  	v27 =	vld.idx.msk [tilespmem:v27+s25+$0x0], $0xffff  }
0xea: {  	v28 =	vadd.s32 s13, v5;
	v23 =	vld.idx.msk [tilespmem:v23+s25+$0x0], $0xffff;
	v16 =	vadd.f32 v19, v16  }
0xeb: {  	v24 =	vld.idx.msk [tilespmem:v24+s25+$0x0], $0xffff  }
0xec: {  	v29 =	vadd.s32 s13, v6;
	v20 =	vld.idx.msk [tilespmem:v20+s25+$0x0], $0xffff;
	v16 =	vadd.f32 v17, v16;
	v17 =	vpop (erf)  }
0xed: {  	v30 =	vld.idx.msk [tilespmem:v22+s25+$0x0], $0xffff;
	v17 =	vadd.f32 $1.000000000e+00, v17  }
0xee: {  	v31 =	vadd.s32 s13, v7;
	v26 =	vld.idx.msk [tilespmem:v26+s25+$0x0], $0xffff;
	v16 =	vadd.f32 v18, v16  }
0xef: {  	v18 =	vadd.f32 v27, v25;
	v19 =	vld.idx.msk [tilespmem:v28+s25+$0x0], $0xffff;
	(erf) = vrcp.f32 v17  }
0xf0: {  	v25 =	vadd.s32 s13, v8;
	v16 =	vadd.f32 v21, v16  }
0xf1: {  	v18 =	vadd.f32 v23, v18;
	v17 =	vld.idx.msk [tilespmem:v29+s25+$0x0], $0xffff  }
.Ltmp1:
0xf2: {  	v22 =	vadd.s32 s13, v9;
	v23 =	vadd.f32 v24, v16;
	(pc) =	sbr.rel @p1 .LBB2_5-.Ltmp1, $4  }
0xf3: {  	v18 =	vadd.f32 v20, v18;
	v16 =	vld.idx.msk [tilespmem:v31+s25+$0x0], $0xffff  }
0xf4: {  	v21 =	vadd.s32 s13, v10;
	v23 =	vadd.f32 v30, v23  }
0xf5: {  	v24 =	vadd.f32 v26, v18;
	v18 =	vld.idx.msk [tilespmem:v25+s25+$0x0], $0xffff  }
0xf6: {  	v20 =	vadd.s32 s13, v11;
	v23 =	vsub.f32 $0.0e+00, v23  }
0xf7: {  	_ = 	snop  }
0xf8: {  	v19 =	vadd.f32 v19, v24;
	_ =	sdelay $0x1  }
0xf9: {  	v17 =	vadd.f32 v17, v19  }
0xfa: {  	v19 =	vld.idx.msk [tilespmem:v22+s25+$0x0], $0xffff  }
0xfb: {  	v22 =	vadd.s32 s13, v12;
	v16 =	vadd.f32 v16, v17  }
0xfc: {  	v17 =	vld.idx.msk [tilespmem:v21+s25+$0x0], $0xffff  }
0xfd: {  	v21 =	vadd.s32 s13, v13;
	v16 =	vadd.f32 v18, v16  }
0xfe: {  	v18 =	vld.idx.msk [tilespmem:v20+s25+$0x0], $0xffff  }
0xff: {  	v20 =	vadd.s32 s13, v14;
	v16 =	vadd.f32 v19, v16  }
0x100: {  	v19 =	vld.idx.msk [tilespmem:v22+s25+$0x0], $0xffff  }
0x101: {  	v22 =	vadd.s32 s13, v15;
	v16 =	vadd.f32 v17, v16  }
0x102: {  	v21 =	vld.idx.msk [tilespmem:v21+s25+$0x0], $0xffff;
	v17 =	vmul.f32 $1.442695020e+00, v23  }
0x103: {  	v16 =	vadd.f32 v18, v16  }
0x104: {  	(erf) = vpow2.f32 v17;
	v17 =	vld.idx.msk [tilespmem:v20+s25+$0x0], $0xffff  }
0x105: {  	v16 =	vadd.f32 v19, v16  }
0x106: {  	v18 =	vld.idx.msk [tilespmem:v22+s25+$0x0], $0xffff  }
0x107: {  	v16 =	vadd.f32 v21, v16;
	_ =	sdelay $0x1  }
0x108: {  	v16 =	vadd.f32 v17, v16;
	_ =	sdelay $0x1  }
0x109: {  	v16 =	vadd.f32 v18, v16  }
0x10a: {  	v17 =	vpop (erf)  }
0x10b: {  	v18 =	vpop (erf);
	v16 =	vsub.f32 $0.0e+00, v16  }
0x10c: {  	v18 =	vadd.f32 $1.000000000e+00, v18  }
0x10d: {  	v16 =	vmul.f32 $1.442695020e+00, v16  }
0x10e: {  	(erf) = vrcp.f32 v18  }
0x10f: {  	(erf) = vpow2.f32 v16;
	_ =	sdelay $0x7  }
0x110: {  	v16 =	vpop (erf)  }
0x111: {  	v18 =	vpop (erf)  }
0x112: {  	v18 =	vadd.f32 $1.000000000e+00, v18;
	_ =	sdelay $0x1  }
0x113: {  	(erf) = vrcp.f32 v18;
	_ =	sdelay $0x5  }
0x114: {  	[tilespmem:s17+$0x0] =	vst v17  }
0x115: {  	s1 =	rddreg [dreg:$0x7]  }
0x116: {  	s0 =	sadd.s32 $0x10, s16;
	s1 =	sadd.s32 s1, s15  }
0x117: {  	s21 =	rddreg [dreg:$0x3];
	s17 =	sadd.s32 $0x10, s0;
	s18 =	sshrl.u32 s1, $0x3;
	[tilespmem:s0+$0x0] =	vst v16;
	v16 =	vpop (erf)  }
0x118: {  	s26 =	smov.u32 s31;
	s31 =	simm.s32 $0x1DC80;
	s0 =	sadd.s32 s21, s18;
	[tilespmem:s17+$0x0] =	vst v16  }
0x119: {  	[hbm4b:s0+s7] =	stream.linear.scatter [tilespmem:s31], [sflag:$0x9], $0x50, $0x38;
	[tilespmem:$0x1E300] =	vst v63  }
0x11a: {  	_ =	swait.ge [sflag:s28], $0x50  }
0x11b: {  	[sflag:s28] =	ssyncset.done $0x0  }
0x11c: {  	[sflag:s28] =	ssyncadd.s32 $0xFFFFFFB0  }
0x11d: {  	_ =	swait.ge [sflag:s28], $0x50  }
0x11e: {  	[sflag:s28] =	ssyncset.done $0x0  }
0x11f: {  	s16 =	simm.s32 $0x13C80;
	s13 =	simm.s32 $0x13A80;
	[sflag:s28] =	ssyncadd.s32 $0xFFFFFFB0  }
0x120: {  	[tilespmem:s16], [sflag:$0x5] =	stream.indirect.gather [spmem:s6], $0x80, s13, s30, $0xb8;
	[tilespmem:$0x1E300] =	vst v63  }
0x121: {  	s18 =	simm.s32 $0x16480;
	s17 =	simm.s32 $0x13B00  }
0x122: {  	[tilespmem:s18], [sflag:$0x6] =	stream.indirect.gather [hbm4b:s3+s30], $0x80, s17, s30, $0xb8;
	[tilespmem:$0x1E300] =	vst v63  }
0x123: {  	_ =	swait.ge [sflag:s4], $0x2800  }
0x124: {  	[sflag:s4] =	ssyncset.done $0x0  }
0x125: {  	[sflag:s4] =	ssyncadd.s32 $0xFFFFD800  }
0x126: {  	_ =	swait.ge [sflag:s5], $0x2800  }
0x127: {  	p1 =	seq.s32 s23, $0x1E;
	s0 =	rddreg [dreg:$0x1f]  }
0x128: {  	p2 =	seq.s32 @!p1 s23, $0x0;
	s0 =	sadd.s32 @!p1 s15, s0  }
0x129: {  	s13 =	simm.s32 @!p1 $0x0;
	[sflag:s5] =	ssyncset.done $0x0;
	s0 =	sshrl.u32 @!p1 s0, $0x3  }
0x12a: {  	s16 =	simm.s32 @!p1 $0x13980;
	[sflag:s5] =	ssyncadd.s32 $0xFFFFD800;
	s1 =	sadd.s32 @!p1 s8, s0  }
0x12b: {  	[tilespmem:s16], [sflag:$0x2] =	stream.linear.gather @!p1 [hbm4b:s1+s13], $0x50, $0x38;
	[tilespmem:$0x1E300] =	vst v63  }
0x12c: {  	p2 =	por p1, !p2;
	s0 =	sadd.s32 @!p1 s10, s0;
	s1 =	simm.s32 @!p1 $0x13A00  }
0x12d: {  	[tilespmem:s1], [sflag:$0x2] =	stream.linear.gather @!p1 [hbm4b:s0+s13], $0x50, $0x38;
	[tilespmem:$0x1E300] =	vst v63  }
0x12e: {  	_ =	swait.ge @p2 [sflag:s9], $0x50  }
0x12f: {  	[sflag:s9] =	ssyncset.done @p2 $0x0  }
0x130: {  	s21 =	simm.s32 $0x18D00;
	[sflag:s9] =	ssyncadd.s32 @p2 $0xFFFFFFB0  }
0x131: {  	s18 =	simm.s32 $0x1B500;
	v16 =	vld [tilespmem:s21+$0x0]  }
0x132: {  	v17 =	vld [tilespmem:s18+$0x0]  }
0x133: {  	v18 =	vld [tilespmem:s21+$0x10]  }
0x134: {  	v19 =	vld [tilespmem:s18+$0x10]  }
0x135: {  	v20 =	vld [tilespmem:s21+$0x20]  }
0x136: {  	v21 =	vld [tilespmem:s18+$0x20]  }
0x137: {  	v22 =	vld [tilespmem:s21+$0x30]  }
0x138: {  	v23 =	vld [tilespmem:s18+$0x30]  }
0x139: {  	v57 =	vld [tilespmem:s21+$0x40]  }
0x13a: {  	v25 =	vld [tilespmem:s18+$0x40]  }
0x13b: {  	v26 =	vld [tilespmem:s21+$0x50]  }
0x13c: {  	v27 =	vld [tilespmem:s18+$0x50]  }
0x13d: {  	v28 =	vld [tilespmem:s21+$0x60]  }
0x13e: {  	v29 =	vld [tilespmem:s18+$0x60];
	v16 =	vmul.f32 v17, v16;
	v17 =	vmul.f32 v19, v18  }
0x13f: {  	v58 =	vld [tilespmem:s21+$0xFFFFFFA0]  }
0x140: {  	v18 =	vld [tilespmem:s21+$0x70];
	v16 =	vadd.f32 v17, v16;
	v17 =	vmul.f32 v21, v20  }
0x141: {  	v20 =	vld [tilespmem:s18+$0xFFFFFF80]  }
0x142: {  	v21 =	vld [tilespmem:s21+$0xFFFFFF90];
	v16 =	vadd.f32 v17, v16;
	v17 =	vmul.f32 v23, v22  }
0x143: {  	v22 =	vld [tilespmem:s18+$0xFFFFFF90]  }
0x144: {  	v23 =	vld [tilespmem:s21+$0xFFFFFF80];
	v16 =	vadd.f32 v17, v16;
	v17 =	vmul.f32 v25, v57  }
0x145: {  	v19 =	vld [tilespmem:s18+$0x70]  }
0x146: {  	v59 =	vld [tilespmem:s18+$0xFFFFFFA0];
	v16 =	vadd.f32 v17, v16;
	v17 =	vmul.f32 v27, v26  }
0x147: {  	v60 =	vld [tilespmem:s21+$0xFFFFFFB0]  }
0x148: {  	v61 =	vld [tilespmem:s18+$0xFFFFFFB0];
	v16 =	vadd.f32 v17, v16;
	v17 =	vmul.f32 v29, v28  }
0x149: {  	v62 =	vld [tilespmem:s21+$0xFFFFFFC0];
	v21 =	vmul.f32 v22, v21;
	v20 =	vmul.f32 v20, v23  }
0x14a: {  	v18 =	vmul.f32 v19, v18;
	v23 =	vld [tilespmem:s18+$0xFFFFFFC0];
	v22 =	vadd.f32 v17, v16  }
0x14b: {  	v19 =	vld [tilespmem:s18+$0xFFFFFFD0];
	v20 =	vadd.f32 v21, v20;
	v21 =	vmul.f32 v59, v58  }
0x14c: {  	v16 =	vld [tilespmem:s21+$0xFFFFFFD0];
	v22 =	vadd.f32 v18, v22  }
0x14d: {  	s13 =	simm.s32 $0x1DD80;
	v63 =	vmul.f32 v61, v60;
	v17 =	vld [tilespmem:s21+$0xFFFFFFE0];
	v21 =	vadd.f32 v21, v20  }
0x14e: {  	v20 =	vld [tilespmem:s18+$0xFFFFFFE0];
	[tilespmem:s13+$0x11] =	vst v22  }
0x14f: {  	v18 =	vld [tilespmem:s21+$0xFFFFFFF0];
	v23 =	vmul.f32 v23, v62;
	v22 =	vadd.f32 v63, v21;
	s31 =	rddreg [dreg:$0xa]  }
0x150: {  	s0 =	simm.s32 $0x0;
	s21 =	simm.s32 $0x18E00;
	v21 =	vld [tilespmem:s18+$0xFFFFFFF0];
	s16 =	sadd.s32 s15, s31  }
.LBB2_7:
0x151: {  	v24 =	vld [tilespmem:s21+$0x0];
	v22 =	vadd.f32 v23, v22;
	v16 =	vmul.f32 v19, v16;
	s18 =	sadd.s32 $0x100, s18  }
0x152: {  	v19 =	vld [tilespmem:s18+$0x0]  }
0x153: {  	v23 =	vld [tilespmem:s21+$0x10];
	v16 =	vadd.f32 v16, v22;
	v17 =	vmul.f32 v20, v17  }
0x154: {  	s0 =	sadd.s32 $0x2, s0;
	v20 =	vld [tilespmem:s18+$0x10]  }
0x155: {  	p2 =	slt.u32 s0, $0x4E;
	v22 =	vld [tilespmem:s21+$0x20];
	v16 =	vadd.f32 v17, v16;
	v17 =	vmul.f32 v21, v18  }
0x156: {  	v18 =	vld [tilespmem:s18+$0x20]  }
0x157: {  	v21 =	vld [tilespmem:s21+$0x30];
	v16 =	vadd.f32 v17, v16  }
0x158: {  	v17 =	vld [tilespmem:s18+$0x30]  }
0x159: {  	v19 =	vmul.f32 v19, v24;
	v20 =	vmul.f32 v20, v23;
	v23 =	vld [tilespmem:s21+$0x40];
	[tilespmem:s13+$0x0] =	vst v16  }
0x15a: {  	v16 =	vld [tilespmem:s18+$0x40]  }
0x15b: {  	v19 =	vadd.f32 v20, v19;
	v18 =	vmul.f32 v18, v22;
	v20 =	vld [tilespmem:s21+$0x50]  }
0x15c: {  	v22 =	vld [tilespmem:s18+$0x50]  }
0x15d: {  	v18 =	vadd.f32 v18, v19;
	v17 =	vmul.f32 v17, v21;
	v19 =	vld [tilespmem:s21+$0x60]  }
0x15e: {  	v21 =	vld [tilespmem:s18+$0x60]  }
0x15f: {  	v17 =	vadd.f32 v17, v18;
	v16 =	vmul.f32 v16, v23;
	v18 =	vld [tilespmem:s21+$0x70]  }
0x160: {  	v23 =	vld [tilespmem:s18+$0x70]  }
0x161: {  	v24 =	vld [tilespmem:s18+$0xFFFFFF80];
	v16 =	vadd.f32 v16, v17;
	v17 =	vmul.f32 v22, v20  }
0x162: {  	v20 =	vld [tilespmem:s21+$0xFFFFFF90]  }
0x163: {  	v22 =	vld [tilespmem:s18+$0xFFFFFF90];
	v16 =	vadd.f32 v17, v16;
	v17 =	vmul.f32 v21, v19  }
0x164: {  	v19 =	vld [tilespmem:s21+$0xFFFFFF80]  }
0x165: {  	v21 =	vld [tilespmem:s21+$0xFFFFFFA0];
	v16 =	vadd.f32 v17, v16;
	v17 =	vmul.f32 v23, v18  }
0x166: {  	v18 =	vld [tilespmem:s18+$0xFFFFFFA0]  }
0x167: {  	v23 =	vld [tilespmem:s21+$0xFFFFFFB0];
	v16 =	vadd.f32 v17, v16  }
0x168: {  	s13 =	sadd.s32 $0x22, s13;
	v17 =	vmul.f32 v22, v20;
	v20 =	vld [tilespmem:s18+$0xFFFFFFB0]  }
0x169: {  	s31 =	simm.s32 $0x0;
	s17 =	simm.s32 $0x1DD00;
	v19 =	vmul.f32 v24, v19;
	v24 =	vld [tilespmem:s21+$0xFFFFFFC0];
	[tilespmem:s13+$0x11] =	vst v16  }
0x16a: {  	v25 =	vld [tilespmem:s18+$0xFFFFFFC0]  }
0x16b: {  	v17 =	vadd.f32 v17, v19;
	v18 =	vmul.f32 v18, v21;
	v16 =	vld [tilespmem:s21+$0xFFFFFFD0]  }
.Ltmp2:
0x16c: {  	v19 =	vld [tilespmem:s18+$0xFFFFFFD0];
	(pc) =	sbr.rel @p2 .LBB2_7-.Ltmp2, $4  }
0x16d: {  	v18 =	vadd.f32 v18, v17;
	v21 =	vmul.f32 v20, v23;
	v17 =	vld [tilespmem:s21+$0xFFFFFFE0]  }
0x16e: {  	v20 =	vld [tilespmem:s18+$0xFFFFFFE0]  }
0x16f: {  	v22 =	vadd.f32 v21, v18;
	v23 =	vmul.f32 v25, v24;
	v18 =	vld [tilespmem:s21+$0xFFFFFFF0]  }
0x170: {  	s21 =	sadd.s32 $0x100, s21;
	v21 =	vld [tilespmem:s18+$0xFFFFFFF0]  }
0x171: {  	v22 =	vadd.f32 v23, v22;
	v16 =	vmul.f32 v19, v16;
	_ =	sdelay $0x1  }
0x172: {  	v16 =	vadd.f32 v16, v22;
	v17 =	vmul.f32 v20, v17;
	_ =	sdelay $0x1  }
0x173: {  	v16 =	vadd.f32 v17, v16;
	v17 =	vmul.f32 v21, v18;
	v18 =	vadd.s32 s31, v0  }
0x174: {  	v19 =	vadd.s32 s31, v1  }
0x175: {  	v16 =	vadd.f32 v17, v16  }
0x176: {  	v17 =	vadd.s32 s31, v2  }
0x177: {  	[tilespmem:s13+$0x0] =	vst v16  }
0x178: {  	v16 =	vadd.s32 s31, v3;
	v18 =	vld.idx.msk [tilespmem:v18+s25+$0x0], $0xffff  }
0x179: {  	v19 =	vld.idx.msk [tilespmem:v19+s25+$0x0], $0xffff  }
0x17a: {  	v20 =	vadd.s32 s31, v4  }
0x17b: {  	v17 =	vld.idx.msk [tilespmem:v17+s25+$0x0], $0xffff  }
0x17c: {  	v21 =	vadd.s32 s31, v5  }
0x17d: {  	v16 =	vld.idx.msk [tilespmem:v16+s25+$0x0], $0xffff  }
0x17e: {  	v22 =	vadd.s32 s31, v6;
	v18 =	vadd.f32 v19, v18  }
0x17f: {  	v19 =	vld.idx.msk [tilespmem:v20+s25+$0x0], $0xffff  }
0x180: {  	v20 =	vadd.s32 s31, v7;
	v17 =	vadd.f32 v17, v18  }
0x181: {  	v18 =	vld.idx.msk [tilespmem:v21+s25+$0x0], $0xffff  }
0x182: {  	v21 =	vadd.s32 s31, v8;
	v16 =	vadd.f32 v16, v17  }
0x183: {  	s0 =	simm.s32 $0x110;
	v17 =	vld.idx.msk [tilespmem:v22+s25+$0x0], $0xffff;
	v22 =	vadd.s32 s31, v9  }
0x184: {  	v16 =	vadd.f32 v19, v16;
	v19 =	vadd.s32 s0, v0  }
0x185: {  	v23 =	vadd.s32 s0, v1;
	v20 =	vld.idx.msk [tilespmem:v20+s25+$0x0], $0xffff  }
0x186: {  	v24 =	vadd.s32 s31, v10;
	v16 =	vadd.f32 v18, v16  }
0x187: {  	v18 =	vld.idx.msk [tilespmem:v21+s25+$0x0], $0xffff;
	v21 =	vadd.s32 s0, v2  }
0x188: {  	v25 =	vadd.s32 s31, v11;
	v22 =	vld.idx.msk [tilespmem:v22+s25+$0x0], $0xffff;
	v16 =	vadd.f32 v17, v16  }
0x189: {  	v17 =	vadd.s32 s0, v3;
	v19 =	vld.idx.msk [tilespmem:v19+s25+$0x0], $0xffff  }
0x18a: {  	v26 =	vadd.s32 s31, v12;
	v16 =	vadd.f32 v20, v16;
	v20 =	vld.idx.msk [tilespmem:v23+s25+$0x0], $0xffff  }
0x18b: {  	v23 =	vld.idx.msk [tilespmem:v24+s25+$0x0], $0xffff;
	v24 =	vadd.s32 s0, v4  }
0x18c: {  	v27 =	vadd.s32 s31, v13;
	v16 =	vadd.f32 v18, v16;
	v18 =	vld.idx.msk [tilespmem:v21+s25+$0x0], $0xffff  }
0x18d: {  	v21 =	vld.idx.msk [tilespmem:v25+s25+$0x0], $0xffff  }
0x18e: {  	v28 =	vadd.s32 s31, v14;
	v17 =	vld.idx.msk [tilespmem:v17+s25+$0x0], $0xffff;
	v16 =	vadd.f32 v22, v16  }
0x18f: {  	v25 =	vadd.s32 s0, v5;
	v22 =	vld.idx.msk [tilespmem:v26+s25+$0x0], $0xffff  }
0x190: {  	v19 =	vadd.f32 v20, v19;
	v20 =	vadd.s32 s31, v15;
	v16 =	vadd.f32 v23, v16;
	v23 =	vld.idx.msk [tilespmem:v24+s25+$0x0], $0xffff  }
0x191: {  	v26 =	vadd.s32 s0, v6;
	v24 =	vld.idx.msk [tilespmem:v27+s25+$0x0], $0xffff  }
0x192: {  	v16 =	vadd.f32 v21, v16  }
0x193: {  	v27 =	vadd.s32 s0, v7;
	v18 =	vadd.f32 v18, v19;
	v21 =	vld.idx.msk [tilespmem:v28+s25+$0x0], $0xffff  }
0x194: {  	v19 =	vld.idx.msk [tilespmem:v25+s25+$0x0], $0xffff;
	v16 =	vadd.f32 v22, v16  }
0x195: {  	v25 =	vadd.s32 s0, v8;
	v17 =	vadd.f32 v17, v18;
	v20 =	vld.idx.msk [tilespmem:v20+s25+$0x0], $0xffff  }
0x196: {  	v18 =	vld.idx.msk [tilespmem:v26+s25+$0x0], $0xffff;
	v16 =	vadd.f32 v24, v16  }
0x197: {  	v22 =	vadd.s32 s0, v9;
	v17 =	vadd.f32 v23, v17  }
0x198: {  	v23 =	vld.idx.msk [tilespmem:v27+s25+$0x0], $0xffff;
	v16 =	vadd.f32 v21, v16  }
0x199: {  	v24 =	vadd.s32 s0, v10;
	v17 =	vadd.f32 v19, v17  }
0x19a: {  	v19 =	vld.idx.msk [tilespmem:v25+s25+$0x0], $0xffff;
	v16 =	vadd.f32 v20, v16  }
0x19b: {  	v21 =	vadd.s32 s0, v11;
	v17 =	vadd.f32 v18, v17  }
0x19c: {  	v18 =	vld.idx.msk [tilespmem:v22+s25+$0x0], $0xffff;
	v16 =	vsub.f32 $0.0e+00, v16  }
0x19d: {  	s13 =	simm.s32 $0x220;
	v20 =	vadd.s32 s0, v12;
	v17 =	vadd.f32 v23, v17  }
0x19e: {  	v22 =	vadd.s32 s13, v0;
	v23 =	vld.idx.msk [tilespmem:v24+s25+$0x0], $0xffff;
	v16 =	vmul.f32 $1.442695020e+00, v16  }
0x19f: {  	v24 =	vadd.s32 s0, v13;
	v17 =	vadd.f32 v19, v17  }
0x1a0: {  	v21 =	vld.idx.msk [tilespmem:v21+s25+$0x0], $0xffff;
	(erf) = vpow2.f32 v16  }
0x1a1: {  	v17 =	vadd.f32 v18, v17  }
0x1a2: {  	v25 =	vadd.s32 s13, v1;
	v20 =	vld.idx.msk [tilespmem:v20+s25+$0x0], $0xffff  }
0x1a3: {  	v19 =	vadd.s32 s13, v2;
	v18 =	vld.idx.msk [tilespmem:v22+s25+$0x0], $0xffff;
	v17 =	vadd.f32 v23, v17  }
0x1a4: {  	v26 =	vadd.s32 s0, v14;
	v22 =	vld.idx.msk [tilespmem:v24+s25+$0x0], $0xffff  }
0x1a5: {  	v16 =	vadd.s32 s13, v3;
	v17 =	vadd.f32 v21, v17  }
0x1a6: {  	v24 =	vadd.s32 s0, v15  }
0x1a7: {  	v23 =	vld.idx.msk [tilespmem:v25+s25+$0x0], $0xffff;
	v17 =	vadd.f32 v20, v17  }
0x1a8: {  	v25 =	vadd.s32 s13, v4;
	v19 =	vld.idx.msk [tilespmem:v19+s25+$0x0], $0xffff  }
0x1a9: {  	v21 =	vld.idx.msk [tilespmem:v26+s25+$0x0], $0xffff;
	v17 =	vadd.f32 v22, v17;
	v22 =	vpop (erf)  }
0x1aa: {  	v26 =	vadd.s32 s13, v5;
	v16 =	vld.idx.msk [tilespmem:v16+s25+$0x0], $0xffff;
	v22 =	vadd.f32 $1.000000000e+00, v22  }
0x1ab: {  	v20 =	vadd.s32 s13, v6;
	v24 =	vld.idx.msk [tilespmem:v24+s25+$0x0], $0xffff  }
0x1ac: {  	v27 =	vadd.s32 s13, v7;
	v18 =	vadd.f32 v23, v18;
	(erf) = vrcp.f32 v22  }
0x1ad: {  	v23 =	vld.idx.msk [tilespmem:v25+s25+$0x0], $0xffff;
	v25 =	vadd.s32 s13, v8  }
0x1ae: {  	v18 =	vadd.f32 v19, v18;
	v21 =	vadd.f32 v21, v17  }
0x1af: {  	v19 =	vld.idx.msk [tilespmem:v26+s25+$0x0], $0xffff;
	v22 =	vadd.s32 s13, v9  }
0x1b0: {  	v17 =	vld.idx.msk [tilespmem:v20+s25+$0x0], $0xffff;
	v18 =	vadd.f32 v16, v18;
	v26 =	vadd.f32 v24, v21  }
0x1b1: {  	v16 =	vld.idx.msk [tilespmem:v27+s25+$0x0], $0xffff;
	v21 =	vadd.s32 s13, v10  }
0x1b2: {  	s18 =	simm.s32 $0x1DD00;
	s0 =	simm.s32 $0x330;
	v20 =	vadd.s32 s13, v11;
	v24 =	vadd.f32 v23, v18;
	v18 =	vld.idx.msk [tilespmem:v25+s25+$0x0], $0xffff;
	v23 =	vsub.f32 $0.0e+00, v26  }
.LBB2_9:
0x1b3: {  	p2 =	sne.s32 s0, $0x440  }
0x1b4: {  	v19 =	vadd.f32 v19, v24;
	v22 =	vld.idx.msk [tilespmem:v22+s25+$0x0], $0xffff;
	s17 =	sadd.s32 $0x10, s17;
	s1 =	smov.u32 s0;
	s0 =	sadd.s32 $0x110, s0  }
0x1b5: {  	v24 =	vadd.s32 s13, v12;
	v23 =	vmul.f32 $1.442695020e+00, v23;
	v25 =	vpop (erf)  }
0x1b6: {  	v26 =	vadd.s32 s1, v0;
	v27 =	vadd.s32 s1, v1;
	v17 =	vadd.f32 v17, v19;
	v19 =	vld.idx.msk [tilespmem:v21+s25+$0x0], $0xffff;
	[tilespmem:s18+$0x0] =	vst v25;
	s18 =	smov.u32 s17  }
0x1b7: {  	v21 =	vadd.s32 s13, v13;
	(erf) = vpow2.f32 v23  }
0x1b8: {  	v23 =	vadd.s32 s1, v2;
	v16 =	vadd.f32 v16, v17;
	v17 =	vld.idx.msk [tilespmem:v20+s25+$0x0], $0xffff;
	_ =	sdelay $0x1  }
0x1b9: {  	v20 =	vadd.s32 s1, v3;
	v16 =	vadd.f32 v18, v16;
	v18 =	vld.idx.msk [tilespmem:v24+s25+$0x0], $0xffff;
	v24 =	vadd.s32 s13, v14  }
0x1ba: {  	v25 =	vld.idx.msk [tilespmem:v26+s25+$0x0], $0xffff  }
0x1bb: {  	v26 =	vadd.s32 s1, v4;
	v16 =	vadd.f32 v22, v16;
	v21 =	vld.idx.msk [tilespmem:v21+s25+$0x0], $0xffff;
	v22 =	vadd.s32 s13, v15;
	s13 =	smov.u32 s1  }
0x1bc: {  	v27 =	vld.idx.msk [tilespmem:v27+s25+$0x0], $0xffff  }
0x1bd: {  	v28 =	vadd.s32 s13, v5;
	v23 =	vld.idx.msk [tilespmem:v23+s25+$0x0], $0xffff;
	v16 =	vadd.f32 v19, v16  }
0x1be: {  	v24 =	vld.idx.msk [tilespmem:v24+s25+$0x0], $0xffff  }
0x1bf: {  	v29 =	vadd.s32 s13, v6;
	v20 =	vld.idx.msk [tilespmem:v20+s25+$0x0], $0xffff;
	v16 =	vadd.f32 v17, v16;
	v17 =	vpop (erf)  }
0x1c0: {  	v30 =	vld.idx.msk [tilespmem:v22+s25+$0x0], $0xffff;
	v17 =	vadd.f32 $1.000000000e+00, v17  }
0x1c1: {  	v31 =	vadd.s32 s13, v7;
	v26 =	vld.idx.msk [tilespmem:v26+s25+$0x0], $0xffff;
	v16 =	vadd.f32 v18, v16  }
0x1c2: {  	v18 =	vadd.f32 v27, v25;
	v19 =	vld.idx.msk [tilespmem:v28+s25+$0x0], $0xffff;
	(erf) = vrcp.f32 v17  }
0x1c3: {  	v25 =	vadd.s32 s13, v8;
	v16 =	vadd.f32 v21, v16  }
0x1c4: {  	v18 =	vadd.f32 v23, v18;
	v17 =	vld.idx.msk [tilespmem:v29+s25+$0x0], $0xffff  }
.Ltmp3:
0x1c5: {  	v22 =	vadd.s32 s13, v9;
	v23 =	vadd.f32 v24, v16;
	(pc) =	sbr.rel @p2 .LBB2_9-.Ltmp3, $4  }
0x1c6: {  	v18 =	vadd.f32 v20, v18;
	v16 =	vld.idx.msk [tilespmem:v31+s25+$0x0], $0xffff  }
0x1c7: {  	v21 =	vadd.s32 s13, v10;
	v23 =	vadd.f32 v30, v23  }
0x1c8: {  	v24 =	vadd.f32 v26, v18;
	v18 =	vld.idx.msk [tilespmem:v25+s25+$0x0], $0xffff  }
0x1c9: {  	v20 =	vadd.s32 s13, v11;
	v23 =	vsub.f32 $0.0e+00, v23  }
0x1ca: {  	_ = 	snop  }
0x1cb: {  	v19 =	vadd.f32 v19, v24;
	_ =	sdelay $0x1  }
0x1cc: {  	v17 =	vadd.f32 v17, v19  }
0x1cd: {  	v19 =	vld.idx.msk [tilespmem:v22+s25+$0x0], $0xffff  }
0x1ce: {  	v22 =	vadd.s32 s13, v12;
	v16 =	vadd.f32 v16, v17  }
0x1cf: {  	v17 =	vld.idx.msk [tilespmem:v21+s25+$0x0], $0xffff  }
0x1d0: {  	v21 =	vadd.s32 s13, v13;
	v16 =	vadd.f32 v18, v16  }
0x1d1: {  	v18 =	vld.idx.msk [tilespmem:v20+s25+$0x0], $0xffff  }
0x1d2: {  	v20 =	vadd.s32 s13, v14;
	v16 =	vadd.f32 v19, v16  }
0x1d3: {  	v19 =	vld.idx.msk [tilespmem:v22+s25+$0x0], $0xffff  }
0x1d4: {  	v22 =	vadd.s32 s13, v15;
	v16 =	vadd.f32 v17, v16  }
0x1d5: {  	v21 =	vld.idx.msk [tilespmem:v21+s25+$0x0], $0xffff;
	v17 =	vmul.f32 $1.442695020e+00, v23  }
0x1d6: {  	v16 =	vadd.f32 v18, v16  }
0x1d7: {  	(erf) = vpow2.f32 v17;
	v17 =	vld.idx.msk [tilespmem:v20+s25+$0x0], $0xffff  }
0x1d8: {  	v16 =	vadd.f32 v19, v16  }
0x1d9: {  	v18 =	vld.idx.msk [tilespmem:v22+s25+$0x0], $0xffff  }
0x1da: {  	v16 =	vadd.f32 v21, v16;
	_ =	sdelay $0x1  }
0x1db: {  	v16 =	vadd.f32 v17, v16;
	_ =	sdelay $0x1  }
0x1dc: {  	v16 =	vadd.f32 v18, v16  }
0x1dd: {  	v17 =	vpop (erf)  }
0x1de: {  	v18 =	vpop (erf);
	v16 =	vsub.f32 $0.0e+00, v16  }
0x1df: {  	v18 =	vadd.f32 $1.000000000e+00, v18  }
0x1e0: {  	v16 =	vmul.f32 $1.442695020e+00, v16  }
0x1e1: {  	(erf) = vrcp.f32 v18  }
0x1e2: {  	(erf) = vpow2.f32 v16;
	_ =	sdelay $0x7  }
0x1e3: {  	v16 =	vpop (erf)  }
0x1e4: {  	v18 =	vpop (erf)  }
0x1e5: {  	v18 =	vadd.f32 $1.000000000e+00, v18;
	_ =	sdelay $0x1  }
0x1e6: {  	(erf) = vrcp.f32 v18;
	_ =	sdelay $0x5  }
0x1e7: {  	[tilespmem:s18+$0x0] =	vst v17  }
0x1e8: {  	s1 =	rddreg [dreg:$0x8]  }
0x1e9: {  	s0 =	sadd.s32 $0x10, s17;
	s1 =	sadd.s32 s15, s1  }
0x1ea: {  	s21 =	sadd.s32 $0x10, s0;
	s13 =	rddreg [dreg:$0x3];
	s1 =	sshrl.u32 s1, $0x3;
	[tilespmem:s0+$0x0] =	vst v16;
	v16 =	vpop (erf)  }
0x1eb: {  	s17 =	simm.s32 $0x1DD00;
	s0 =	sadd.s32 s13, s1;
	[tilespmem:s21+$0x0] =	vst v16  }
0x1ec: {  	[hbm4b:s0+s7] =	stream.linear.scatter [tilespmem:s17], [sflag:$0xA], $0x50, $0x38;
	[tilespmem:$0x1E300] =	vst v63  }
0x1ed: {  	_ =	swait.ge [sflag:s12], $0x50  }
0x1ee: {  	[sflag:s12] =	ssyncset.done $0x0  }
0x1ef: {  	[sflag:s12] =	ssyncadd.s32 $0xFFFFFFB0  }
0x1f0: {  	_ =	swait.ge [sflag:s12], $0x50  }
0x1f1: {  	[sflag:s12] =	ssyncset.done $0x0  }
0x1f2: {  	s18 =	simm.s32 $0x13B80;
	s21 =	simm.s32 $0x18C80;
	[sflag:s12] =	ssyncadd.s32 $0xFFFFFFB0  }
0x1f3: {  	[tilespmem:s21], [sflag:$0x7] =	stream.indirect.gather [spmem:s6], $0x80, s18, s30, $0xb8;
	[tilespmem:$0x1E300] =	vst v63  }
0x1f4: {  	s1 =	simm.s32 $0x13C00;
	s13 =	simm.s32 $0x1B480  }
0x1f5: {  	[tilespmem:s13], [sflag:$0x8] =	stream.indirect.gather [hbm4b:s3+s30], $0x80, s1, s30, $0xb8;
	[tilespmem:$0x1E300] =	vst v63  }
0x1f6: {  	_ =	swait.ge [sflag:s22], $0x2800  }
0x1f7: {  	[sflag:s22] =	ssyncset.done $0x0  }
0x1f8: {  	[sflag:s22] =	ssyncadd.s32 $0xFFFFD800  }
0x1f9: {  	_ =	swait.ge [sflag:s24], $0x2800  }
0x1fa: {  	s0 =	sld [smem:$0x7FC];
	_ =	sdelay $0x2  }
0x1fb: {  	s0 =	sadd.s32 @!p1 s15, s0  }
0x1fc: {  	s17 =	simm.s32 @!p1 $0x13A80;
	[sflag:s24] =	ssyncset.done $0x0;
	s0 =	sshrl.u32 @!p1 s0, $0x3  }
0x1fd: {  	s13 =	simm.s32 @!p1 $0x0;
	[sflag:s24] =	ssyncadd.s32 $0xFFFFD800;
	s1 =	sadd.s32 @!p1 s8, s0  }
0x1fe: {  	[tilespmem:s17], [sflag:$0x3] =	stream.linear.gather @!p1 [hbm4b:s1+s13], $0x50, $0x38;
	[tilespmem:$0x1E300] =	vst v63  }
0x1ff: {  	s0 =	sadd.s32 @!p1 s10, s0;
	s1 =	simm.s32 @!p1 $0x13B00  }
0x200: {  	[tilespmem:s1], [sflag:$0x3] =	stream.linear.gather @!p1 [hbm4b:s0+s13], $0x50, $0x38;
	[tilespmem:$0x1E300] =	vst v63  }
0x201: {  	_ =	swait.ge [sflag:s14], $0x50  }
0x202: {  	[sflag:s14] =	ssyncset.done $0x0  }
0x203: {  	s17 =	simm.s32 $0x13D00;
	[sflag:s14] =	ssyncadd.s32 $0xFFFFFFB0  }
0x204: {  	s13 =	simm.s32 $0x16500;
	v16 =	vld [tilespmem:s17+$0x0]  }
0x205: {  	v17 =	vld [tilespmem:s13+$0x0]  }
0x206: {  	v18 =	vld [tilespmem:s17+$0x10]  }
0x207: {  	v19 =	vld [tilespmem:s13+$0x10]  }
0x208: {  	v20 =	vld [tilespmem:s17+$0x20]  }
0x209: {  	v21 =	vld [tilespmem:s13+$0x20]  }
0x20a: {  	v22 =	vld [tilespmem:s17+$0x30]  }
0x20b: {  	v23 =	vld [tilespmem:s13+$0x30]  }
0x20c: {  	v57 =	vld [tilespmem:s17+$0x40]  }
0x20d: {  	v25 =	vld [tilespmem:s13+$0x40]  }
0x20e: {  	v26 =	vld [tilespmem:s17+$0x50]  }
0x20f: {  	v27 =	vld [tilespmem:s13+$0x50]  }
0x210: {  	v28 =	vld [tilespmem:s17+$0x60]  }
0x211: {  	v29 =	vld [tilespmem:s13+$0x60]  }
0x212: {  	v58 =	vld [tilespmem:s17+$0xFFFFFFA0];
	v16 =	vmul.f32 v17, v16;
	v17 =	vmul.f32 v19, v18  }
0x213: {  	v18 =	vld [tilespmem:s17+$0x70]  }
0x214: {  	v16 =	vadd.f32 v17, v16;
	v17 =	vmul.f32 v21, v20;
	v20 =	vld [tilespmem:s13+$0xFFFFFF80]  }
0x215: {  	v21 =	vld [tilespmem:s17+$0xFFFFFF90]  }
0x216: {  	v16 =	vadd.f32 v17, v16;
	v17 =	vmul.f32 v23, v22;
	v22 =	vld [tilespmem:s13+$0xFFFFFF90]  }
0x217: {  	v23 =	vld [tilespmem:s17+$0xFFFFFF80]  }
0x218: {  	v19 =	vld [tilespmem:s13+$0x70];
	v16 =	vadd.f32 v17, v16;
	v17 =	vmul.f32 v25, v57  }
0x219: {  	v59 =	vld [tilespmem:s13+$0xFFFFFFA0]  }
0x21a: {  	v60 =	vld [tilespmem:s17+$0xFFFFFFB0];
	v16 =	vadd.f32 v17, v16;
	v17 =	vmul.f32 v27, v26  }
0x21b: {  	v61 =	vld [tilespmem:s13+$0xFFFFFFB0];
	v21 =	vmul.f32 v22, v21  }
0x21c: {  	v62 =	vld [tilespmem:s17+$0xFFFFFFC0];
	v20 =	vmul.f32 v20, v23;
	v16 =	vadd.f32 v17, v16;
	v17 =	vmul.f32 v29, v28  }
0x21d: {  	v18 =	vmul.f32 v19, v18;
	v23 =	vld [tilespmem:s13+$0xFFFFFFC0]  }
0x21e: {  	v19 =	vld [tilespmem:s13+$0xFFFFFFD0];
	v20 =	vadd.f32 v21, v20;
	v21 =	vmul.f32 v59, v58;
	v22 =	vadd.f32 v17, v16  }
0x21f: {  	v16 =	vld [tilespmem:s17+$0xFFFFFFD0]  }
0x220: {  	v63 =	vmul.f32 v61, v60;
	v17 =	vld [tilespmem:s17+$0xFFFFFFE0];
	v21 =	vadd.f32 v21, v20;
	v22 =	vadd.f32 v18, v22  }
0x221: {  	s21 =	simm.s32 $0x1DD80;
	v20 =	vld [tilespmem:s13+$0xFFFFFFE0]  }
0x222: {  	s18 =	rddreg [dreg:$0x13];
	v18 =	vld [tilespmem:s17+$0xFFFFFFF0];
	v23 =	vmul.f32 v23, v62;
	[tilespmem:s21+$0x11] =	vst v22;
	v22 =	vadd.f32 v63, v21  }
0x223: {  	s31 =	simm.s32 $0x13E00;
	s0 =	simm.s32 $0x0;
	s17 =	sadd.s32 s15, s18;
	v21 =	vld [tilespmem:s13+$0xFFFFFFF0]  }
.LBB2_11:
0x224: {  	v24 =	vld [tilespmem:s31+$0x0];
	v22 =	vadd.f32 v23, v22;
	v16 =	vmul.f32 v19, v16;
	s13 =	sadd.s32 $0x100, s13  }
0x225: {  	v19 =	vld [tilespmem:s13+$0x0]  }
0x226: {  	v23 =	vld [tilespmem:s31+$0x10];
	v16 =	vadd.f32 v16, v22;
	v17 =	vmul.f32 v20, v17  }
0x227: {  	s0 =	sadd.s32 $0x2, s0;
	v20 =	vld [tilespmem:s13+$0x10]  }
0x228: {  	p2 =	slt.u32 s0, $0x4E;
	v22 =	vld [tilespmem:s31+$0x20];
	v16 =	vadd.f32 v17, v16;
	v17 =	vmul.f32 v21, v18  }
0x229: {  	v18 =	vld [tilespmem:s13+$0x20]  }
0x22a: {  	v21 =	vld [tilespmem:s31+$0x30];
	v16 =	vadd.f32 v17, v16  }
0x22b: {  	v17 =	vld [tilespmem:s13+$0x30]  }
0x22c: {  	v19 =	vmul.f32 v19, v24;
	v20 =	vmul.f32 v20, v23;
	v23 =	vld [tilespmem:s31+$0x40];
	[tilespmem:s21+$0x0] =	vst v16  }
0x22d: {  	v16 =	vld [tilespmem:s13+$0x40]  }
0x22e: {  	v19 =	vadd.f32 v20, v19;
	v18 =	vmul.f32 v18, v22;
	v20 =	vld [tilespmem:s31+$0x50]  }
0x22f: {  	v22 =	vld [tilespmem:s13+$0x50]  }
0x230: {  	v18 =	vadd.f32 v18, v19;
	v17 =	vmul.f32 v17, v21;
	v19 =	vld [tilespmem:s31+$0x60]  }
0x231: {  	v21 =	vld [tilespmem:s13+$0x60]  }
0x232: {  	v17 =	vadd.f32 v17, v18;
	v16 =	vmul.f32 v16, v23;
	v18 =	vld [tilespmem:s31+$0x70]  }
0x233: {  	v23 =	vld [tilespmem:s13+$0x70]  }
0x234: {  	v24 =	vld [tilespmem:s13+$0xFFFFFF80];
	v16 =	vadd.f32 v16, v17;
	v17 =	vmul.f32 v22, v20  }
0x235: {  	v20 =	vld [tilespmem:s31+$0xFFFFFF90]  }
0x236: {  	v22 =	vld [tilespmem:s13+$0xFFFFFF90];
	v16 =	vadd.f32 v17, v16;
	v17 =	vmul.f32 v21, v19  }
0x237: {  	v19 =	vld [tilespmem:s31+$0xFFFFFF80]  }
0x238: {  	v21 =	vld [tilespmem:s31+$0xFFFFFFA0];
	v16 =	vadd.f32 v17, v16;
	v17 =	vmul.f32 v23, v18  }
0x239: {  	v18 =	vld [tilespmem:s13+$0xFFFFFFA0]  }
0x23a: {  	v23 =	vld [tilespmem:s31+$0xFFFFFFB0];
	v16 =	vadd.f32 v17, v16  }
0x23b: {  	s21 =	sadd.s32 $0x22, s21;
	v17 =	vmul.f32 v22, v20;
	v20 =	vld [tilespmem:s13+$0xFFFFFFB0]  }
0x23c: {  	s1 =	simm.s32 $0x0;
	s18 =	simm.s32 $0x1DC80;
	v19 =	vmul.f32 v24, v19;
	v24 =	vld [tilespmem:s31+$0xFFFFFFC0];
	[tilespmem:s21+$0x11] =	vst v16  }
0x23d: {  	v25 =	vld [tilespmem:s13+$0xFFFFFFC0]  }
0x23e: {  	v17 =	vadd.f32 v17, v19;
	v18 =	vmul.f32 v18, v21;
	v16 =	vld [tilespmem:s31+$0xFFFFFFD0]  }
.Ltmp4:
0x23f: {  	v19 =	vld [tilespmem:s13+$0xFFFFFFD0];
	(pc) =	sbr.rel @p2 .LBB2_11-.Ltmp4, $4  }
0x240: {  	v18 =	vadd.f32 v18, v17;
	v21 =	vmul.f32 v20, v23;
	v17 =	vld [tilespmem:s31+$0xFFFFFFE0]  }
0x241: {  	v20 =	vld [tilespmem:s13+$0xFFFFFFE0]  }
0x242: {  	v22 =	vadd.f32 v21, v18;
	v23 =	vmul.f32 v25, v24;
	v18 =	vld [tilespmem:s31+$0xFFFFFFF0]  }
0x243: {  	s31 =	sadd.s32 $0x100, s31;
	v21 =	vld [tilespmem:s13+$0xFFFFFFF0]  }
0x244: {  	v22 =	vadd.f32 v23, v22;
	v16 =	vmul.f32 v19, v16;
	_ =	sdelay $0x1  }
0x245: {  	v16 =	vadd.f32 v16, v22;
	v17 =	vmul.f32 v20, v17;
	_ =	sdelay $0x1  }
0x246: {  	v16 =	vadd.f32 v17, v16;
	v17 =	vmul.f32 v21, v18;
	v18 =	vadd.s32 s1, v0  }
0x247: {  	v19 =	vadd.s32 s1, v1  }
0x248: {  	v16 =	vadd.f32 v17, v16  }
0x249: {  	v17 =	vadd.s32 s1, v2  }
0x24a: {  	[tilespmem:s21+$0x0] =	vst v16  }
0x24b: {  	v16 =	vadd.s32 s1, v3;
	v18 =	vld.idx.msk [tilespmem:v18+s25+$0x0], $0xffff  }
0x24c: {  	v19 =	vld.idx.msk [tilespmem:v19+s25+$0x0], $0xffff  }
0x24d: {  	v20 =	vadd.s32 s1, v4  }
0x24e: {  	v17 =	vld.idx.msk [tilespmem:v17+s25+$0x0], $0xffff  }
0x24f: {  	v21 =	vadd.s32 s1, v5  }
0x250: {  	v16 =	vld.idx.msk [tilespmem:v16+s25+$0x0], $0xffff  }
0x251: {  	v22 =	vadd.s32 s1, v6;
	v18 =	vadd.f32 v19, v18  }
0x252: {  	v19 =	vld.idx.msk [tilespmem:v20+s25+$0x0], $0xffff  }
0x253: {  	v20 =	vadd.s32 s1, v7;
	v17 =	vadd.f32 v17, v18  }
0x254: {  	v18 =	vld.idx.msk [tilespmem:v21+s25+$0x0], $0xffff  }
0x255: {  	v21 =	vadd.s32 s1, v8;
	v16 =	vadd.f32 v16, v17  }
0x256: {  	s0 =	simm.s32 $0x110;
	v17 =	vld.idx.msk [tilespmem:v22+s25+$0x0], $0xffff;
	v22 =	vadd.s32 s1, v9  }
0x257: {  	v16 =	vadd.f32 v19, v16;
	v19 =	vadd.s32 s0, v0  }
0x258: {  	v23 =	vadd.s32 s0, v1;
	v20 =	vld.idx.msk [tilespmem:v20+s25+$0x0], $0xffff  }
0x259: {  	v24 =	vadd.s32 s1, v10;
	v16 =	vadd.f32 v18, v16  }
0x25a: {  	v18 =	vld.idx.msk [tilespmem:v21+s25+$0x0], $0xffff;
	v21 =	vadd.s32 s0, v2  }
0x25b: {  	v25 =	vadd.s32 s1, v11;
	v22 =	vld.idx.msk [tilespmem:v22+s25+$0x0], $0xffff;
	v16 =	vadd.f32 v17, v16  }
0x25c: {  	v17 =	vadd.s32 s0, v3;
	v19 =	vld.idx.msk [tilespmem:v19+s25+$0x0], $0xffff  }
0x25d: {  	v26 =	vadd.s32 s1, v12;
	v16 =	vadd.f32 v20, v16;
	v20 =	vld.idx.msk [tilespmem:v23+s25+$0x0], $0xffff  }
0x25e: {  	v23 =	vld.idx.msk [tilespmem:v24+s25+$0x0], $0xffff;
	v24 =	vadd.s32 s0, v4  }
0x25f: {  	v27 =	vadd.s32 s1, v13;
	v16 =	vadd.f32 v18, v16;
	v18 =	vld.idx.msk [tilespmem:v21+s25+$0x0], $0xffff  }
0x260: {  	v21 =	vld.idx.msk [tilespmem:v25+s25+$0x0], $0xffff  }
0x261: {  	v28 =	vadd.s32 s1, v14;
	v17 =	vld.idx.msk [tilespmem:v17+s25+$0x0], $0xffff;
	v16 =	vadd.f32 v22, v16  }
0x262: {  	v25 =	vadd.s32 s0, v5;
	v22 =	vld.idx.msk [tilespmem:v26+s25+$0x0], $0xffff  }
0x263: {  	v19 =	vadd.f32 v20, v19;
	v20 =	vadd.s32 s1, v15;
	v16 =	vadd.f32 v23, v16;
	v23 =	vld.idx.msk [tilespmem:v24+s25+$0x0], $0xffff  }
0x264: {  	v26 =	vadd.s32 s0, v6;
	v24 =	vld.idx.msk [tilespmem:v27+s25+$0x0], $0xffff  }
0x265: {  	v16 =	vadd.f32 v21, v16  }
0x266: {  	v27 =	vadd.s32 s0, v7;
	v18 =	vadd.f32 v18, v19;
	v21 =	vld.idx.msk [tilespmem:v28+s25+$0x0], $0xffff  }
0x267: {  	v19 =	vld.idx.msk [tilespmem:v25+s25+$0x0], $0xffff;
	v16 =	vadd.f32 v22, v16  }
0x268: {  	v25 =	vadd.s32 s0, v8;
	v17 =	vadd.f32 v17, v18;
	v20 =	vld.idx.msk [tilespmem:v20+s25+$0x0], $0xffff  }
0x269: {  	v18 =	vld.idx.msk [tilespmem:v26+s25+$0x0], $0xffff;
	v16 =	vadd.f32 v24, v16  }
0x26a: {  	v22 =	vadd.s32 s0, v9;
	v17 =	vadd.f32 v23, v17  }
0x26b: {  	v23 =	vld.idx.msk [tilespmem:v27+s25+$0x0], $0xffff;
	v16 =	vadd.f32 v21, v16  }
0x26c: {  	v24 =	vadd.s32 s0, v10;
	v17 =	vadd.f32 v19, v17  }
0x26d: {  	v19 =	vld.idx.msk [tilespmem:v25+s25+$0x0], $0xffff;
	v16 =	vadd.f32 v20, v16  }
0x26e: {  	v21 =	vadd.s32 s0, v11;
	v17 =	vadd.f32 v18, v17  }
0x26f: {  	v18 =	vld.idx.msk [tilespmem:v22+s25+$0x0], $0xffff;
	v16 =	vsub.f32 $0.0e+00, v16  }
0x270: {  	s13 =	simm.s32 $0x220;
	v20 =	vadd.s32 s0, v12;
	v17 =	vadd.f32 v23, v17  }
0x271: {  	v22 =	vadd.s32 s13, v0;
	v23 =	vld.idx.msk [tilespmem:v24+s25+$0x0], $0xffff;
	v16 =	vmul.f32 $1.442695020e+00, v16  }
0x272: {  	v24 =	vadd.s32 s0, v13;
	v17 =	vadd.f32 v19, v17  }
0x273: {  	v21 =	vld.idx.msk [tilespmem:v21+s25+$0x0], $0xffff;
	(erf) = vpow2.f32 v16  }
0x274: {  	v17 =	vadd.f32 v18, v17  }
0x275: {  	v25 =	vadd.s32 s13, v1;
	v20 =	vld.idx.msk [tilespmem:v20+s25+$0x0], $0xffff  }
0x276: {  	v19 =	vadd.s32 s13, v2;
	v18 =	vld.idx.msk [tilespmem:v22+s25+$0x0], $0xffff;
	v17 =	vadd.f32 v23, v17  }
0x277: {  	v26 =	vadd.s32 s0, v14;
	v22 =	vld.idx.msk [tilespmem:v24+s25+$0x0], $0xffff  }
0x278: {  	v16 =	vadd.s32 s13, v3;
	v17 =	vadd.f32 v21, v17  }
0x279: {  	v24 =	vadd.s32 s0, v15  }
0x27a: {  	v23 =	vld.idx.msk [tilespmem:v25+s25+$0x0], $0xffff;
	v17 =	vadd.f32 v20, v17  }
0x27b: {  	v25 =	vadd.s32 s13, v4;
	v19 =	vld.idx.msk [tilespmem:v19+s25+$0x0], $0xffff  }
0x27c: {  	v21 =	vld.idx.msk [tilespmem:v26+s25+$0x0], $0xffff;
	v17 =	vadd.f32 v22, v17;
	v22 =	vpop (erf)  }
0x27d: {  	v26 =	vadd.s32 s13, v5;
	v16 =	vld.idx.msk [tilespmem:v16+s25+$0x0], $0xffff;
	v22 =	vadd.f32 $1.000000000e+00, v22  }
0x27e: {  	v20 =	vadd.s32 s13, v6;
	v24 =	vld.idx.msk [tilespmem:v24+s25+$0x0], $0xffff  }
0x27f: {  	v27 =	vadd.s32 s13, v7;
	v18 =	vadd.f32 v23, v18;
	(erf) = vrcp.f32 v22  }
0x280: {  	v23 =	vld.idx.msk [tilespmem:v25+s25+$0x0], $0xffff;
	v25 =	vadd.s32 s13, v8  }
0x281: {  	v18 =	vadd.f32 v19, v18;
	v21 =	vadd.f32 v21, v17  }
0x282: {  	v19 =	vld.idx.msk [tilespmem:v26+s25+$0x0], $0xffff;
	v22 =	vadd.s32 s13, v9  }
0x283: {  	v17 =	vld.idx.msk [tilespmem:v20+s25+$0x0], $0xffff;
	v18 =	vadd.f32 v16, v18;
	v26 =	vadd.f32 v24, v21  }
0x284: {  	v16 =	vld.idx.msk [tilespmem:v27+s25+$0x0], $0xffff;
	v21 =	vadd.s32 s13, v10  }
0x285: {  	s21 =	simm.s32 $0x1DC80;
	s0 =	simm.s32 $0x330;
	v20 =	vadd.s32 s13, v11;
	v24 =	vadd.f32 v23, v18;
	v18 =	vld.idx.msk [tilespmem:v25+s25+$0x0], $0xffff;
	v23 =	vsub.f32 $0.0e+00, v26  }
.LBB2_13:
0x286: {  	p2 =	sne.s32 s0, $0x440  }
0x287: {  	v19 =	vadd.f32 v19, v24;
	v22 =	vld.idx.msk [tilespmem:v22+s25+$0x0], $0xffff;
	s18 =	sadd.s32 $0x10, s18;
	s1 =	smov.u32 s0;
	s0 =	sadd.s32 $0x110, s0  }
0x288: {  	v24 =	vadd.s32 s13, v12;
	v23 =	vmul.f32 $1.442695020e+00, v23;
	v25 =	vpop (erf)  }
0x289: {  	v26 =	vadd.s32 s1, v0;
	v27 =	vadd.s32 s1, v1;
	v17 =	vadd.f32 v17, v19;
	v19 =	vld.idx.msk [tilespmem:v21+s25+$0x0], $0xffff;
	[tilespmem:s21+$0x0] =	vst v25;
	s21 =	smov.u32 s18  }
0x28a: {  	v21 =	vadd.s32 s13, v13;
	(erf) = vpow2.f32 v23  }
0x28b: {  	v23 =	vadd.s32 s1, v2;
	v16 =	vadd.f32 v16, v17;
	v17 =	vld.idx.msk [tilespmem:v20+s25+$0x0], $0xffff;
	_ =	sdelay $0x1  }
0x28c: {  	v20 =	vadd.s32 s1, v3;
	v16 =	vadd.f32 v18, v16;
	v18 =	vld.idx.msk [tilespmem:v24+s25+$0x0], $0xffff;
	v24 =	vadd.s32 s13, v14  }
0x28d: {  	v25 =	vld.idx.msk [tilespmem:v26+s25+$0x0], $0xffff  }
0x28e: {  	v26 =	vadd.s32 s1, v4;
	v16 =	vadd.f32 v22, v16;
	v21 =	vld.idx.msk [tilespmem:v21+s25+$0x0], $0xffff;
	v22 =	vadd.s32 s13, v15;
	s13 =	smov.u32 s1  }
0x28f: {  	v27 =	vld.idx.msk [tilespmem:v27+s25+$0x0], $0xffff  }
0x290: {  	v28 =	vadd.s32 s13, v5;
	v23 =	vld.idx.msk [tilespmem:v23+s25+$0x0], $0xffff;
	v16 =	vadd.f32 v19, v16  }
0x291: {  	v24 =	vld.idx.msk [tilespmem:v24+s25+$0x0], $0xffff  }
0x292: {  	v29 =	vadd.s32 s13, v6;
	v20 =	vld.idx.msk [tilespmem:v20+s25+$0x0], $0xffff;
	v16 =	vadd.f32 v17, v16;
	v17 =	vpop (erf)  }
0x293: {  	v30 =	vld.idx.msk [tilespmem:v22+s25+$0x0], $0xffff;
	v17 =	vadd.f32 $1.000000000e+00, v17  }
0x294: {  	v31 =	vadd.s32 s13, v7;
	v26 =	vld.idx.msk [tilespmem:v26+s25+$0x0], $0xffff;
	v16 =	vadd.f32 v18, v16  }
0x295: {  	v18 =	vadd.f32 v27, v25;
	v19 =	vld.idx.msk [tilespmem:v28+s25+$0x0], $0xffff;
	(erf) = vrcp.f32 v17  }
0x296: {  	v25 =	vadd.s32 s13, v8;
	v16 =	vadd.f32 v21, v16  }
0x297: {  	v18 =	vadd.f32 v23, v18;
	v17 =	vld.idx.msk [tilespmem:v29+s25+$0x0], $0xffff  }
.Ltmp5:
0x298: {  	v22 =	vadd.s32 s13, v9;
	v23 =	vadd.f32 v24, v16;
	(pc) =	sbr.rel @p2 .LBB2_13-.Ltmp5, $4  }
0x299: {  	v18 =	vadd.f32 v20, v18;
	v16 =	vld.idx.msk [tilespmem:v31+s25+$0x0], $0xffff  }
0x29a: {  	v21 =	vadd.s32 s13, v10;
	v23 =	vadd.f32 v30, v23  }
0x29b: {  	v24 =	vadd.f32 v26, v18;
	v18 =	vld.idx.msk [tilespmem:v25+s25+$0x0], $0xffff  }
0x29c: {  	v20 =	vadd.s32 s13, v11;
	v23 =	vsub.f32 $0.0e+00, v23  }
0x29d: {  	_ = 	snop  }
0x29e: {  	v19 =	vadd.f32 v19, v24;
	_ =	sdelay $0x1  }
0x29f: {  	v17 =	vadd.f32 v17, v19  }
0x2a0: {  	v19 =	vld.idx.msk [tilespmem:v22+s25+$0x0], $0xffff  }
0x2a1: {  	v22 =	vadd.s32 s13, v12;
	v16 =	vadd.f32 v16, v17  }
0x2a2: {  	v17 =	vld.idx.msk [tilespmem:v21+s25+$0x0], $0xffff  }
0x2a3: {  	v21 =	vadd.s32 s13, v13;
	v16 =	vadd.f32 v18, v16  }
0x2a4: {  	v18 =	vld.idx.msk [tilespmem:v20+s25+$0x0], $0xffff  }
0x2a5: {  	v20 =	vadd.s32 s13, v14;
	v16 =	vadd.f32 v19, v16  }
0x2a6: {  	v19 =	vld.idx.msk [tilespmem:v22+s25+$0x0], $0xffff  }
0x2a7: {  	v22 =	vadd.s32 s13, v15;
	v16 =	vadd.f32 v17, v16  }
0x2a8: {  	v21 =	vld.idx.msk [tilespmem:v21+s25+$0x0], $0xffff;
	v17 =	vmul.f32 $1.442695020e+00, v23  }
0x2a9: {  	v16 =	vadd.f32 v18, v16  }
0x2aa: {  	(erf) = vpow2.f32 v17;
	v17 =	vld.idx.msk [tilespmem:v20+s25+$0x0], $0xffff  }
0x2ab: {  	v16 =	vadd.f32 v19, v16  }
0x2ac: {  	v18 =	vld.idx.msk [tilespmem:v22+s25+$0x0], $0xffff  }
0x2ad: {  	v16 =	vadd.f32 v21, v16;
	_ =	sdelay $0x1  }
0x2ae: {  	v16 =	vadd.f32 v17, v16;
	_ =	sdelay $0x1  }
0x2af: {  	v16 =	vadd.f32 v18, v16  }
0x2b0: {  	v17 =	vpop (erf)  }
0x2b1: {  	v18 =	vpop (erf);
	v16 =	vsub.f32 $0.0e+00, v16  }
0x2b2: {  	v18 =	vadd.f32 $1.000000000e+00, v18  }
0x2b3: {  	v16 =	vmul.f32 $1.442695020e+00, v16  }
0x2b4: {  	(erf) = vrcp.f32 v18  }
0x2b5: {  	(erf) = vpow2.f32 v16;
	_ =	sdelay $0x7  }
0x2b6: {  	v16 =	vpop (erf)  }
0x2b7: {  	v18 =	vpop (erf)  }
0x2b8: {  	v18 =	vadd.f32 $1.000000000e+00, v18;
	_ =	sdelay $0x1  }
0x2b9: {  	(erf) = vrcp.f32 v18;
	_ =	sdelay $0x7  }
0x2ba: {  	s0 =	sadd.s32 $0x10, s18;
	[tilespmem:s21+$0x0] =	vst v17  }
0x2bb: {  	s18 =	sshrl.u32 s16, $0x3;
	s1 =	sadd.s32 $0x10, s0;
	s21 =	rddreg [dreg:$0x3];
	[tilespmem:s0+$0x0] =	vst v16;
	v16 =	vpop (erf)  }
0x2bc: {  	s13 =	simm.s32 $0x1DC80;
	s0 =	sadd.s32 s21, s18;
	[tilespmem:s1+$0x0] =	vst v16  }
0x2bd: {  	[hbm4b:s0+s7] =	stream.linear.scatter [tilespmem:s13], [sflag:$0x9], $0x50, $0x38;
	[tilespmem:$0x1E300] =	vst v63  }
0x2be: {  	_ =	swait.ge [sflag:s29], $0x50  }
0x2bf: {  	[sflag:s29] =	ssyncset.done $0x0  }
0x2c0: {  	[sflag:s29] =	ssyncadd.s32 $0xFFFFFFB0  }
0x2c1: {  	_ =	swait.ge [sflag:s29], $0x50  }
0x2c2: {  	[sflag:s29] =	ssyncset.done $0x0  }
0x2c3: {  	s16 =	simm.s32 $0x13C80;
	[sflag:s29] =	ssyncadd.s32 $0xFFFFFFB0  }
0x2c4: {  	[tilespmem:s16], [sflag:$0x5] =	stream.indirect.gather [spmem:s6], $0x80, s19, s30, $0xb8;
	[tilespmem:$0x1E300] =	vst v63  }
0x2c5: {  	s18 =	simm.s32 $0x16480  }
0x2c6: {  	[tilespmem:s18], [sflag:$0x6] =	stream.indirect.gather [hbm4b:s3+s30], $0x80, s20, s30, $0xb8;
	[tilespmem:$0x1E300] =	vst v63  }
0x2c7: {  	_ =	swait.ge [sflag:s4], $0x2800  }
0x2c8: {  	[sflag:s4] =	ssyncset.done $0x0  }
0x2c9: {  	[sflag:s4] =	ssyncadd.s32 $0xFFFFD800  }
0x2ca: {  	_ =	swait.ge [sflag:s5], $0x2800  }
0x2cb: {  	s0 =	sld [smem:$0x7FD];
	_ =	sdelay $0x2  }
0x2cc: {  	s0 =	sadd.s32 @!p1 s15, s0  }
0x2cd: {  	s13 =	simm.s32 @!p1 $0x0;
	[sflag:s5] =	ssyncset.done $0x0;
	s0 =	sshrl.u32 @!p1 s0, $0x3  }
0x2ce: {  	[sflag:s5] =	ssyncadd.s32 $0xFFFFD800;
	s15 =	simm.s32 @!p1 $0x13B80;
	s1 =	sadd.s32 @!p1 s8, s0  }
0x2cf: {  	[tilespmem:s15], [sflag:$0x4] =	stream.linear.gather @!p1 [hbm4b:s1+s13], $0x50, $0x38;
	[tilespmem:$0x1E300] =	vst v63  }
0x2d0: {  	s0 =	sadd.s32 @!p1 s10, s0;
	s1 =	simm.s32 @!p1 $0x13C00  }
0x2d1: {  	[tilespmem:s1], [sflag:$0x4] =	stream.linear.gather @!p1 [hbm4b:s0+s13], $0x50, $0x38;
	[tilespmem:$0x1E300] =	vst v63  }
0x2d2: {  	_ =	swait.ge [sflag:s9], $0x50  }
0x2d3: {  	[sflag:s9] =	ssyncset.done $0x0  }
0x2d4: {  	s21 =	simm.s32 $0x18D00;
	[sflag:s9] =	ssyncadd.s32 $0xFFFFFFB0  }
0x2d5: {  	s13 =	simm.s32 $0x1B500;
	v16 =	vld [tilespmem:s21+$0x0]  }
0x2d6: {  	v17 =	vld [tilespmem:s13+$0x0]  }
0x2d7: {  	v18 =	vld [tilespmem:s21+$0x10]  }
0x2d8: {  	v19 =	vld [tilespmem:s13+$0x10]  }
0x2d9: {  	v20 =	vld [tilespmem:s21+$0x20]  }
0x2da: {  	v21 =	vld [tilespmem:s13+$0x20]  }
0x2db: {  	v22 =	vld [tilespmem:s21+$0x30]  }
0x2dc: {  	v23 =	vld [tilespmem:s13+$0x30]  }
0x2dd: {  	v57 =	vld [tilespmem:s21+$0x40]  }
0x2de: {  	v25 =	vld [tilespmem:s13+$0x40]  }
0x2df: {  	v26 =	vld [tilespmem:s21+$0x50]  }
0x2e0: {  	v27 =	vld [tilespmem:s13+$0x50]  }
0x2e1: {  	v28 =	vld [tilespmem:s21+$0x60]  }
0x2e2: {  	v29 =	vld [tilespmem:s13+$0x60]  }
0x2e3: {  	v58 =	vld [tilespmem:s21+$0xFFFFFFA0];
	v16 =	vmul.f32 v17, v16;
	v17 =	vmul.f32 v19, v18  }
0x2e4: {  	v18 =	vld [tilespmem:s21+$0x70]  }
0x2e5: {  	v16 =	vadd.f32 v17, v16;
	v17 =	vmul.f32 v21, v20;
	v20 =	vld [tilespmem:s13+$0xFFFFFF80]  }
0x2e6: {  	v21 =	vld [tilespmem:s21+$0xFFFFFF90]  }
0x2e7: {  	v16 =	vadd.f32 v17, v16;
	v17 =	vmul.f32 v23, v22;
	v22 =	vld [tilespmem:s13+$0xFFFFFF90]  }
0x2e8: {  	v23 =	vld [tilespmem:s21+$0xFFFFFF80]  }
0x2e9: {  	v19 =	vld [tilespmem:s13+$0x70];
	v16 =	vadd.f32 v17, v16;
	v17 =	vmul.f32 v25, v57  }
0x2ea: {  	v59 =	vld [tilespmem:s13+$0xFFFFFFA0]  }
0x2eb: {  	v60 =	vld [tilespmem:s21+$0xFFFFFFB0];
	v16 =	vadd.f32 v17, v16;
	v17 =	vmul.f32 v27, v26  }
0x2ec: {  	v61 =	vld [tilespmem:s13+$0xFFFFFFB0];
	v21 =	vmul.f32 v22, v21  }
0x2ed: {  	v62 =	vld [tilespmem:s21+$0xFFFFFFC0];
	v20 =	vmul.f32 v20, v23;
	v16 =	vadd.f32 v17, v16;
	v17 =	vmul.f32 v29, v28  }
0x2ee: {  	v18 =	vmul.f32 v19, v18;
	v23 =	vld [tilespmem:s13+$0xFFFFFFC0]  }
0x2ef: {  	v19 =	vld [tilespmem:s13+$0xFFFFFFD0];
	v20 =	vadd.f32 v21, v20;
	v21 =	vmul.f32 v59, v58;
	v22 =	vadd.f32 v17, v16  }
0x2f0: {  	v16 =	vld [tilespmem:s21+$0xFFFFFFD0]  }
0x2f1: {  	v63 =	vmul.f32 v61, v60;
	v17 =	vld [tilespmem:s21+$0xFFFFFFE0];
	v21 =	vadd.f32 v21, v20;
	v22 =	vadd.f32 v18, v22  }
0x2f2: {  	s16 =	simm.s32 $0x1DD80;
	v20 =	vld [tilespmem:s13+$0xFFFFFFE0]  }
0x2f3: {  	v18 =	vld [tilespmem:s21+$0xFFFFFFF0];
	v23 =	vmul.f32 v23, v62;
	[tilespmem:s16+$0x11] =	vst v22;
	v22 =	vadd.f32 v63, v21  }
0x2f4: {  	s31 =	smov.u32 s26;
	s18 =	simm.s32 $0x18E00;
	s0 =	simm.s32 $0x0;
	v21 =	vld [tilespmem:s13+$0xFFFFFFF0]  }
.LBB2_15:
0x2f5: {  	v24 =	vld [tilespmem:s18+$0x0];
	v22 =	vadd.f32 v23, v22;
	v16 =	vmul.f32 v19, v16;
	s13 =	sadd.s32 $0x100, s13  }
0x2f6: {  	v19 =	vld [tilespmem:s13+$0x0]  }
0x2f7: {  	v23 =	vld [tilespmem:s18+$0x10];
	v16 =	vadd.f32 v16, v22;
	v17 =	vmul.f32 v20, v17  }
0x2f8: {  	s0 =	sadd.s32 $0x2, s0;
	v20 =	vld [tilespmem:s13+$0x10]  }
0x2f9: {  	p2 =	slt.u32 s0, $0x4E;
	v22 =	vld [tilespmem:s18+$0x20];
	v16 =	vadd.f32 v17, v16;
	v17 =	vmul.f32 v21, v18  }
0x2fa: {  	v18 =	vld [tilespmem:s13+$0x20]  }
0x2fb: {  	v21 =	vld [tilespmem:s18+$0x30];
	v16 =	vadd.f32 v17, v16  }
0x2fc: {  	v17 =	vld [tilespmem:s13+$0x30]  }
0x2fd: {  	v19 =	vmul.f32 v19, v24;
	v20 =	vmul.f32 v20, v23;
	v23 =	vld [tilespmem:s18+$0x40];
	[tilespmem:s16+$0x0] =	vst v16  }
0x2fe: {  	v16 =	vld [tilespmem:s13+$0x40]  }
0x2ff: {  	v19 =	vadd.f32 v20, v19;
	v18 =	vmul.f32 v18, v22;
	v20 =	vld [tilespmem:s18+$0x50]  }
0x300: {  	v22 =	vld [tilespmem:s13+$0x50]  }
0x301: {  	v18 =	vadd.f32 v18, v19;
	v17 =	vmul.f32 v17, v21;
	v19 =	vld [tilespmem:s18+$0x60]  }
0x302: {  	v21 =	vld [tilespmem:s13+$0x60]  }
0x303: {  	v17 =	vadd.f32 v17, v18;
	v16 =	vmul.f32 v16, v23;
	v18 =	vld [tilespmem:s18+$0x70]  }
0x304: {  	v23 =	vld [tilespmem:s13+$0x70]  }
0x305: {  	v24 =	vld [tilespmem:s13+$0xFFFFFF80];
	v16 =	vadd.f32 v16, v17;
	v17 =	vmul.f32 v22, v20  }
0x306: {  	v20 =	vld [tilespmem:s18+$0xFFFFFF90]  }
0x307: {  	v22 =	vld [tilespmem:s13+$0xFFFFFF90];
	v16 =	vadd.f32 v17, v16;
	v17 =	vmul.f32 v21, v19  }
0x308: {  	v19 =	vld [tilespmem:s18+$0xFFFFFF80]  }
0x309: {  	v21 =	vld [tilespmem:s18+$0xFFFFFFA0];
	v16 =	vadd.f32 v17, v16;
	v17 =	vmul.f32 v23, v18  }
0x30a: {  	v18 =	vld [tilespmem:s13+$0xFFFFFFA0]  }
0x30b: {  	v23 =	vld [tilespmem:s18+$0xFFFFFFB0];
	v16 =	vadd.f32 v17, v16  }
0x30c: {  	s16 =	sadd.s32 $0x22, s16;
	v17 =	vmul.f32 v22, v20;
	v20 =	vld [tilespmem:s13+$0xFFFFFFB0]  }
0x30d: {  	s1 =	simm.s32 $0x0;
	s15 =	simm.s32 $0x1DD00;
	v19 =	vmul.f32 v24, v19;
	v24 =	vld [tilespmem:s18+$0xFFFFFFC0];
	[tilespmem:s16+$0x11] =	vst v16  }
0x30e: {  	v25 =	vld [tilespmem:s13+$0xFFFFFFC0]  }
0x30f: {  	v17 =	vadd.f32 v17, v19;
	v18 =	vmul.f32 v18, v21;
	v16 =	vld [tilespmem:s18+$0xFFFFFFD0]  }
.Ltmp6:
0x310: {  	v19 =	vld [tilespmem:s13+$0xFFFFFFD0];
	(pc) =	sbr.rel @p2 .LBB2_15-.Ltmp6, $4  }
0x311: {  	v18 =	vadd.f32 v18, v17;
	v21 =	vmul.f32 v20, v23;
	v17 =	vld [tilespmem:s18+$0xFFFFFFE0]  }
0x312: {  	v20 =	vld [tilespmem:s13+$0xFFFFFFE0]  }
0x313: {  	v22 =	vadd.f32 v21, v18;
	v23 =	vmul.f32 v25, v24;
	v18 =	vld [tilespmem:s18+$0xFFFFFFF0]  }
0x314: {  	s18 =	sadd.s32 $0x100, s18;
	v21 =	vld [tilespmem:s13+$0xFFFFFFF0]  }
0x315: {  	v22 =	vadd.f32 v23, v22;
	v16 =	vmul.f32 v19, v16;
	_ =	sdelay $0x1  }
0x316: {  	v16 =	vadd.f32 v16, v22;
	v17 =	vmul.f32 v20, v17;
	_ =	sdelay $0x1  }
0x317: {  	v16 =	vadd.f32 v17, v16;
	v17 =	vmul.f32 v21, v18;
	v18 =	vadd.s32 s1, v0  }
0x318: {  	v19 =	vadd.s32 s1, v1  }
0x319: {  	v16 =	vadd.f32 v17, v16  }
0x31a: {  	v17 =	vadd.s32 s1, v2  }
0x31b: {  	[tilespmem:s16+$0x0] =	vst v16  }
0x31c: {  	v16 =	vadd.s32 s1, v3;
	v18 =	vld.idx.msk [tilespmem:v18+s25+$0x0], $0xffff  }
0x31d: {  	v19 =	vld.idx.msk [tilespmem:v19+s25+$0x0], $0xffff  }
0x31e: {  	v20 =	vadd.s32 s1, v4  }
0x31f: {  	v17 =	vld.idx.msk [tilespmem:v17+s25+$0x0], $0xffff  }
0x320: {  	v21 =	vadd.s32 s1, v5  }
0x321: {  	v16 =	vld.idx.msk [tilespmem:v16+s25+$0x0], $0xffff  }
0x322: {  	v22 =	vadd.s32 s1, v6;
	v18 =	vadd.f32 v19, v18  }
0x323: {  	v19 =	vld.idx.msk [tilespmem:v20+s25+$0x0], $0xffff  }
0x324: {  	v20 =	vadd.s32 s1, v7;
	v17 =	vadd.f32 v17, v18  }
0x325: {  	v18 =	vld.idx.msk [tilespmem:v21+s25+$0x0], $0xffff  }
0x326: {  	v21 =	vadd.s32 s1, v8;
	v16 =	vadd.f32 v16, v17  }
0x327: {  	s0 =	simm.s32 $0x110;
	v17 =	vld.idx.msk [tilespmem:v22+s25+$0x0], $0xffff;
	v22 =	vadd.s32 s1, v9  }
0x328: {  	v16 =	vadd.f32 v19, v16;
	v19 =	vadd.s32 s0, v0  }
0x329: {  	v23 =	vadd.s32 s0, v1;
	v20 =	vld.idx.msk [tilespmem:v20+s25+$0x0], $0xffff  }
0x32a: {  	v24 =	vadd.s32 s1, v10;
	v16 =	vadd.f32 v18, v16  }
0x32b: {  	v18 =	vld.idx.msk [tilespmem:v21+s25+$0x0], $0xffff;
	v21 =	vadd.s32 s0, v2  }
0x32c: {  	v25 =	vadd.s32 s1, v11;
	v22 =	vld.idx.msk [tilespmem:v22+s25+$0x0], $0xffff;
	v16 =	vadd.f32 v17, v16  }
0x32d: {  	v17 =	vadd.s32 s0, v3;
	v19 =	vld.idx.msk [tilespmem:v19+s25+$0x0], $0xffff  }
0x32e: {  	v26 =	vadd.s32 s1, v12;
	v16 =	vadd.f32 v20, v16;
	v20 =	vld.idx.msk [tilespmem:v23+s25+$0x0], $0xffff  }
0x32f: {  	v23 =	vld.idx.msk [tilespmem:v24+s25+$0x0], $0xffff;
	v24 =	vadd.s32 s0, v4  }
0x330: {  	v27 =	vadd.s32 s1, v13;
	v16 =	vadd.f32 v18, v16;
	v18 =	vld.idx.msk [tilespmem:v21+s25+$0x0], $0xffff  }
0x331: {  	v21 =	vld.idx.msk [tilespmem:v25+s25+$0x0], $0xffff  }
0x332: {  	v28 =	vadd.s32 s1, v14;
	v17 =	vld.idx.msk [tilespmem:v17+s25+$0x0], $0xffff;
	v16 =	vadd.f32 v22, v16  }
0x333: {  	v25 =	vadd.s32 s0, v5;
	v22 =	vld.idx.msk [tilespmem:v26+s25+$0x0], $0xffff  }
0x334: {  	v19 =	vadd.f32 v20, v19;
	v20 =	vadd.s32 s1, v15;
	v16 =	vadd.f32 v23, v16;
	v23 =	vld.idx.msk [tilespmem:v24+s25+$0x0], $0xffff  }
0x335: {  	v26 =	vadd.s32 s0, v6;
	v24 =	vld.idx.msk [tilespmem:v27+s25+$0x0], $0xffff  }
0x336: {  	v16 =	vadd.f32 v21, v16  }
0x337: {  	v27 =	vadd.s32 s0, v7;
	v18 =	vadd.f32 v18, v19;
	v21 =	vld.idx.msk [tilespmem:v28+s25+$0x0], $0xffff  }
0x338: {  	v19 =	vld.idx.msk [tilespmem:v25+s25+$0x0], $0xffff;
	v16 =	vadd.f32 v22, v16  }
0x339: {  	v25 =	vadd.s32 s0, v8;
	v17 =	vadd.f32 v17, v18;
	v20 =	vld.idx.msk [tilespmem:v20+s25+$0x0], $0xffff  }
0x33a: {  	v18 =	vld.idx.msk [tilespmem:v26+s25+$0x0], $0xffff;
	v16 =	vadd.f32 v24, v16  }
0x33b: {  	v22 =	vadd.s32 s0, v9;
	v17 =	vadd.f32 v23, v17  }
0x33c: {  	v23 =	vld.idx.msk [tilespmem:v27+s25+$0x0], $0xffff;
	v16 =	vadd.f32 v21, v16  }
0x33d: {  	v24 =	vadd.s32 s0, v10;
	v17 =	vadd.f32 v19, v17  }
0x33e: {  	v19 =	vld.idx.msk [tilespmem:v25+s25+$0x0], $0xffff;
	v16 =	vadd.f32 v20, v16  }
0x33f: {  	v21 =	vadd.s32 s0, v11;
	v17 =	vadd.f32 v18, v17  }
0x340: {  	v18 =	vld.idx.msk [tilespmem:v22+s25+$0x0], $0xffff;
	v16 =	vsub.f32 $0.0e+00, v16  }
0x341: {  	s13 =	simm.s32 $0x220;
	v20 =	vadd.s32 s0, v12;
	v17 =	vadd.f32 v23, v17  }
0x342: {  	v22 =	vadd.s32 s13, v0;
	v23 =	vld.idx.msk [tilespmem:v24+s25+$0x0], $0xffff;
	v16 =	vmul.f32 $1.442695020e+00, v16  }
0x343: {  	v24 =	vadd.s32 s0, v13;
	v17 =	vadd.f32 v19, v17  }
0x344: {  	v21 =	vld.idx.msk [tilespmem:v21+s25+$0x0], $0xffff;
	(erf) = vpow2.f32 v16  }
0x345: {  	v17 =	vadd.f32 v18, v17  }
0x346: {  	v25 =	vadd.s32 s13, v1;
	v20 =	vld.idx.msk [tilespmem:v20+s25+$0x0], $0xffff  }
0x347: {  	v19 =	vadd.s32 s13, v2;
	v18 =	vld.idx.msk [tilespmem:v22+s25+$0x0], $0xffff;
	v17 =	vadd.f32 v23, v17  }
0x348: {  	v26 =	vadd.s32 s0, v14;
	v22 =	vld.idx.msk [tilespmem:v24+s25+$0x0], $0xffff  }
0x349: {  	v16 =	vadd.s32 s13, v3;
	v17 =	vadd.f32 v21, v17  }
0x34a: {  	v24 =	vadd.s32 s0, v15  }
0x34b: {  	v23 =	vld.idx.msk [tilespmem:v25+s25+$0x0], $0xffff;
	v17 =	vadd.f32 v20, v17  }
0x34c: {  	v25 =	vadd.s32 s13, v4;
	v19 =	vld.idx.msk [tilespmem:v19+s25+$0x0], $0xffff  }
0x34d: {  	v21 =	vld.idx.msk [tilespmem:v26+s25+$0x0], $0xffff;
	v17 =	vadd.f32 v22, v17;
	v22 =	vpop (erf)  }
0x34e: {  	v26 =	vadd.s32 s13, v5;
	v16 =	vld.idx.msk [tilespmem:v16+s25+$0x0], $0xffff;
	v22 =	vadd.f32 $1.000000000e+00, v22  }
0x34f: {  	v20 =	vadd.s32 s13, v6;
	v24 =	vld.idx.msk [tilespmem:v24+s25+$0x0], $0xffff  }
0x350: {  	v27 =	vadd.s32 s13, v7;
	v18 =	vadd.f32 v23, v18;
	(erf) = vrcp.f32 v22  }
0x351: {  	v23 =	vld.idx.msk [tilespmem:v25+s25+$0x0], $0xffff;
	v25 =	vadd.s32 s13, v8  }
0x352: {  	v18 =	vadd.f32 v19, v18;
	v21 =	vadd.f32 v21, v17  }
0x353: {  	v19 =	vld.idx.msk [tilespmem:v26+s25+$0x0], $0xffff;
	v22 =	vadd.s32 s13, v9  }
0x354: {  	v17 =	vld.idx.msk [tilespmem:v20+s25+$0x0], $0xffff;
	v18 =	vadd.f32 v16, v18;
	v26 =	vadd.f32 v24, v21  }
0x355: {  	v16 =	vld.idx.msk [tilespmem:v27+s25+$0x0], $0xffff;
	v21 =	vadd.s32 s13, v10  }
0x356: {  	s16 =	simm.s32 $0x1DD00;
	s0 =	simm.s32 $0x330;
	v20 =	vadd.s32 s13, v11;
	v24 =	vadd.f32 v23, v18;
	v18 =	vld.idx.msk [tilespmem:v25+s25+$0x0], $0xffff;
	v23 =	vsub.f32 $0.0e+00, v26  }
.LBB2_17:
0x357: {  	p2 =	sne.s32 s0, $0x440  }
0x358: {  	v19 =	vadd.f32 v19, v24;
	v22 =	vld.idx.msk [tilespmem:v22+s25+$0x0], $0xffff;
	s15 =	sadd.s32 $0x10, s15;
	s1 =	smov.u32 s0;
	s0 =	sadd.s32 $0x110, s0  }
0x359: {  	v24 =	vadd.s32 s13, v12;
	v23 =	vmul.f32 $1.442695020e+00, v23;
	v25 =	vpop (erf)  }
0x35a: {  	v26 =	vadd.s32 s1, v0;
	v27 =	vadd.s32 s1, v1;
	v17 =	vadd.f32 v17, v19;
	v19 =	vld.idx.msk [tilespmem:v21+s25+$0x0], $0xffff;
	[tilespmem:s16+$0x0] =	vst v25;
	s16 =	smov.u32 s15  }
0x35b: {  	v21 =	vadd.s32 s13, v13;
	(erf) = vpow2.f32 v23  }
0x35c: {  	v23 =	vadd.s32 s1, v2;
	v16 =	vadd.f32 v16, v17;
	v17 =	vld.idx.msk [tilespmem:v20+s25+$0x0], $0xffff;
	_ =	sdelay $0x1  }
0x35d: {  	v20 =	vadd.s32 s1, v3;
	v16 =	vadd.f32 v18, v16;
	v18 =	vld.idx.msk [tilespmem:v24+s25+$0x0], $0xffff;
	v24 =	vadd.s32 s13, v14  }
0x35e: {  	v25 =	vld.idx.msk [tilespmem:v26+s25+$0x0], $0xffff  }
0x35f: {  	v26 =	vadd.s32 s1, v4;
	v16 =	vadd.f32 v22, v16;
	v21 =	vld.idx.msk [tilespmem:v21+s25+$0x0], $0xffff;
	v22 =	vadd.s32 s13, v15;
	s13 =	smov.u32 s1  }
0x360: {  	v27 =	vld.idx.msk [tilespmem:v27+s25+$0x0], $0xffff  }
0x361: {  	v28 =	vadd.s32 s13, v5;
	v23 =	vld.idx.msk [tilespmem:v23+s25+$0x0], $0xffff;
	v16 =	vadd.f32 v19, v16  }
0x362: {  	v24 =	vld.idx.msk [tilespmem:v24+s25+$0x0], $0xffff  }
0x363: {  	v29 =	vadd.s32 s13, v6;
	v20 =	vld.idx.msk [tilespmem:v20+s25+$0x0], $0xffff;
	v16 =	vadd.f32 v17, v16;
	v17 =	vpop (erf)  }
0x364: {  	v30 =	vld.idx.msk [tilespmem:v22+s25+$0x0], $0xffff;
	v17 =	vadd.f32 $1.000000000e+00, v17  }
0x365: {  	v31 =	vadd.s32 s13, v7;
	v26 =	vld.idx.msk [tilespmem:v26+s25+$0x0], $0xffff;
	v16 =	vadd.f32 v18, v16  }
0x366: {  	v18 =	vadd.f32 v27, v25;
	v19 =	vld.idx.msk [tilespmem:v28+s25+$0x0], $0xffff;
	(erf) = vrcp.f32 v17  }
0x367: {  	v25 =	vadd.s32 s13, v8;
	v16 =	vadd.f32 v21, v16  }
0x368: {  	v18 =	vadd.f32 v23, v18;
	v17 =	vld.idx.msk [tilespmem:v29+s25+$0x0], $0xffff  }
.Ltmp7:
0x369: {  	v22 =	vadd.s32 s13, v9;
	v23 =	vadd.f32 v24, v16;
	(pc) =	sbr.rel @p2 .LBB2_17-.Ltmp7, $4  }
0x36a: {  	v18 =	vadd.f32 v20, v18;
	v16 =	vld.idx.msk [tilespmem:v31+s25+$0x0], $0xffff  }
0x36b: {  	v21 =	vadd.s32 s13, v10;
	v23 =	vadd.f32 v30, v23  }
0x36c: {  	v24 =	vadd.f32 v26, v18;
	v18 =	vld.idx.msk [tilespmem:v25+s25+$0x0], $0xffff  }
0x36d: {  	v20 =	vadd.s32 s13, v11;
	v23 =	vsub.f32 $0.0e+00, v23  }
0x36e: {  	_ = 	snop  }
0x36f: {  	v19 =	vadd.f32 v19, v24;
	_ =	sdelay $0x1  }
0x370: {  	v17 =	vadd.f32 v17, v19  }
0x371: {  	v54 =	vld.idx.msk [tilespmem:v22+s25+$0x0], $0xffff  }
0x372: {  	v55 =	vadd.s32 s13, v12;
	v16 =	vadd.f32 v16, v17  }
0x373: {  	v17 =	vld.idx.msk [tilespmem:v21+s25+$0x0], $0xffff  }
0x374: {  	v56 =	vadd.s32 s13, v13;
	v16 =	vadd.f32 v18, v16  }
0x375: {  	v57 =	vld.idx.msk [tilespmem:v20+s25+$0x0], $0xffff  }
0x376: {  	v58 =	vadd.s32 s13, v14;
	v16 =	vadd.f32 v54, v16  }
0x377: {  	v59 =	vld.idx.msk [tilespmem:v55+s25+$0x0], $0xffff  }
0x378: {  	v60 =	vadd.s32 s13, v15;
	v16 =	vadd.f32 v17, v16  }
0x379: {  	v21 =	vld.idx.msk [tilespmem:v56+s25+$0x0], $0xffff;
	v17 =	vmul.f32 $1.442695020e+00, v23  }
0x37a: {  	v16 =	vadd.f32 v57, v16  }
0x37b: {  	(erf) = vpow2.f32 v17;
	v17 =	vld.idx.msk [tilespmem:v58+s25+$0x0], $0xffff  }
0x37c: {  	v16 =	vadd.f32 v59, v16  }
0x37d: {  	v61 =	vld.idx.msk [tilespmem:v60+s25+$0x0], $0xffff  }
0x37e: {  	v16 =	vadd.f32 v21, v16;
	_ =	sdelay $0x1  }
0x37f: {  	v16 =	vadd.f32 v17, v16;
	_ =	sdelay $0x1  }
0x380: {  	v16 =	vadd.f32 v61, v16  }
0x381: {  	v17 =	vpop (erf)  }
0x382: {  	v62 =	vpop (erf);
	v16 =	vsub.f32 $0.0e+00, v16  }
0x383: {  	v18 =	vadd.f32 $1.000000000e+00, v62  }
0x384: {  	v16 =	vmul.f32 $1.442695020e+00, v16  }
0x385: {  	(erf) = vrcp.f32 v18  }
0x386: {  	(erf) = vpow2.f32 v16;
	_ =	sdelay $0x7  }
0x387: {  	v16 =	vpop (erf)  }
0x388: {  	v63 =	vpop (erf)  }
0x389: {  	v18 =	vadd.f32 $1.000000000e+00, v63;
	_ =	sdelay $0x1  }
0x38a: {  	(erf) = vrcp.f32 v18;
	_ =	sdelay $0x6  }
.Ltmp8:
0x38b: {  	_ = 	snop;
	(pc) =	sbr.rel @p1 .LBB2_20-.Ltmp8, $4  }
0x38c: {  	s0 =	sadd.s32 $0x10, s15;
	[tilespmem:s16+$0x0] =	vst v17  }
0x38d: {  	s17 =	sshrl.u32 s17, $0x3;
	s18 =	rddreg [dreg:$0x3];
	s1 =	sadd.s32 $0x10, s0;
	[tilespmem:s0+$0x0] =	vst v16;
	v16 =	vpop (erf)  }
0x38e: {  	s21 =	simm.s32 $0x1DD00;
	s0 =	sadd.s32 s18, s17;
	[tilespmem:s1+$0x0] =	vst v16  }
0x38f: {  	[hbm4b:s0+s7] =	stream.linear.scatter [tilespmem:s21], [sflag:$0xA], $0x50, $0x38;
	[tilespmem:$0x1E300] =	vst v63  }
0x390: {  	_ =	swait.ge [sflag:s2], $0x50  }
0x391: {  	[sflag:s2] =	ssyncset.done $0x0  }
0x392: {  	[sflag:s2] =	ssyncadd.s32 $0xFFFFFFB0  }
0x393: {  	_ =	swait.ge [sflag:s2], $0x50  }
.Ltmp9:
0x394: {  	[sflag:s2] =	ssyncset.done $0x0;
	(pc) =	sbr.rel .LBB2_2-.Ltmp9, $4  }
0x395: {  	s0 =	simm.s32 $0x13980;
	s1 =	simm.s32 $0x18C80;
	[sflag:s2] =	ssyncadd.s32 $0xFFFFFFB0  }
0x396: {  	[tilespmem:s1], [sflag:$0x7] =	stream.indirect.gather [spmem:s6], $0x80, s0, s30, $0xb8;
	[tilespmem:$0x1E300] =	vst v63  }
0x397: {  	s21 =	simm.s32 $0x13A00;
	s26 =	simm.s32 $0x1B480;
	s23 =	sadd.s32 $0x1, s23  }
0x398: {  	[tilespmem:s26], [sflag:$0x8] =	stream.indirect.gather [hbm4b:s3+s30], $0x80, s21, s30, $0xb8;
	[tilespmem:$0x1E300] =	vst v63  }
.LBB2_20:
0x399: {  	_ =	swait.ge [sflag:s22], $0x2800  }
0x39a: {  	[sflag:s22] =	ssyncset.done $0x0  }
0x39b: {  	[sflag:s22] =	ssyncadd.s32 $0xFFFFD800  }
0x39c: {  	_ =	swait.ge [sflag:s24], $0x2800  }
0x39d: {  	[sflag:s24] =	ssyncset.done $0x0  }
0x39e: {  	[sflag:s24] =	ssyncadd.s32 $0xFFFFD800  }
0x39f: {  	_ =	swait.ge [sflag:s14], $0x50  }
0x3a0: {  	[sflag:s14] =	ssyncset.done $0x0  }
0x3a1: {  	s0 =	simm.s32 $0x13D00;
	[sflag:s14] =	ssyncadd.s32 $0xFFFFFFB0  }
0x3a2: {  	s13 =	simm.s32 $0x16500;
	v16 =	vld [tilespmem:s0+$0x0]  }
0x3a3: {  	v17 =	vld [tilespmem:s13+$0x0]  }
0x3a4: {  	v18 =	vld [tilespmem:s0+$0x10]  }
0x3a5: {  	v19 =	vld [tilespmem:s13+$0x10]  }
0x3a6: {  	v20 =	vld [tilespmem:s0+$0x20]  }
0x3a7: {  	v21 =	vld [tilespmem:s13+$0x20]  }
0x3a8: {  	v22 =	vld [tilespmem:s0+$0x30]  }
0x3a9: {  	v23 =	vld [tilespmem:s13+$0x30]  }
0x3aa: {  	v24 =	vld [tilespmem:s0+$0x40]  }
0x3ab: {  	v25 =	vld [tilespmem:s13+$0x40]  }
0x3ac: {  	v26 =	vld [tilespmem:s0+$0x50]  }
0x3ad: {  	v27 =	vld [tilespmem:s13+$0x50]  }
0x3ae: {  	v28 =	vld [tilespmem:s0+$0x60]  }
0x3af: {  	v29 =	vld [tilespmem:s13+$0x60]  }
0x3b0: {  	v58 =	vld [tilespmem:s0+$0xFFFFFFA0];
	v16 =	vmul.f32 v17, v16;
	v17 =	vmul.f32 v19, v18  }
0x3b1: {  	v18 =	vld [tilespmem:s0+$0x70]  }
0x3b2: {  	v16 =	vadd.f32 v17, v16;
	v17 =	vmul.f32 v21, v20;
	v20 =	vld [tilespmem:s13+$0xFFFFFF80]  }
0x3b3: {  	v21 =	vld [tilespmem:s0+$0xFFFFFF90]  }
0x3b4: {  	v16 =	vadd.f32 v17, v16;
	v17 =	vmul.f32 v23, v22;
	v22 =	vld [tilespmem:s13+$0xFFFFFF90]  }
0x3b5: {  	v23 =	vld [tilespmem:s0+$0xFFFFFF80]  }
0x3b6: {  	v19 =	vld [tilespmem:s13+$0x70];
	v16 =	vadd.f32 v17, v16;
	v17 =	vmul.f32 v25, v24  }
0x3b7: {  	v59 =	vld [tilespmem:s13+$0xFFFFFFA0]  }
0x3b8: {  	v60 =	vld [tilespmem:s0+$0xFFFFFFB0];
	v16 =	vadd.f32 v17, v16;
	v17 =	vmul.f32 v27, v26  }
0x3b9: {  	v61 =	vld [tilespmem:s13+$0xFFFFFFB0];
	v21 =	vmul.f32 v22, v21  }
0x3ba: {  	v62 =	vld [tilespmem:s0+$0xFFFFFFC0];
	v20 =	vmul.f32 v20, v23;
	v16 =	vadd.f32 v17, v16;
	v17 =	vmul.f32 v29, v28  }
0x3bb: {  	v18 =	vmul.f32 v19, v18;
	v23 =	vld [tilespmem:s13+$0xFFFFFFC0]  }
0x3bc: {  	v19 =	vld [tilespmem:s13+$0xFFFFFFD0];
	v20 =	vadd.f32 v21, v20;
	v21 =	vmul.f32 v59, v58;
	v22 =	vadd.f32 v17, v16  }
0x3bd: {  	v16 =	vld [tilespmem:s0+$0xFFFFFFD0]  }
0x3be: {  	v63 =	vmul.f32 v61, v60;
	v17 =	vld [tilespmem:s0+$0xFFFFFFE0];
	v21 =	vadd.f32 v21, v20;
	v22 =	vadd.f32 v18, v22  }
0x3bf: {  	s16 =	simm.s32 $0x1DD80;
	v20 =	vld [tilespmem:s13+$0xFFFFFFE0]  }
0x3c0: {  	v18 =	vld [tilespmem:s0+$0xFFFFFFF0];
	v23 =	vmul.f32 v23, v62;
	[tilespmem:s16+$0x11] =	vst v22;
	v22 =	vadd.f32 v63, v21  }
0x3c1: {  	s17 =	simm.s32 $0x13E00;
	s0 =	simm.s32 $0x0;
	v21 =	vld [tilespmem:s13+$0xFFFFFFF0]  }
.LBB2_21:
0x3c2: {  	v24 =	vld [tilespmem:s17+$0x0];
	v22 =	vadd.f32 v23, v22;
	v16 =	vmul.f32 v19, v16;
	s13 =	sadd.s32 $0x100, s13  }
0x3c3: {  	v19 =	vld [tilespmem:s13+$0x0]  }
0x3c4: {  	v23 =	vld [tilespmem:s17+$0x10];
	v16 =	vadd.f32 v16, v22;
	v17 =	vmul.f32 v20, v17  }
0x3c5: {  	s0 =	sadd.s32 $0x2, s0;
	v20 =	vld [tilespmem:s13+$0x10]  }
0x3c6: {  	p1 =	slt.u32 s0, $0x4E;
	v22 =	vld [tilespmem:s17+$0x20];
	v16 =	vadd.f32 v17, v16;
	v17 =	vmul.f32 v21, v18  }
0x3c7: {  	v18 =	vld [tilespmem:s13+$0x20]  }
0x3c8: {  	v21 =	vld [tilespmem:s17+$0x30];
	v16 =	vadd.f32 v17, v16  }
0x3c9: {  	v17 =	vld [tilespmem:s13+$0x30]  }
0x3ca: {  	v19 =	vmul.f32 v19, v24;
	v20 =	vmul.f32 v20, v23;
	v23 =	vld [tilespmem:s17+$0x40];
	[tilespmem:s16+$0x0] =	vst v16  }
0x3cb: {  	v16 =	vld [tilespmem:s13+$0x40]  }
0x3cc: {  	v19 =	vadd.f32 v20, v19;
	v18 =	vmul.f32 v18, v22;
	v20 =	vld [tilespmem:s17+$0x50]  }
0x3cd: {  	v22 =	vld [tilespmem:s13+$0x50]  }
0x3ce: {  	v18 =	vadd.f32 v18, v19;
	v17 =	vmul.f32 v17, v21;
	v19 =	vld [tilespmem:s17+$0x60]  }
0x3cf: {  	v21 =	vld [tilespmem:s13+$0x60]  }
0x3d0: {  	v17 =	vadd.f32 v17, v18;
	v16 =	vmul.f32 v16, v23;
	v18 =	vld [tilespmem:s17+$0x70]  }
0x3d1: {  	v23 =	vld [tilespmem:s13+$0x70]  }
0x3d2: {  	v24 =	vld [tilespmem:s13+$0xFFFFFF80];
	v16 =	vadd.f32 v16, v17;
	v17 =	vmul.f32 v22, v20  }
0x3d3: {  	v20 =	vld [tilespmem:s17+$0xFFFFFF90]  }
0x3d4: {  	v22 =	vld [tilespmem:s13+$0xFFFFFF90];
	v16 =	vadd.f32 v17, v16;
	v17 =	vmul.f32 v21, v19  }
0x3d5: {  	v19 =	vld [tilespmem:s17+$0xFFFFFF80]  }
0x3d6: {  	v21 =	vld [tilespmem:s17+$0xFFFFFFA0];
	v16 =	vadd.f32 v17, v16;
	v17 =	vmul.f32 v23, v18  }
0x3d7: {  	v18 =	vld [tilespmem:s13+$0xFFFFFFA0]  }
0x3d8: {  	v23 =	vld [tilespmem:s17+$0xFFFFFFB0];
	v16 =	vadd.f32 v17, v16  }
0x3d9: {  	s16 =	sadd.s32 $0x22, s16;
	v17 =	vmul.f32 v22, v20;
	v20 =	vld [tilespmem:s13+$0xFFFFFFB0]  }
0x3da: {  	s1 =	simm.s32 $0x0;
	s15 =	simm.s32 $0x1DC80;
	v19 =	vmul.f32 v24, v19;
	v24 =	vld [tilespmem:s17+$0xFFFFFFC0];
	[tilespmem:s16+$0x11] =	vst v16  }
0x3db: {  	v25 =	vld [tilespmem:s13+$0xFFFFFFC0]  }
0x3dc: {  	v17 =	vadd.f32 v17, v19;
	v18 =	vmul.f32 v18, v21;
	v16 =	vld [tilespmem:s17+$0xFFFFFFD0]  }
.Ltmp10:
0x3dd: {  	v19 =	vld [tilespmem:s13+$0xFFFFFFD0];
	(pc) =	sbr.rel @p1 .LBB2_21-.Ltmp10, $4  }
0x3de: {  	v18 =	vadd.f32 v18, v17;
	v21 =	vmul.f32 v20, v23;
	v17 =	vld [tilespmem:s17+$0xFFFFFFE0]  }
0x3df: {  	v20 =	vld [tilespmem:s13+$0xFFFFFFE0]  }
0x3e0: {  	v22 =	vadd.f32 v21, v18;
	v23 =	vmul.f32 v25, v24;
	v18 =	vld [tilespmem:s17+$0xFFFFFFF0]  }
0x3e1: {  	s17 =	sadd.s32 $0x100, s17;
	v21 =	vld [tilespmem:s13+$0xFFFFFFF0]  }
0x3e2: {  	v22 =	vadd.f32 v23, v22;
	v16 =	vmul.f32 v19, v16;
	_ =	sdelay $0x1  }
0x3e3: {  	v16 =	vadd.f32 v16, v22;
	v17 =	vmul.f32 v20, v17;
	_ =	sdelay $0x1  }
0x3e4: {  	v16 =	vadd.f32 v17, v16;
	v17 =	vmul.f32 v21, v18;
	v18 =	vadd.s32 s1, v0  }
0x3e5: {  	v19 =	vadd.s32 s1, v1  }
0x3e6: {  	v16 =	vadd.f32 v17, v16  }
0x3e7: {  	v17 =	vadd.s32 s1, v2  }
0x3e8: {  	[tilespmem:s16+$0x0] =	vst v16  }
0x3e9: {  	v16 =	vadd.s32 s1, v3;
	v18 =	vld.idx.msk [tilespmem:v18+s25+$0x0], $0xffff  }
0x3ea: {  	v19 =	vld.idx.msk [tilespmem:v19+s25+$0x0], $0xffff  }
0x3eb: {  	v20 =	vadd.s32 s1, v4  }
0x3ec: {  	v17 =	vld.idx.msk [tilespmem:v17+s25+$0x0], $0xffff  }
0x3ed: {  	v21 =	vadd.s32 s1, v5  }
0x3ee: {  	v16 =	vld.idx.msk [tilespmem:v16+s25+$0x0], $0xffff  }
0x3ef: {  	v22 =	vadd.s32 s1, v6;
	v18 =	vadd.f32 v19, v18  }
0x3f0: {  	v19 =	vld.idx.msk [tilespmem:v20+s25+$0x0], $0xffff  }
0x3f1: {  	v20 =	vadd.s32 s1, v7;
	v17 =	vadd.f32 v17, v18  }
0x3f2: {  	v18 =	vld.idx.msk [tilespmem:v21+s25+$0x0], $0xffff  }
0x3f3: {  	v21 =	vadd.s32 s1, v8;
	v16 =	vadd.f32 v16, v17  }
0x3f4: {  	s0 =	simm.s32 $0x110;
	v17 =	vld.idx.msk [tilespmem:v22+s25+$0x0], $0xffff;
	v22 =	vadd.s32 s1, v9  }
0x3f5: {  	v16 =	vadd.f32 v19, v16;
	v19 =	vadd.s32 s0, v0  }
0x3f6: {  	v23 =	vadd.s32 s0, v1;
	v20 =	vld.idx.msk [tilespmem:v20+s25+$0x0], $0xffff  }
0x3f7: {  	v24 =	vadd.s32 s1, v10;
	v16 =	vadd.f32 v18, v16  }
0x3f8: {  	v18 =	vld.idx.msk [tilespmem:v21+s25+$0x0], $0xffff;
	v21 =	vadd.s32 s0, v2  }
0x3f9: {  	v25 =	vadd.s32 s1, v11;
	v22 =	vld.idx.msk [tilespmem:v22+s25+$0x0], $0xffff;
	v16 =	vadd.f32 v17, v16  }
0x3fa: {  	v17 =	vadd.s32 s0, v3;
	v19 =	vld.idx.msk [tilespmem:v19+s25+$0x0], $0xffff  }
0x3fb: {  	v26 =	vadd.s32 s1, v12;
	v16 =	vadd.f32 v20, v16;
	v20 =	vld.idx.msk [tilespmem:v23+s25+$0x0], $0xffff  }
0x3fc: {  	v23 =	vld.idx.msk [tilespmem:v24+s25+$0x0], $0xffff;
	v24 =	vadd.s32 s0, v4  }
0x3fd: {  	v27 =	vadd.s32 s1, v13;
	v16 =	vadd.f32 v18, v16;
	v18 =	vld.idx.msk [tilespmem:v21+s25+$0x0], $0xffff  }
0x3fe: {  	v21 =	vld.idx.msk [tilespmem:v25+s25+$0x0], $0xffff  }
0x3ff: {  	v28 =	vadd.s32 s1, v14;
	v17 =	vld.idx.msk [tilespmem:v17+s25+$0x0], $0xffff;
	v16 =	vadd.f32 v22, v16  }
0x400: {  	v25 =	vadd.s32 s0, v5;
	v22 =	vld.idx.msk [tilespmem:v26+s25+$0x0], $0xffff  }
0x401: {  	v19 =	vadd.f32 v20, v19;
	v20 =	vadd.s32 s1, v15;
	v16 =	vadd.f32 v23, v16;
	v23 =	vld.idx.msk [tilespmem:v24+s25+$0x0], $0xffff  }
0x402: {  	v26 =	vadd.s32 s0, v6;
	v24 =	vld.idx.msk [tilespmem:v27+s25+$0x0], $0xffff  }
0x403: {  	v16 =	vadd.f32 v21, v16  }
0x404: {  	v27 =	vadd.s32 s0, v7;
	v18 =	vadd.f32 v18, v19;
	v21 =	vld.idx.msk [tilespmem:v28+s25+$0x0], $0xffff  }
0x405: {  	v19 =	vld.idx.msk [tilespmem:v25+s25+$0x0], $0xffff;
	v16 =	vadd.f32 v22, v16  }
0x406: {  	v25 =	vadd.s32 s0, v8;
	v17 =	vadd.f32 v17, v18;
	v20 =	vld.idx.msk [tilespmem:v20+s25+$0x0], $0xffff  }
0x407: {  	v18 =	vld.idx.msk [tilespmem:v26+s25+$0x0], $0xffff;
	v16 =	vadd.f32 v24, v16  }
0x408: {  	v22 =	vadd.s32 s0, v9;
	v17 =	vadd.f32 v23, v17  }
0x409: {  	v23 =	vld.idx.msk [tilespmem:v27+s25+$0x0], $0xffff;
	v16 =	vadd.f32 v21, v16  }
0x40a: {  	v24 =	vadd.s32 s0, v10;
	v17 =	vadd.f32 v19, v17  }
0x40b: {  	v19 =	vld.idx.msk [tilespmem:v25+s25+$0x0], $0xffff;
	v16 =	vadd.f32 v20, v16  }
0x40c: {  	v21 =	vadd.s32 s0, v11;
	v17 =	vadd.f32 v18, v17  }
0x40d: {  	v18 =	vld.idx.msk [tilespmem:v22+s25+$0x0], $0xffff;
	v16 =	vsub.f32 $0.0e+00, v16  }
0x40e: {  	s13 =	simm.s32 $0x220;
	v20 =	vadd.s32 s0, v12;
	v17 =	vadd.f32 v23, v17  }
0x40f: {  	v22 =	vadd.s32 s13, v0;
	v23 =	vld.idx.msk [tilespmem:v24+s25+$0x0], $0xffff;
	v16 =	vmul.f32 $1.442695020e+00, v16  }
0x410: {  	v24 =	vadd.s32 s0, v13;
	v17 =	vadd.f32 v19, v17  }
0x411: {  	v21 =	vld.idx.msk [tilespmem:v21+s25+$0x0], $0xffff;
	(erf) = vpow2.f32 v16  }
0x412: {  	v17 =	vadd.f32 v18, v17  }
0x413: {  	v25 =	vadd.s32 s13, v1;
	v20 =	vld.idx.msk [tilespmem:v20+s25+$0x0], $0xffff  }
0x414: {  	v19 =	vadd.s32 s13, v2;
	v18 =	vld.idx.msk [tilespmem:v22+s25+$0x0], $0xffff;
	v17 =	vadd.f32 v23, v17  }
0x415: {  	v26 =	vadd.s32 s0, v14;
	v22 =	vld.idx.msk [tilespmem:v24+s25+$0x0], $0xffff  }
0x416: {  	v16 =	vadd.s32 s13, v3;
	v17 =	vadd.f32 v21, v17  }
0x417: {  	v24 =	vadd.s32 s0, v15  }
0x418: {  	v23 =	vld.idx.msk [tilespmem:v25+s25+$0x0], $0xffff;
	v17 =	vadd.f32 v20, v17  }
0x419: {  	v25 =	vadd.s32 s13, v4;
	v19 =	vld.idx.msk [tilespmem:v19+s25+$0x0], $0xffff  }
0x41a: {  	v21 =	vld.idx.msk [tilespmem:v26+s25+$0x0], $0xffff;
	v17 =	vadd.f32 v22, v17;
	v22 =	vpop (erf)  }
0x41b: {  	v26 =	vadd.s32 s13, v5;
	v16 =	vld.idx.msk [tilespmem:v16+s25+$0x0], $0xffff;
	v22 =	vadd.f32 $1.000000000e+00, v22  }
0x41c: {  	v20 =	vadd.s32 s13, v6;
	v24 =	vld.idx.msk [tilespmem:v24+s25+$0x0], $0xffff  }
0x41d: {  	v27 =	vadd.s32 s13, v7;
	v18 =	vadd.f32 v23, v18;
	(erf) = vrcp.f32 v22  }
0x41e: {  	v23 =	vld.idx.msk [tilespmem:v25+s25+$0x0], $0xffff;
	v25 =	vadd.s32 s13, v8  }
0x41f: {  	v18 =	vadd.f32 v19, v18;
	v21 =	vadd.f32 v21, v17  }
0x420: {  	v19 =	vld.idx.msk [tilespmem:v26+s25+$0x0], $0xffff;
	v22 =	vadd.s32 s13, v9  }
0x421: {  	v17 =	vld.idx.msk [tilespmem:v20+s25+$0x0], $0xffff;
	v18 =	vadd.f32 v16, v18;
	v26 =	vadd.f32 v24, v21  }
0x422: {  	v16 =	vld.idx.msk [tilespmem:v27+s25+$0x0], $0xffff;
	v21 =	vadd.s32 s13, v10  }
0x423: {  	s16 =	simm.s32 $0x1DC80;
	s0 =	simm.s32 $0x330;
	v20 =	vadd.s32 s13, v11;
	v24 =	vadd.f32 v23, v18;
	v18 =	vld.idx.msk [tilespmem:v25+s25+$0x0], $0xffff;
	v23 =	vsub.f32 $0.0e+00, v26  }
.LBB2_23:
0x424: {  	p1 =	sne.s32 s0, $0x440  }
0x425: {  	v19 =	vadd.f32 v19, v24;
	v22 =	vld.idx.msk [tilespmem:v22+s25+$0x0], $0xffff;
	s15 =	sadd.s32 $0x10, s15;
	s1 =	smov.u32 s0;
	s0 =	sadd.s32 $0x110, s0  }
0x426: {  	v24 =	vadd.s32 s13, v12;
	v23 =	vmul.f32 $1.442695020e+00, v23;
	v25 =	vpop (erf)  }
0x427: {  	v26 =	vadd.s32 s1, v0;
	v27 =	vadd.s32 s1, v1;
	v17 =	vadd.f32 v17, v19;
	v19 =	vld.idx.msk [tilespmem:v21+s25+$0x0], $0xffff;
	[tilespmem:s16+$0x0] =	vst v25;
	s16 =	smov.u32 s15  }
0x428: {  	v21 =	vadd.s32 s13, v13;
	(erf) = vpow2.f32 v23  }
0x429: {  	v23 =	vadd.s32 s1, v2;
	v16 =	vadd.f32 v16, v17;
	v17 =	vld.idx.msk [tilespmem:v20+s25+$0x0], $0xffff;
	_ =	sdelay $0x1  }
0x42a: {  	v20 =	vadd.s32 s1, v3;
	v16 =	vadd.f32 v18, v16;
	v18 =	vld.idx.msk [tilespmem:v24+s25+$0x0], $0xffff;
	v24 =	vadd.s32 s13, v14  }
0x42b: {  	v25 =	vld.idx.msk [tilespmem:v26+s25+$0x0], $0xffff  }
0x42c: {  	v26 =	vadd.s32 s1, v4;
	v16 =	vadd.f32 v22, v16;
	v21 =	vld.idx.msk [tilespmem:v21+s25+$0x0], $0xffff;
	v22 =	vadd.s32 s13, v15;
	s13 =	smov.u32 s1  }
0x42d: {  	v27 =	vld.idx.msk [tilespmem:v27+s25+$0x0], $0xffff  }
0x42e: {  	v28 =	vadd.s32 s13, v5;
	v23 =	vld.idx.msk [tilespmem:v23+s25+$0x0], $0xffff;
	v16 =	vadd.f32 v19, v16  }
0x42f: {  	v24 =	vld.idx.msk [tilespmem:v24+s25+$0x0], $0xffff  }
0x430: {  	v29 =	vadd.s32 s13, v6;
	v20 =	vld.idx.msk [tilespmem:v20+s25+$0x0], $0xffff;
	v16 =	vadd.f32 v17, v16;
	v17 =	vpop (erf)  }
0x431: {  	v30 =	vld.idx.msk [tilespmem:v22+s25+$0x0], $0xffff;
	v17 =	vadd.f32 $1.000000000e+00, v17  }
0x432: {  	v31 =	vadd.s32 s13, v7;
	v26 =	vld.idx.msk [tilespmem:v26+s25+$0x0], $0xffff;
	v16 =	vadd.f32 v18, v16  }
0x433: {  	v18 =	vadd.f32 v27, v25;
	v19 =	vld.idx.msk [tilespmem:v28+s25+$0x0], $0xffff;
	(erf) = vrcp.f32 v17  }
0x434: {  	v25 =	vadd.s32 s13, v8;
	v16 =	vadd.f32 v21, v16  }
0x435: {  	v18 =	vadd.f32 v23, v18;
	v17 =	vld.idx.msk [tilespmem:v29+s25+$0x0], $0xffff  }
.Ltmp11:
0x436: {  	v22 =	vadd.s32 s13, v9;
	v23 =	vadd.f32 v24, v16;
	(pc) =	sbr.rel @p1 .LBB2_23-.Ltmp11, $4  }
0x437: {  	v18 =	vadd.f32 v20, v18;
	v16 =	vld.idx.msk [tilespmem:v31+s25+$0x0], $0xffff  }
0x438: {  	v21 =	vadd.s32 s13, v10;
	v23 =	vadd.f32 v30, v23  }
0x439: {  	v24 =	vadd.f32 v26, v18;
	v18 =	vld.idx.msk [tilespmem:v25+s25+$0x0], $0xffff  }
0x43a: {  	v20 =	vadd.s32 s13, v11;
	v23 =	vsub.f32 $0.0e+00, v23  }
0x43b: {  	_ = 	snop  }
0x43c: {  	v19 =	vadd.f32 v19, v24;
	_ =	sdelay $0x1  }
0x43d: {  	v17 =	vadd.f32 v17, v19  }
0x43e: {  	v54 =	vld.idx.msk [tilespmem:v22+s25+$0x0], $0xffff  }
0x43f: {  	v55 =	vadd.s32 s13, v12;
	v16 =	vadd.f32 v16, v17  }
0x440: {  	v17 =	vld.idx.msk [tilespmem:v21+s25+$0x0], $0xffff  }
0x441: {  	v56 =	vadd.s32 s13, v13;
	v16 =	vadd.f32 v18, v16  }
0x442: {  	v57 =	vld.idx.msk [tilespmem:v20+s25+$0x0], $0xffff  }
0x443: {  	v58 =	vadd.s32 s13, v14;
	v16 =	vadd.f32 v54, v16  }
0x444: {  	v59 =	vld.idx.msk [tilespmem:v55+s25+$0x0], $0xffff  }
0x445: {  	v60 =	vadd.s32 s13, v15;
	v16 =	vadd.f32 v17, v16  }
0x446: {  	v21 =	vld.idx.msk [tilespmem:v56+s25+$0x0], $0xffff;
	v17 =	vmul.f32 $1.442695020e+00, v23  }
0x447: {  	v16 =	vadd.f32 v57, v16  }
0x448: {  	(erf) = vpow2.f32 v17;
	v17 =	vld.idx.msk [tilespmem:v58+s25+$0x0], $0xffff  }
0x449: {  	v16 =	vadd.f32 v59, v16  }
0x44a: {  	v61 =	vld.idx.msk [tilespmem:v60+s25+$0x0], $0xffff  }
0x44b: {  	v16 =	vadd.f32 v21, v16;
	_ =	sdelay $0x1  }
0x44c: {  	v16 =	vadd.f32 v17, v16;
	_ =	sdelay $0x1  }
0x44d: {  	v16 =	vadd.f32 v61, v16  }
0x44e: {  	v17 =	vpop (erf)  }
0x44f: {  	v62 =	vpop (erf);
	v16 =	vsub.f32 $0.0e+00, v16  }
0x450: {  	v18 =	vadd.f32 $1.000000000e+00, v62  }
0x451: {  	v16 =	vmul.f32 $1.442695020e+00, v16  }
0x452: {  	(erf) = vrcp.f32 v18  }
0x453: {  	(erf) = vpow2.f32 v16;
	_ =	sdelay $0x7  }
0x454: {  	v16 =	vpop (erf)  }
0x455: {  	v63 =	vpop (erf)  }
0x456: {  	v18 =	vadd.f32 $1.000000000e+00, v63;
	_ =	sdelay $0x1  }
0x457: {  	(erf) = vrcp.f32 v18;
	_ =	sdelay $0x7  }
0x458: {  	s0 =	sadd.s32 $0x10, s15;
	[tilespmem:s16+$0x0] =	vst v17  }
0x459: {  	[tilespmem:s0+$0x0] =	vst v16;
	s0 =	sadd.s32 $0x10, s0;
	v16 =	vpop (erf)  }
0x45a: {  	[tilespmem:s0+$0x0] =	vst v16  }
0x45b: {  	s23 =	simm.s32 $0x0;
	s1 =	simm.s32 $0x1DC80;
	s0 =	rddreg [dreg:$0x1b]  }
0x45c: {  	[hbm4b:s0+s23] =	stream.linear.scatter [tilespmem:s1], [sflag:$0x9], $0x50, $0x38;
	[tilespmem:$0x1E300] =	vst v63  }
0x45d: {  	_ =	swait.ge [sflag:s9], $0x50  }
0x45e: {  	[sflag:s9] =	ssyncset.done $0x0  }
0x45f: {  	[sflag:s9] =	ssyncadd.s32 $0xFFFFFFB0  }
0x460: {  	_ =	swait.ge [sflag:s14], $0x50  }
0x461: {  	[sflag:s14] =	ssyncset.done $0x0  }
0x462: {  	s21 =	rddreg [dreg:$0xf];
	[sflag:s14] =	ssyncadd.s32 $0xFFFFFFB0  }
0x463: {  	[tilespmem:s19], [sflag:$0x1] =	stream.linear.gather [hbm4b:s21+s23], $0x50, $0x38;
	[tilespmem:$0x1E300] =	vst v63  }
0x464: {  	s1 =	rddreg [dreg:$0x10]  }
0x465: {  	[tilespmem:s20], [sflag:$0x1] =	stream.linear.gather [hbm4b:s1+s23], $0x50, $0x38;
	[tilespmem:$0x1E300] =	vst v63  }
0x466: {  	s13 =	rddreg [dreg:$0x11];
	s1 =	simm.s32 $0x13980  }
0x467: {  	[tilespmem:s1], [sflag:$0x2] =	stream.linear.gather [hbm4b:s13+s23], $0x50, $0x38;
	[tilespmem:$0x1E300] =	vst v63  }
0x468: {  	s15 =	rddreg [dreg:$0x12];
	s13 =	simm.s32 $0x13A00  }
0x469: {  	[tilespmem:s13], [sflag:$0x2] =	stream.linear.gather [hbm4b:s15+s23], $0x50, $0x38;
	[tilespmem:$0x1E300] =	vst v63  }
0x46a: {  	s17 =	simm.s32 $0x13A80;
	s16 =	rddreg [dreg:$0x15]  }
0x46b: {  	[tilespmem:s17], [sflag:$0x3] =	stream.linear.gather [hbm4b:s16+s23], $0x50, $0x38;
	[tilespmem:$0x1E300] =	vst v63  }
0x46c: {  	s18 =	rddreg [dreg:$0x16];
	s21 =	simm.s32 $0x13B00  }
0x46d: {  	[tilespmem:s21], [sflag:$0x3] =	stream.linear.gather [hbm4b:s18+s23], $0x50, $0x38;
	[tilespmem:$0x1E300] =	vst v63  }
0x46e: {  	s16 =	rddreg [dreg:$0x19];
	s17 =	simm.s32 $0x13B80  }
0x46f: {  	[tilespmem:s17], [sflag:$0x4] =	stream.linear.gather [hbm4b:s16+s23], $0x50, $0x38;
	[tilespmem:$0x1E300] =	vst v63  }
0x470: {  	s18 =	rddreg [dreg:$0x1a];
	s21 =	simm.s32 $0x13C00  }
0x471: {  	[tilespmem:s21], [sflag:$0x4] =	stream.linear.gather [hbm4b:s18+s23], $0x50, $0x38;
	[tilespmem:$0x1E300] =	vst v63  }
0x472: {  	_ =	swait.ge [sflag:s29], $0x50  }
0x473: {  	[sflag:s29] =	ssyncset.done $0x0  }
0x474: {  	[sflag:s29] =	ssyncadd.s32 $0xFFFFFFB0  }
0x475: {  	_ =	swait.ge [sflag:s29], $0x50  }
0x476: {  	[sflag:s29] =	ssyncset.done $0x0  }
0x477: {  	s16 =	simm.s32 $0x13C80;
	[sflag:s29] =	ssyncadd.s32 $0xFFFFFFB0  }
0x478: {  	[tilespmem:s16], [sflag:$0x5] =	stream.indirect.gather [spmem:s6], $0x80, s19, s30, $0xb8;
	[tilespmem:$0x1E300] =	vst v63  }
0x479: {  	s17 =	simm.s32 $0x16480  }
0x47a: {  	[tilespmem:s17], [sflag:$0x6] =	stream.indirect.gather [hbm4b:s3+s30], $0x80, s20, s30, $0xb8;
	[tilespmem:$0x1E300] =	vst v63  }
0x47b: {  	_ =	swait.ge [sflag:s2], $0x50  }
0x47c: {  	[sflag:s2] =	ssyncset.done $0x0  }
0x47d: {  	[sflag:s2] =	ssyncadd.s32 $0xFFFFFFB0  }
0x47e: {  	_ =	swait.ge [sflag:s2], $0x50  }
0x47f: {  	[sflag:s2] =	ssyncset.done $0x0  }
0x480: {  	s18 =	simm.s32 $0x18C80;
	[sflag:s2] =	ssyncadd.s32 $0xFFFFFFB0  }
0x481: {  	[tilespmem:s18], [sflag:$0x7] =	stream.indirect.gather [spmem:s6], $0x80, s1, s30, $0xb8;
	[tilespmem:$0x1E300] =	vst v63  }
0x482: {  	s21 =	simm.s32 $0x1B480  }
0x483: {  	[tilespmem:s21], [sflag:$0x8] =	stream.indirect.gather [hbm4b:s3+s30], $0x80, s13, s30, $0xb8;
	[tilespmem:$0x1E300] =	vst v63  }
.LBB2_25:
0x484: {  	_ =	swait.ge [sflag:s22], $0x2800  }
0x485: {  	[sflag:s22] =	ssyncset.done $0x0  }
0x486: {  	[sflag:s22] =	ssyncadd.s32 $0xFFFFD800  }
0x487: {  	s15 =	smul.u32 $0x140, s23;
	_ =	swait.ge [sflag:s24], $0x2800  }
0x488: {  	s0 =	rddreg [dreg:$0x1e]  }
0x489: {  	s0 =	sadd.s32 s15, s0  }
0x48a: {  	[sflag:s24] =	ssyncset.done $0x0;
	s0 =	sshrl.u32 s0, $0x3  }
0x48b: {  	[sflag:s24] =	ssyncadd.s32 $0xFFFFD800;
	s1 =	sadd.s32 s11, s0  }
0x48c: {  	[tilespmem:s19], [sflag:$0x1] =	stream.linear.gather [hbm4b:s1+s7], $0x50, $0x38;
	[tilespmem:$0x1E300] =	vst v63  }
0x48d: {  	p1 =	seq.s32 s23, $0x0;
	s0 =	sadd.s32 s31, s0  }
0x48e: {  	[tilespmem:s20], [sflag:$0x1] =	stream.linear.gather [hbm4b:s0+s7], $0x50, $0x38;
	[tilespmem:$0x1E300] =	vst v63  }
0x48f: {  	s0 =	simm.s32 @!p1 $0x9  }
0x490: {  	_ =	swait.ge @!p1 [sflag:s0], $0x50  }
0x491: {  	[sflag:s0] =	ssyncset.done @!p1 $0x0  }
0x492: {  	s21 =	simm.s32 $0x13D00;
	[sflag:s0] =	ssyncadd.s32 @!p1 $0xFFFFFFB0  }
0x493: {  	s13 =	simm.s32 $0x16500;
	v16 =	vld [tilespmem:s21+$0x0]  }
0x494: {  	v17 =	vld [tilespmem:s13+$0x0]  }
0x495: {  	v18 =	vld [tilespmem:s21+$0x10]  }
0x496: {  	v19 =	vld [tilespmem:s13+$0x10]  }
0x497: {  	v20 =	vld [tilespmem:s21+$0x20]  }
0x498: {  	v21 =	vld [tilespmem:s13+$0x20]  }
0x499: {  	v22 =	vld [tilespmem:s21+$0x30]  }
0x49a: {  	v23 =	vld [tilespmem:s13+$0x30]  }
0x49b: {  	v24 =	vld [tilespmem:s21+$0x40]  }
0x49c: {  	v25 =	vld [tilespmem:s13+$0x40]  }
0x49d: {  	v26 =	vld [tilespmem:s21+$0x50]  }
0x49e: {  	v27 =	vld [tilespmem:s13+$0x50]  }
0x49f: {  	v28 =	vld [tilespmem:s21+$0x60]  }
0x4a0: {  	v29 =	vld [tilespmem:s13+$0x60]  }
0x4a1: {  	v58 =	vld [tilespmem:s21+$0xFFFFFFA0];
	v16 =	vmul.f32 v17, v16;
	v17 =	vmul.f32 v19, v18  }
0x4a2: {  	v18 =	vld [tilespmem:s21+$0x70]  }
0x4a3: {  	v16 =	vadd.f32 v17, v16;
	v17 =	vmul.f32 v21, v20;
	v20 =	vld [tilespmem:s13+$0xFFFFFF80]  }
0x4a4: {  	v21 =	vld [tilespmem:s21+$0xFFFFFF90]  }
0x4a5: {  	v16 =	vadd.f32 v17, v16;
	v17 =	vmul.f32 v23, v22;
	v22 =	vld [tilespmem:s13+$0xFFFFFF90]  }
0x4a6: {  	v23 =	vld [tilespmem:s21+$0xFFFFFF80]  }
0x4a7: {  	v19 =	vld [tilespmem:s13+$0x70];
	v16 =	vadd.f32 v17, v16;
	v17 =	vmul.f32 v25, v24  }
0x4a8: {  	v59 =	vld [tilespmem:s13+$0xFFFFFFA0]  }
0x4a9: {  	v60 =	vld [tilespmem:s21+$0xFFFFFFB0];
	v16 =	vadd.f32 v17, v16;
	v17 =	vmul.f32 v27, v26  }
0x4aa: {  	v61 =	vld [tilespmem:s13+$0xFFFFFFB0];
	v21 =	vmul.f32 v22, v21  }
0x4ab: {  	v62 =	vld [tilespmem:s21+$0xFFFFFFC0];
	v20 =	vmul.f32 v20, v23;
	v16 =	vadd.f32 v17, v16;
	v17 =	vmul.f32 v29, v28  }
0x4ac: {  	v18 =	vmul.f32 v19, v18;
	v23 =	vld [tilespmem:s13+$0xFFFFFFC0]  }
0x4ad: {  	v19 =	vld [tilespmem:s13+$0xFFFFFFD0];
	v20 =	vadd.f32 v21, v20;
	v21 =	vmul.f32 v59, v58;
	v22 =	vadd.f32 v17, v16  }
0x4ae: {  	v16 =	vld [tilespmem:s21+$0xFFFFFFD0]  }
0x4af: {  	v63 =	vmul.f32 v61, v60;
	v17 =	vld [tilespmem:s21+$0xFFFFFFE0];
	v21 =	vadd.f32 v21, v20;
	v22 =	vadd.f32 v18, v22  }
0x4b0: {  	s17 =	simm.s32 $0x1DD80;
	v20 =	vld [tilespmem:s13+$0xFFFFFFE0]  }
0x4b1: {  	v18 =	vld [tilespmem:s21+$0xFFFFFFF0];
	v23 =	vmul.f32 v23, v62;
	[tilespmem:s17+$0x11] =	vst v22;
	v22 =	vadd.f32 v63, v21  }
0x4b2: {  	s18 =	simm.s32 $0x13E00;
	s0 =	simm.s32 $0x0;
	v21 =	vld [tilespmem:s13+$0xFFFFFFF0]  }
.LBB2_26:
0x4b3: {  	v24 =	vld [tilespmem:s18+$0x0];
	v22 =	vadd.f32 v23, v22;
	v16 =	vmul.f32 v19, v16;
	s13 =	sadd.s32 $0x100, s13  }
0x4b4: {  	v19 =	vld [tilespmem:s13+$0x0]  }
0x4b5: {  	v23 =	vld [tilespmem:s18+$0x10];
	v16 =	vadd.f32 v16, v22;
	v17 =	vmul.f32 v20, v17  }
0x4b6: {  	s0 =	sadd.s32 $0x2, s0;
	v20 =	vld [tilespmem:s13+$0x10]  }
0x4b7: {  	p1 =	slt.u32 s0, $0x4E;
	v22 =	vld [tilespmem:s18+$0x20];
	v16 =	vadd.f32 v17, v16;
	v17 =	vmul.f32 v21, v18  }
0x4b8: {  	v18 =	vld [tilespmem:s13+$0x20]  }
0x4b9: {  	v21 =	vld [tilespmem:s18+$0x30];
	v16 =	vadd.f32 v17, v16  }
0x4ba: {  	v17 =	vld [tilespmem:s13+$0x30]  }
0x4bb: {  	v19 =	vmul.f32 v19, v24;
	v20 =	vmul.f32 v20, v23;
	v23 =	vld [tilespmem:s18+$0x40];
	[tilespmem:s17+$0x0] =	vst v16  }
0x4bc: {  	v16 =	vld [tilespmem:s13+$0x40]  }
0x4bd: {  	v19 =	vadd.f32 v20, v19;
	v18 =	vmul.f32 v18, v22;
	v20 =	vld [tilespmem:s18+$0x50]  }
0x4be: {  	v22 =	vld [tilespmem:s13+$0x50]  }
0x4bf: {  	v18 =	vadd.f32 v18, v19;
	v17 =	vmul.f32 v17, v21;
	v19 =	vld [tilespmem:s18+$0x60]  }
0x4c0: {  	v21 =	vld [tilespmem:s13+$0x60]  }
0x4c1: {  	v17 =	vadd.f32 v17, v18;
	v16 =	vmul.f32 v16, v23;
	v18 =	vld [tilespmem:s18+$0x70]  }
0x4c2: {  	v23 =	vld [tilespmem:s13+$0x70]  }
0x4c3: {  	v24 =	vld [tilespmem:s13+$0xFFFFFF80];
	v16 =	vadd.f32 v16, v17;
	v17 =	vmul.f32 v22, v20  }
0x4c4: {  	v20 =	vld [tilespmem:s18+$0xFFFFFF90]  }
0x4c5: {  	v22 =	vld [tilespmem:s13+$0xFFFFFF90];
	v16 =	vadd.f32 v17, v16;
	v17 =	vmul.f32 v21, v19  }
0x4c6: {  	v19 =	vld [tilespmem:s18+$0xFFFFFF80]  }
0x4c7: {  	v21 =	vld [tilespmem:s18+$0xFFFFFFA0];
	v16 =	vadd.f32 v17, v16;
	v17 =	vmul.f32 v23, v18  }
0x4c8: {  	v18 =	vld [tilespmem:s13+$0xFFFFFFA0]  }
0x4c9: {  	v23 =	vld [tilespmem:s18+$0xFFFFFFB0];
	v16 =	vadd.f32 v17, v16  }
0x4ca: {  	s17 =	sadd.s32 $0x22, s17;
	v17 =	vmul.f32 v22, v20;
	v20 =	vld [tilespmem:s13+$0xFFFFFFB0]  }
0x4cb: {  	s1 =	simm.s32 $0x0;
	s16 =	simm.s32 $0x1DC80;
	v19 =	vmul.f32 v24, v19;
	v24 =	vld [tilespmem:s18+$0xFFFFFFC0];
	[tilespmem:s17+$0x11] =	vst v16  }
0x4cc: {  	v25 =	vld [tilespmem:s13+$0xFFFFFFC0]  }
0x4cd: {  	v17 =	vadd.f32 v17, v19;
	v18 =	vmul.f32 v18, v21;
	v16 =	vld [tilespmem:s18+$0xFFFFFFD0]  }
.Ltmp12:
0x4ce: {  	v19 =	vld [tilespmem:s13+$0xFFFFFFD0];
	(pc) =	sbr.rel @p1 .LBB2_26-.Ltmp12, $4  }
0x4cf: {  	v18 =	vadd.f32 v18, v17;
	v21 =	vmul.f32 v20, v23;
	v17 =	vld [tilespmem:s18+$0xFFFFFFE0]  }
0x4d0: {  	v20 =	vld [tilespmem:s13+$0xFFFFFFE0]  }
0x4d1: {  	v22 =	vadd.f32 v21, v18;
	v23 =	vmul.f32 v25, v24;
	v18 =	vld [tilespmem:s18+$0xFFFFFFF0]  }
0x4d2: {  	s18 =	sadd.s32 $0x100, s18;
	v21 =	vld [tilespmem:s13+$0xFFFFFFF0]  }
0x4d3: {  	v22 =	vadd.f32 v23, v22;
	v16 =	vmul.f32 v19, v16;
	_ =	sdelay $0x1  }
0x4d4: {  	v16 =	vadd.f32 v16, v22;
	v17 =	vmul.f32 v20, v17;
	_ =	sdelay $0x1  }
0x4d5: {  	v16 =	vadd.f32 v17, v16;
	v17 =	vmul.f32 v21, v18;
	v18 =	vadd.s32 s1, v0  }
0x4d6: {  	v19 =	vadd.s32 s1, v1  }
0x4d7: {  	v16 =	vadd.f32 v17, v16  }
0x4d8: {  	v17 =	vadd.s32 s1, v2  }
0x4d9: {  	[tilespmem:s17+$0x0] =	vst v16  }
0x4da: {  	v16 =	vadd.s32 s1, v3;
	v18 =	vld.idx.msk [tilespmem:v18+s25+$0x0], $0xffff  }
0x4db: {  	v19 =	vld.idx.msk [tilespmem:v19+s25+$0x0], $0xffff  }
0x4dc: {  	v20 =	vadd.s32 s1, v4  }
0x4dd: {  	v17 =	vld.idx.msk [tilespmem:v17+s25+$0x0], $0xffff  }
0x4de: {  	v21 =	vadd.s32 s1, v5  }
0x4df: {  	v16 =	vld.idx.msk [tilespmem:v16+s25+$0x0], $0xffff  }
0x4e0: {  	v22 =	vadd.s32 s1, v6;
	v18 =	vadd.f32 v19, v18  }
0x4e1: {  	v19 =	vld.idx.msk [tilespmem:v20+s25+$0x0], $0xffff  }
0x4e2: {  	v20 =	vadd.s32 s1, v7;
	v17 =	vadd.f32 v17, v18  }
0x4e3: {  	v18 =	vld.idx.msk [tilespmem:v21+s25+$0x0], $0xffff  }
0x4e4: {  	v21 =	vadd.s32 s1, v8;
	v16 =	vadd.f32 v16, v17  }
0x4e5: {  	s0 =	simm.s32 $0x110;
	v17 =	vld.idx.msk [tilespmem:v22+s25+$0x0], $0xffff;
	v22 =	vadd.s32 s1, v9  }
0x4e6: {  	v16 =	vadd.f32 v19, v16;
	v19 =	vadd.s32 s0, v0  }
0x4e7: {  	v23 =	vadd.s32 s0, v1;
	v20 =	vld.idx.msk [tilespmem:v20+s25+$0x0], $0xffff  }
0x4e8: {  	v24 =	vadd.s32 s1, v10;
	v16 =	vadd.f32 v18, v16  }
0x4e9: {  	v18 =	vld.idx.msk [tilespmem:v21+s25+$0x0], $0xffff;
	v21 =	vadd.s32 s0, v2  }
0x4ea: {  	v25 =	vadd.s32 s1, v11;
	v22 =	vld.idx.msk [tilespmem:v22+s25+$0x0], $0xffff;
	v16 =	vadd.f32 v17, v16  }
0x4eb: {  	v17 =	vadd.s32 s0, v3;
	v19 =	vld.idx.msk [tilespmem:v19+s25+$0x0], $0xffff  }
0x4ec: {  	v26 =	vadd.s32 s1, v12;
	v16 =	vadd.f32 v20, v16;
	v20 =	vld.idx.msk [tilespmem:v23+s25+$0x0], $0xffff  }
0x4ed: {  	v23 =	vld.idx.msk [tilespmem:v24+s25+$0x0], $0xffff;
	v24 =	vadd.s32 s0, v4  }
0x4ee: {  	v27 =	vadd.s32 s1, v13;
	v16 =	vadd.f32 v18, v16;
	v18 =	vld.idx.msk [tilespmem:v21+s25+$0x0], $0xffff  }
0x4ef: {  	v21 =	vld.idx.msk [tilespmem:v25+s25+$0x0], $0xffff  }
0x4f0: {  	v28 =	vadd.s32 s1, v14;
	v17 =	vld.idx.msk [tilespmem:v17+s25+$0x0], $0xffff;
	v16 =	vadd.f32 v22, v16  }
0x4f1: {  	v25 =	vadd.s32 s0, v5;
	v22 =	vld.idx.msk [tilespmem:v26+s25+$0x0], $0xffff  }
0x4f2: {  	v19 =	vadd.f32 v20, v19;
	v20 =	vadd.s32 s1, v15;
	v16 =	vadd.f32 v23, v16;
	v23 =	vld.idx.msk [tilespmem:v24+s25+$0x0], $0xffff  }
0x4f3: {  	v26 =	vadd.s32 s0, v6;
	v24 =	vld.idx.msk [tilespmem:v27+s25+$0x0], $0xffff  }
0x4f4: {  	v16 =	vadd.f32 v21, v16  }
0x4f5: {  	v27 =	vadd.s32 s0, v7;
	v18 =	vadd.f32 v18, v19;
	v21 =	vld.idx.msk [tilespmem:v28+s25+$0x0], $0xffff  }
0x4f6: {  	v19 =	vld.idx.msk [tilespmem:v25+s25+$0x0], $0xffff;
	v16 =	vadd.f32 v22, v16  }
0x4f7: {  	v25 =	vadd.s32 s0, v8;
	v17 =	vadd.f32 v17, v18;
	v20 =	vld.idx.msk [tilespmem:v20+s25+$0x0], $0xffff  }
0x4f8: {  	v18 =	vld.idx.msk [tilespmem:v26+s25+$0x0], $0xffff;
	v16 =	vadd.f32 v24, v16  }
0x4f9: {  	v22 =	vadd.s32 s0, v9;
	v17 =	vadd.f32 v23, v17  }
0x4fa: {  	v23 =	vld.idx.msk [tilespmem:v27+s25+$0x0], $0xffff;
	v16 =	vadd.f32 v21, v16  }
0x4fb: {  	v24 =	vadd.s32 s0, v10;
	v17 =	vadd.f32 v19, v17  }
0x4fc: {  	v19 =	vld.idx.msk [tilespmem:v25+s25+$0x0], $0xffff;
	v16 =	vadd.f32 v20, v16  }
0x4fd: {  	v21 =	vadd.s32 s0, v11;
	v17 =	vadd.f32 v18, v17  }
0x4fe: {  	v18 =	vld.idx.msk [tilespmem:v22+s25+$0x0], $0xffff;
	v16 =	vsub.f32 $0.0e+00, v16  }
0x4ff: {  	s13 =	simm.s32 $0x220;
	v20 =	vadd.s32 s0, v12;
	v17 =	vadd.f32 v23, v17  }
0x500: {  	v22 =	vadd.s32 s13, v0;
	v23 =	vld.idx.msk [tilespmem:v24+s25+$0x0], $0xffff;
	v16 =	vmul.f32 $1.442695020e+00, v16  }
0x501: {  	v24 =	vadd.s32 s0, v13;
	v17 =	vadd.f32 v19, v17  }
0x502: {  	v21 =	vld.idx.msk [tilespmem:v21+s25+$0x0], $0xffff;
	(erf) = vpow2.f32 v16  }
0x503: {  	v17 =	vadd.f32 v18, v17  }
0x504: {  	v25 =	vadd.s32 s13, v1;
	v20 =	vld.idx.msk [tilespmem:v20+s25+$0x0], $0xffff  }
0x505: {  	v19 =	vadd.s32 s13, v2;
	v18 =	vld.idx.msk [tilespmem:v22+s25+$0x0], $0xffff;
	v17 =	vadd.f32 v23, v17  }
0x506: {  	v26 =	vadd.s32 s0, v14;
	v22 =	vld.idx.msk [tilespmem:v24+s25+$0x0], $0xffff  }
0x507: {  	v16 =	vadd.s32 s13, v3;
	v17 =	vadd.f32 v21, v17  }
0x508: {  	v24 =	vadd.s32 s0, v15  }
0x509: {  	v23 =	vld.idx.msk [tilespmem:v25+s25+$0x0], $0xffff;
	v17 =	vadd.f32 v20, v17  }
0x50a: {  	v25 =	vadd.s32 s13, v4;
	v19 =	vld.idx.msk [tilespmem:v19+s25+$0x0], $0xffff  }
0x50b: {  	v21 =	vld.idx.msk [tilespmem:v26+s25+$0x0], $0xffff;
	v17 =	vadd.f32 v22, v17;
	v22 =	vpop (erf)  }
0x50c: {  	v26 =	vadd.s32 s13, v5;
	v16 =	vld.idx.msk [tilespmem:v16+s25+$0x0], $0xffff;
	v22 =	vadd.f32 $1.000000000e+00, v22  }
0x50d: {  	v20 =	vadd.s32 s13, v6;
	v24 =	vld.idx.msk [tilespmem:v24+s25+$0x0], $0xffff  }
0x50e: {  	v27 =	vadd.s32 s13, v7;
	v18 =	vadd.f32 v23, v18;
	(erf) = vrcp.f32 v22  }
0x50f: {  	v23 =	vld.idx.msk [tilespmem:v25+s25+$0x0], $0xffff;
	v25 =	vadd.s32 s13, v8  }
0x510: {  	v18 =	vadd.f32 v19, v18;
	v21 =	vadd.f32 v21, v17  }
0x511: {  	v19 =	vld.idx.msk [tilespmem:v26+s25+$0x0], $0xffff;
	v22 =	vadd.s32 s13, v9  }
0x512: {  	v17 =	vld.idx.msk [tilespmem:v20+s25+$0x0], $0xffff;
	v18 =	vadd.f32 v16, v18;
	v26 =	vadd.f32 v24, v21  }
0x513: {  	v16 =	vld.idx.msk [tilespmem:v27+s25+$0x0], $0xffff;
	v21 =	vadd.s32 s13, v10  }
0x514: {  	s17 =	simm.s32 $0x1DC80;
	s0 =	simm.s32 $0x330;
	v20 =	vadd.s32 s13, v11;
	v24 =	vadd.f32 v23, v18;
	v18 =	vld.idx.msk [tilespmem:v25+s25+$0x0], $0xffff;
	v23 =	vsub.f32 $0.0e+00, v26  }
.LBB2_28:
0x515: {  	p1 =	sne.s32 s0, $0x440  }
0x516: {  	v19 =	vadd.f32 v19, v24;
	v22 =	vld.idx.msk [tilespmem:v22+s25+$0x0], $0xffff;
	s16 =	sadd.s32 $0x10, s16;
	s1 =	smov.u32 s0;
	s0 =	sadd.s32 $0x110, s0  }
0x517: {  	v24 =	vadd.s32 s13, v12;
	v23 =	vmul.f32 $1.442695020e+00, v23;
	v25 =	vpop (erf)  }
0x518: {  	v26 =	vadd.s32 s1, v0;
	v27 =	vadd.s32 s1, v1;
	v17 =	vadd.f32 v17, v19;
	v19 =	vld.idx.msk [tilespmem:v21+s25+$0x0], $0xffff;
	[tilespmem:s17+$0x0] =	vst v25;
	s17 =	smov.u32 s16  }
0x519: {  	v21 =	vadd.s32 s13, v13;
	(erf) = vpow2.f32 v23  }
0x51a: {  	v23 =	vadd.s32 s1, v2;
	v16 =	vadd.f32 v16, v17;
	v17 =	vld.idx.msk [tilespmem:v20+s25+$0x0], $0xffff;
	_ =	sdelay $0x1  }
0x51b: {  	v20 =	vadd.s32 s1, v3;
	v16 =	vadd.f32 v18, v16;
	v18 =	vld.idx.msk [tilespmem:v24+s25+$0x0], $0xffff;
	v24 =	vadd.s32 s13, v14  }
0x51c: {  	v25 =	vld.idx.msk [tilespmem:v26+s25+$0x0], $0xffff  }
0x51d: {  	v26 =	vadd.s32 s1, v4;
	v16 =	vadd.f32 v22, v16;
	v21 =	vld.idx.msk [tilespmem:v21+s25+$0x0], $0xffff;
	v22 =	vadd.s32 s13, v15;
	s13 =	smov.u32 s1  }
0x51e: {  	v27 =	vld.idx.msk [tilespmem:v27+s25+$0x0], $0xffff  }
0x51f: {  	v28 =	vadd.s32 s13, v5;
	v23 =	vld.idx.msk [tilespmem:v23+s25+$0x0], $0xffff;
	v16 =	vadd.f32 v19, v16  }
0x520: {  	v24 =	vld.idx.msk [tilespmem:v24+s25+$0x0], $0xffff  }
0x521: {  	v29 =	vadd.s32 s13, v6;
	v20 =	vld.idx.msk [tilespmem:v20+s25+$0x0], $0xffff;
	v16 =	vadd.f32 v17, v16;
	v17 =	vpop (erf)  }
0x522: {  	v30 =	vld.idx.msk [tilespmem:v22+s25+$0x0], $0xffff;
	v17 =	vadd.f32 $1.000000000e+00, v17  }
0x523: {  	v31 =	vadd.s32 s13, v7;
	v26 =	vld.idx.msk [tilespmem:v26+s25+$0x0], $0xffff;
	v16 =	vadd.f32 v18, v16  }
0x524: {  	v18 =	vadd.f32 v27, v25;
	v19 =	vld.idx.msk [tilespmem:v28+s25+$0x0], $0xffff;
	(erf) = vrcp.f32 v17  }
0x525: {  	v25 =	vadd.s32 s13, v8;
	v16 =	vadd.f32 v21, v16  }
0x526: {  	v18 =	vadd.f32 v23, v18;
	v17 =	vld.idx.msk [tilespmem:v29+s25+$0x0], $0xffff  }
.Ltmp13:
0x527: {  	v22 =	vadd.s32 s13, v9;
	v23 =	vadd.f32 v24, v16;
	(pc) =	sbr.rel @p1 .LBB2_28-.Ltmp13, $4  }
0x528: {  	v18 =	vadd.f32 v20, v18;
	v16 =	vld.idx.msk [tilespmem:v31+s25+$0x0], $0xffff  }
0x529: {  	v21 =	vadd.s32 s13, v10;
	v23 =	vadd.f32 v30, v23  }
0x52a: {  	v24 =	vadd.f32 v26, v18;
	v18 =	vld.idx.msk [tilespmem:v25+s25+$0x0], $0xffff  }
0x52b: {  	v20 =	vadd.s32 s13, v11;
	v23 =	vsub.f32 $0.0e+00, v23  }
0x52c: {  	_ = 	snop  }
0x52d: {  	v19 =	vadd.f32 v19, v24;
	_ =	sdelay $0x1  }
0x52e: {  	v17 =	vadd.f32 v17, v19  }
0x52f: {  	v19 =	vld.idx.msk [tilespmem:v22+s25+$0x0], $0xffff  }
0x530: {  	v22 =	vadd.s32 s13, v12;
	v16 =	vadd.f32 v16, v17  }
0x531: {  	v17 =	vld.idx.msk [tilespmem:v21+s25+$0x0], $0xffff  }
0x532: {  	v21 =	vadd.s32 s13, v13;
	v16 =	vadd.f32 v18, v16  }
0x533: {  	v18 =	vld.idx.msk [tilespmem:v20+s25+$0x0], $0xffff  }
0x534: {  	v20 =	vadd.s32 s13, v14;
	v16 =	vadd.f32 v19, v16  }
0x535: {  	v19 =	vld.idx.msk [tilespmem:v22+s25+$0x0], $0xffff  }
0x536: {  	v22 =	vadd.s32 s13, v15;
	v16 =	vadd.f32 v17, v16  }
0x537: {  	v21 =	vld.idx.msk [tilespmem:v21+s25+$0x0], $0xffff;
	v17 =	vmul.f32 $1.442695020e+00, v23  }
0x538: {  	v16 =	vadd.f32 v18, v16  }
0x539: {  	(erf) = vpow2.f32 v17;
	v17 =	vld.idx.msk [tilespmem:v20+s25+$0x0], $0xffff  }
0x53a: {  	v16 =	vadd.f32 v19, v16  }
0x53b: {  	v18 =	vld.idx.msk [tilespmem:v22+s25+$0x0], $0xffff  }
0x53c: {  	v16 =	vadd.f32 v21, v16;
	_ =	sdelay $0x1  }
0x53d: {  	v16 =	vadd.f32 v17, v16;
	_ =	sdelay $0x1  }
0x53e: {  	v16 =	vadd.f32 v18, v16  }
0x53f: {  	v17 =	vpop (erf)  }
0x540: {  	v18 =	vpop (erf);
	v16 =	vsub.f32 $0.0e+00, v16  }
0x541: {  	v18 =	vadd.f32 $1.000000000e+00, v18  }
0x542: {  	v16 =	vmul.f32 $1.442695020e+00, v16  }
0x543: {  	(erf) = vrcp.f32 v18  }
0x544: {  	(erf) = vpow2.f32 v16;
	_ =	sdelay $0x7  }
0x545: {  	v16 =	vpop (erf)  }
0x546: {  	v18 =	vpop (erf)  }
0x547: {  	v18 =	vadd.f32 $1.000000000e+00, v18;
	_ =	sdelay $0x1  }
0x548: {  	(erf) = vrcp.f32 v18;
	_ =	sdelay $0x5  }
0x549: {  	[tilespmem:s17+$0x0] =	vst v17  }
0x54a: {  	s1 =	rddreg [dreg:$0x7]  }
0x54b: {  	s0 =	sadd.s32 $0x10, s16;
	s1 =	sadd.s32 s1, s15  }
0x54c: {  	s16 =	rddreg [dreg:$0x4];
	s21 =	sadd.s32 $0x10, s0;
	s1 =	sshrl.u32 s1, $0x3;
	[tilespmem:s0+$0x0] =	vst v16;
	v16 =	vpop (erf)  }
0x54d: {  	s17 =	simm.s32 $0x1DC80;
	s0 =	sadd.s32 s16, s1;
	[tilespmem:s21+$0x0] =	vst v16  }
0x54e: {  	[hbm4b:s0+s7] =	stream.linear.scatter [tilespmem:s17], [sflag:$0x9], $0x50, $0x38;
	[tilespmem:$0x1E300] =	vst v63  }
0x54f: {  	_ =	swait.ge [sflag:s28], $0x50  }
0x550: {  	[sflag:s28] =	ssyncset.done $0x0  }
0x551: {  	[sflag:s28] =	ssyncadd.s32 $0xFFFFFFB0  }
0x552: {  	_ =	swait.ge [sflag:s28], $0x50  }
0x553: {  	[sflag:s28] =	ssyncset.done $0x0  }
0x554: {  	s18 =	simm.s32 $0x13A80;
	s21 =	simm.s32 $0x13C80;
	[sflag:s28] =	ssyncadd.s32 $0xFFFFFFB0  }
0x555: {  	[tilespmem:s21], [sflag:$0x5] =	stream.indirect.gather [spmem:s6], $0x80, s18, s30, $0xb8;
	[tilespmem:$0x1E300] =	vst v63  }
0x556: {  	s13 =	simm.s32 $0x13B00;
	s16 =	simm.s32 $0x16480  }
0x557: {  	[tilespmem:s16], [sflag:$0x6] =	stream.indirect.gather [hbm4b:s3+s30], $0x80, s13, s30, $0xb8;
	[tilespmem:$0x1E300] =	vst v63  }
0x558: {  	_ =	swait.ge [sflag:s4], $0x2800  }
0x559: {  	[sflag:s4] =	ssyncset.done $0x0  }
0x55a: {  	[sflag:s4] =	ssyncadd.s32 $0xFFFFD800  }
0x55b: {  	_ =	swait.ge [sflag:s5], $0x2800  }
0x55c: {  	p1 =	seq.s32 s23, $0x1E;
	s0 =	rddreg [dreg:$0x1f]  }
0x55d: {  	p2 =	seq.s32 @!p1 s23, $0x0;
	s0 =	sadd.s32 @!p1 s15, s0  }
0x55e: {  	s13 =	simm.s32 @!p1 $0x0;
	[sflag:s5] =	ssyncset.done $0x0;
	s0 =	sshrl.u32 @!p1 s0, $0x3  }
0x55f: {  	s16 =	simm.s32 @!p1 $0x13980;
	[sflag:s5] =	ssyncadd.s32 $0xFFFFD800;
	s1 =	sadd.s32 @!p1 s11, s0  }
0x560: {  	[tilespmem:s16], [sflag:$0x2] =	stream.linear.gather @!p1 [hbm4b:s1+s13], $0x50, $0x38;
	[tilespmem:$0x1E300] =	vst v63  }
0x561: {  	p2 =	por p1, !p2;
	s0 =	sadd.s32 @!p1 s31, s0;
	s1 =	simm.s32 @!p1 $0x13A00  }
0x562: {  	[tilespmem:s1], [sflag:$0x2] =	stream.linear.gather @!p1 [hbm4b:s0+s13], $0x50, $0x38;
	[tilespmem:$0x1E300] =	vst v63  }
0x563: {  	_ =	swait.ge @p2 [sflag:s9], $0x50  }
0x564: {  	[sflag:s9] =	ssyncset.done @p2 $0x0  }
0x565: {  	s17 =	simm.s32 $0x18D00;
	[sflag:s9] =	ssyncadd.s32 @p2 $0xFFFFFFB0  }
0x566: {  	s13 =	simm.s32 $0x1B500;
	v16 =	vld [tilespmem:s17+$0x0]  }
0x567: {  	v17 =	vld [tilespmem:s13+$0x0]  }
0x568: {  	v18 =	vld [tilespmem:s17+$0x10]  }
0x569: {  	v19 =	vld [tilespmem:s13+$0x10]  }
0x56a: {  	v20 =	vld [tilespmem:s17+$0x20]  }
0x56b: {  	v21 =	vld [tilespmem:s13+$0x20]  }
0x56c: {  	v22 =	vld [tilespmem:s17+$0x30]  }
0x56d: {  	v23 =	vld [tilespmem:s13+$0x30]  }
0x56e: {  	v57 =	vld [tilespmem:s17+$0x40]  }
0x56f: {  	v25 =	vld [tilespmem:s13+$0x40]  }
0x570: {  	v26 =	vld [tilespmem:s17+$0x50]  }
0x571: {  	v27 =	vld [tilespmem:s13+$0x50]  }
0x572: {  	v28 =	vld [tilespmem:s17+$0x60]  }
0x573: {  	v29 =	vld [tilespmem:s13+$0x60];
	v16 =	vmul.f32 v17, v16;
	v17 =	vmul.f32 v19, v18  }
0x574: {  	v58 =	vld [tilespmem:s17+$0xFFFFFFA0]  }
0x575: {  	v18 =	vld [tilespmem:s17+$0x70];
	v16 =	vadd.f32 v17, v16;
	v17 =	vmul.f32 v21, v20  }
0x576: {  	v20 =	vld [tilespmem:s13+$0xFFFFFF80]  }
0x577: {  	v21 =	vld [tilespmem:s17+$0xFFFFFF90];
	v16 =	vadd.f32 v17, v16;
	v17 =	vmul.f32 v23, v22  }
0x578: {  	v22 =	vld [tilespmem:s13+$0xFFFFFF90]  }
0x579: {  	v23 =	vld [tilespmem:s17+$0xFFFFFF80];
	v16 =	vadd.f32 v17, v16;
	v17 =	vmul.f32 v25, v57  }
0x57a: {  	v19 =	vld [tilespmem:s13+$0x70]  }
0x57b: {  	v59 =	vld [tilespmem:s13+$0xFFFFFFA0];
	v16 =	vadd.f32 v17, v16;
	v17 =	vmul.f32 v27, v26  }
0x57c: {  	v60 =	vld [tilespmem:s17+$0xFFFFFFB0]  }
0x57d: {  	v61 =	vld [tilespmem:s13+$0xFFFFFFB0];
	v16 =	vadd.f32 v17, v16;
	v17 =	vmul.f32 v29, v28  }
0x57e: {  	v62 =	vld [tilespmem:s17+$0xFFFFFFC0];
	v21 =	vmul.f32 v22, v21;
	v20 =	vmul.f32 v20, v23  }
0x57f: {  	v18 =	vmul.f32 v19, v18;
	v23 =	vld [tilespmem:s13+$0xFFFFFFC0];
	v22 =	vadd.f32 v17, v16  }
0x580: {  	v19 =	vld [tilespmem:s13+$0xFFFFFFD0];
	v20 =	vadd.f32 v21, v20;
	v21 =	vmul.f32 v59, v58  }
0x581: {  	v16 =	vld [tilespmem:s17+$0xFFFFFFD0];
	v22 =	vadd.f32 v18, v22  }
0x582: {  	s18 =	simm.s32 $0x1DD80;
	v63 =	vmul.f32 v61, v60;
	v17 =	vld [tilespmem:s17+$0xFFFFFFE0];
	v21 =	vadd.f32 v21, v20  }
0x583: {  	v20 =	vld [tilespmem:s13+$0xFFFFFFE0];
	[tilespmem:s18+$0x11] =	vst v22  }
0x584: {  	v18 =	vld [tilespmem:s17+$0xFFFFFFF0];
	v23 =	vmul.f32 v23, v62;
	v22 =	vadd.f32 v63, v21;
	s21 =	rddreg [dreg:$0xa]  }
0x585: {  	s0 =	simm.s32 $0x0;
	v21 =	vld [tilespmem:s13+$0xFFFFFFF0];
	s16 =	sadd.s32 s15, s21;
	s21 =	simm.s32 $0x18E00  }
.LBB2_30:
0x586: {  	v24 =	vld [tilespmem:s21+$0x0];
	v22 =	vadd.f32 v23, v22;
	v16 =	vmul.f32 v19, v16;
	s13 =	sadd.s32 $0x100, s13  }
0x587: {  	v19 =	vld [tilespmem:s13+$0x0]  }
0x588: {  	v23 =	vld [tilespmem:s21+$0x10];
	v16 =	vadd.f32 v16, v22;
	v17 =	vmul.f32 v20, v17  }
0x589: {  	s0 =	sadd.s32 $0x2, s0;
	v20 =	vld [tilespmem:s13+$0x10]  }
0x58a: {  	p2 =	slt.u32 s0, $0x4E;
	v22 =	vld [tilespmem:s21+$0x20];
	v16 =	vadd.f32 v17, v16;
	v17 =	vmul.f32 v21, v18  }
0x58b: {  	v18 =	vld [tilespmem:s13+$0x20]  }
0x58c: {  	v21 =	vld [tilespmem:s21+$0x30];
	v16 =	vadd.f32 v17, v16  }
0x58d: {  	v17 =	vld [tilespmem:s13+$0x30]  }
0x58e: {  	v19 =	vmul.f32 v19, v24;
	v20 =	vmul.f32 v20, v23;
	v23 =	vld [tilespmem:s21+$0x40];
	[tilespmem:s18+$0x0] =	vst v16  }
0x58f: {  	v16 =	vld [tilespmem:s13+$0x40]  }
0x590: {  	v19 =	vadd.f32 v20, v19;
	v18 =	vmul.f32 v18, v22;
	v20 =	vld [tilespmem:s21+$0x50]  }
0x591: {  	v22 =	vld [tilespmem:s13+$0x50]  }
0x592: {  	v18 =	vadd.f32 v18, v19;
	v17 =	vmul.f32 v17, v21;
	v19 =	vld [tilespmem:s21+$0x60]  }
0x593: {  	v21 =	vld [tilespmem:s13+$0x60]  }
0x594: {  	v17 =	vadd.f32 v17, v18;
	v16 =	vmul.f32 v16, v23;
	v18 =	vld [tilespmem:s21+$0x70]  }
0x595: {  	v23 =	vld [tilespmem:s13+$0x70]  }
0x596: {  	v24 =	vld [tilespmem:s13+$0xFFFFFF80];
	v16 =	vadd.f32 v16, v17;
	v17 =	vmul.f32 v22, v20  }
0x597: {  	v20 =	vld [tilespmem:s21+$0xFFFFFF90]  }
0x598: {  	v22 =	vld [tilespmem:s13+$0xFFFFFF90];
	v16 =	vadd.f32 v17, v16;
	v17 =	vmul.f32 v21, v19  }
0x599: {  	v19 =	vld [tilespmem:s21+$0xFFFFFF80]  }
0x59a: {  	v21 =	vld [tilespmem:s21+$0xFFFFFFA0];
	v16 =	vadd.f32 v17, v16;
	v17 =	vmul.f32 v23, v18  }
0x59b: {  	v18 =	vld [tilespmem:s13+$0xFFFFFFA0]  }
0x59c: {  	v23 =	vld [tilespmem:s21+$0xFFFFFFB0];
	v16 =	vadd.f32 v17, v16  }
0x59d: {  	s18 =	sadd.s32 $0x22, s18;
	v17 =	vmul.f32 v22, v20;
	v20 =	vld [tilespmem:s13+$0xFFFFFFB0]  }
0x59e: {  	s1 =	simm.s32 $0x0;
	s17 =	simm.s32 $0x1DD00;
	v19 =	vmul.f32 v24, v19;
	v24 =	vld [tilespmem:s21+$0xFFFFFFC0];
	[tilespmem:s18+$0x11] =	vst v16  }
0x59f: {  	v25 =	vld [tilespmem:s13+$0xFFFFFFC0]  }
0x5a0: {  	v17 =	vadd.f32 v17, v19;
	v18 =	vmul.f32 v18, v21;
	v16 =	vld [tilespmem:s21+$0xFFFFFFD0]  }
.Ltmp14:
0x5a1: {  	v19 =	vld [tilespmem:s13+$0xFFFFFFD0];
	(pc) =	sbr.rel @p2 .LBB2_30-.Ltmp14, $4  }
0x5a2: {  	v18 =	vadd.f32 v18, v17;
	v21 =	vmul.f32 v20, v23;
	v17 =	vld [tilespmem:s21+$0xFFFFFFE0]  }
0x5a3: {  	v20 =	vld [tilespmem:s13+$0xFFFFFFE0]  }
0x5a4: {  	v22 =	vadd.f32 v21, v18;
	v23 =	vmul.f32 v25, v24;
	v18 =	vld [tilespmem:s21+$0xFFFFFFF0]  }
0x5a5: {  	s21 =	sadd.s32 $0x100, s21;
	v21 =	vld [tilespmem:s13+$0xFFFFFFF0]  }
0x5a6: {  	v22 =	vadd.f32 v23, v22;
	v16 =	vmul.f32 v19, v16;
	_ =	sdelay $0x1  }
0x5a7: {  	v16 =	vadd.f32 v16, v22;
	v17 =	vmul.f32 v20, v17;
	_ =	sdelay $0x1  }
0x5a8: {  	v16 =	vadd.f32 v17, v16;
	v17 =	vmul.f32 v21, v18;
	v18 =	vadd.s32 s1, v0  }
0x5a9: {  	v19 =	vadd.s32 s1, v1  }
0x5aa: {  	v16 =	vadd.f32 v17, v16  }
0x5ab: {  	v17 =	vadd.s32 s1, v2  }
0x5ac: {  	[tilespmem:s18+$0x0] =	vst v16  }
0x5ad: {  	v16 =	vadd.s32 s1, v3;
	v18 =	vld.idx.msk [tilespmem:v18+s25+$0x0], $0xffff  }
0x5ae: {  	v19 =	vld.idx.msk [tilespmem:v19+s25+$0x0], $0xffff  }
0x5af: {  	v20 =	vadd.s32 s1, v4  }
0x5b0: {  	v17 =	vld.idx.msk [tilespmem:v17+s25+$0x0], $0xffff  }
0x5b1: {  	v21 =	vadd.s32 s1, v5  }
0x5b2: {  	v16 =	vld.idx.msk [tilespmem:v16+s25+$0x0], $0xffff  }
0x5b3: {  	v22 =	vadd.s32 s1, v6;
	v18 =	vadd.f32 v19, v18  }
0x5b4: {  	v19 =	vld.idx.msk [tilespmem:v20+s25+$0x0], $0xffff  }
0x5b5: {  	v20 =	vadd.s32 s1, v7;
	v17 =	vadd.f32 v17, v18  }
0x5b6: {  	v18 =	vld.idx.msk [tilespmem:v21+s25+$0x0], $0xffff  }
0x5b7: {  	v21 =	vadd.s32 s1, v8;
	v16 =	vadd.f32 v16, v17  }
0x5b8: {  	s0 =	simm.s32 $0x110;
	v17 =	vld.idx.msk [tilespmem:v22+s25+$0x0], $0xffff;
	v22 =	vadd.s32 s1, v9  }
0x5b9: {  	v16 =	vadd.f32 v19, v16;
	v19 =	vadd.s32 s0, v0  }
0x5ba: {  	v23 =	vadd.s32 s0, v1;
	v20 =	vld.idx.msk [tilespmem:v20+s25+$0x0], $0xffff  }
0x5bb: {  	v24 =	vadd.s32 s1, v10;
	v16 =	vadd.f32 v18, v16  }
0x5bc: {  	v18 =	vld.idx.msk [tilespmem:v21+s25+$0x0], $0xffff;
	v21 =	vadd.s32 s0, v2  }
0x5bd: {  	v25 =	vadd.s32 s1, v11;
	v22 =	vld.idx.msk [tilespmem:v22+s25+$0x0], $0xffff;
	v16 =	vadd.f32 v17, v16  }
0x5be: {  	v17 =	vadd.s32 s0, v3;
	v19 =	vld.idx.msk [tilespmem:v19+s25+$0x0], $0xffff  }
0x5bf: {  	v26 =	vadd.s32 s1, v12;
	v16 =	vadd.f32 v20, v16;
	v20 =	vld.idx.msk [tilespmem:v23+s25+$0x0], $0xffff  }
0x5c0: {  	v23 =	vld.idx.msk [tilespmem:v24+s25+$0x0], $0xffff;
	v24 =	vadd.s32 s0, v4  }
0x5c1: {  	v27 =	vadd.s32 s1, v13;
	v16 =	vadd.f32 v18, v16;
	v18 =	vld.idx.msk [tilespmem:v21+s25+$0x0], $0xffff  }
0x5c2: {  	v21 =	vld.idx.msk [tilespmem:v25+s25+$0x0], $0xffff  }
0x5c3: {  	v28 =	vadd.s32 s1, v14;
	v17 =	vld.idx.msk [tilespmem:v17+s25+$0x0], $0xffff;
	v16 =	vadd.f32 v22, v16  }
0x5c4: {  	v25 =	vadd.s32 s0, v5;
	v22 =	vld.idx.msk [tilespmem:v26+s25+$0x0], $0xffff  }
0x5c5: {  	v19 =	vadd.f32 v20, v19;
	v20 =	vadd.s32 s1, v15;
	v16 =	vadd.f32 v23, v16;
	v23 =	vld.idx.msk [tilespmem:v24+s25+$0x0], $0xffff  }
0x5c6: {  	v26 =	vadd.s32 s0, v6;
	v24 =	vld.idx.msk [tilespmem:v27+s25+$0x0], $0xffff  }
0x5c7: {  	v16 =	vadd.f32 v21, v16  }
0x5c8: {  	v27 =	vadd.s32 s0, v7;
	v18 =	vadd.f32 v18, v19;
	v21 =	vld.idx.msk [tilespmem:v28+s25+$0x0], $0xffff  }
0x5c9: {  	v19 =	vld.idx.msk [tilespmem:v25+s25+$0x0], $0xffff;
	v16 =	vadd.f32 v22, v16  }
0x5ca: {  	v25 =	vadd.s32 s0, v8;
	v17 =	vadd.f32 v17, v18;
	v20 =	vld.idx.msk [tilespmem:v20+s25+$0x0], $0xffff  }
0x5cb: {  	v18 =	vld.idx.msk [tilespmem:v26+s25+$0x0], $0xffff;
	v16 =	vadd.f32 v24, v16  }
0x5cc: {  	v22 =	vadd.s32 s0, v9;
	v17 =	vadd.f32 v23, v17  }
0x5cd: {  	v23 =	vld.idx.msk [tilespmem:v27+s25+$0x0], $0xffff;
	v16 =	vadd.f32 v21, v16  }
0x5ce: {  	v24 =	vadd.s32 s0, v10;
	v17 =	vadd.f32 v19, v17  }
0x5cf: {  	v19 =	vld.idx.msk [tilespmem:v25+s25+$0x0], $0xffff;
	v16 =	vadd.f32 v20, v16  }
0x5d0: {  	v21 =	vadd.s32 s0, v11;
	v17 =	vadd.f32 v18, v17  }
0x5d1: {  	v18 =	vld.idx.msk [tilespmem:v22+s25+$0x0], $0xffff;
	v16 =	vsub.f32 $0.0e+00, v16  }
0x5d2: {  	s13 =	simm.s32 $0x220;
	v20 =	vadd.s32 s0, v12;
	v17 =	vadd.f32 v23, v17  }
0x5d3: {  	v22 =	vadd.s32 s13, v0;
	v23 =	vld.idx.msk [tilespmem:v24+s25+$0x0], $0xffff;
	v16 =	vmul.f32 $1.442695020e+00, v16  }
0x5d4: {  	v24 =	vadd.s32 s0, v13;
	v17 =	vadd.f32 v19, v17  }
0x5d5: {  	v21 =	vld.idx.msk [tilespmem:v21+s25+$0x0], $0xffff;
	(erf) = vpow2.f32 v16  }
0x5d6: {  	v17 =	vadd.f32 v18, v17  }
0x5d7: {  	v25 =	vadd.s32 s13, v1;
	v20 =	vld.idx.msk [tilespmem:v20+s25+$0x0], $0xffff  }
0x5d8: {  	v19 =	vadd.s32 s13, v2;
	v18 =	vld.idx.msk [tilespmem:v22+s25+$0x0], $0xffff;
	v17 =	vadd.f32 v23, v17  }
0x5d9: {  	v26 =	vadd.s32 s0, v14;
	v22 =	vld.idx.msk [tilespmem:v24+s25+$0x0], $0xffff  }
0x5da: {  	v16 =	vadd.s32 s13, v3;
	v17 =	vadd.f32 v21, v17  }
0x5db: {  	v24 =	vadd.s32 s0, v15  }
0x5dc: {  	v23 =	vld.idx.msk [tilespmem:v25+s25+$0x0], $0xffff;
	v17 =	vadd.f32 v20, v17  }
0x5dd: {  	v25 =	vadd.s32 s13, v4;
	v19 =	vld.idx.msk [tilespmem:v19+s25+$0x0], $0xffff  }
0x5de: {  	v21 =	vld.idx.msk [tilespmem:v26+s25+$0x0], $0xffff;
	v17 =	vadd.f32 v22, v17;
	v22 =	vpop (erf)  }
0x5df: {  	v26 =	vadd.s32 s13, v5;
	v16 =	vld.idx.msk [tilespmem:v16+s25+$0x0], $0xffff;
	v22 =	vadd.f32 $1.000000000e+00, v22  }
0x5e0: {  	v20 =	vadd.s32 s13, v6;
	v24 =	vld.idx.msk [tilespmem:v24+s25+$0x0], $0xffff  }
0x5e1: {  	v27 =	vadd.s32 s13, v7;
	v18 =	vadd.f32 v23, v18;
	(erf) = vrcp.f32 v22  }
0x5e2: {  	v23 =	vld.idx.msk [tilespmem:v25+s25+$0x0], $0xffff;
	v25 =	vadd.s32 s13, v8  }
0x5e3: {  	v18 =	vadd.f32 v19, v18;
	v21 =	vadd.f32 v21, v17  }
0x5e4: {  	v19 =	vld.idx.msk [tilespmem:v26+s25+$0x0], $0xffff;
	v22 =	vadd.s32 s13, v9  }
0x5e5: {  	v17 =	vld.idx.msk [tilespmem:v20+s25+$0x0], $0xffff;
	v18 =	vadd.f32 v16, v18;
	v26 =	vadd.f32 v24, v21  }
0x5e6: {  	v16 =	vld.idx.msk [tilespmem:v27+s25+$0x0], $0xffff;
	v21 =	vadd.s32 s13, v10  }
0x5e7: {  	s18 =	simm.s32 $0x1DD00;
	s0 =	simm.s32 $0x330;
	v20 =	vadd.s32 s13, v11;
	v24 =	vadd.f32 v23, v18;
	v18 =	vld.idx.msk [tilespmem:v25+s25+$0x0], $0xffff;
	v23 =	vsub.f32 $0.0e+00, v26  }
.LBB2_32:
0x5e8: {  	p2 =	sne.s32 s0, $0x440  }
0x5e9: {  	v19 =	vadd.f32 v19, v24;
	v22 =	vld.idx.msk [tilespmem:v22+s25+$0x0], $0xffff;
	s17 =	sadd.s32 $0x10, s17;
	s1 =	smov.u32 s0;
	s0 =	sadd.s32 $0x110, s0  }
0x5ea: {  	v24 =	vadd.s32 s13, v12;
	v23 =	vmul.f32 $1.442695020e+00, v23;
	v25 =	vpop (erf)  }
0x5eb: {  	v26 =	vadd.s32 s1, v0;
	v27 =	vadd.s32 s1, v1;
	v17 =	vadd.f32 v17, v19;
	v19 =	vld.idx.msk [tilespmem:v21+s25+$0x0], $0xffff;
	[tilespmem:s18+$0x0] =	vst v25;
	s18 =	smov.u32 s17  }
0x5ec: {  	v21 =	vadd.s32 s13, v13;
	(erf) = vpow2.f32 v23  }
0x5ed: {  	v23 =	vadd.s32 s1, v2;
	v16 =	vadd.f32 v16, v17;
	v17 =	vld.idx.msk [tilespmem:v20+s25+$0x0], $0xffff;
	_ =	sdelay $0x1  }
0x5ee: {  	v20 =	vadd.s32 s1, v3;
	v16 =	vadd.f32 v18, v16;
	v18 =	vld.idx.msk [tilespmem:v24+s25+$0x0], $0xffff;
	v24 =	vadd.s32 s13, v14  }
0x5ef: {  	v25 =	vld.idx.msk [tilespmem:v26+s25+$0x0], $0xffff  }
0x5f0: {  	v26 =	vadd.s32 s1, v4;
	v16 =	vadd.f32 v22, v16;
	v21 =	vld.idx.msk [tilespmem:v21+s25+$0x0], $0xffff;
	v22 =	vadd.s32 s13, v15;
	s13 =	smov.u32 s1  }
0x5f1: {  	v27 =	vld.idx.msk [tilespmem:v27+s25+$0x0], $0xffff  }
0x5f2: {  	v28 =	vadd.s32 s13, v5;
	v23 =	vld.idx.msk [tilespmem:v23+s25+$0x0], $0xffff;
	v16 =	vadd.f32 v19, v16  }
0x5f3: {  	v24 =	vld.idx.msk [tilespmem:v24+s25+$0x0], $0xffff  }
0x5f4: {  	v29 =	vadd.s32 s13, v6;
	v20 =	vld.idx.msk [tilespmem:v20+s25+$0x0], $0xffff;
	v16 =	vadd.f32 v17, v16;
	v17 =	vpop (erf)  }
0x5f5: {  	v30 =	vld.idx.msk [tilespmem:v22+s25+$0x0], $0xffff;
	v17 =	vadd.f32 $1.000000000e+00, v17  }
0x5f6: {  	v31 =	vadd.s32 s13, v7;
	v26 =	vld.idx.msk [tilespmem:v26+s25+$0x0], $0xffff;
	v16 =	vadd.f32 v18, v16  }
0x5f7: {  	v18 =	vadd.f32 v27, v25;
	v19 =	vld.idx.msk [tilespmem:v28+s25+$0x0], $0xffff;
	(erf) = vrcp.f32 v17  }
0x5f8: {  	v25 =	vadd.s32 s13, v8;
	v16 =	vadd.f32 v21, v16  }
0x5f9: {  	v18 =	vadd.f32 v23, v18;
	v17 =	vld.idx.msk [tilespmem:v29+s25+$0x0], $0xffff  }
.Ltmp15:
0x5fa: {  	v22 =	vadd.s32 s13, v9;
	v23 =	vadd.f32 v24, v16;
	(pc) =	sbr.rel @p2 .LBB2_32-.Ltmp15, $4  }
0x5fb: {  	v18 =	vadd.f32 v20, v18;
	v16 =	vld.idx.msk [tilespmem:v31+s25+$0x0], $0xffff  }
0x5fc: {  	v21 =	vadd.s32 s13, v10;
	v23 =	vadd.f32 v30, v23  }
0x5fd: {  	v24 =	vadd.f32 v26, v18;
	v18 =	vld.idx.msk [tilespmem:v25+s25+$0x0], $0xffff  }
0x5fe: {  	v20 =	vadd.s32 s13, v11;
	v23 =	vsub.f32 $0.0e+00, v23  }
0x5ff: {  	_ = 	snop  }
0x600: {  	v19 =	vadd.f32 v19, v24;
	_ =	sdelay $0x1  }
0x601: {  	v17 =	vadd.f32 v17, v19  }
0x602: {  	v19 =	vld.idx.msk [tilespmem:v22+s25+$0x0], $0xffff  }
0x603: {  	v22 =	vadd.s32 s13, v12;
	v16 =	vadd.f32 v16, v17  }
0x604: {  	v17 =	vld.idx.msk [tilespmem:v21+s25+$0x0], $0xffff  }
0x605: {  	v21 =	vadd.s32 s13, v13;
	v16 =	vadd.f32 v18, v16  }
0x606: {  	v18 =	vld.idx.msk [tilespmem:v20+s25+$0x0], $0xffff  }
0x607: {  	v20 =	vadd.s32 s13, v14;
	v16 =	vadd.f32 v19, v16  }
0x608: {  	v19 =	vld.idx.msk [tilespmem:v22+s25+$0x0], $0xffff  }
0x609: {  	v22 =	vadd.s32 s13, v15;
	v16 =	vadd.f32 v17, v16  }
0x60a: {  	v21 =	vld.idx.msk [tilespmem:v21+s25+$0x0], $0xffff;
	v17 =	vmul.f32 $1.442695020e+00, v23  }
0x60b: {  	v16 =	vadd.f32 v18, v16  }
0x60c: {  	(erf) = vpow2.f32 v17;
	v17 =	vld.idx.msk [tilespmem:v20+s25+$0x0], $0xffff  }
0x60d: {  	v16 =	vadd.f32 v19, v16  }
0x60e: {  	v18 =	vld.idx.msk [tilespmem:v22+s25+$0x0], $0xffff  }
0x60f: {  	v16 =	vadd.f32 v21, v16;
	_ =	sdelay $0x1  }
0x610: {  	v16 =	vadd.f32 v17, v16;
	_ =	sdelay $0x1  }
0x611: {  	v16 =	vadd.f32 v18, v16  }
0x612: {  	v17 =	vpop (erf)  }
0x613: {  	v18 =	vpop (erf);
	v16 =	vsub.f32 $0.0e+00, v16  }
0x614: {  	v18 =	vadd.f32 $1.000000000e+00, v18  }
0x615: {  	v16 =	vmul.f32 $1.442695020e+00, v16  }
0x616: {  	(erf) = vrcp.f32 v18  }
0x617: {  	(erf) = vpow2.f32 v16;
	_ =	sdelay $0x7  }
0x618: {  	v16 =	vpop (erf)  }
0x619: {  	v18 =	vpop (erf)  }
0x61a: {  	v18 =	vadd.f32 $1.000000000e+00, v18;
	_ =	sdelay $0x1  }
0x61b: {  	(erf) = vrcp.f32 v18;
	_ =	sdelay $0x5  }
0x61c: {  	[tilespmem:s18+$0x0] =	vst v17  }
0x61d: {  	s1 =	rddreg [dreg:$0x8]  }
0x61e: {  	s0 =	sadd.s32 $0x10, s17;
	s1 =	sadd.s32 s15, s1  }
0x61f: {  	s21 =	sadd.s32 $0x10, s0;
	s13 =	rddreg [dreg:$0x4];
	s1 =	sshrl.u32 s1, $0x3;
	[tilespmem:s0+$0x0] =	vst v16;
	v16 =	vpop (erf)  }
0x620: {  	s17 =	simm.s32 $0x1DD00;
	s0 =	sadd.s32 s13, s1;
	[tilespmem:s21+$0x0] =	vst v16  }
0x621: {  	[hbm4b:s0+s7] =	stream.linear.scatter [tilespmem:s17], [sflag:$0xA], $0x50, $0x38;
	[tilespmem:$0x1E300] =	vst v63  }
0x622: {  	_ =	swait.ge [sflag:s12], $0x50  }
0x623: {  	[sflag:s12] =	ssyncset.done $0x0  }
0x624: {  	[sflag:s12] =	ssyncadd.s32 $0xFFFFFFB0  }
0x625: {  	_ =	swait.ge [sflag:s12], $0x50  }
0x626: {  	[sflag:s12] =	ssyncset.done $0x0  }
0x627: {  	s18 =	simm.s32 $0x13B80;
	s21 =	simm.s32 $0x18C80;
	[sflag:s12] =	ssyncadd.s32 $0xFFFFFFB0  }
0x628: {  	[tilespmem:s21], [sflag:$0x7] =	stream.indirect.gather [spmem:s6], $0x80, s18, s30, $0xb8;
	[tilespmem:$0x1E300] =	vst v63  }
0x629: {  	s1 =	simm.s32 $0x13C00;
	s13 =	simm.s32 $0x1B480  }
0x62a: {  	[tilespmem:s13], [sflag:$0x8] =	stream.indirect.gather [hbm4b:s3+s30], $0x80, s1, s30, $0xb8;
	[tilespmem:$0x1E300] =	vst v63  }
0x62b: {  	_ =	swait.ge [sflag:s22], $0x2800  }
0x62c: {  	[sflag:s22] =	ssyncset.done $0x0  }
0x62d: {  	[sflag:s22] =	ssyncadd.s32 $0xFFFFD800  }
0x62e: {  	_ =	swait.ge [sflag:s24], $0x2800  }
0x62f: {  	s0 =	sld [smem:$0x7FC];
	_ =	sdelay $0x2  }
0x630: {  	s0 =	sadd.s32 @!p1 s15, s0  }
0x631: {  	s17 =	simm.s32 @!p1 $0x13A80;
	[sflag:s24] =	ssyncset.done $0x0;
	s0 =	sshrl.u32 @!p1 s0, $0x3  }
0x632: {  	s13 =	simm.s32 @!p1 $0x0;
	[sflag:s24] =	ssyncadd.s32 $0xFFFFD800;
	s1 =	sadd.s32 @!p1 s11, s0  }
0x633: {  	[tilespmem:s17], [sflag:$0x3] =	stream.linear.gather @!p1 [hbm4b:s1+s13], $0x50, $0x38;
	[tilespmem:$0x1E300] =	vst v63  }
0x634: {  	s0 =	sadd.s32 @!p1 s31, s0;
	s1 =	simm.s32 @!p1 $0x13B00  }
0x635: {  	[tilespmem:s1], [sflag:$0x3] =	stream.linear.gather @!p1 [hbm4b:s0+s13], $0x50, $0x38;
	[tilespmem:$0x1E300] =	vst v63  }
0x636: {  	_ =	swait.ge [sflag:s14], $0x50  }
0x637: {  	[sflag:s14] =	ssyncset.done $0x0  }
0x638: {  	s17 =	simm.s32 $0x13D00;
	[sflag:s14] =	ssyncadd.s32 $0xFFFFFFB0  }
0x639: {  	s13 =	simm.s32 $0x16500;
	v16 =	vld [tilespmem:s17+$0x0]  }
0x63a: {  	v17 =	vld [tilespmem:s13+$0x0]  }
0x63b: {  	v18 =	vld [tilespmem:s17+$0x10]  }
0x63c: {  	v19 =	vld [tilespmem:s13+$0x10]  }
0x63d: {  	v20 =	vld [tilespmem:s17+$0x20]  }
0x63e: {  	v21 =	vld [tilespmem:s13+$0x20]  }
0x63f: {  	v22 =	vld [tilespmem:s17+$0x30]  }
0x640: {  	v23 =	vld [tilespmem:s13+$0x30]  }
0x641: {  	v57 =	vld [tilespmem:s17+$0x40]  }
0x642: {  	v25 =	vld [tilespmem:s13+$0x40]  }
0x643: {  	v26 =	vld [tilespmem:s17+$0x50]  }
0x644: {  	v27 =	vld [tilespmem:s13+$0x50]  }
0x645: {  	v28 =	vld [tilespmem:s17+$0x60]  }
0x646: {  	v29 =	vld [tilespmem:s13+$0x60]  }
0x647: {  	v58 =	vld [tilespmem:s17+$0xFFFFFFA0];
	v16 =	vmul.f32 v17, v16;
	v17 =	vmul.f32 v19, v18  }
0x648: {  	v18 =	vld [tilespmem:s17+$0x70]  }
0x649: {  	v16 =	vadd.f32 v17, v16;
	v17 =	vmul.f32 v21, v20;
	v20 =	vld [tilespmem:s13+$0xFFFFFF80]  }
0x64a: {  	v21 =	vld [tilespmem:s17+$0xFFFFFF90]  }
0x64b: {  	v16 =	vadd.f32 v17, v16;
	v17 =	vmul.f32 v23, v22;
	v22 =	vld [tilespmem:s13+$0xFFFFFF90]  }
0x64c: {  	v23 =	vld [tilespmem:s17+$0xFFFFFF80]  }
0x64d: {  	v19 =	vld [tilespmem:s13+$0x70];
	v16 =	vadd.f32 v17, v16;
	v17 =	vmul.f32 v25, v57  }
0x64e: {  	v59 =	vld [tilespmem:s13+$0xFFFFFFA0]  }
0x64f: {  	v60 =	vld [tilespmem:s17+$0xFFFFFFB0];
	v16 =	vadd.f32 v17, v16;
	v17 =	vmul.f32 v27, v26  }
0x650: {  	v61 =	vld [tilespmem:s13+$0xFFFFFFB0];
	v21 =	vmul.f32 v22, v21  }
0x651: {  	v62 =	vld [tilespmem:s17+$0xFFFFFFC0];
	v20 =	vmul.f32 v20, v23;
	v16 =	vadd.f32 v17, v16;
	v17 =	vmul.f32 v29, v28  }
0x652: {  	v18 =	vmul.f32 v19, v18;
	v23 =	vld [tilespmem:s13+$0xFFFFFFC0]  }
0x653: {  	v19 =	vld [tilespmem:s13+$0xFFFFFFD0];
	v20 =	vadd.f32 v21, v20;
	v21 =	vmul.f32 v59, v58;
	v22 =	vadd.f32 v17, v16  }
0x654: {  	v16 =	vld [tilespmem:s17+$0xFFFFFFD0]  }
0x655: {  	v63 =	vmul.f32 v61, v60;
	v17 =	vld [tilespmem:s17+$0xFFFFFFE0];
	v21 =	vadd.f32 v21, v20;
	v22 =	vadd.f32 v18, v22  }
0x656: {  	s21 =	simm.s32 $0x1DD80;
	v20 =	vld [tilespmem:s13+$0xFFFFFFE0]  }
0x657: {  	s18 =	rddreg [dreg:$0x13];
	v18 =	vld [tilespmem:s17+$0xFFFFFFF0];
	v23 =	vmul.f32 v23, v62;
	[tilespmem:s21+$0x11] =	vst v22;
	v22 =	vadd.f32 v63, v21  }
0x658: {  	s31 =	simm.s32 $0x13E00;
	s0 =	simm.s32 $0x0;
	s17 =	sadd.s32 s15, s18;
	v21 =	vld [tilespmem:s13+$0xFFFFFFF0]  }
.LBB2_34:
0x659: {  	v24 =	vld [tilespmem:s31+$0x0];
	v22 =	vadd.f32 v23, v22;
	v16 =	vmul.f32 v19, v16;
	s13 =	sadd.s32 $0x100, s13  }
0x65a: {  	v19 =	vld [tilespmem:s13+$0x0]  }
0x65b: {  	v23 =	vld [tilespmem:s31+$0x10];
	v16 =	vadd.f32 v16, v22;
	v17 =	vmul.f32 v20, v17  }
0x65c: {  	s0 =	sadd.s32 $0x2, s0;
	v20 =	vld [tilespmem:s13+$0x10]  }
0x65d: {  	p2 =	slt.u32 s0, $0x4E;
	v22 =	vld [tilespmem:s31+$0x20];
	v16 =	vadd.f32 v17, v16;
	v17 =	vmul.f32 v21, v18  }
0x65e: {  	v18 =	vld [tilespmem:s13+$0x20]  }
0x65f: {  	v21 =	vld [tilespmem:s31+$0x30];
	v16 =	vadd.f32 v17, v16  }
0x660: {  	v17 =	vld [tilespmem:s13+$0x30]  }
0x661: {  	v19 =	vmul.f32 v19, v24;
	v20 =	vmul.f32 v20, v23;
	v23 =	vld [tilespmem:s31+$0x40];
	[tilespmem:s21+$0x0] =	vst v16  }
0x662: {  	v16 =	vld [tilespmem:s13+$0x40]  }
0x663: {  	v19 =	vadd.f32 v20, v19;
	v18 =	vmul.f32 v18, v22;
	v20 =	vld [tilespmem:s31+$0x50]  }
0x664: {  	v22 =	vld [tilespmem:s13+$0x50]  }
0x665: {  	v18 =	vadd.f32 v18, v19;
	v17 =	vmul.f32 v17, v21;
	v19 =	vld [tilespmem:s31+$0x60]  }
0x666: {  	v21 =	vld [tilespmem:s13+$0x60]  }
0x667: {  	v17 =	vadd.f32 v17, v18;
	v16 =	vmul.f32 v16, v23;
	v18 =	vld [tilespmem:s31+$0x70]  }
0x668: {  	v23 =	vld [tilespmem:s13+$0x70]  }
0x669: {  	v24 =	vld [tilespmem:s13+$0xFFFFFF80];
	v16 =	vadd.f32 v16, v17;
	v17 =	vmul.f32 v22, v20  }
0x66a: {  	v20 =	vld [tilespmem:s31+$0xFFFFFF90]  }
0x66b: {  	v22 =	vld [tilespmem:s13+$0xFFFFFF90];
	v16 =	vadd.f32 v17, v16;
	v17 =	vmul.f32 v21, v19  }
0x66c: {  	v19 =	vld [tilespmem:s31+$0xFFFFFF80]  }
0x66d: {  	v21 =	vld [tilespmem:s31+$0xFFFFFFA0];
	v16 =	vadd.f32 v17, v16;
	v17 =	vmul.f32 v23, v18  }
0x66e: {  	v18 =	vld [tilespmem:s13+$0xFFFFFFA0]  }
0x66f: {  	v23 =	vld [tilespmem:s31+$0xFFFFFFB0];
	v16 =	vadd.f32 v17, v16  }
0x670: {  	s21 =	sadd.s32 $0x22, s21;
	v17 =	vmul.f32 v22, v20;
	v20 =	vld [tilespmem:s13+$0xFFFFFFB0]  }
0x671: {  	s1 =	simm.s32 $0x0;
	s18 =	simm.s32 $0x1DC80;
	v19 =	vmul.f32 v24, v19;
	v24 =	vld [tilespmem:s31+$0xFFFFFFC0];
	[tilespmem:s21+$0x11] =	vst v16  }
0x672: {  	v25 =	vld [tilespmem:s13+$0xFFFFFFC0]  }
0x673: {  	v17 =	vadd.f32 v17, v19;
	v18 =	vmul.f32 v18, v21;
	v16 =	vld [tilespmem:s31+$0xFFFFFFD0]  }
.Ltmp16:
0x674: {  	v19 =	vld [tilespmem:s13+$0xFFFFFFD0];
	(pc) =	sbr.rel @p2 .LBB2_34-.Ltmp16, $4  }
0x675: {  	v18 =	vadd.f32 v18, v17;
	v21 =	vmul.f32 v20, v23;
	v17 =	vld [tilespmem:s31+$0xFFFFFFE0]  }
0x676: {  	v20 =	vld [tilespmem:s13+$0xFFFFFFE0]  }
0x677: {  	v22 =	vadd.f32 v21, v18;
	v23 =	vmul.f32 v25, v24;
	v18 =	vld [tilespmem:s31+$0xFFFFFFF0]  }
0x678: {  	s31 =	sadd.s32 $0x100, s31;
	v21 =	vld [tilespmem:s13+$0xFFFFFFF0]  }
0x679: {  	v22 =	vadd.f32 v23, v22;
	v16 =	vmul.f32 v19, v16;
	_ =	sdelay $0x1  }
0x67a: {  	v16 =	vadd.f32 v16, v22;
	v17 =	vmul.f32 v20, v17;
	_ =	sdelay $0x1  }
0x67b: {  	v16 =	vadd.f32 v17, v16;
	v17 =	vmul.f32 v21, v18;
	v18 =	vadd.s32 s1, v0  }
0x67c: {  	v19 =	vadd.s32 s1, v1  }
0x67d: {  	v16 =	vadd.f32 v17, v16  }
0x67e: {  	v17 =	vadd.s32 s1, v2  }
0x67f: {  	[tilespmem:s21+$0x0] =	vst v16  }
0x680: {  	v16 =	vadd.s32 s1, v3;
	v18 =	vld.idx.msk [tilespmem:v18+s25+$0x0], $0xffff  }
0x681: {  	v19 =	vld.idx.msk [tilespmem:v19+s25+$0x0], $0xffff  }
0x682: {  	v20 =	vadd.s32 s1, v4  }
0x683: {  	v17 =	vld.idx.msk [tilespmem:v17+s25+$0x0], $0xffff  }
0x684: {  	v21 =	vadd.s32 s1, v5  }
0x685: {  	v16 =	vld.idx.msk [tilespmem:v16+s25+$0x0], $0xffff  }
0x686: {  	v22 =	vadd.s32 s1, v6;
	v18 =	vadd.f32 v19, v18  }
0x687: {  	v19 =	vld.idx.msk [tilespmem:v20+s25+$0x0], $0xffff  }
0x688: {  	v20 =	vadd.s32 s1, v7;
	v17 =	vadd.f32 v17, v18  }
0x689: {  	v18 =	vld.idx.msk [tilespmem:v21+s25+$0x0], $0xffff  }
0x68a: {  	v21 =	vadd.s32 s1, v8;
	v16 =	vadd.f32 v16, v17  }
0x68b: {  	s0 =	simm.s32 $0x110;
	v17 =	vld.idx.msk [tilespmem:v22+s25+$0x0], $0xffff;
	v22 =	vadd.s32 s1, v9  }
0x68c: {  	v16 =	vadd.f32 v19, v16;
	v19 =	vadd.s32 s0, v0  }
0x68d: {  	v23 =	vadd.s32 s0, v1;
	v20 =	vld.idx.msk [tilespmem:v20+s25+$0x0], $0xffff  }
0x68e: {  	v24 =	vadd.s32 s1, v10;
	v16 =	vadd.f32 v18, v16  }
0x68f: {  	v18 =	vld.idx.msk [tilespmem:v21+s25+$0x0], $0xffff;
	v21 =	vadd.s32 s0, v2  }
0x690: {  	v25 =	vadd.s32 s1, v11;
	v22 =	vld.idx.msk [tilespmem:v22+s25+$0x0], $0xffff;
	v16 =	vadd.f32 v17, v16  }
0x691: {  	v17 =	vadd.s32 s0, v3;
	v19 =	vld.idx.msk [tilespmem:v19+s25+$0x0], $0xffff  }
0x692: {  	v26 =	vadd.s32 s1, v12;
	v16 =	vadd.f32 v20, v16;
	v20 =	vld.idx.msk [tilespmem:v23+s25+$0x0], $0xffff  }
0x693: {  	v23 =	vld.idx.msk [tilespmem:v24+s25+$0x0], $0xffff;
	v24 =	vadd.s32 s0, v4  }
0x694: {  	v27 =	vadd.s32 s1, v13;
	v16 =	vadd.f32 v18, v16;
	v18 =	vld.idx.msk [tilespmem:v21+s25+$0x0], $0xffff  }
0x695: {  	v21 =	vld.idx.msk [tilespmem:v25+s25+$0x0], $0xffff  }
0x696: {  	v28 =	vadd.s32 s1, v14;
	v17 =	vld.idx.msk [tilespmem:v17+s25+$0x0], $0xffff;
	v16 =	vadd.f32 v22, v16  }
0x697: {  	v25 =	vadd.s32 s0, v5;
	v22 =	vld.idx.msk [tilespmem:v26+s25+$0x0], $0xffff  }
0x698: {  	v19 =	vadd.f32 v20, v19;
	v20 =	vadd.s32 s1, v15;
	v16 =	vadd.f32 v23, v16;
	v23 =	vld.idx.msk [tilespmem:v24+s25+$0x0], $0xffff  }
0x699: {  	v26 =	vadd.s32 s0, v6;
	v24 =	vld.idx.msk [tilespmem:v27+s25+$0x0], $0xffff  }
0x69a: {  	v16 =	vadd.f32 v21, v16  }
0x69b: {  	v27 =	vadd.s32 s0, v7;
	v18 =	vadd.f32 v18, v19;
	v21 =	vld.idx.msk [tilespmem:v28+s25+$0x0], $0xffff  }
0x69c: {  	v19 =	vld.idx.msk [tilespmem:v25+s25+$0x0], $0xffff;
	v16 =	vadd.f32 v22, v16  }
0x69d: {  	v25 =	vadd.s32 s0, v8;
	v17 =	vadd.f32 v17, v18;
	v20 =	vld.idx.msk [tilespmem:v20+s25+$0x0], $0xffff  }
0x69e: {  	v18 =	vld.idx.msk [tilespmem:v26+s25+$0x0], $0xffff;
	v16 =	vadd.f32 v24, v16  }
0x69f: {  	v22 =	vadd.s32 s0, v9;
	v17 =	vadd.f32 v23, v17  }
0x6a0: {  	v23 =	vld.idx.msk [tilespmem:v27+s25+$0x0], $0xffff;
	v16 =	vadd.f32 v21, v16  }
0x6a1: {  	v24 =	vadd.s32 s0, v10;
	v17 =	vadd.f32 v19, v17  }
0x6a2: {  	v19 =	vld.idx.msk [tilespmem:v25+s25+$0x0], $0xffff;
	v16 =	vadd.f32 v20, v16  }
0x6a3: {  	v21 =	vadd.s32 s0, v11;
	v17 =	vadd.f32 v18, v17  }
0x6a4: {  	v18 =	vld.idx.msk [tilespmem:v22+s25+$0x0], $0xffff;
	v16 =	vsub.f32 $0.0e+00, v16  }
0x6a5: {  	s13 =	simm.s32 $0x220;
	v20 =	vadd.s32 s0, v12;
	v17 =	vadd.f32 v23, v17  }
0x6a6: {  	v22 =	vadd.s32 s13, v0;
	v23 =	vld.idx.msk [tilespmem:v24+s25+$0x0], $0xffff;
	v16 =	vmul.f32 $1.442695020e+00, v16  }
0x6a7: {  	v24 =	vadd.s32 s0, v13;
	v17 =	vadd.f32 v19, v17  }
0x6a8: {  	v21 =	vld.idx.msk [tilespmem:v21+s25+$0x0], $0xffff;
	(erf) = vpow2.f32 v16  }
0x6a9: {  	v17 =	vadd.f32 v18, v17  }
0x6aa: {  	v25 =	vadd.s32 s13, v1;
	v20 =	vld.idx.msk [tilespmem:v20+s25+$0x0], $0xffff  }
0x6ab: {  	v19 =	vadd.s32 s13, v2;
	v18 =	vld.idx.msk [tilespmem:v22+s25+$0x0], $0xffff;
	v17 =	vadd.f32 v23, v17  }
0x6ac: {  	v26 =	vadd.s32 s0, v14;
	v22 =	vld.idx.msk [tilespmem:v24+s25+$0x0], $0xffff  }
0x6ad: {  	v16 =	vadd.s32 s13, v3;
	v17 =	vadd.f32 v21, v17  }
0x6ae: {  	v24 =	vadd.s32 s0, v15  }
0x6af: {  	v23 =	vld.idx.msk [tilespmem:v25+s25+$0x0], $0xffff;
	v17 =	vadd.f32 v20, v17  }
0x6b0: {  	v25 =	vadd.s32 s13, v4;
	v19 =	vld.idx.msk [tilespmem:v19+s25+$0x0], $0xffff  }
0x6b1: {  	v21 =	vld.idx.msk [tilespmem:v26+s25+$0x0], $0xffff;
	v17 =	vadd.f32 v22, v17;
	v22 =	vpop (erf)  }
0x6b2: {  	v26 =	vadd.s32 s13, v5;
	v16 =	vld.idx.msk [tilespmem:v16+s25+$0x0], $0xffff;
	v22 =	vadd.f32 $1.000000000e+00, v22  }
0x6b3: {  	v20 =	vadd.s32 s13, v6;
	v24 =	vld.idx.msk [tilespmem:v24+s25+$0x0], $0xffff  }
0x6b4: {  	v27 =	vadd.s32 s13, v7;
	v18 =	vadd.f32 v23, v18;
	(erf) = vrcp.f32 v22  }
0x6b5: {  	v23 =	vld.idx.msk [tilespmem:v25+s25+$0x0], $0xffff;
	v25 =	vadd.s32 s13, v8  }
0x6b6: {  	v18 =	vadd.f32 v19, v18;
	v21 =	vadd.f32 v21, v17  }
0x6b7: {  	v19 =	vld.idx.msk [tilespmem:v26+s25+$0x0], $0xffff;
	v22 =	vadd.s32 s13, v9  }
0x6b8: {  	v17 =	vld.idx.msk [tilespmem:v20+s25+$0x0], $0xffff;
	v18 =	vadd.f32 v16, v18;
	v26 =	vadd.f32 v24, v21  }
0x6b9: {  	v16 =	vld.idx.msk [tilespmem:v27+s25+$0x0], $0xffff;
	v21 =	vadd.s32 s13, v10  }
0x6ba: {  	s21 =	simm.s32 $0x1DC80;
	s0 =	simm.s32 $0x330;
	v20 =	vadd.s32 s13, v11;
	v24 =	vadd.f32 v23, v18;
	v18 =	vld.idx.msk [tilespmem:v25+s25+$0x0], $0xffff;
	v23 =	vsub.f32 $0.0e+00, v26  }
.LBB2_36:
0x6bb: {  	p2 =	sne.s32 s0, $0x440  }
0x6bc: {  	v19 =	vadd.f32 v19, v24;
	v22 =	vld.idx.msk [tilespmem:v22+s25+$0x0], $0xffff;
	s18 =	sadd.s32 $0x10, s18;
	s1 =	smov.u32 s0;
	s0 =	sadd.s32 $0x110, s0  }
0x6bd: {  	v24 =	vadd.s32 s13, v12;
	v23 =	vmul.f32 $1.442695020e+00, v23;
	v25 =	vpop (erf)  }
0x6be: {  	v26 =	vadd.s32 s1, v0;
	v27 =	vadd.s32 s1, v1;
	v17 =	vadd.f32 v17, v19;
	v19 =	vld.idx.msk [tilespmem:v21+s25+$0x0], $0xffff;
	[tilespmem:s21+$0x0] =	vst v25;
	s21 =	smov.u32 s18  }
0x6bf: {  	v21 =	vadd.s32 s13, v13;
	(erf) = vpow2.f32 v23  }
0x6c0: {  	v23 =	vadd.s32 s1, v2;
	v16 =	vadd.f32 v16, v17;
	v17 =	vld.idx.msk [tilespmem:v20+s25+$0x0], $0xffff;
	_ =	sdelay $0x1  }
0x6c1: {  	v20 =	vadd.s32 s1, v3;
	v16 =	vadd.f32 v18, v16;
	v18 =	vld.idx.msk [tilespmem:v24+s25+$0x0], $0xffff;
	v24 =	vadd.s32 s13, v14  }
0x6c2: {  	v25 =	vld.idx.msk [tilespmem:v26+s25+$0x0], $0xffff  }
0x6c3: {  	v26 =	vadd.s32 s1, v4;
	v16 =	vadd.f32 v22, v16;
	v21 =	vld.idx.msk [tilespmem:v21+s25+$0x0], $0xffff;
	v22 =	vadd.s32 s13, v15;
	s13 =	smov.u32 s1  }
0x6c4: {  	v27 =	vld.idx.msk [tilespmem:v27+s25+$0x0], $0xffff  }
0x6c5: {  	v28 =	vadd.s32 s13, v5;
	v23 =	vld.idx.msk [tilespmem:v23+s25+$0x0], $0xffff;
	v16 =	vadd.f32 v19, v16  }
0x6c6: {  	v24 =	vld.idx.msk [tilespmem:v24+s25+$0x0], $0xffff  }
0x6c7: {  	v29 =	vadd.s32 s13, v6;
	v20 =	vld.idx.msk [tilespmem:v20+s25+$0x0], $0xffff;
	v16 =	vadd.f32 v17, v16;
	v17 =	vpop (erf)  }
0x6c8: {  	v30 =	vld.idx.msk [tilespmem:v22+s25+$0x0], $0xffff;
	v17 =	vadd.f32 $1.000000000e+00, v17  }
0x6c9: {  	v31 =	vadd.s32 s13, v7;
	v26 =	vld.idx.msk [tilespmem:v26+s25+$0x0], $0xffff;
	v16 =	vadd.f32 v18, v16  }
0x6ca: {  	v18 =	vadd.f32 v27, v25;
	v19 =	vld.idx.msk [tilespmem:v28+s25+$0x0], $0xffff;
	(erf) = vrcp.f32 v17  }
0x6cb: {  	v25 =	vadd.s32 s13, v8;
	v16 =	vadd.f32 v21, v16  }
0x6cc: {  	v18 =	vadd.f32 v23, v18;
	v17 =	vld.idx.msk [tilespmem:v29+s25+$0x0], $0xffff  }
.Ltmp17:
0x6cd: {  	v22 =	vadd.s32 s13, v9;
	v23 =	vadd.f32 v24, v16;
	(pc) =	sbr.rel @p2 .LBB2_36-.Ltmp17, $4  }
0x6ce: {  	v18 =	vadd.f32 v20, v18;
	v16 =	vld.idx.msk [tilespmem:v31+s25+$0x0], $0xffff  }
0x6cf: {  	v21 =	vadd.s32 s13, v10;
	v23 =	vadd.f32 v30, v23  }
0x6d0: {  	v24 =	vadd.f32 v26, v18;
	v18 =	vld.idx.msk [tilespmem:v25+s25+$0x0], $0xffff  }
0x6d1: {  	v20 =	vadd.s32 s13, v11;
	v23 =	vsub.f32 $0.0e+00, v23  }
0x6d2: {  	_ = 	snop  }
0x6d3: {  	v19 =	vadd.f32 v19, v24;
	_ =	sdelay $0x1  }
0x6d4: {  	v17 =	vadd.f32 v17, v19  }
0x6d5: {  	v19 =	vld.idx.msk [tilespmem:v22+s25+$0x0], $0xffff  }
0x6d6: {  	v22 =	vadd.s32 s13, v12;
	v16 =	vadd.f32 v16, v17  }
0x6d7: {  	v17 =	vld.idx.msk [tilespmem:v21+s25+$0x0], $0xffff  }
0x6d8: {  	v21 =	vadd.s32 s13, v13;
	v16 =	vadd.f32 v18, v16  }
0x6d9: {  	v18 =	vld.idx.msk [tilespmem:v20+s25+$0x0], $0xffff  }
0x6da: {  	v20 =	vadd.s32 s13, v14;
	v16 =	vadd.f32 v19, v16  }
0x6db: {  	v19 =	vld.idx.msk [tilespmem:v22+s25+$0x0], $0xffff  }
0x6dc: {  	v22 =	vadd.s32 s13, v15;
	v16 =	vadd.f32 v17, v16  }
0x6dd: {  	v21 =	vld.idx.msk [tilespmem:v21+s25+$0x0], $0xffff;
	v17 =	vmul.f32 $1.442695020e+00, v23  }
0x6de: {  	v16 =	vadd.f32 v18, v16  }
0x6df: {  	(erf) = vpow2.f32 v17;
	v17 =	vld.idx.msk [tilespmem:v20+s25+$0x0], $0xffff  }
0x6e0: {  	v16 =	vadd.f32 v19, v16  }
0x6e1: {  	v18 =	vld.idx.msk [tilespmem:v22+s25+$0x0], $0xffff  }
0x6e2: {  	v16 =	vadd.f32 v21, v16;
	_ =	sdelay $0x1  }
0x6e3: {  	v16 =	vadd.f32 v17, v16;
	_ =	sdelay $0x1  }
0x6e4: {  	v16 =	vadd.f32 v18, v16  }
0x6e5: {  	v17 =	vpop (erf)  }
0x6e6: {  	v18 =	vpop (erf);
	v16 =	vsub.f32 $0.0e+00, v16  }
0x6e7: {  	v18 =	vadd.f32 $1.000000000e+00, v18  }
0x6e8: {  	v16 =	vmul.f32 $1.442695020e+00, v16  }
0x6e9: {  	(erf) = vrcp.f32 v18  }
0x6ea: {  	(erf) = vpow2.f32 v16;
	_ =	sdelay $0x7  }
0x6eb: {  	v16 =	vpop (erf)  }
0x6ec: {  	v18 =	vpop (erf)  }
0x6ed: {  	v18 =	vadd.f32 $1.000000000e+00, v18;
	_ =	sdelay $0x1  }
0x6ee: {  	(erf) = vrcp.f32 v18;
	_ =	sdelay $0x7  }
0x6ef: {  	s0 =	sadd.s32 $0x10, s18;
	[tilespmem:s21+$0x0] =	vst v17  }
0x6f0: {  	s18 =	sshrl.u32 s16, $0x3;
	s1 =	sadd.s32 $0x10, s0;
	s21 =	rddreg [dreg:$0x4];
	[tilespmem:s0+$0x0] =	vst v16;
	v16 =	vpop (erf)  }
0x6f1: {  	s13 =	simm.s32 $0x1DC80;
	s0 =	sadd.s32 s21, s18;
	[tilespmem:s1+$0x0] =	vst v16  }
0x6f2: {  	[hbm4b:s0+s7] =	stream.linear.scatter [tilespmem:s13], [sflag:$0x9], $0x50, $0x38;
	[tilespmem:$0x1E300] =	vst v63  }
0x6f3: {  	_ =	swait.ge [sflag:s29], $0x50  }
0x6f4: {  	[sflag:s29] =	ssyncset.done $0x0  }
0x6f5: {  	[sflag:s29] =	ssyncadd.s32 $0xFFFFFFB0  }
0x6f6: {  	_ =	swait.ge [sflag:s29], $0x50  }
0x6f7: {  	[sflag:s29] =	ssyncset.done $0x0  }
0x6f8: {  	s16 =	simm.s32 $0x13C80;
	[sflag:s29] =	ssyncadd.s32 $0xFFFFFFB0  }
0x6f9: {  	[tilespmem:s16], [sflag:$0x5] =	stream.indirect.gather [spmem:s6], $0x80, s19, s30, $0xb8;
	[tilespmem:$0x1E300] =	vst v63  }
0x6fa: {  	s18 =	simm.s32 $0x16480  }
0x6fb: {  	[tilespmem:s18], [sflag:$0x6] =	stream.indirect.gather [hbm4b:s3+s30], $0x80, s20, s30, $0xb8;
	[tilespmem:$0x1E300] =	vst v63  }
0x6fc: {  	_ =	swait.ge [sflag:s4], $0x2800  }
0x6fd: {  	[sflag:s4] =	ssyncset.done $0x0  }
0x6fe: {  	[sflag:s4] =	ssyncadd.s32 $0xFFFFD800  }
0x6ff: {  	_ =	swait.ge [sflag:s5], $0x2800  }
0x700: {  	s0 =	sld [smem:$0x7FD];
	_ =	sdelay $0x2  }
0x701: {  	s0 =	sadd.s32 @!p1 s15, s0  }
0x702: {  	s13 =	simm.s32 @!p1 $0x0;
	[sflag:s5] =	ssyncset.done $0x0;
	s0 =	sshrl.u32 @!p1 s0, $0x3  }
0x703: {  	[sflag:s5] =	ssyncadd.s32 $0xFFFFD800;
	s15 =	simm.s32 @!p1 $0x13B80;
	s1 =	sadd.s32 @!p1 s11, s0  }
0x704: {  	[tilespmem:s15], [sflag:$0x4] =	stream.linear.gather @!p1 [hbm4b:s1+s13], $0x50, $0x38;
	[tilespmem:$0x1E300] =	vst v63  }
0x705: {  	s0 =	sadd.s32 @!p1 s26, s0;
	s1 =	simm.s32 @!p1 $0x13C00  }
0x706: {  	[tilespmem:s1], [sflag:$0x4] =	stream.linear.gather @!p1 [hbm4b:s0+s13], $0x50, $0x38;
	[tilespmem:$0x1E300] =	vst v63  }
0x707: {  	_ =	swait.ge [sflag:s9], $0x50  }
0x708: {  	[sflag:s9] =	ssyncset.done $0x0  }
0x709: {  	s21 =	simm.s32 $0x18D00;
	[sflag:s9] =	ssyncadd.s32 $0xFFFFFFB0  }
0x70a: {  	s13 =	simm.s32 $0x1B500;
	v16 =	vld [tilespmem:s21+$0x0]  }
0x70b: {  	v17 =	vld [tilespmem:s13+$0x0]  }
0x70c: {  	v18 =	vld [tilespmem:s21+$0x10]  }
0x70d: {  	v19 =	vld [tilespmem:s13+$0x10]  }
0x70e: {  	v20 =	vld [tilespmem:s21+$0x20]  }
0x70f: {  	v21 =	vld [tilespmem:s13+$0x20]  }
0x710: {  	v22 =	vld [tilespmem:s21+$0x30]  }
0x711: {  	v23 =	vld [tilespmem:s13+$0x30]  }
0x712: {  	v57 =	vld [tilespmem:s21+$0x40]  }
0x713: {  	v25 =	vld [tilespmem:s13+$0x40]  }
0x714: {  	v26 =	vld [tilespmem:s21+$0x50]  }
0x715: {  	v27 =	vld [tilespmem:s13+$0x50]  }
0x716: {  	v28 =	vld [tilespmem:s21+$0x60]  }
0x717: {  	v29 =	vld [tilespmem:s13+$0x60]  }
0x718: {  	v58 =	vld [tilespmem:s21+$0xFFFFFFA0];
	v16 =	vmul.f32 v17, v16;
	v17 =	vmul.f32 v19, v18  }
0x719: {  	v18 =	vld [tilespmem:s21+$0x70]  }
0x71a: {  	v16 =	vadd.f32 v17, v16;
	v17 =	vmul.f32 v21, v20;
	v20 =	vld [tilespmem:s13+$0xFFFFFF80]  }
0x71b: {  	v21 =	vld [tilespmem:s21+$0xFFFFFF90]  }
0x71c: {  	v16 =	vadd.f32 v17, v16;
	v17 =	vmul.f32 v23, v22;
	v22 =	vld [tilespmem:s13+$0xFFFFFF90]  }
0x71d: {  	v23 =	vld [tilespmem:s21+$0xFFFFFF80]  }
0x71e: {  	v19 =	vld [tilespmem:s13+$0x70];
	v16 =	vadd.f32 v17, v16;
	v17 =	vmul.f32 v25, v57  }
0x71f: {  	v59 =	vld [tilespmem:s13+$0xFFFFFFA0]  }
0x720: {  	v60 =	vld [tilespmem:s21+$0xFFFFFFB0];
	v16 =	vadd.f32 v17, v16;
	v17 =	vmul.f32 v27, v26  }
0x721: {  	v61 =	vld [tilespmem:s13+$0xFFFFFFB0];
	v21 =	vmul.f32 v22, v21  }
0x722: {  	v62 =	vld [tilespmem:s21+$0xFFFFFFC0];
	v20 =	vmul.f32 v20, v23;
	v16 =	vadd.f32 v17, v16;
	v17 =	vmul.f32 v29, v28  }
0x723: {  	v18 =	vmul.f32 v19, v18;
	v23 =	vld [tilespmem:s13+$0xFFFFFFC0]  }
0x724: {  	v19 =	vld [tilespmem:s13+$0xFFFFFFD0];
	v20 =	vadd.f32 v21, v20;
	v21 =	vmul.f32 v59, v58;
	v22 =	vadd.f32 v17, v16  }
0x725: {  	v16 =	vld [tilespmem:s21+$0xFFFFFFD0]  }
0x726: {  	v63 =	vmul.f32 v61, v60;
	v17 =	vld [tilespmem:s21+$0xFFFFFFE0];
	v21 =	vadd.f32 v21, v20;
	v22 =	vadd.f32 v18, v22  }
0x727: {  	s16 =	simm.s32 $0x1DD80;
	v20 =	vld [tilespmem:s13+$0xFFFFFFE0]  }
0x728: {  	v18 =	vld [tilespmem:s21+$0xFFFFFFF0];
	v23 =	vmul.f32 v23, v62;
	[tilespmem:s16+$0x11] =	vst v22;
	v22 =	vadd.f32 v63, v21  }
0x729: {  	s31 =	smov.u32 s26;
	s18 =	simm.s32 $0x18E00;
	s0 =	simm.s32 $0x0;
	v21 =	vld [tilespmem:s13+$0xFFFFFFF0]  }
.LBB2_38:
0x72a: {  	v24 =	vld [tilespmem:s18+$0x0];
	v22 =	vadd.f32 v23, v22;
	v16 =	vmul.f32 v19, v16;
	s13 =	sadd.s32 $0x100, s13  }
0x72b: {  	v19 =	vld [tilespmem:s13+$0x0]  }
0x72c: {  	v23 =	vld [tilespmem:s18+$0x10];
	v16 =	vadd.f32 v16, v22;
	v17 =	vmul.f32 v20, v17  }
0x72d: {  	s0 =	sadd.s32 $0x2, s0;
	v20 =	vld [tilespmem:s13+$0x10]  }
0x72e: {  	p2 =	slt.u32 s0, $0x4E;
	v22 =	vld [tilespmem:s18+$0x20];
	v16 =	vadd.f32 v17, v16;
	v17 =	vmul.f32 v21, v18  }
0x72f: {  	v18 =	vld [tilespmem:s13+$0x20]  }
0x730: {  	v21 =	vld [tilespmem:s18+$0x30];
	v16 =	vadd.f32 v17, v16  }
0x731: {  	v17 =	vld [tilespmem:s13+$0x30]  }
0x732: {  	v19 =	vmul.f32 v19, v24;
	v20 =	vmul.f32 v20, v23;
	v23 =	vld [tilespmem:s18+$0x40];
	[tilespmem:s16+$0x0] =	vst v16  }
0x733: {  	v16 =	vld [tilespmem:s13+$0x40]  }
0x734: {  	v19 =	vadd.f32 v20, v19;
	v18 =	vmul.f32 v18, v22;
	v20 =	vld [tilespmem:s18+$0x50]  }
0x735: {  	v22 =	vld [tilespmem:s13+$0x50]  }
0x736: {  	v18 =	vadd.f32 v18, v19;
	v17 =	vmul.f32 v17, v21;
	v19 =	vld [tilespmem:s18+$0x60]  }
0x737: {  	v21 =	vld [tilespmem:s13+$0x60]  }
0x738: {  	v17 =	vadd.f32 v17, v18;
	v16 =	vmul.f32 v16, v23;
	v18 =	vld [tilespmem:s18+$0x70]  }
0x739: {  	v23 =	vld [tilespmem:s13+$0x70]  }
0x73a: {  	v24 =	vld [tilespmem:s13+$0xFFFFFF80];
	v16 =	vadd.f32 v16, v17;
	v17 =	vmul.f32 v22, v20  }
0x73b: {  	v20 =	vld [tilespmem:s18+$0xFFFFFF90]  }
0x73c: {  	v22 =	vld [tilespmem:s13+$0xFFFFFF90];
	v16 =	vadd.f32 v17, v16;
	v17 =	vmul.f32 v21, v19  }
0x73d: {  	v19 =	vld [tilespmem:s18+$0xFFFFFF80]  }
0x73e: {  	v21 =	vld [tilespmem:s18+$0xFFFFFFA0];
	v16 =	vadd.f32 v17, v16;
	v17 =	vmul.f32 v23, v18  }
0x73f: {  	v18 =	vld [tilespmem:s13+$0xFFFFFFA0]  }
0x740: {  	v23 =	vld [tilespmem:s18+$0xFFFFFFB0];
	v16 =	vadd.f32 v17, v16  }
0x741: {  	s16 =	sadd.s32 $0x22, s16;
	v17 =	vmul.f32 v22, v20;
	v20 =	vld [tilespmem:s13+$0xFFFFFFB0]  }
0x742: {  	s1 =	simm.s32 $0x0;
	s15 =	simm.s32 $0x1DD00;
	v19 =	vmul.f32 v24, v19;
	v24 =	vld [tilespmem:s18+$0xFFFFFFC0];
	[tilespmem:s16+$0x11] =	vst v16  }
0x743: {  	v25 =	vld [tilespmem:s13+$0xFFFFFFC0]  }
0x744: {  	v17 =	vadd.f32 v17, v19;
	v18 =	vmul.f32 v18, v21;
	v16 =	vld [tilespmem:s18+$0xFFFFFFD0]  }
.Ltmp18:
0x745: {  	v19 =	vld [tilespmem:s13+$0xFFFFFFD0];
	(pc) =	sbr.rel @p2 .LBB2_38-.Ltmp18, $4  }
0x746: {  	v18 =	vadd.f32 v18, v17;
	v21 =	vmul.f32 v20, v23;
	v17 =	vld [tilespmem:s18+$0xFFFFFFE0]  }
0x747: {  	v20 =	vld [tilespmem:s13+$0xFFFFFFE0]  }
0x748: {  	v22 =	vadd.f32 v21, v18;
	v23 =	vmul.f32 v25, v24;
	v18 =	vld [tilespmem:s18+$0xFFFFFFF0]  }
0x749: {  	s18 =	sadd.s32 $0x100, s18;
	v21 =	vld [tilespmem:s13+$0xFFFFFFF0]  }
0x74a: {  	v22 =	vadd.f32 v23, v22;
	v16 =	vmul.f32 v19, v16;
	_ =	sdelay $0x1  }
0x74b: {  	v16 =	vadd.f32 v16, v22;
	v17 =	vmul.f32 v20, v17;
	_ =	sdelay $0x1  }
0x74c: {  	v16 =	vadd.f32 v17, v16;
	v17 =	vmul.f32 v21, v18;
	v18 =	vadd.s32 s1, v0  }
0x74d: {  	v19 =	vadd.s32 s1, v1  }
0x74e: {  	v16 =	vadd.f32 v17, v16  }
0x74f: {  	v17 =	vadd.s32 s1, v2  }
0x750: {  	[tilespmem:s16+$0x0] =	vst v16  }
0x751: {  	v16 =	vadd.s32 s1, v3;
	v18 =	vld.idx.msk [tilespmem:v18+s25+$0x0], $0xffff  }
0x752: {  	v19 =	vld.idx.msk [tilespmem:v19+s25+$0x0], $0xffff  }
0x753: {  	v20 =	vadd.s32 s1, v4  }
0x754: {  	v17 =	vld.idx.msk [tilespmem:v17+s25+$0x0], $0xffff  }
0x755: {  	v21 =	vadd.s32 s1, v5  }
0x756: {  	v16 =	vld.idx.msk [tilespmem:v16+s25+$0x0], $0xffff  }
0x757: {  	v22 =	vadd.s32 s1, v6;
	v18 =	vadd.f32 v19, v18  }
0x758: {  	v19 =	vld.idx.msk [tilespmem:v20+s25+$0x0], $0xffff  }
0x759: {  	v20 =	vadd.s32 s1, v7;
	v17 =	vadd.f32 v17, v18  }
0x75a: {  	v18 =	vld.idx.msk [tilespmem:v21+s25+$0x0], $0xffff  }
0x75b: {  	v21 =	vadd.s32 s1, v8;
	v16 =	vadd.f32 v16, v17  }
0x75c: {  	s0 =	simm.s32 $0x110;
	v17 =	vld.idx.msk [tilespmem:v22+s25+$0x0], $0xffff;
	v22 =	vadd.s32 s1, v9  }
0x75d: {  	v16 =	vadd.f32 v19, v16;
	v19 =	vadd.s32 s0, v0  }
0x75e: {  	v23 =	vadd.s32 s0, v1;
	v20 =	vld.idx.msk [tilespmem:v20+s25+$0x0], $0xffff  }
0x75f: {  	v24 =	vadd.s32 s1, v10;
	v16 =	vadd.f32 v18, v16  }
0x760: {  	v18 =	vld.idx.msk [tilespmem:v21+s25+$0x0], $0xffff;
	v21 =	vadd.s32 s0, v2  }
0x761: {  	v25 =	vadd.s32 s1, v11;
	v22 =	vld.idx.msk [tilespmem:v22+s25+$0x0], $0xffff;
	v16 =	vadd.f32 v17, v16  }
0x762: {  	v17 =	vadd.s32 s0, v3;
	v19 =	vld.idx.msk [tilespmem:v19+s25+$0x0], $0xffff  }
0x763: {  	v26 =	vadd.s32 s1, v12;
	v16 =	vadd.f32 v20, v16;
	v20 =	vld.idx.msk [tilespmem:v23+s25+$0x0], $0xffff  }
0x764: {  	v23 =	vld.idx.msk [tilespmem:v24+s25+$0x0], $0xffff;
	v24 =	vadd.s32 s0, v4  }
0x765: {  	v27 =	vadd.s32 s1, v13;
	v16 =	vadd.f32 v18, v16;
	v18 =	vld.idx.msk [tilespmem:v21+s25+$0x0], $0xffff  }
0x766: {  	v21 =	vld.idx.msk [tilespmem:v25+s25+$0x0], $0xffff  }
0x767: {  	v28 =	vadd.s32 s1, v14;
	v17 =	vld.idx.msk [tilespmem:v17+s25+$0x0], $0xffff;
	v16 =	vadd.f32 v22, v16  }
0x768: {  	v25 =	vadd.s32 s0, v5;
	v22 =	vld.idx.msk [tilespmem:v26+s25+$0x0], $0xffff  }
0x769: {  	v19 =	vadd.f32 v20, v19;
	v20 =	vadd.s32 s1, v15;
	v16 =	vadd.f32 v23, v16;
	v23 =	vld.idx.msk [tilespmem:v24+s25+$0x0], $0xffff  }
0x76a: {  	v26 =	vadd.s32 s0, v6;
	v24 =	vld.idx.msk [tilespmem:v27+s25+$0x0], $0xffff  }
0x76b: {  	v16 =	vadd.f32 v21, v16  }
0x76c: {  	v27 =	vadd.s32 s0, v7;
	v18 =	vadd.f32 v18, v19;
	v21 =	vld.idx.msk [tilespmem:v28+s25+$0x0], $0xffff  }
0x76d: {  	v19 =	vld.idx.msk [tilespmem:v25+s25+$0x0], $0xffff;
	v16 =	vadd.f32 v22, v16  }
0x76e: {  	v25 =	vadd.s32 s0, v8;
	v17 =	vadd.f32 v17, v18;
	v20 =	vld.idx.msk [tilespmem:v20+s25+$0x0], $0xffff  }
0x76f: {  	v18 =	vld.idx.msk [tilespmem:v26+s25+$0x0], $0xffff;
	v16 =	vadd.f32 v24, v16  }
0x770: {  	v22 =	vadd.s32 s0, v9;
	v17 =	vadd.f32 v23, v17  }
0x771: {  	v23 =	vld.idx.msk [tilespmem:v27+s25+$0x0], $0xffff;
	v16 =	vadd.f32 v21, v16  }
0x772: {  	v24 =	vadd.s32 s0, v10;
	v17 =	vadd.f32 v19, v17  }
0x773: {  	v19 =	vld.idx.msk [tilespmem:v25+s25+$0x0], $0xffff;
	v16 =	vadd.f32 v20, v16  }
0x774: {  	v21 =	vadd.s32 s0, v11;
	v17 =	vadd.f32 v18, v17  }
0x775: {  	v18 =	vld.idx.msk [tilespmem:v22+s25+$0x0], $0xffff;
	v16 =	vsub.f32 $0.0e+00, v16  }
0x776: {  	s13 =	simm.s32 $0x220;
	v20 =	vadd.s32 s0, v12;
	v17 =	vadd.f32 v23, v17  }
0x777: {  	v22 =	vadd.s32 s13, v0;
	v23 =	vld.idx.msk [tilespmem:v24+s25+$0x0], $0xffff;
	v16 =	vmul.f32 $1.442695020e+00, v16  }
0x778: {  	v24 =	vadd.s32 s0, v13;
	v17 =	vadd.f32 v19, v17  }
0x779: {  	v21 =	vld.idx.msk [tilespmem:v21+s25+$0x0], $0xffff;
	(erf) = vpow2.f32 v16  }
0x77a: {  	v17 =	vadd.f32 v18, v17  }
0x77b: {  	v25 =	vadd.s32 s13, v1;
	v20 =	vld.idx.msk [tilespmem:v20+s25+$0x0], $0xffff  }
0x77c: {  	v19 =	vadd.s32 s13, v2;
	v18 =	vld.idx.msk [tilespmem:v22+s25+$0x0], $0xffff;
	v17 =	vadd.f32 v23, v17  }
0x77d: {  	v26 =	vadd.s32 s0, v14;
	v22 =	vld.idx.msk [tilespmem:v24+s25+$0x0], $0xffff  }
0x77e: {  	v16 =	vadd.s32 s13, v3;
	v17 =	vadd.f32 v21, v17  }
0x77f: {  	v24 =	vadd.s32 s0, v15  }
0x780: {  	v23 =	vld.idx.msk [tilespmem:v25+s25+$0x0], $0xffff;
	v17 =	vadd.f32 v20, v17  }
0x781: {  	v25 =	vadd.s32 s13, v4;
	v19 =	vld.idx.msk [tilespmem:v19+s25+$0x0], $0xffff  }
0x782: {  	v21 =	vld.idx.msk [tilespmem:v26+s25+$0x0], $0xffff;
	v17 =	vadd.f32 v22, v17;
	v22 =	vpop (erf)  }
0x783: {  	v26 =	vadd.s32 s13, v5;
	v16 =	vld.idx.msk [tilespmem:v16+s25+$0x0], $0xffff;
	v22 =	vadd.f32 $1.000000000e+00, v22  }
0x784: {  	v20 =	vadd.s32 s13, v6;
	v24 =	vld.idx.msk [tilespmem:v24+s25+$0x0], $0xffff  }
0x785: {  	v27 =	vadd.s32 s13, v7;
	v18 =	vadd.f32 v23, v18;
	(erf) = vrcp.f32 v22  }
0x786: {  	v23 =	vld.idx.msk [tilespmem:v25+s25+$0x0], $0xffff;
	v25 =	vadd.s32 s13, v8  }
0x787: {  	v18 =	vadd.f32 v19, v18;
	v21 =	vadd.f32 v21, v17  }
0x788: {  	v19 =	vld.idx.msk [tilespmem:v26+s25+$0x0], $0xffff;
	v22 =	vadd.s32 s13, v9  }
0x789: {  	v17 =	vld.idx.msk [tilespmem:v20+s25+$0x0], $0xffff;
	v18 =	vadd.f32 v16, v18;
	v26 =	vadd.f32 v24, v21  }
0x78a: {  	v16 =	vld.idx.msk [tilespmem:v27+s25+$0x0], $0xffff;
	v21 =	vadd.s32 s13, v10  }
0x78b: {  	s16 =	simm.s32 $0x1DD00;
	s0 =	simm.s32 $0x330;
	v20 =	vadd.s32 s13, v11;
	v24 =	vadd.f32 v23, v18;
	v18 =	vld.idx.msk [tilespmem:v25+s25+$0x0], $0xffff;
	v23 =	vsub.f32 $0.0e+00, v26  }
.LBB2_40:
0x78c: {  	p2 =	sne.s32 s0, $0x440  }
0x78d: {  	v19 =	vadd.f32 v19, v24;
	v22 =	vld.idx.msk [tilespmem:v22+s25+$0x0], $0xffff;
	s15 =	sadd.s32 $0x10, s15;
	s1 =	smov.u32 s0;
	s0 =	sadd.s32 $0x110, s0  }
0x78e: {  	v24 =	vadd.s32 s13, v12;
	v23 =	vmul.f32 $1.442695020e+00, v23;
	v25 =	vpop (erf)  }
0x78f: {  	v26 =	vadd.s32 s1, v0;
	v27 =	vadd.s32 s1, v1;
	v17 =	vadd.f32 v17, v19;
	v19 =	vld.idx.msk [tilespmem:v21+s25+$0x0], $0xffff;
	[tilespmem:s16+$0x0] =	vst v25;
	s16 =	smov.u32 s15  }
0x790: {  	v21 =	vadd.s32 s13, v13;
	(erf) = vpow2.f32 v23  }
0x791: {  	v23 =	vadd.s32 s1, v2;
	v16 =	vadd.f32 v16, v17;
	v17 =	vld.idx.msk [tilespmem:v20+s25+$0x0], $0xffff;
	_ =	sdelay $0x1  }
0x792: {  	v20 =	vadd.s32 s1, v3;
	v16 =	vadd.f32 v18, v16;
	v18 =	vld.idx.msk [tilespmem:v24+s25+$0x0], $0xffff;
	v24 =	vadd.s32 s13, v14  }
0x793: {  	v25 =	vld.idx.msk [tilespmem:v26+s25+$0x0], $0xffff  }
0x794: {  	v26 =	vadd.s32 s1, v4;
	v16 =	vadd.f32 v22, v16;
	v21 =	vld.idx.msk [tilespmem:v21+s25+$0x0], $0xffff;
	v22 =	vadd.s32 s13, v15;
	s13 =	smov.u32 s1  }
0x795: {  	v27 =	vld.idx.msk [tilespmem:v27+s25+$0x0], $0xffff  }
0x796: {  	v28 =	vadd.s32 s13, v5;
	v23 =	vld.idx.msk [tilespmem:v23+s25+$0x0], $0xffff;
	v16 =	vadd.f32 v19, v16  }
0x797: {  	v24 =	vld.idx.msk [tilespmem:v24+s25+$0x0], $0xffff  }
0x798: {  	v29 =	vadd.s32 s13, v6;
	v20 =	vld.idx.msk [tilespmem:v20+s25+$0x0], $0xffff;
	v16 =	vadd.f32 v17, v16;
	v17 =	vpop (erf)  }
0x799: {  	v30 =	vld.idx.msk [tilespmem:v22+s25+$0x0], $0xffff;
	v17 =	vadd.f32 $1.000000000e+00, v17  }
0x79a: {  	v31 =	vadd.s32 s13, v7;
	v26 =	vld.idx.msk [tilespmem:v26+s25+$0x0], $0xffff;
	v16 =	vadd.f32 v18, v16  }
0x79b: {  	v18 =	vadd.f32 v27, v25;
	v19 =	vld.idx.msk [tilespmem:v28+s25+$0x0], $0xffff;
	(erf) = vrcp.f32 v17  }
0x79c: {  	v25 =	vadd.s32 s13, v8;
	v16 =	vadd.f32 v21, v16  }
0x79d: {  	v18 =	vadd.f32 v23, v18;
	v17 =	vld.idx.msk [tilespmem:v29+s25+$0x0], $0xffff  }
.Ltmp19:
0x79e: {  	v22 =	vadd.s32 s13, v9;
	v23 =	vadd.f32 v24, v16;
	(pc) =	sbr.rel @p2 .LBB2_40-.Ltmp19, $4  }
0x79f: {  	v18 =	vadd.f32 v20, v18;
	v16 =	vld.idx.msk [tilespmem:v31+s25+$0x0], $0xffff  }
0x7a0: {  	v21 =	vadd.s32 s13, v10;
	v23 =	vadd.f32 v30, v23  }
0x7a1: {  	v24 =	vadd.f32 v26, v18;
	v18 =	vld.idx.msk [tilespmem:v25+s25+$0x0], $0xffff  }
0x7a2: {  	v20 =	vadd.s32 s13, v11;
	v23 =	vsub.f32 $0.0e+00, v23  }
0x7a3: {  	_ = 	snop  }
0x7a4: {  	v19 =	vadd.f32 v19, v24;
	_ =	sdelay $0x1  }
0x7a5: {  	v17 =	vadd.f32 v17, v19  }
0x7a6: {  	v54 =	vld.idx.msk [tilespmem:v22+s25+$0x0], $0xffff  }
0x7a7: {  	v55 =	vadd.s32 s13, v12;
	v16 =	vadd.f32 v16, v17  }
0x7a8: {  	v17 =	vld.idx.msk [tilespmem:v21+s25+$0x0], $0xffff  }
0x7a9: {  	v56 =	vadd.s32 s13, v13;
	v16 =	vadd.f32 v18, v16  }
0x7aa: {  	v57 =	vld.idx.msk [tilespmem:v20+s25+$0x0], $0xffff  }
0x7ab: {  	v58 =	vadd.s32 s13, v14;
	v16 =	vadd.f32 v54, v16  }
0x7ac: {  	v59 =	vld.idx.msk [tilespmem:v55+s25+$0x0], $0xffff  }
0x7ad: {  	v60 =	vadd.s32 s13, v15;
	v16 =	vadd.f32 v17, v16  }
0x7ae: {  	v21 =	vld.idx.msk [tilespmem:v56+s25+$0x0], $0xffff;
	v17 =	vmul.f32 $1.442695020e+00, v23  }
0x7af: {  	v16 =	vadd.f32 v57, v16  }
0x7b0: {  	(erf) = vpow2.f32 v17;
	v17 =	vld.idx.msk [tilespmem:v58+s25+$0x0], $0xffff  }
0x7b1: {  	v16 =	vadd.f32 v59, v16  }
0x7b2: {  	v61 =	vld.idx.msk [tilespmem:v60+s25+$0x0], $0xffff  }
0x7b3: {  	v16 =	vadd.f32 v21, v16;
	_ =	sdelay $0x1  }
0x7b4: {  	v16 =	vadd.f32 v17, v16;
	_ =	sdelay $0x1  }
0x7b5: {  	v16 =	vadd.f32 v61, v16  }
0x7b6: {  	v17 =	vpop (erf)  }
0x7b7: {  	v62 =	vpop (erf);
	v16 =	vsub.f32 $0.0e+00, v16  }
0x7b8: {  	v18 =	vadd.f32 $1.000000000e+00, v62  }
0x7b9: {  	v16 =	vmul.f32 $1.442695020e+00, v16  }
0x7ba: {  	(erf) = vrcp.f32 v18  }
0x7bb: {  	(erf) = vpow2.f32 v16;
	_ =	sdelay $0x7  }
0x7bc: {  	v16 =	vpop (erf)  }
0x7bd: {  	v63 =	vpop (erf)  }
0x7be: {  	v18 =	vadd.f32 $1.000000000e+00, v63;
	_ =	sdelay $0x1  }
0x7bf: {  	(erf) = vrcp.f32 v18;
	_ =	sdelay $0x6  }
.Ltmp20:
0x7c0: {  	_ = 	snop;
	(pc) =	sbr.rel @p1 .LBB2_43-.Ltmp20, $4  }
0x7c1: {  	s0 =	sadd.s32 $0x10, s15;
	[tilespmem:s16+$0x0] =	vst v17  }
0x7c2: {  	s17 =	sshrl.u32 s17, $0x3;
	s18 =	rddreg [dreg:$0x4];
	s1 =	sadd.s32 $0x10, s0;
	[tilespmem:s0+$0x0] =	vst v16;
	v16 =	vpop (erf)  }
0x7c3: {  	s21 =	simm.s32 $0x1DD00;
	s0 =	sadd.s32 s18, s17;
	[tilespmem:s1+$0x0] =	vst v16  }
0x7c4: {  	[hbm4b:s0+s7] =	stream.linear.scatter [tilespmem:s21], [sflag:$0xA], $0x50, $0x38;
	[tilespmem:$0x1E300] =	vst v63  }
0x7c5: {  	_ =	swait.ge [sflag:s2], $0x50  }
0x7c6: {  	[sflag:s2] =	ssyncset.done $0x0  }
0x7c7: {  	[sflag:s2] =	ssyncadd.s32 $0xFFFFFFB0  }
0x7c8: {  	_ =	swait.ge [sflag:s2], $0x50  }
.Ltmp21:
0x7c9: {  	[sflag:s2] =	ssyncset.done $0x0;
	(pc) =	sbr.rel .LBB2_25-.Ltmp21, $4  }
0x7ca: {  	s0 =	simm.s32 $0x13980;
	s1 =	simm.s32 $0x18C80;
	[sflag:s2] =	ssyncadd.s32 $0xFFFFFFB0  }
0x7cb: {  	[tilespmem:s1], [sflag:$0x7] =	stream.indirect.gather [spmem:s6], $0x80, s0, s30, $0xb8;
	[tilespmem:$0x1E300] =	vst v63  }
0x7cc: {  	s18 =	simm.s32 $0x13A00;
	s21 =	simm.s32 $0x1B480;
	s23 =	sadd.s32 $0x1, s23  }
0x7cd: {  	[tilespmem:s21], [sflag:$0x8] =	stream.indirect.gather [hbm4b:s3+s30], $0x80, s18, s30, $0xb8;
	[tilespmem:$0x1E300] =	vst v63  }
.LBB2_43:
0x7ce: {  	_ =	swait.ge [sflag:s22], $0x2800  }
0x7cf: {  	[sflag:s22] =	ssyncset.done $0x0  }
0x7d0: {  	[sflag:s22] =	ssyncadd.s32 $0xFFFFD800  }
0x7d1: {  	_ =	swait.ge [sflag:s24], $0x2800  }
0x7d2: {  	[sflag:s24] =	ssyncset.done $0x0  }
0x7d3: {  	[sflag:s24] =	ssyncadd.s32 $0xFFFFD800  }
0x7d4: {  	_ =	swait.ge [sflag:s14], $0x50  }
0x7d5: {  	[sflag:s14] =	ssyncset.done $0x0  }
0x7d6: {  	s0 =	simm.s32 $0x13D00;
	[sflag:s14] =	ssyncadd.s32 $0xFFFFFFB0  }
0x7d7: {  	s13 =	simm.s32 $0x16500;
	v16 =	vld [tilespmem:s0+$0x0]  }
0x7d8: {  	v17 =	vld [tilespmem:s13+$0x0]  }
0x7d9: {  	v18 =	vld [tilespmem:s0+$0x10]  }
0x7da: {  	v19 =	vld [tilespmem:s13+$0x10]  }
0x7db: {  	v20 =	vld [tilespmem:s0+$0x20]  }
0x7dc: {  	v21 =	vld [tilespmem:s13+$0x20]  }
0x7dd: {  	v22 =	vld [tilespmem:s0+$0x30]  }
0x7de: {  	v23 =	vld [tilespmem:s13+$0x30]  }
0x7df: {  	v24 =	vld [tilespmem:s0+$0x40]  }
0x7e0: {  	v25 =	vld [tilespmem:s13+$0x40]  }
0x7e1: {  	v26 =	vld [tilespmem:s0+$0x50]  }
0x7e2: {  	v27 =	vld [tilespmem:s13+$0x50]  }
0x7e3: {  	v28 =	vld [tilespmem:s0+$0x60]  }
0x7e4: {  	v29 =	vld [tilespmem:s13+$0x60]  }
0x7e5: {  	v58 =	vld [tilespmem:s0+$0xFFFFFFA0];
	v16 =	vmul.f32 v17, v16;
	v17 =	vmul.f32 v19, v18  }
0x7e6: {  	v18 =	vld [tilespmem:s0+$0x70]  }
0x7e7: {  	v16 =	vadd.f32 v17, v16;
	v17 =	vmul.f32 v21, v20;
	v20 =	vld [tilespmem:s13+$0xFFFFFF80]  }
0x7e8: {  	v21 =	vld [tilespmem:s0+$0xFFFFFF90]  }
0x7e9: {  	v16 =	vadd.f32 v17, v16;
	v17 =	vmul.f32 v23, v22;
	v22 =	vld [tilespmem:s13+$0xFFFFFF90]  }
0x7ea: {  	v23 =	vld [tilespmem:s0+$0xFFFFFF80]  }
0x7eb: {  	v19 =	vld [tilespmem:s13+$0x70];
	v16 =	vadd.f32 v17, v16;
	v17 =	vmul.f32 v25, v24  }
0x7ec: {  	v59 =	vld [tilespmem:s13+$0xFFFFFFA0]  }
0x7ed: {  	v60 =	vld [tilespmem:s0+$0xFFFFFFB0];
	v16 =	vadd.f32 v17, v16;
	v17 =	vmul.f32 v27, v26  }
0x7ee: {  	v61 =	vld [tilespmem:s13+$0xFFFFFFB0];
	v21 =	vmul.f32 v22, v21  }
0x7ef: {  	v62 =	vld [tilespmem:s0+$0xFFFFFFC0];
	v20 =	vmul.f32 v20, v23;
	v16 =	vadd.f32 v17, v16;
	v17 =	vmul.f32 v29, v28  }
0x7f0: {  	v18 =	vmul.f32 v19, v18;
	v23 =	vld [tilespmem:s13+$0xFFFFFFC0]  }
0x7f1: {  	v19 =	vld [tilespmem:s13+$0xFFFFFFD0];
	v20 =	vadd.f32 v21, v20;
	v21 =	vmul.f32 v59, v58;
	v22 =	vadd.f32 v17, v16  }
0x7f2: {  	v16 =	vld [tilespmem:s0+$0xFFFFFFD0]  }
0x7f3: {  	v63 =	vmul.f32 v61, v60;
	v17 =	vld [tilespmem:s0+$0xFFFFFFE0];
	v21 =	vadd.f32 v21, v20;
	v22 =	vadd.f32 v18, v22  }
0x7f4: {  	s16 =	simm.s32 $0x1DD80;
	v20 =	vld [tilespmem:s13+$0xFFFFFFE0]  }
0x7f5: {  	v18 =	vld [tilespmem:s0+$0xFFFFFFF0];
	v23 =	vmul.f32 v23, v62;
	[tilespmem:s16+$0x11] =	vst v22;
	v22 =	vadd.f32 v63, v21  }
0x7f6: {  	s17 =	simm.s32 $0x13E00;
	s0 =	simm.s32 $0x0;
	v21 =	vld [tilespmem:s13+$0xFFFFFFF0]  }
.LBB2_44:
0x7f7: {  	v24 =	vld [tilespmem:s17+$0x0];
	v22 =	vadd.f32 v23, v22;
	v16 =	vmul.f32 v19, v16;
	s13 =	sadd.s32 $0x100, s13  }
0x7f8: {  	v19 =	vld [tilespmem:s13+$0x0]  }
0x7f9: {  	v23 =	vld [tilespmem:s17+$0x10];
	v16 =	vadd.f32 v16, v22;
	v17 =	vmul.f32 v20, v17  }
0x7fa: {  	s0 =	sadd.s32 $0x2, s0;
	v20 =	vld [tilespmem:s13+$0x10]  }
0x7fb: {  	p1 =	slt.u32 s0, $0x4E;
	v22 =	vld [tilespmem:s17+$0x20];
	v16 =	vadd.f32 v17, v16;
	v17 =	vmul.f32 v21, v18  }
0x7fc: {  	v18 =	vld [tilespmem:s13+$0x20]  }
0x7fd: {  	v21 =	vld [tilespmem:s17+$0x30];
	v16 =	vadd.f32 v17, v16  }
0x7fe: {  	v17 =	vld [tilespmem:s13+$0x30]  }
0x7ff: {  	v19 =	vmul.f32 v19, v24;
	v20 =	vmul.f32 v20, v23;
	v23 =	vld [tilespmem:s17+$0x40];
	[tilespmem:s16+$0x0] =	vst v16  }
0x800: {  	v16 =	vld [tilespmem:s13+$0x40]  }
0x801: {  	v19 =	vadd.f32 v20, v19;
	v18 =	vmul.f32 v18, v22;
	v20 =	vld [tilespmem:s17+$0x50]  }
0x802: {  	v22 =	vld [tilespmem:s13+$0x50]  }
0x803: {  	v18 =	vadd.f32 v18, v19;
	v17 =	vmul.f32 v17, v21;
	v19 =	vld [tilespmem:s17+$0x60]  }
0x804: {  	v21 =	vld [tilespmem:s13+$0x60]  }
0x805: {  	v17 =	vadd.f32 v17, v18;
	v16 =	vmul.f32 v16, v23;
	v18 =	vld [tilespmem:s17+$0x70]  }
0x806: {  	v23 =	vld [tilespmem:s13+$0x70]  }
0x807: {  	v24 =	vld [tilespmem:s13+$0xFFFFFF80];
	v16 =	vadd.f32 v16, v17;
	v17 =	vmul.f32 v22, v20  }
0x808: {  	v20 =	vld [tilespmem:s17+$0xFFFFFF90]  }
0x809: {  	v22 =	vld [tilespmem:s13+$0xFFFFFF90];
	v16 =	vadd.f32 v17, v16;
	v17 =	vmul.f32 v21, v19  }
0x80a: {  	v19 =	vld [tilespmem:s17+$0xFFFFFF80]  }
0x80b: {  	v21 =	vld [tilespmem:s17+$0xFFFFFFA0];
	v16 =	vadd.f32 v17, v16;
	v17 =	vmul.f32 v23, v18  }
0x80c: {  	v18 =	vld [tilespmem:s13+$0xFFFFFFA0]  }
0x80d: {  	v23 =	vld [tilespmem:s17+$0xFFFFFFB0];
	v16 =	vadd.f32 v17, v16  }
0x80e: {  	s16 =	sadd.s32 $0x22, s16;
	v17 =	vmul.f32 v22, v20;
	v20 =	vld [tilespmem:s13+$0xFFFFFFB0]  }
0x80f: {  	s1 =	simm.s32 $0x0;
	s15 =	simm.s32 $0x1DC80;
	v19 =	vmul.f32 v24, v19;
	v24 =	vld [tilespmem:s17+$0xFFFFFFC0];
	[tilespmem:s16+$0x11] =	vst v16  }
0x810: {  	v25 =	vld [tilespmem:s13+$0xFFFFFFC0]  }
0x811: {  	v17 =	vadd.f32 v17, v19;
	v18 =	vmul.f32 v18, v21;
	v16 =	vld [tilespmem:s17+$0xFFFFFFD0]  }
.Ltmp22:
0x812: {  	v19 =	vld [tilespmem:s13+$0xFFFFFFD0];
	(pc) =	sbr.rel @p1 .LBB2_44-.Ltmp22, $4  }
0x813: {  	v18 =	vadd.f32 v18, v17;
	v21 =	vmul.f32 v20, v23;
	v17 =	vld [tilespmem:s17+$0xFFFFFFE0]  }
0x814: {  	v20 =	vld [tilespmem:s13+$0xFFFFFFE0]  }
0x815: {  	v22 =	vadd.f32 v21, v18;
	v23 =	vmul.f32 v25, v24;
	v18 =	vld [tilespmem:s17+$0xFFFFFFF0]  }
0x816: {  	s17 =	sadd.s32 $0x100, s17;
	v21 =	vld [tilespmem:s13+$0xFFFFFFF0]  }
0x817: {  	v22 =	vadd.f32 v23, v22;
	v16 =	vmul.f32 v19, v16;
	_ =	sdelay $0x1  }
0x818: {  	v16 =	vadd.f32 v16, v22;
	v17 =	vmul.f32 v20, v17;
	_ =	sdelay $0x1  }
0x819: {  	v16 =	vadd.f32 v17, v16;
	v17 =	vmul.f32 v21, v18;
	v18 =	vadd.s32 s1, v0  }
0x81a: {  	v19 =	vadd.s32 s1, v1  }
0x81b: {  	v16 =	vadd.f32 v17, v16  }
0x81c: {  	v17 =	vadd.s32 s1, v2  }
0x81d: {  	[tilespmem:s16+$0x0] =	vst v16  }
0x81e: {  	v16 =	vadd.s32 s1, v3;
	v18 =	vld.idx.msk [tilespmem:v18+s25+$0x0], $0xffff  }
0x81f: {  	v19 =	vld.idx.msk [tilespmem:v19+s25+$0x0], $0xffff  }
0x820: {  	v20 =	vadd.s32 s1, v4  }
0x821: {  	v17 =	vld.idx.msk [tilespmem:v17+s25+$0x0], $0xffff  }
0x822: {  	v21 =	vadd.s32 s1, v5  }
0x823: {  	v16 =	vld.idx.msk [tilespmem:v16+s25+$0x0], $0xffff  }
0x824: {  	v22 =	vadd.s32 s1, v6;
	v18 =	vadd.f32 v19, v18  }
0x825: {  	v19 =	vld.idx.msk [tilespmem:v20+s25+$0x0], $0xffff  }
0x826: {  	v20 =	vadd.s32 s1, v7;
	v17 =	vadd.f32 v17, v18  }
0x827: {  	v18 =	vld.idx.msk [tilespmem:v21+s25+$0x0], $0xffff  }
0x828: {  	v21 =	vadd.s32 s1, v8;
	v16 =	vadd.f32 v16, v17  }
0x829: {  	s0 =	simm.s32 $0x110;
	v17 =	vld.idx.msk [tilespmem:v22+s25+$0x0], $0xffff;
	v22 =	vadd.s32 s1, v9  }
0x82a: {  	v16 =	vadd.f32 v19, v16;
	v19 =	vadd.s32 s0, v0  }
0x82b: {  	v23 =	vadd.s32 s0, v1;
	v20 =	vld.idx.msk [tilespmem:v20+s25+$0x0], $0xffff  }
0x82c: {  	v24 =	vadd.s32 s1, v10;
	v16 =	vadd.f32 v18, v16  }
0x82d: {  	v18 =	vld.idx.msk [tilespmem:v21+s25+$0x0], $0xffff;
	v21 =	vadd.s32 s0, v2  }
0x82e: {  	v25 =	vadd.s32 s1, v11;
	v22 =	vld.idx.msk [tilespmem:v22+s25+$0x0], $0xffff;
	v16 =	vadd.f32 v17, v16  }
0x82f: {  	v17 =	vadd.s32 s0, v3;
	v19 =	vld.idx.msk [tilespmem:v19+s25+$0x0], $0xffff  }
0x830: {  	v26 =	vadd.s32 s1, v12;
	v16 =	vadd.f32 v20, v16;
	v20 =	vld.idx.msk [tilespmem:v23+s25+$0x0], $0xffff  }
0x831: {  	v23 =	vld.idx.msk [tilespmem:v24+s25+$0x0], $0xffff;
	v24 =	vadd.s32 s0, v4  }
0x832: {  	v27 =	vadd.s32 s1, v13;
	v16 =	vadd.f32 v18, v16;
	v18 =	vld.idx.msk [tilespmem:v21+s25+$0x0], $0xffff  }
0x833: {  	v21 =	vld.idx.msk [tilespmem:v25+s25+$0x0], $0xffff  }
0x834: {  	v28 =	vadd.s32 s1, v14;
	v17 =	vld.idx.msk [tilespmem:v17+s25+$0x0], $0xffff;
	v16 =	vadd.f32 v22, v16  }
0x835: {  	v25 =	vadd.s32 s0, v5;
	v22 =	vld.idx.msk [tilespmem:v26+s25+$0x0], $0xffff  }
0x836: {  	v19 =	vadd.f32 v20, v19;
	v20 =	vadd.s32 s1, v15;
	v16 =	vadd.f32 v23, v16;
	v23 =	vld.idx.msk [tilespmem:v24+s25+$0x0], $0xffff  }
0x837: {  	v26 =	vadd.s32 s0, v6;
	v24 =	vld.idx.msk [tilespmem:v27+s25+$0x0], $0xffff  }
0x838: {  	v16 =	vadd.f32 v21, v16  }
0x839: {  	v27 =	vadd.s32 s0, v7;
	v18 =	vadd.f32 v18, v19;
	v21 =	vld.idx.msk [tilespmem:v28+s25+$0x0], $0xffff  }
0x83a: {  	v19 =	vld.idx.msk [tilespmem:v25+s25+$0x0], $0xffff;
	v16 =	vadd.f32 v22, v16  }
0x83b: {  	v25 =	vadd.s32 s0, v8;
	v17 =	vadd.f32 v17, v18;
	v20 =	vld.idx.msk [tilespmem:v20+s25+$0x0], $0xffff  }
0x83c: {  	v18 =	vld.idx.msk [tilespmem:v26+s25+$0x0], $0xffff;
	v16 =	vadd.f32 v24, v16  }
0x83d: {  	v22 =	vadd.s32 s0, v9;
	v17 =	vadd.f32 v23, v17  }
0x83e: {  	v23 =	vld.idx.msk [tilespmem:v27+s25+$0x0], $0xffff;
	v16 =	vadd.f32 v21, v16  }
0x83f: {  	v24 =	vadd.s32 s0, v10;
	v17 =	vadd.f32 v19, v17  }
0x840: {  	v19 =	vld.idx.msk [tilespmem:v25+s25+$0x0], $0xffff;
	v16 =	vadd.f32 v20, v16  }
0x841: {  	v21 =	vadd.s32 s0, v11;
	v17 =	vadd.f32 v18, v17  }
0x842: {  	v18 =	vld.idx.msk [tilespmem:v22+s25+$0x0], $0xffff;
	v16 =	vsub.f32 $0.0e+00, v16  }
0x843: {  	s13 =	simm.s32 $0x220;
	v20 =	vadd.s32 s0, v12;
	v17 =	vadd.f32 v23, v17  }
0x844: {  	v22 =	vadd.s32 s13, v0;
	v23 =	vld.idx.msk [tilespmem:v24+s25+$0x0], $0xffff;
	v16 =	vmul.f32 $1.442695020e+00, v16  }
0x845: {  	v24 =	vadd.s32 s0, v13;
	v17 =	vadd.f32 v19, v17  }
0x846: {  	v21 =	vld.idx.msk [tilespmem:v21+s25+$0x0], $0xffff;
	(erf) = vpow2.f32 v16  }
0x847: {  	v17 =	vadd.f32 v18, v17  }
0x848: {  	v25 =	vadd.s32 s13, v1;
	v20 =	vld.idx.msk [tilespmem:v20+s25+$0x0], $0xffff  }
0x849: {  	v19 =	vadd.s32 s13, v2;
	v18 =	vld.idx.msk [tilespmem:v22+s25+$0x0], $0xffff;
	v17 =	vadd.f32 v23, v17  }
0x84a: {  	v26 =	vadd.s32 s0, v14;
	v22 =	vld.idx.msk [tilespmem:v24+s25+$0x0], $0xffff  }
0x84b: {  	v16 =	vadd.s32 s13, v3;
	v17 =	vadd.f32 v21, v17  }
0x84c: {  	v24 =	vadd.s32 s0, v15  }
0x84d: {  	v23 =	vld.idx.msk [tilespmem:v25+s25+$0x0], $0xffff;
	v17 =	vadd.f32 v20, v17  }
0x84e: {  	v25 =	vadd.s32 s13, v4;
	v19 =	vld.idx.msk [tilespmem:v19+s25+$0x0], $0xffff  }
0x84f: {  	v21 =	vld.idx.msk [tilespmem:v26+s25+$0x0], $0xffff;
	v17 =	vadd.f32 v22, v17;
	v22 =	vpop (erf)  }
0x850: {  	v26 =	vadd.s32 s13, v5;
	v16 =	vld.idx.msk [tilespmem:v16+s25+$0x0], $0xffff;
	v22 =	vadd.f32 $1.000000000e+00, v22  }
0x851: {  	v20 =	vadd.s32 s13, v6;
	v24 =	vld.idx.msk [tilespmem:v24+s25+$0x0], $0xffff  }
0x852: {  	v27 =	vadd.s32 s13, v7;
	v18 =	vadd.f32 v23, v18;
	(erf) = vrcp.f32 v22  }
0x853: {  	v23 =	vld.idx.msk [tilespmem:v25+s25+$0x0], $0xffff;
	v25 =	vadd.s32 s13, v8  }
0x854: {  	v18 =	vadd.f32 v19, v18;
	v21 =	vadd.f32 v21, v17  }
0x855: {  	v19 =	vld.idx.msk [tilespmem:v26+s25+$0x0], $0xffff;
	v22 =	vadd.s32 s13, v9  }
0x856: {  	v17 =	vld.idx.msk [tilespmem:v20+s25+$0x0], $0xffff;
	v18 =	vadd.f32 v16, v18;
	v26 =	vadd.f32 v24, v21  }
0x857: {  	v16 =	vld.idx.msk [tilespmem:v27+s25+$0x0], $0xffff;
	v21 =	vadd.s32 s13, v10  }
0x858: {  	s16 =	simm.s32 $0x1DC80;
	s0 =	simm.s32 $0x330;
	v20 =	vadd.s32 s13, v11;
	v24 =	vadd.f32 v23, v18;
	v18 =	vld.idx.msk [tilespmem:v25+s25+$0x0], $0xffff;
	v23 =	vsub.f32 $0.0e+00, v26  }
.LBB2_46:
0x859: {  	p1 =	sne.s32 s0, $0x440  }
0x85a: {  	v19 =	vadd.f32 v19, v24;
	v22 =	vld.idx.msk [tilespmem:v22+s25+$0x0], $0xffff;
	s15 =	sadd.s32 $0x10, s15;
	s1 =	smov.u32 s0;
	s0 =	sadd.s32 $0x110, s0  }
0x85b: {  	v24 =	vadd.s32 s13, v12;
	v23 =	vmul.f32 $1.442695020e+00, v23;
	v25 =	vpop (erf)  }
0x85c: {  	v26 =	vadd.s32 s1, v0;
	v27 =	vadd.s32 s1, v1;
	v17 =	vadd.f32 v17, v19;
	v19 =	vld.idx.msk [tilespmem:v21+s25+$0x0], $0xffff;
	[tilespmem:s16+$0x0] =	vst v25;
	s16 =	smov.u32 s15  }
0x85d: {  	v21 =	vadd.s32 s13, v13;
	(erf) = vpow2.f32 v23  }
0x85e: {  	v23 =	vadd.s32 s1, v2;
	v16 =	vadd.f32 v16, v17;
	v17 =	vld.idx.msk [tilespmem:v20+s25+$0x0], $0xffff;
	_ =	sdelay $0x1  }
0x85f: {  	v20 =	vadd.s32 s1, v3;
	v16 =	vadd.f32 v18, v16;
	v18 =	vld.idx.msk [tilespmem:v24+s25+$0x0], $0xffff;
	v24 =	vadd.s32 s13, v14  }
0x860: {  	v25 =	vld.idx.msk [tilespmem:v26+s25+$0x0], $0xffff  }
0x861: {  	v26 =	vadd.s32 s1, v4;
	v16 =	vadd.f32 v22, v16;
	v21 =	vld.idx.msk [tilespmem:v21+s25+$0x0], $0xffff;
	v22 =	vadd.s32 s13, v15;
	s13 =	smov.u32 s1  }
0x862: {  	v27 =	vld.idx.msk [tilespmem:v27+s25+$0x0], $0xffff  }
0x863: {  	v28 =	vadd.s32 s13, v5;
	v23 =	vld.idx.msk [tilespmem:v23+s25+$0x0], $0xffff;
	v16 =	vadd.f32 v19, v16  }
0x864: {  	v24 =	vld.idx.msk [tilespmem:v24+s25+$0x0], $0xffff  }
0x865: {  	v29 =	vadd.s32 s13, v6;
	v20 =	vld.idx.msk [tilespmem:v20+s25+$0x0], $0xffff;
	v16 =	vadd.f32 v17, v16;
	v17 =	vpop (erf)  }
0x866: {  	v30 =	vld.idx.msk [tilespmem:v22+s25+$0x0], $0xffff;
	v17 =	vadd.f32 $1.000000000e+00, v17  }
0x867: {  	v31 =	vadd.s32 s13, v7;
	v26 =	vld.idx.msk [tilespmem:v26+s25+$0x0], $0xffff;
	v16 =	vadd.f32 v18, v16  }
0x868: {  	v18 =	vadd.f32 v27, v25;
	v19 =	vld.idx.msk [tilespmem:v28+s25+$0x0], $0xffff;
	(erf) = vrcp.f32 v17  }
0x869: {  	v25 =	vadd.s32 s13, v8;
	v16 =	vadd.f32 v21, v16  }
0x86a: {  	v18 =	vadd.f32 v23, v18;
	v17 =	vld.idx.msk [tilespmem:v29+s25+$0x0], $0xffff  }
.Ltmp23:
0x86b: {  	v22 =	vadd.s32 s13, v9;
	v23 =	vadd.f32 v24, v16;
	(pc) =	sbr.rel @p1 .LBB2_46-.Ltmp23, $4  }
0x86c: {  	v18 =	vadd.f32 v20, v18;
	v16 =	vld.idx.msk [tilespmem:v31+s25+$0x0], $0xffff  }
0x86d: {  	v21 =	vadd.s32 s13, v10;
	v23 =	vadd.f32 v30, v23  }
0x86e: {  	v24 =	vadd.f32 v26, v18;
	v18 =	vld.idx.msk [tilespmem:v25+s25+$0x0], $0xffff  }
0x86f: {  	v20 =	vadd.s32 s13, v11;
	v23 =	vsub.f32 $0.0e+00, v23  }
0x870: {  	_ = 	snop  }
0x871: {  	v19 =	vadd.f32 v19, v24;
	_ =	sdelay $0x1  }
0x872: {  	v17 =	vadd.f32 v17, v19  }
0x873: {  	v54 =	vld.idx.msk [tilespmem:v22+s25+$0x0], $0xffff  }
0x874: {  	v55 =	vadd.s32 s13, v12;
	v16 =	vadd.f32 v16, v17  }
0x875: {  	v17 =	vld.idx.msk [tilespmem:v21+s25+$0x0], $0xffff  }
0x876: {  	v56 =	vadd.s32 s13, v13;
	v16 =	vadd.f32 v18, v16  }
0x877: {  	v57 =	vld.idx.msk [tilespmem:v20+s25+$0x0], $0xffff  }
0x878: {  	v58 =	vadd.s32 s13, v14;
	v16 =	vadd.f32 v54, v16  }
0x879: {  	v59 =	vld.idx.msk [tilespmem:v55+s25+$0x0], $0xffff  }
0x87a: {  	v60 =	vadd.s32 s13, v15;
	v16 =	vadd.f32 v17, v16  }
0x87b: {  	v21 =	vld.idx.msk [tilespmem:v56+s25+$0x0], $0xffff;
	v17 =	vmul.f32 $1.442695020e+00, v23  }
0x87c: {  	v16 =	vadd.f32 v57, v16  }
0x87d: {  	(erf) = vpow2.f32 v17;
	v17 =	vld.idx.msk [tilespmem:v58+s25+$0x0], $0xffff  }
0x87e: {  	v16 =	vadd.f32 v59, v16  }
0x87f: {  	v61 =	vld.idx.msk [tilespmem:v60+s25+$0x0], $0xffff  }
0x880: {  	v16 =	vadd.f32 v21, v16;
	_ =	sdelay $0x1  }
0x881: {  	v16 =	vadd.f32 v17, v16;
	_ =	sdelay $0x1  }
0x882: {  	v16 =	vadd.f32 v61, v16  }
0x883: {  	v17 =	vpop (erf)  }
0x884: {  	v62 =	vpop (erf);
	v16 =	vsub.f32 $0.0e+00, v16  }
0x885: {  	v18 =	vadd.f32 $1.000000000e+00, v62  }
0x886: {  	v16 =	vmul.f32 $1.442695020e+00, v16  }
0x887: {  	(erf) = vrcp.f32 v18  }
0x888: {  	(erf) = vpow2.f32 v16;
	_ =	sdelay $0x7  }
0x889: {  	v16 =	vpop (erf)  }
0x88a: {  	v63 =	vpop (erf)  }
0x88b: {  	v18 =	vadd.f32 $1.000000000e+00, v63;
	_ =	sdelay $0x1  }
0x88c: {  	(erf) = vrcp.f32 v18;
	_ =	sdelay $0x7  }
0x88d: {  	s0 =	sadd.s32 $0x10, s15;
	[tilespmem:s16+$0x0] =	vst v17  }
0x88e: {  	s1 =	sadd.s32 $0x10, s0;
	[tilespmem:s0+$0x0] =	vst v16;
	v16 =	vpop (erf)  }
0x88f: {  	[tilespmem:s1+$0x0] =	vst v16  }
0x890: {  	s21 =	simm.s32 $0x1DC80;
	s0 =	rddreg [dreg:$0x1c]  }
0x891: {  	[hbm4b:s0+s7] =	stream.linear.scatter [tilespmem:s21], [sflag:$0x9], $0x50, $0x38;
	[tilespmem:$0x1E300] =	vst v63  }
0x892: {  	_ =	swait.ge [sflag:s9], $0x50  }
0x893: {  	[sflag:s9] =	ssyncset.done $0x0  }
0x894: {  	[sflag:s9] =	ssyncadd.s32 $0xFFFFFFB0  }
0x895: {  	_ =	swait.ge [sflag:s14], $0x50  }
0x896: {  	s23 =	sld [smem:$0x7FB];
	_ =	sdelay $0x2  }
0x897: {  	s26 =	rddreg [dreg:$0x1d];
	s1 =	sadd.s32 $0x1, s23  }
0x898: {  	p1 =	sne.s32 s1, s26  }
.Ltmp24:
0x899: {  	_ = 	snop;
	(pc) =	sbr.rel @p1 .LBB2_1-.Ltmp24, $3  }
0x89a: {  	_ =	sdelay $0x1  }
0x89b: {  	[sflag:s14] =	ssyncset.done $0x0  }
0x89c: {  	[sflag:s14] =	ssyncadd.s32 $0xFFFFFFB0  }
0x89d: {  	_ =	sfence.sel $0x180000  }
0x89e: {  	[bflag:$0x0] =	sbarrier.arrive $0xFFFF  }
0x89f: {  	_ =	strace $0x90000047  }
0x8a0: {  	[bflag:$0x2] =	sbarrier.arrive $0xFFFF  }
0x8a1: {  	s0 =	rddreg [dreg:$0x6]  }
0x8a2: {  	s0 =	sadd.s32 @!p0 $0x100000, s0  }
0x8a3: {  	[sflag:s0] =	ssyncadd.tile.s32 @!p0 $0x1;
	_ =	shalt  }
.Lfunc_end2:
_tile_overlayer_lowered:
.L_overlay_start_2:
0x8a4: {  	(tag) =	ssettag $0x2  }
0x8a5: {  	s0 =	rddreg [dreg:$0x0];
	s2 =	stileid.u32  }
0x8a6: {  	s1 =	rddreg [dreg:$0x1];
	p0 =	sne.s32 s2, $0x0  }
0x8a7: {  	s3 =	rddreg [dreg:$0x2];
	[bflag:$0x3] =	sbarrier.arrive $0xFFFF;
	s2 =	simm.s32 @!p0 $0x1C0B  }
0x8a8: {  	[timem:s3], [sflag:s2] =	dma.local @!p0 [hbm:s0], s1  }
0x8a9: {  	s0 =	simm.s32 @!p0 $0xB  }
0x8aa: {  	_ =	swait.ge @!p0 [sflag:s0], s1  }
0x8ab: {  	s1 =	ssub.s32 @!p0 $0x0, s1;
	[sflag:s0] =	ssyncset.done @!p0 $0x0  }
0x8ac: {  	[sflag:s0] =	ssyncadd.s32 @!p0 s1  }
0x8ad: {  	[bflag:$0x3] =	sbarrier.arrive $0xFFFF  }
0x8ae: {  	_ =	shalt  }

</sc_bundles>
